<compile_context>
chip_gen: v7x
topology: tpu7x:2x2x1
jax: 0.10.2.dev20260603
libtpu: 0.0.44.dev20260713+nightly
codegen_flags: <defaults>
</compile_context>

<pallas_src>
import functools

import jax
import jax.numpy as jnp
from jax import lax
from jax.experimental import pallas as pl
from jax.experimental.pallas import tpu as pltpu
from jax.experimental.pallas import tpu_sc as plsc

B = 4
T = 32
A = 20000
NC = 2
NS = 16
NW = NC * NS
WPB = NW // B
P = (B * A) // NW
L = 16
PP = ((P + L - 1) // L) * L
G = 8
NPASS = T // G


def _sc_body(reg_hbm, anc_hbm, cls_hbm, tgte_hbm, areat_hbm,
             out_hbm, reg_v, anc_v, cls_v, tgte_v, areat_v, st_v, out_v, sem):
    wid = lax.axis_index("s") * NC + lax.axis_index("c")
    b = wid // WPB
    cps = [
        pltpu.async_copy(reg_hbm.at[wid], reg_v, sem),
        pltpu.async_copy(anc_hbm.at[wid], anc_v, sem),
        pltpu.async_copy(cls_hbm.at[wid], cls_v, sem),
        pltpu.async_copy(tgte_hbm.at[b], tgte_v, sem),
        pltpu.async_copy(areat_hbm.at[b], areat_v, sem),
    ]
    for cp in cps:
        cp.wait()

    lane = lax.iota(jnp.int32, L)

    def make_pass(p):
        first = p == 0
        last = p == NPASS - 1
        tg = [[tgte_v[p * G + j, c, :] for c in range(4)] for j in range(G)]
        ta = [areat_v[p * G + j, :] for j in range(G)]

        def body(o, carry=None):
            s = pl.ds(o, L)
            ax1 = anc_v[0, s]
            ay1 = anc_v[1, s]
            ax2 = anc_v[2, s]
            ay2 = anc_v[3, s]
            area_a = jnp.maximum(ax2 - ax1, 0.0) * jnp.maximum(ay2 - ay1, 0.0)
            if first:
                nm = jnp.full((L,), -1.0, jnp.float32)
                dm = jnp.full((L,), 1.0, jnp.float32)
                bc = [jnp.zeros((L,), jnp.float32) for _ in range(4)]
            else:
                nm = st_v[0, s]
                dm = st_v[1, s]
                bc = [st_v[2 + c, s] for c in range(4)]
            for j in range(G):
                tx1, ty1, tx2, ty2 = tg[j]
                iw = jnp.maximum(jnp.minimum(ax2, tx2) - jnp.maximum(ax1, tx1), 0.0)
                ih = jnp.maximum(jnp.minimum(ay2, ty2) - jnp.maximum(ay1, ty1), 0.0)
                inter = iw * ih
                union = jnp.maximum(area_a + ta[j] - inter, 1e-8)
                cond = inter * dm >= nm * union
                nm = jnp.where(cond, inter, nm)
                dm = jnp.where(cond, union, dm)
                bc = [jnp.where(cond, tg[j][c], bc[c]) for c in range(4)]
            if not last:
                st_v[0, s] = nm
                st_v[1, s] = dm
                for c in range(4):
                    st_v[2 + c, s] = bc[c]
                return None
            acc_r, acc_c, acc_n = carry
            valid = (o + lane) < P
            posm = (nm > 0.5 * dm) & valid
            zero = jnp.zeros((L,), jnp.float32)
            for c in range(4):
                y = bc[c] - anc_v[c, s]
                d = jnp.abs(reg_v[c, s] - y)
                elem = jnp.where(d < 1.0, 0.5 * d * d, d - 0.5)
                acc_r = acc_r + jnp.where(posm, elem, zero)
            acc_c = acc_c + jnp.where(posm, cls_v[s], zero)
            acc_n = acc_n + jnp.where(posm, jnp.full((L,), 1.0, jnp.float32), zero)
            return acc_r, acc_c, acc_n

        return body

    for p in range(NPASS - 1):
        plsc.parallel_loop(0, PP, L, unroll=2)(
            lambda o, _p=p: make_pass(_p)(o))
    z = jnp.zeros((L,), jnp.float32)
    acc_r, acc_c, acc_n = plsc.parallel_loop(
        0, PP, L, unroll=2, carry=(z, z, z))(make_pass(NPASS - 1))
    out_v[0, :] = acc_r
    out_v[1, :] = acc_c
    out_v[2, :] = acc_n
    pltpu.sync_copy(out_v, out_hbm.at[wid])


_sc_partials = functools.partial(
    pl.kernel,
    out_type=jax.ShapeDtypeStruct((NW, 3, L), jnp.float32),
    mesh=plsc.VectorSubcoreMesh(core_axis_name="c", subcore_axis_name="s"),
    name="rpn_sc_partials",
    scratch_types=[
        pltpu.VMEM((4, PP), jnp.float32),
        pltpu.VMEM((4, PP), jnp.float32),
        pltpu.VMEM((PP,), jnp.float32),
        pltpu.VMEM((T, 4, L), jnp.float32),
        pltpu.VMEM((T, L), jnp.float32),
        pltpu.VMEM((6, PP), jnp.float32),
        pltpu.VMEM((3, L), jnp.float32),
        pltpu.SemaphoreType.DMA,
    ],
)(_sc_body)


def _tc_softplus_body(x_ref, o_ref):
    x = x_ref[...]
    o_ref[0, 0] = jnp.sum(jnp.maximum(x, 0.0) + jnp.log1p(jnp.exp(-jnp.abs(x))))


_tc_softplus = pl.pallas_call(
    _tc_softplus_body,
    out_shape=jax.ShapeDtypeStruct((1, 1), jnp.float32),
    out_specs=pl.BlockSpec(memory_space=pltpu.SMEM),
)


def kernel(reg, cls, anchors, targets):
    reg_r = reg.transpose(0, 2, 1).reshape(B, 4, WPB, P)
    reg_r = reg_r.transpose(0, 2, 1, 3).reshape(NW, 4, P)
    reg_r = jnp.pad(reg_r, ((0, 0), (0, 0), (0, PP - P)))

    anc_r = anchors.transpose(1, 0).reshape(4, WPB, P).transpose(1, 0, 2)
    anc_r = jnp.broadcast_to(anc_r[None], (B, WPB, 4, P)).reshape(NW, 4, P)
    anc_r = jnp.pad(anc_r, ((0, 0), (0, 0), (0, PP - P)))

    cls_r = jnp.pad(cls.reshape(NW, P), ((0, 0), (0, PP - P)))

    tgte = jnp.broadcast_to(targets[..., None], (B, T, 4, L))
    area_t = (jnp.maximum(targets[..., 2] - targets[..., 0], 0.0)
              * jnp.maximum(targets[..., 3] - targets[..., 1], 0.0))
    areat = jnp.broadcast_to(area_t[..., None], (B, T, L))

    parts = _sc_partials(reg_r, anc_r, cls_r, tgte, areat)
    sp = _tc_softplus(cls.reshape(B * A // 128, 128))

    sums = jnp.sum(parts, axis=(0, 2))
    reg_sum, cls_pos, count = sums[0], sums[1], sums[2]
    reg_loss = jnp.where(count > 0.0,
                         reg_sum / jnp.maximum(count, 1.0), 0.0) * 0.25
    cls_loss = (sp[0, 0] - cls_pos) / jnp.float32(B * A)
    return (jnp.reshape(cls_loss, (1,)), jnp.reshape(reg_loss, (1,)))

# --- scband reference (transcript-rebuilt; emitter-appended) ---
"""Pipeline reference for scband-rpntrainer-42494406427381 (READ-ONLY COPY).

The authoritative reference and input builder live on the scoring server;
editing this copy changes nothing except your own understanding.
"""

import jax, jax.numpy as jnp
import numpy as np


def calculate_iou(a, b):
    area_a = jnp.clip(a[:, 2] - a[:, 0], 0.0) * jnp.clip(a[:, 3] - a[:, 1], 0.0)
    area_b = jnp.clip(b[:, 2] - b[:, 0], 0.0) * jnp.clip(b[:, 3] - b[:, 1], 0.0)
    ix1 = jnp.maximum(a[:, 0], b[:, 0])
    iy1 = jnp.maximum(a[:, 1], b[:, 1])
    ix2 = jnp.minimum(a[:, 2], b[:, 2])
    iy2 = jnp.minimum(a[:, 3], b[:, 3])
    inter = jnp.clip(ix2 - ix1, 0.0) * jnp.clip(iy2 - iy1, 0.0)
    union = area_a + area_b - inter
    return inter / jnp.maximum(union, 1e-8)


def smooth_l1(x, y):
    d = jnp.abs(x - y)
    return jnp.mean(jnp.where(d < 1.0, 0.5 * d * d, d - 0.5))


def bce_logits(x, y):
    return jnp.mean(jnp.clip(x, 0.0) - x * y + jnp.log1p(jnp.exp(-jnp.abs(x))))


def setup_inputs(seed: int = 0):
    key = jax.random.key(seed)
    k1, k2, k3, k4 = jax.random.split(key, 4)
    reg = jax.random.normal(k1, (4, 20000, 4), jnp.float32)
    cls = jax.random.normal(k2, (4, 20000), jnp.float32)
    anchors = jax.random.uniform(k3, (20000, 4), jnp.float32)
    targets = jax.random.uniform(k4, (4, 32, 4), jnp.float32)
    return {"reg": reg, "cls": cls, "anchors": anchors, "targets": targets}


def reference(reg, cls, anchors, targets):
    B, T = targets.shape[0], targets.shape[1]
    A = anchors.shape[0]
    t_flat = targets.reshape(-1, 4)
    anc_e = jnp.broadcast_to(anchors[None, :, :], (B * T, A, 4)).reshape(-1, 4)
    tgt_e = jnp.broadcast_to(t_flat[:, None, :], (B * T, A, 4)).reshape(-1, 4)
    iou = calculate_iou(anc_e, tgt_e).reshape(B, T, A)
    sorted_iou = jnp.sort(iou, axis=1)
    indices = jnp.argsort(iou, axis=1)
    tgt4 = tgt_e.reshape(B, T, A, 4)
    idx4 = jnp.broadcast_to(indices[..., None], (B, T, A, 4))
    max_target = jnp.take_along_axis(tgt4, idx4, axis=1)[:, -1, :, :]
    max_iou = sorted_iou[:, -1, :]
    anchors_b = jnp.broadcast_to(anchors[None, :, :], (B, A, 4))
    mask_pos = (max_iou > 0.5)[:128]
    mask_neg = (max_iou <= 0.5)[:256 - mask_pos.shape[0]]
    pos_mask = mask_pos.reshape(-1)
    neg_mask = mask_neg.reshape(-1)
    count = jnp.sum(pos_mask)
    countf = count.astype(jnp.float32)
    safe_count = jnp.maximum(countf, 1.0)
    anchors_flat = anchors_b.reshape(-1, 4)
    targets_flat = max_target.reshape(-1, 4)
    reg_flat = reg.reshape(-1, 4)
    reg_loss = jnp.zeros((), jnp.float32)
    for i in range(4):
        x = reg_flat[:, i]
        y = targets_flat[:, i] - anchors_flat[:, i]
        d = jnp.abs(x - y)
        elem = jnp.where(d < 1.0, 0.5 * d * d, d - 0.5)
        reg_loss = reg_loss + jnp.sum(jnp.where(pos_mask, elem, 0.0)) / safe_count
    reg_loss = jnp.where(count > 0, reg_loss, jnp.zeros((), jnp.float32))
    cls_flat = cls.reshape(-1)
    order = jnp.argsort(neg_mask, stable=True)
    cls_cat = cls_flat[order]
    labels = pos_mask[order].astype(jnp.float32)
    cls_loss = bce_logits(cls_cat, labels)
    return (jnp.array([cls_loss]), jnp.array([reg_loss / 4.0]))

if __name__ == "__main__":
    import jax
    _d = setup_inputs()
    print(jax.jit(kernel)(*tuple(_d.values())))

</pallas_src>

<mosaic_0001>
#map = affine_map<(d0, d1) -> (0, 0, 0)>
#map1 = affine_map<(d0, d1) -> (0, 0)>
#map2 = affine_map<(d0, d1) -> (0, 0, 0, 0)>
module attributes {stable_mosaic.version = 14 : i64} {
  func.func @rpn_sc_partials(%arg0: i32, %arg1: i32, %arg2: memref<32x4x2512xf32, #tpu.memory_space<hbm>>, %arg3: memref<32x4x2512xf32, #tpu.memory_space<hbm>>, %arg4: memref<32x2512xf32, #tpu.memory_space<hbm>>, %arg5: memref<4x32x4x16xf32, #tpu.memory_space<hbm>>, %arg6: memref<4x32x16xf32, #tpu.memory_space<hbm>>, %arg7: memref<32x3x16xf32, #tpu.memory_space<hbm>>, %arg8: memref<4x2512xf32, #tpu.memory_space<vmem>>, %arg9: memref<4x2512xf32, #tpu.memory_space<vmem>>, %arg10: memref<2512xf32, #tpu.memory_space<vmem>>, %arg11: memref<32x4x16xf32, #tpu.memory_space<vmem>>, %arg12: memref<32x16xf32, #tpu.memory_space<vmem>>, %arg13: memref<6x2512xf32, #tpu.memory_space<vmem>>, %arg14: memref<3x16xf32, #tpu.memory_space<vmem>>, %arg15: memref<!tpu.dma_semaphore, #tpu.memory_space<semaphore_mem>>) attributes {dimension_semantics = [#tpu.dimension_semantics<core_parallel>, #tpu.dimension_semantics<subcore_parallel>], iteration_bounds = array<i64: 2, 16>, scalar_prefetch = 0 : i64, scratch_operands = 8 : i64, tpu.core_type = #tpu.core_type<sc_vector_subcore>, window_params = [{transform_indices = #map}, {transform_indices = #map}, {transform_indices = #map1}, {transform_indices = #map2}, {transform_indices = #map}, {transform_indices = #map}]} {
    %mul3A = arith.constant 2 : i32
    %mul3A_0 = arith.muli %arg1, %mul3A : i32
    %add3A = arith.addi %mul3A_0, %arg0 : i32
    %jit3A = arith.constant 8 : i32
    %div3A = arith.divsi %add3A, %jit3A : i32
    %sign3A = arith.constant 0 : i32
    %sign3A_1 = arith.cmpi sgt, %add3A, %sign3A : i32
    %sign3A_2 = arith.extui %sign3A_1 : i1 to i32
    %sign3A_3 = arith.constant 0 : i32
    %sign3A_4 = arith.cmpi slt, %add3A, %sign3A_3 : i32
    %sign3A_5 = arith.extui %sign3A_4 : i1 to i32
    %sign3A_6 = arith.subi %sign3A_2, %sign3A_5 : i32
    %sign3A_7 = arith.constant 0 : i32
    %sign3A_8 = arith.cmpi sgt, %jit3A, %sign3A_7 : i32
    %sign3A_9 = arith.extui %sign3A_8 : i1 to i32
    %sign3A_10 = arith.constant 0 : i32
    %sign3A_11 = arith.cmpi slt, %jit3A, %sign3A_10 : i32
    %sign3A_12 = arith.extui %sign3A_11 : i1 to i32
    %sign3A_13 = arith.subi %sign3A_9, %sign3A_12 : i32
    %ne3A = arith.cmpi ne, %sign3A_6, %sign3A_13 : i32
    %rem3A = arith.remsi %add3A, %jit3A : i32
    %ne3A_14 = arith.constant 0 : i32
    %ne3A_15 = arith.cmpi ne, %rem3A, %ne3A_14 : i32
    %and3A = arith.andi %ne3A, %ne3A_15 : i1
    %sub3A = arith.constant 1 : i32
    %sub3A_16 = arith.subi %div3A, %sub3A : i32
    %select_n3A = arith.select %and3A, %sub3A_16, %div3A : i32
    %dma_start3A = arith.constant 0 : i32
    %dma_start3A_17 = arith.constant 0 : i32
    %dma_start3A_18 = tpu.memref_slice %arg2[%add3A, %dma_start3A, %dma_start3A_17] : memref<32x4x2512xf32, #tpu.memory_space<hbm>> -> memref<1x4x2512xf32, #tpu.memory_space<hbm>>
    %dma_start3A_19 = tpu.memref_squeeze %dma_start3A_18 : memref<1x4x2512xf32, #tpu.memory_space<hbm>> -> memref<4x2512xf32, #tpu.memory_space<hbm>>
    %dma_start3A_20 = arith.constant 0 : i32
    %dma_start3A_21 = arith.constant 0 : i32
    %dma_start3A_22 = tpu.memref_slice %arg2[%add3A, %dma_start3A_20, %dma_start3A_21] : memref<32x4x2512xf32, #tpu.memory_space<hbm>> -> memref<1x4x2512xf32, #tpu.memory_space<hbm>>
    %dma_start3A_23 = tpu.memref_squeeze %dma_start3A_22 : memref<1x4x2512xf32, #tpu.memory_space<hbm>> -> memref<4x2512xf32, #tpu.memory_space<hbm>>
    tpu.enqueue_dma source(%dma_start3A_23 : memref<4x2512xf32, #tpu.memory_space<hbm>>) target(%arg8 : memref<4x2512xf32, #tpu.memory_space<vmem>>) target_semaphore(%arg15 : memref<!tpu.dma_semaphore, #tpu.memory_space<semaphore_mem>>)
    %dma_start3A_24 = arith.constant 0 : i32
    %dma_start3A_25 = arith.constant 0 : i32
    %dma_start3A_26 = tpu.memref_slice %arg3[%add3A, %dma_start3A_24, %dma_start3A_25] : memref<32x4x2512xf32, #tpu.memory_space<hbm>> -> memref<1x4x2512xf32, #tpu.memory_space<hbm>>
    %dma_start3A_27 = tpu.memref_squeeze %dma_start3A_26 : memref<1x4x2512xf32, #tpu.memory_space<hbm>> -> memref<4x2512xf32, #tpu.memory_space<hbm>>
    %dma_start3A_28 = arith.constant 0 : i32
    %dma_start3A_29 = arith.constant 0 : i32
    %dma_start3A_30 = tpu.memref_slice %arg3[%add3A, %dma_start3A_28, %dma_start3A_29] : memref<32x4x2512xf32, #tpu.memory_space<hbm>> -> memref<1x4x2512xf32, #tpu.memory_space<hbm>>
    %dma_start3A_31 = tpu.memref_squeeze %dma_start3A_30 : memref<1x4x2512xf32, #tpu.memory_space<hbm>> -> memref<4x2512xf32, #tpu.memory_space<hbm>>
    tpu.enqueue_dma source(%dma_start3A_31 : memref<4x2512xf32, #tpu.memory_space<hbm>>) target(%arg9 : memref<4x2512xf32, #tpu.memory_space<vmem>>) target_semaphore(%arg15 : memref<!tpu.dma_semaphore, #tpu.memory_space<semaphore_mem>>)
    %dma_start3A_32 = arith.constant 0 : i32
    %dma_start3A_33 = tpu.memref_slice %arg4[%add3A, %dma_start3A_32] : memref<32x2512xf32, #tpu.memory_space<hbm>> -> memref<1x2512xf32, #tpu.memory_space<hbm>>
    %dma_start3A_34 = tpu.memref_squeeze %dma_start3A_33 : memref<1x2512xf32, #tpu.memory_space<hbm>> -> memref<2512xf32, #tpu.memory_space<hbm>>
    %dma_start3A_35 = arith.constant 0 : i32
    %dma_start3A_36 = tpu.memref_slice %arg4[%add3A, %dma_start3A_35] : memref<32x2512xf32, #tpu.memory_space<hbm>> -> memref<1x2512xf32, #tpu.memory_space<hbm>>
    %dma_start3A_37 = tpu.memref_squeeze %dma_start3A_36 : memref<1x2512xf32, #tpu.memory_space<hbm>> -> memref<2512xf32, #tpu.memory_space<hbm>>
    tpu.enqueue_dma source(%dma_start3A_37 : memref<2512xf32, #tpu.memory_space<hbm>>) target(%arg10 : memref<2512xf32, #tpu.memory_space<vmem>>) target_semaphore(%arg15 : memref<!tpu.dma_semaphore, #tpu.memory_space<semaphore_mem>>)
    %dma_start3A_38 = arith.constant 0 : i32
    %dma_start3A_39 = arith.constant 0 : i32
    %dma_start3A_40 = arith.constant 0 : i32
    %dma_start3A_41 = tpu.memref_slice %arg5[%select_n3A, %dma_start3A_38, %dma_start3A_39, %dma_start3A_40] : memref<4x32x4x16xf32, #tpu.memory_space<hbm>> -> memref<1x32x4x16xf32, #tpu.memory_space<hbm>>
    %dma_start3A_42 = tpu.memref_squeeze %dma_start3A_41 : memref<1x32x4x16xf32, #tpu.memory_space<hbm>> -> memref<32x4x16xf32, #tpu.memory_space<hbm>>
    %dma_start3A_43 = arith.constant 0 : i32
    %dma_start3A_44 = arith.constant 0 : i32
    %dma_start3A_45 = arith.constant 0 : i32
    %dma_start3A_46 = tpu.memref_slice %arg5[%select_n3A, %dma_start3A_43, %dma_start3A_44, %dma_start3A_45] : memref<4x32x4x16xf32, #tpu.memory_space<hbm>> -> memref<1x32x4x16xf32, #tpu.memory_space<hbm>>
    %dma_start3A_47 = tpu.memref_squeeze %dma_start3A_46 : memref<1x32x4x16xf32, #tpu.memory_space<hbm>> -> memref<32x4x16xf32, #tpu.memory_space<hbm>>
    tpu.enqueue_dma source(%dma_start3A_47 : memref<32x4x16xf32, #tpu.memory_space<hbm>>) target(%arg11 : memref<32x4x16xf32, #tpu.memory_space<vmem>>) target_semaphore(%arg15 : memref<!tpu.dma_semaphore, #tpu.memory_space<semaphore_mem>>)
    %dma_start3A_48 = arith.constant 0 : i32
    %dma_start3A_49 = arith.constant 0 : i32
    %dma_start3A_50 = tpu.memref_slice %arg6[%select_n3A, %dma_start3A_48, %dma_start3A_49] : memref<4x32x16xf32, #tpu.memory_space<hbm>> -> memref<1x32x16xf32, #tpu.memory_space<hbm>>
    %dma_start3A_51 = tpu.memref_squeeze %dma_start3A_50 : memref<1x32x16xf32, #tpu.memory_space<hbm>> -> memref<32x16xf32, #tpu.memory_space<hbm>>
    %dma_start3A_52 = arith.constant 0 : i32
    %dma_start3A_53 = arith.constant 0 : i32
    %dma_start3A_54 = tpu.memref_slice %arg6[%select_n3A, %dma_start3A_52, %dma_start3A_53] : memref<4x32x16xf32, #tpu.memory_space<hbm>> -> memref<1x32x16xf32, #tpu.memory_space<hbm>>
    %dma_start3A_55 = tpu.memref_squeeze %dma_start3A_54 : memref<1x32x16xf32, #tpu.memory_space<hbm>> -> memref<32x16xf32, #tpu.memory_space<hbm>>
    tpu.enqueue_dma source(%dma_start3A_55 : memref<32x16xf32, #tpu.memory_space<hbm>>) target(%arg12 : memref<32x16xf32, #tpu.memory_space<vmem>>) target_semaphore(%arg15 : memref<!tpu.dma_semaphore, #tpu.memory_space<semaphore_mem>>)
    %dma_wait3A = arith.constant 0 : i32
    %dma_wait3A_56 = arith.constant 0 : i32
    %dma_wait3A_57 = tpu.memref_slice %arg2[%add3A, %dma_wait3A, %dma_wait3A_56] : memref<32x4x2512xf32, #tpu.memory_space<hbm>> -> memref<1x4x2512xf32, #tpu.memory_space<hbm>>
    %dma_wait3A_58 = tpu.memref_squeeze %dma_wait3A_57 : memref<1x4x2512xf32, #tpu.memory_space<hbm>> -> memref<4x2512xf32, #tpu.memory_space<hbm>>
    %dma_wait3A_59 = arith.constant 0 : i32
    %dma_wait3A_60 = arith.constant 0 : i32
    %dma_wait3A_61 = tpu.memref_slice %arg2[%add3A, %dma_wait3A_59, %dma_wait3A_60] : memref<32x4x2512xf32, #tpu.memory_space<hbm>> -> memref<1x4x2512xf32, #tpu.memory_space<hbm>>
    %dma_wait3A_62 = tpu.memref_squeeze %dma_wait3A_61 : memref<1x4x2512xf32, #tpu.memory_space<hbm>> -> memref<4x2512xf32, #tpu.memory_space<hbm>>
    tpu.wait_dma2 semaphore(%arg15 : memref<!tpu.dma_semaphore, #tpu.memory_space<semaphore_mem>>) src(%dma_wait3A_62 : memref<4x2512xf32, #tpu.memory_space<hbm>>) dst(%arg8 : memref<4x2512xf32, #tpu.memory_space<vmem>>)
    %dma_wait3A_63 = arith.constant 0 : i32
    %dma_wait3A_64 = arith.constant 0 : i32
    %dma_wait3A_65 = tpu.memref_slice %arg3[%add3A, %dma_wait3A_63, %dma_wait3A_64] : memref<32x4x2512xf32, #tpu.memory_space<hbm>> -> memref<1x4x2512xf32, #tpu.memory_space<hbm>>
    %dma_wait3A_66 = tpu.memref_squeeze %dma_wait3A_65 : memref<1x4x2512xf32, #tpu.memory_space<hbm>> -> memref<4x2512xf32, #tpu.memory_space<hbm>>
    %dma_wait3A_67 = arith.constant 0 : i32
    %dma_wait3A_68 = arith.constant 0 : i32
    %dma_wait3A_69 = tpu.memref_slice %arg3[%add3A, %dma_wait3A_67, %dma_wait3A_68] : memref<32x4x2512xf32, #tpu.memory_space<hbm>> -> memref<1x4x2512xf32, #tpu.memory_space<hbm>>
    %dma_wait3A_70 = tpu.memref_squeeze %dma_wait3A_69 : memref<1x4x2512xf32, #tpu.memory_space<hbm>> -> memref<4x2512xf32, #tpu.memory_space<hbm>>
    tpu.wait_dma2 semaphore(%arg15 : memref<!tpu.dma_semaphore, #tpu.memory_space<semaphore_mem>>) src(%dma_wait3A_70 : memref<4x2512xf32, #tpu.memory_space<hbm>>) dst(%arg9 : memref<4x2512xf32, #tpu.memory_space<vmem>>)
    %dma_wait3A_71 = arith.constant 0 : i32
    %dma_wait3A_72 = tpu.memref_slice %arg4[%add3A, %dma_wait3A_71] : memref<32x2512xf32, #tpu.memory_space<hbm>> -> memref<1x2512xf32, #tpu.memory_space<hbm>>
    %dma_wait3A_73 = tpu.memref_squeeze %dma_wait3A_72 : memref<1x2512xf32, #tpu.memory_space<hbm>> -> memref<2512xf32, #tpu.memory_space<hbm>>
    %dma_wait3A_74 = arith.constant 0 : i32
    %dma_wait3A_75 = tpu.memref_slice %arg4[%add3A, %dma_wait3A_74] : memref<32x2512xf32, #tpu.memory_space<hbm>> -> memref<1x2512xf32, #tpu.memory_space<hbm>>
    %dma_wait3A_76 = tpu.memref_squeeze %dma_wait3A_75 : memref<1x2512xf32, #tpu.memory_space<hbm>> -> memref<2512xf32, #tpu.memory_space<hbm>>
    tpu.wait_dma2 semaphore(%arg15 : memref<!tpu.dma_semaphore, #tpu.memory_space<semaphore_mem>>) src(%dma_wait3A_76 : memref<2512xf32, #tpu.memory_space<hbm>>) dst(%arg10 : memref<2512xf32, #tpu.memory_space<vmem>>)
    %dma_wait3A_77 = arith.constant 0 : i32
    %dma_wait3A_78 = arith.constant 0 : i32
    %dma_wait3A_79 = arith.constant 0 : i32
    %dma_wait3A_80 = tpu.memref_slice %arg5[%select_n3A, %dma_wait3A_77, %dma_wait3A_78, %dma_wait3A_79] : memref<4x32x4x16xf32, #tpu.memory_space<hbm>> -> memref<1x32x4x16xf32, #tpu.memory_space<hbm>>
    %dma_wait3A_81 = tpu.memref_squeeze %dma_wait3A_80 : memref<1x32x4x16xf32, #tpu.memory_space<hbm>> -> memref<32x4x16xf32, #tpu.memory_space<hbm>>
    %dma_wait3A_82 = arith.constant 0 : i32
    %dma_wait3A_83 = arith.constant 0 : i32
    %dma_wait3A_84 = arith.constant 0 : i32
    %dma_wait3A_85 = tpu.memref_slice %arg5[%select_n3A, %dma_wait3A_82, %dma_wait3A_83, %dma_wait3A_84] : memref<4x32x4x16xf32, #tpu.memory_space<hbm>> -> memref<1x32x4x16xf32, #tpu.memory_space<hbm>>
    %dma_wait3A_86 = tpu.memref_squeeze %dma_wait3A_85 : memref<1x32x4x16xf32, #tpu.memory_space<hbm>> -> memref<32x4x16xf32, #tpu.memory_space<hbm>>
    tpu.wait_dma2 semaphore(%arg15 : memref<!tpu.dma_semaphore, #tpu.memory_space<semaphore_mem>>) src(%dma_wait3A_86 : memref<32x4x16xf32, #tpu.memory_space<hbm>>) dst(%arg11 : memref<32x4x16xf32, #tpu.memory_space<vmem>>)
    %dma_wait3A_87 = arith.constant 0 : i32
    %dma_wait3A_88 = arith.constant 0 : i32
    %dma_wait3A_89 = tpu.memref_slice %arg6[%select_n3A, %dma_wait3A_87, %dma_wait3A_88] : memref<4x32x16xf32, #tpu.memory_space<hbm>> -> memref<1x32x16xf32, #tpu.memory_space<hbm>>
    %dma_wait3A_90 = tpu.memref_squeeze %dma_wait3A_89 : memref<1x32x16xf32, #tpu.memory_space<hbm>> -> memref<32x16xf32, #tpu.memory_space<hbm>>
    %dma_wait3A_91 = arith.constant 0 : i32
    %dma_wait3A_92 = arith.constant 0 : i32
    %dma_wait3A_93 = tpu.memref_slice %arg6[%select_n3A, %dma_wait3A_91, %dma_wait3A_92] : memref<4x32x16xf32, #tpu.memory_space<hbm>> -> memref<1x32x16xf32, #tpu.memory_space<hbm>>
    %dma_wait3A_94 = tpu.memref_squeeze %dma_wait3A_93 : memref<1x32x16xf32, #tpu.memory_space<hbm>> -> memref<32x16xf32, #tpu.memory_space<hbm>>
    tpu.wait_dma2 semaphore(%arg15 : memref<!tpu.dma_semaphore, #tpu.memory_space<semaphore_mem>>) src(%dma_wait3A_94 : memref<32x16xf32, #tpu.memory_space<hbm>>) dst(%arg12 : memref<32x16xf32, #tpu.memory_space<vmem>>)
    %iota3A = tpu.iota {dimensions = array<i32: 0>} : vector<16xi32>
    %parallel_loop3A = arith.constant 0 : i32
    %parallel_loop3A_95 = arith.constant 2512 : i32
    %parallel_loop3A_96 = arith.constant 16 : i32
    scf.for %parallel_loop3A_388 = %parallel_loop3A to %parallel_loop3A_95 step %parallel_loop3A_96  : i32 {
      %parallel_loop3A_389 = arith.constant 0 : i32
      %parallel_loop3A_390 = arith.constant 0 : i32
      %parallel_loop3A_391 = arith.index_cast %parallel_loop3A_389 : i32 to index
      %parallel_loop3A_392 = arith.index_cast %parallel_loop3A_390 : i32 to index
      %parallel_loop3A_393 = arith.constant 0 : index
      %parallel_loop3A_394 = tpu.vector_load %arg11[%parallel_loop3A_391, %parallel_loop3A_392, %parallel_loop3A_393] {strides = array<i32>} : memref<32x4x16xf32, #tpu.memory_space<vmem>>, vector<1x1x16xf32>,
      %parallel_loop3A_395 = vector.shape_cast %parallel_loop3A_394 : vector<1x1x16xf32> to vector<16xf32>
      %parallel_loop3A_396 = arith.constant 0 : i32
      %parallel_loop3A_397 = arith.constant 1 : i32
      %parallel_loop3A_398 = arith.index_cast %parallel_loop3A_396 : i32 to index
      %parallel_loop3A_399 = arith.index_cast %parallel_loop3A_397 : i32 to index
      %parallel_loop3A_400 = arith.constant 0 : index
      %parallel_loop3A_401 = tpu.vector_load %arg11[%parallel_loop3A_398, %parallel_loop3A_399, %parallel_loop3A_400] {strides = array<i32>} : memref<32x4x16xf32, #tpu.memory_space<vmem>>, vector<1x1x16xf32>,
      %parallel_loop3A_402 = vector.shape_cast %parallel_loop3A_401 : vector<1x1x16xf32> to vector<16xf32>
      %parallel_loop3A_403 = arith.constant 0 : i32
      %parallel_loop3A_404 = arith.constant 2 : i32
      %parallel_loop3A_405 = arith.index_cast %parallel_loop3A_403 : i32 to index
      %parallel_loop3A_406 = arith.index_cast %parallel_loop3A_404 : i32 to index
      %parallel_loop3A_407 = arith.constant 0 : index
      %parallel_loop3A_408 = tpu.vector_load %arg11[%parallel_loop3A_405, %parallel_loop3A_406, %parallel_loop3A_407] {strides = array<i32>} : memref<32x4x16xf32, #tpu.memory_space<vmem>>, vector<1x1x16xf32>,
      %parallel_loop3A_409 = vector.shape_cast %parallel_loop3A_408 : vector<1x1x16xf32> to vector<16xf32>
      %parallel_loop3A_410 = arith.constant 0 : i32
      %parallel_loop3A_411 = arith.constant 3 : i32
      %parallel_loop3A_412 = arith.index_cast %parallel_loop3A_410 : i32 to index
      %parallel_loop3A_413 = arith.index_cast %parallel_loop3A_411 : i32 to index
      %parallel_loop3A_414 = arith.constant 0 : index
      %parallel_loop3A_415 = tpu.vector_load %arg11[%parallel_loop3A_412, %parallel_loop3A_413, %parallel_loop3A_414] {strides = array<i32>} : memref<32x4x16xf32, #tpu.memory_space<vmem>>, vector<1x1x16xf32>,
      %parallel_loop3A_416 = vector.shape_cast %parallel_loop3A_415 : vector<1x1x16xf32> to vector<16xf32>
      %parallel_loop3A_417 = arith.constant 1 : i32
      %parallel_loop3A_418 = arith.constant 0 : i32
      %parallel_loop3A_419 = arith.index_cast %parallel_loop3A_417 : i32 to index
      %parallel_loop3A_420 = arith.index_cast %parallel_loop3A_418 : i32 to index
      %parallel_loop3A_421 = arith.constant 0 : index
      %parallel_loop3A_422 = tpu.vector_load %arg11[%parallel_loop3A_419, %parallel_loop3A_420, %parallel_loop3A_421] {strides = array<i32>} : memref<32x4x16xf32, #tpu.memory_space<vmem>>, vector<1x1x16xf32>,
      %parallel_loop3A_423 = vector.shape_cast %parallel_loop3A_422 : vector<1x1x16xf32> to vector<16xf32>
      %parallel_loop3A_424 = arith.constant 1 : i32
      %parallel_loop3A_425 = arith.constant 1 : i32
      %parallel_loop3A_426 = arith.index_cast %parallel_loop3A_424 : i32 to index
      %parallel_loop3A_427 = arith.index_cast %parallel_loop3A_425 : i32 to index
      %parallel_loop3A_428 = arith.constant 0 : index
      %parallel_loop3A_429 = tpu.vector_load %arg11[%parallel_loop3A_426, %parallel_loop3A_427, %parallel_loop3A_428] {strides = array<i32>} : memref<32x4x16xf32, #tpu.memory_space<vmem>>, vector<1x1x16xf32>,
      %parallel_loop3A_430 = vector.shape_cast %parallel_loop3A_429 : vector<1x1x16xf32> to vector<16xf32>
      %parallel_loop3A_431 = arith.constant 1 : i32
      %parallel_loop3A_432 = arith.constant 2 : i32
      %parallel_loop3A_433 = arith.index_cast %parallel_loop3A_431 : i32 to index
      %parallel_loop3A_434 = arith.index_cast %parallel_loop3A_432 : i32 to index
      %parallel_loop3A_435 = arith.constant 0 : index
      %parallel_loop3A_436 = tpu.vector_load %arg11[%parallel_loop3A_433, %parallel_loop3A_434, %parallel_loop3A_435] {strides = array<i32>} : memref<32x4x16xf32, #tpu.memory_space<vmem>>, vector<1x1x16xf32>,
      %parallel_loop3A_437 = vector.shape_cast %parallel_loop3A_436 : vector<1x1x16xf32> to vector<16xf32>
      %parallel_loop3A_438 = arith.constant 1 : i32
      %parallel_loop3A_439 = arith.constant 3 : i32
      %parallel_loop3A_440 = arith.index_cast %parallel_loop3A_438 : i32 to index
      %parallel_loop3A_441 = arith.index_cast %parallel_loop3A_439 : i32 to index
      %parallel_loop3A_442 = arith.constant 0 : index
      %parallel_loop3A_443 = tpu.vector_load %arg11[%parallel_loop3A_440, %parallel_loop3A_441, %parallel_loop3A_442] {strides = array<i32>} : memref<32x4x16xf32, #tpu.memory_space<vmem>>, vector<1x1x16xf32>,
      %parallel_loop3A_444 = vector.shape_cast %parallel_loop3A_443 : vector<1x1x16xf32> to vector<16xf32>
      %parallel_loop3A_445 = arith.constant 2 : i32
      %parallel_loop3A_446 = arith.constant 0 : i32
      %parallel_loop3A_447 = arith.index_cast %parallel_loop3A_445 : i32 to index
      %parallel_loop3A_448 = arith.index_cast %parallel_loop3A_446 : i32 to index
      %parallel_loop3A_449 = arith.constant 0 : index
      %parallel_loop3A_450 = tpu.vector_load %arg11[%parallel_loop3A_447, %parallel_loop3A_448, %parallel_loop3A_449] {strides = array<i32>} : memref<32x4x16xf32, #tpu.memory_space<vmem>>, vector<1x1x16xf32>,
      %parallel_loop3A_451 = vector.shape_cast %parallel_loop3A_450 : vector<1x1x16xf32> to vector<16xf32>
      %parallel_loop3A_452 = arith.constant 2 : i32
      %parallel_loop3A_453 = arith.constant 1 : i32
      %parallel_loop3A_454 = arith.index_cast %parallel_loop3A_452 : i32 to index
      %parallel_loop3A_455 = arith.index_cast %parallel_loop3A_453 : i32 to index
      %parallel_loop3A_456 = arith.constant 0 : index
      %parallel_loop3A_457 = tpu.vector_load %arg11[%parallel_loop3A_454, %parallel_loop3A_455, %parallel_loop3A_456] {strides = array<i32>} : memref<32x4x16xf32, #tpu.memory_space<vmem>>, vector<1x1x16xf32>,
      %parallel_loop3A_458 = vector.shape_cast %parallel_loop3A_457 : vector<1x1x16xf32> to vector<16xf32>
      %parallel_loop3A_459 = arith.constant 2 : i32
      %parallel_loop3A_460 = arith.constant 2 : i32
      %parallel_loop3A_461 = arith.index_cast %parallel_loop3A_459 : i32 to index
      %parallel_loop3A_462 = arith.index_cast %parallel_loop3A_460 : i32 to index
      %parallel_loop3A_463 = arith.constant 0 : index
      %parallel_loop3A_464 = tpu.vector_load %arg11[%parallel_loop3A_461, %parallel_loop3A_462, %parallel_loop3A_463] {strides = array<i32>} : memref<32x4x16xf32, #tpu.memory_space<vmem>>, vector<1x1x16xf32>,
      %parallel_loop3A_465 = vector.shape_cast %parallel_loop3A_464 : vector<1x1x16xf32> to vector<16xf32>
      %parallel_loop3A_466 = arith.constant 2 : i32
      %parallel_loop3A_467 = arith.constant 3 : i32
      %parallel_loop3A_468 = arith.index_cast %parallel_loop3A_466 : i32 to index
      %parallel_loop3A_469 = arith.index_cast %parallel_loop3A_467 : i32 to index
      %parallel_loop3A_470 = arith.constant 0 : index
      %parallel_loop3A_471 = tpu.vector_load %arg11[%parallel_loop3A_468, %parallel_loop3A_469, %parallel_loop3A_470] {strides = array<i32>} : memref<32x4x16xf32, #tpu.memory_space<vmem>>, vector<1x1x16xf32>,
      %parallel_loop3A_472 = vector.shape_cast %parallel_loop3A_471 : vector<1x1x16xf32> to vector<16xf32>
      %parallel_loop3A_473 = arith.constant 3 : i32
      %parallel_loop3A_474 = arith.constant 0 : i32
      %parallel_loop3A_475 = arith.index_cast %parallel_loop3A_473 : i32 to index
      %parallel_loop3A_476 = arith.index_cast %parallel_loop3A_474 : i32 to index
      %parallel_loop3A_477 = arith.constant 0 : index
      %parallel_loop3A_478 = tpu.vector_load %arg11[%parallel_loop3A_475, %parallel_loop3A_476, %parallel_loop3A_477] {strides = array<i32>} : memref<32x4x16xf32, #tpu.memory_space<vmem>>, vector<1x1x16xf32>,
      %parallel_loop3A_479 = vector.shape_cast %parallel_loop3A_478 : vector<1x1x16xf32> to vector<16xf32>
      %parallel_loop3A_480 = arith.constant 3 : i32
      %parallel_loop3A_481 = arith.constant 1 : i32
      %parallel_loop3A_482 = arith.index_cast %parallel_loop3A_480 : i32 to index
      %parallel_loop3A_483 = arith.index_cast %parallel_loop3A_481 : i32 to index
      %parallel_loop3A_484 = arith.constant 0 : index
      %parallel_loop3A_485 = tpu.vector_load %arg11[%parallel_loop3A_482, %parallel_loop3A_483, %parallel_loop3A_484] {strides = array<i32>} : memref<32x4x16xf32, #tpu.memory_space<vmem>>, vector<1x1x16xf32>,
      %parallel_loop3A_486 = vector.shape_cast %parallel_loop3A_485 : vector<1x1x16xf32> to vector<16xf32>
      %parallel_loop3A_487 = arith.constant 3 : i32
      %parallel_loop3A_488 = arith.constant 2 : i32
      %parallel_loop3A_489 = arith.index_cast %parallel_loop3A_487 : i32 to index
      %parallel_loop3A_490 = arith.index_cast %parallel_loop3A_488 : i32 to index
      %parallel_loop3A_491 = arith.constant 0 : index
      %parallel_loop3A_492 = tpu.vector_load %arg11[%parallel_loop3A_489, %parallel_loop3A_490, %parallel_loop3A_491] {strides = array<i32>} : memref<32x4x16xf32, #tpu.memory_space<vmem>>, vector<1x1x16xf32>,
      %parallel_loop3A_493 = vector.shape_cast %parallel_loop3A_492 : vector<1x1x16xf32> to vector<16xf32>
      %parallel_loop3A_494 = arith.constant 3 : i32
      %parallel_loop3A_495 = arith.constant 3 : i32
      %parallel_loop3A_496 = arith.index_cast %parallel_loop3A_494 : i32 to index
      %parallel_loop3A_497 = arith.index_cast %parallel_loop3A_495 : i32 to index
      %parallel_loop3A_498 = arith.constant 0 : index
      %parallel_loop3A_499 = tpu.vector_load %arg11[%parallel_loop3A_496, %parallel_loop3A_497, %parallel_loop3A_498] {strides = array<i32>} : memref<32x4x16xf32, #tpu.memory_space<vmem>>, vector<1x1x16xf32>,
      %parallel_loop3A_500 = vector.shape_cast %parallel_loop3A_499 : vector<1x1x16xf32> to vector<16xf32>
      %parallel_loop3A_501 = arith.constant 4 : i32
      %parallel_loop3A_502 = arith.constant 0 : i32
      %parallel_loop3A_503 = arith.index_cast %parallel_loop3A_501 : i32 to index
      %parallel_loop3A_504 = arith.index_cast %parallel_loop3A_502 : i32 to index
      %parallel_loop3A_505 = arith.constant 0 : index
      %parallel_loop3A_506 = tpu.vector_load %arg11[%parallel_loop3A_503, %parallel_loop3A_504, %parallel_loop3A_505] {strides = array<i32>} : memref<32x4x16xf32, #tpu.memory_space<vmem>>, vector<1x1x16xf32>,
      %parallel_loop3A_507 = vector.shape_cast %parallel_loop3A_506 : vector<1x1x16xf32> to vector<16xf32>
      %parallel_loop3A_508 = arith.constant 4 : i32
      %parallel_loop3A_509 = arith.constant 1 : i32
      %parallel_loop3A_510 = arith.index_cast %parallel_loop3A_508 : i32 to index
      %parallel_loop3A_511 = arith.index_cast %parallel_loop3A_509 : i32 to index
      %parallel_loop3A_512 = arith.constant 0 : index
      %parallel_loop3A_513 = tpu.vector_load %arg11[%parallel_loop3A_510, %parallel_loop3A_511, %parallel_loop3A_512] {strides = array<i32>} : memref<32x4x16xf32, #tpu.memory_space<vmem>>, vector<1x1x16xf32>,
      %parallel_loop3A_514 = vector.shape_cast %parallel_loop3A_513 : vector<1x1x16xf32> to vector<16xf32>
      %parallel_loop3A_515 = arith.constant 4 : i32
      %parallel_loop3A_516 = arith.constant 2 : i32
      %parallel_loop3A_517 = arith.index_cast %parallel_loop3A_515 : i32 to index
      %parallel_loop3A_518 = arith.index_cast %parallel_loop3A_516 : i32 to index
      %parallel_loop3A_519 = arith.constant 0 : index
      %parallel_loop3A_520 = tpu.vector_load %arg11[%parallel_loop3A_517, %parallel_loop3A_518, %parallel_loop3A_519] {strides = array<i32>} : memref<32x4x16xf32, #tpu.memory_space<vmem>>, vector<1x1x16xf32>,
      %parallel_loop3A_521 = vector.shape_cast %parallel_loop3A_520 : vector<1x1x16xf32> to vector<16xf32>
      %parallel_loop3A_522 = arith.constant 4 : i32
      %parallel_loop3A_523 = arith.constant 3 : i32
      %parallel_loop3A_524 = arith.index_cast %parallel_loop3A_522 : i32 to index
      %parallel_loop3A_525 = arith.index_cast %parallel_loop3A_523 : i32 to index
      %parallel_loop3A_526 = arith.constant 0 : index
      %parallel_loop3A_527 = tpu.vector_load %arg11[%parallel_loop3A_524, %parallel_loop3A_525, %parallel_loop3A_526] {strides = array<i32>} : memref<32x4x16xf32, #tpu.memory_space<vmem>>, vector<1x1x16xf32>,
      %parallel_loop3A_528 = vector.shape_cast %parallel_loop3A_527 : vector<1x1x16xf32> to vector<16xf32>
      %parallel_loop3A_529 = arith.constant 5 : i32
      %parallel_loop3A_530 = arith.constant 0 : i32
      %parallel_loop3A_531 = arith.index_cast %parallel_loop3A_529 : i32 to index
      %parallel_loop3A_532 = arith.index_cast %parallel_loop3A_530 : i32 to index
      %parallel_loop3A_533 = arith.constant 0 : index
      %parallel_loop3A_534 = tpu.vector_load %arg11[%parallel_loop3A_531, %parallel_loop3A_532, %parallel_loop3A_533] {strides = array<i32>} : memref<32x4x16xf32, #tpu.memory_space<vmem>>, vector<1x1x16xf32>,
      %parallel_loop3A_535 = vector.shape_cast %parallel_loop3A_534 : vector<1x1x16xf32> to vector<16xf32>
      %parallel_loop3A_536 = arith.constant 5 : i32
      %parallel_loop3A_537 = arith.constant 1 : i32
      %parallel_loop3A_538 = arith.index_cast %parallel_loop3A_536 : i32 to index
      %parallel_loop3A_539 = arith.index_cast %parallel_loop3A_537 : i32 to index
      %parallel_loop3A_540 = arith.constant 0 : index
      %parallel_loop3A_541 = tpu.vector_load %arg11[%parallel_loop3A_538, %parallel_loop3A_539, %parallel_loop3A_540] {strides = array<i32>} : memref<32x4x16xf32, #tpu.memory_space<vmem>>, vector<1x1x16xf32>,
      %parallel_loop3A_542 = vector.shape_cast %parallel_loop3A_541 : vector<1x1x16xf32> to vector<16xf32>
      %parallel_loop3A_543 = arith.constant 5 : i32
      %parallel_loop3A_544 = arith.constant 2 : i32
      %parallel_loop3A_545 = arith.index_cast %parallel_loop3A_543 : i32 to index
      %parallel_loop3A_546 = arith.index_cast %parallel_loop3A_544 : i32 to index
      %parallel_loop3A_547 = arith.constant 0 : index
      %parallel_loop3A_548 = tpu.vector_load %arg11[%parallel_loop3A_545, %parallel_loop3A_546, %parallel_loop3A_547] {strides = array<i32>} : memref<32x4x16xf32, #tpu.memory_space<vmem>>, vector<1x1x16xf32>,
      %parallel_loop3A_549 = vector.shape_cast %parallel_loop3A_548 : vector<1x1x16xf32> to vector<16xf32>
      %parallel_loop3A_550 = arith.constant 5 : i32
      %parallel_loop3A_551 = arith.constant 3 : i32
      %parallel_loop3A_552 = arith.index_cast %parallel_loop3A_550 : i32 to index
      %parallel_loop3A_553 = arith.index_cast %parallel_loop3A_551 : i32 to index
      %parallel_loop3A_554 = arith.constant 0 : index
      %parallel_loop3A_555 = tpu.vector_load %arg11[%parallel_loop3A_552, %parallel_loop3A_553, %parallel_loop3A_554] {strides = array<i32>} : memref<32x4x16xf32, #tpu.memory_space<vmem>>, vector<1x1x16xf32>,
      %parallel_loop3A_556 = vector.shape_cast %parallel_loop3A_555 : vector<1x1x16xf32> to vector<16xf32>
      %parallel_loop3A_557 = arith.constant 6 : i32
      %parallel_loop3A_558 = arith.constant 0 : i32
      %parallel_loop3A_559 = arith.index_cast %parallel_loop3A_557 : i32 to index
      %parallel_loop3A_560 = arith.index_cast %parallel_loop3A_558 : i32 to index
      %parallel_loop3A_561 = arith.constant 0 : index
      %parallel_loop3A_562 = tpu.vector_load %arg11[%parallel_loop3A_559, %parallel_loop3A_560, %parallel_loop3A_561] {strides = array<i32>} : memref<32x4x16xf32, #tpu.memory_space<vmem>>, vector<1x1x16xf32>,
      %parallel_loop3A_563 = vector.shape_cast %parallel_loop3A_562 : vector<1x1x16xf32> to vector<16xf32>
      %parallel_loop3A_564 = arith.constant 6 : i32
      %parallel_loop3A_565 = arith.constant 1 : i32
      %parallel_loop3A_566 = arith.index_cast %parallel_loop3A_564 : i32 to index
      %parallel_loop3A_567 = arith.index_cast %parallel_loop3A_565 : i32 to index
      %parallel_loop3A_568 = arith.constant 0 : index
      %parallel_loop3A_569 = tpu.vector_load %arg11[%parallel_loop3A_566, %parallel_loop3A_567, %parallel_loop3A_568] {strides = array<i32>} : memref<32x4x16xf32, #tpu.memory_space<vmem>>, vector<1x1x16xf32>,
      %parallel_loop3A_570 = vector.shape_cast %parallel_loop3A_569 : vector<1x1x16xf32> to vector<16xf32>
      %parallel_loop3A_571 = arith.constant 6 : i32
      %parallel_loop3A_572 = arith.constant 2 : i32
      %parallel_loop3A_573 = arith.index_cast %parallel_loop3A_571 : i32 to index
      %parallel_loop3A_574 = arith.index_cast %parallel_loop3A_572 : i32 to index
      %parallel_loop3A_575 = arith.constant 0 : index
      %parallel_loop3A_576 = tpu.vector_load %arg11[%parallel_loop3A_573, %parallel_loop3A_574, %parallel_loop3A_575] {strides = array<i32>} : memref<32x4x16xf32, #tpu.memory_space<vmem>>, vector<1x1x16xf32>,
      %parallel_loop3A_577 = vector.shape_cast %parallel_loop3A_576 : vector<1x1x16xf32> to vector<16xf32>
      %parallel_loop3A_578 = arith.constant 6 : i32
      %parallel_loop3A_579 = arith.constant 3 : i32
      %parallel_loop3A_580 = arith.index_cast %parallel_loop3A_578 : i32 to index
      %parallel_loop3A_581 = arith.index_cast %parallel_loop3A_579 : i32 to index
      %parallel_loop3A_582 = arith.constant 0 : index
      %parallel_loop3A_583 = tpu.vector_load %arg11[%parallel_loop3A_580, %parallel_loop3A_581, %parallel_loop3A_582] {strides = array<i32>} : memref<32x4x16xf32, #tpu.memory_space<vmem>>, vector<1x1x16xf32>,
      %parallel_loop3A_584 = vector.shape_cast %parallel_loop3A_583 : vector<1x1x16xf32> to vector<16xf32>
      %parallel_loop3A_585 = arith.constant 7 : i32
      %parallel_loop3A_586 = arith.constant 0 : i32
      %parallel_loop3A_587 = arith.index_cast %parallel_loop3A_585 : i32 to index
      %parallel_loop3A_588 = arith.index_cast %parallel_loop3A_586 : i32 to index
      %parallel_loop3A_589 = arith.constant 0 : index
      %parallel_loop3A_590 = tpu.vector_load %arg11[%parallel_loop3A_587, %parallel_loop3A_588, %parallel_loop3A_589] {strides = array<i32>} : memref<32x4x16xf32, #tpu.memory_space<vmem>>, vector<1x1x16xf32>,
      %parallel_loop3A_591 = vector.shape_cast %parallel_loop3A_590 : vector<1x1x16xf32> to vector<16xf32>
      %parallel_loop3A_592 = arith.constant 7 : i32
      %parallel_loop3A_593 = arith.constant 1 : i32
      %parallel_loop3A_594 = arith.index_cast %parallel_loop3A_592 : i32 to index
      %parallel_loop3A_595 = arith.index_cast %parallel_loop3A_593 : i32 to index
      %parallel_loop3A_596 = arith.constant 0 : index
      %parallel_loop3A_597 = tpu.vector_load %arg11[%parallel_loop3A_594, %parallel_loop3A_595, %parallel_loop3A_596] {strides = array<i32>} : memref<32x4x16xf32, #tpu.memory_space<vmem>>, vector<1x1x16xf32>,
      %parallel_loop3A_598 = vector.shape_cast %parallel_loop3A_597 : vector<1x1x16xf32> to vector<16xf32>
      %parallel_loop3A_599 = arith.constant 7 : i32
      %parallel_loop3A_600 = arith.constant 2 : i32
      %parallel_loop3A_601 = arith.index_cast %parallel_loop3A_599 : i32 to index
      %parallel_loop3A_602 = arith.index_cast %parallel_loop3A_600 : i32 to index
      %parallel_loop3A_603 = arith.constant 0 : index
      %parallel_loop3A_604 = tpu.vector_load %arg11[%parallel_loop3A_601, %parallel_loop3A_602, %parallel_loop3A_603] {strides = array<i32>} : memref<32x4x16xf32, #tpu.memory_space<vmem>>, vector<1x1x16xf32>,
      %parallel_loop3A_605 = vector.shape_cast %parallel_loop3A_604 : vector<1x1x16xf32> to vector<16xf32>
      %parallel_loop3A_606 = arith.constant 7 : i32
      %parallel_loop3A_607 = arith.constant 3 : i32
      %parallel_loop3A_608 = arith.index_cast %parallel_loop3A_606 : i32 to index
      %parallel_loop3A_609 = arith.index_cast %parallel_loop3A_607 : i32 to index
      %parallel_loop3A_610 = arith.constant 0 : index
      %parallel_loop3A_611 = tpu.vector_load %arg11[%parallel_loop3A_608, %parallel_loop3A_609, %parallel_loop3A_610] {strides = array<i32>} : memref<32x4x16xf32, #tpu.memory_space<vmem>>, vector<1x1x16xf32>,
      %parallel_loop3A_612 = vector.shape_cast %parallel_loop3A_611 : vector<1x1x16xf32> to vector<16xf32>
      %parallel_loop3A_613 = arith.constant 0 : i32
      %parallel_loop3A_614 = arith.index_cast %parallel_loop3A_613 : i32 to index
      %parallel_loop3A_615 = arith.constant 0 : index
      %parallel_loop3A_616 = tpu.vector_load %arg12[%parallel_loop3A_614, %parallel_loop3A_615] {strides = array<i32>} : memref<32x16xf32, #tpu.memory_space<vmem>>, vector<1x16xf32>,
      %parallel_loop3A_617 = vector.shape_cast %parallel_loop3A_616 : vector<1x16xf32> to vector<16xf32>
      %parallel_loop3A_618 = arith.constant 1 : i32
      %parallel_loop3A_619 = arith.index_cast %parallel_loop3A_618 : i32 to index
      %parallel_loop3A_620 = arith.constant 0 : index
      %parallel_loop3A_621 = tpu.vector_load %arg12[%parallel_loop3A_619, %parallel_loop3A_620] {strides = array<i32>} : memref<32x16xf32, #tpu.memory_space<vmem>>, vector<1x16xf32>,
      %parallel_loop3A_622 = vector.shape_cast %parallel_loop3A_621 : vector<1x16xf32> to vector<16xf32>
      %parallel_loop3A_623 = arith.constant 2 : i32
      %parallel_loop3A_624 = arith.index_cast %parallel_loop3A_623 : i32 to index
      %parallel_loop3A_625 = arith.constant 0 : index
      %parallel_loop3A_626 = tpu.vector_load %arg12[%parallel_loop3A_624, %parallel_loop3A_625] {strides = array<i32>} : memref<32x16xf32, #tpu.memory_space<vmem>>, vector<1x16xf32>,
      %parallel_loop3A_627 = vector.shape_cast %parallel_loop3A_626 : vector<1x16xf32> to vector<16xf32>
      %parallel_loop3A_628 = arith.constant 3 : i32
      %parallel_loop3A_629 = arith.index_cast %parallel_loop3A_628 : i32 to index
      %parallel_loop3A_630 = arith.constant 0 : index
      %parallel_loop3A_631 = tpu.vector_load %arg12[%parallel_loop3A_629, %parallel_loop3A_630] {strides = array<i32>} : memref<32x16xf32, #tpu.memory_space<vmem>>, vector<1x16xf32>,
      %parallel_loop3A_632 = vector.shape_cast %parallel_loop3A_631 : vector<1x16xf32> to vector<16xf32>
      %parallel_loop3A_633 = arith.constant 4 : i32
      %parallel_loop3A_634 = arith.index_cast %parallel_loop3A_633 : i32 to index
      %parallel_loop3A_635 = arith.constant 0 : index
      %parallel_loop3A_636 = tpu.vector_load %arg12[%parallel_loop3A_634, %parallel_loop3A_635] {strides = array<i32>} : memref<32x16xf32, #tpu.memory_space<vmem>>, vector<1x16xf32>,
      %parallel_loop3A_637 = vector.shape_cast %parallel_loop3A_636 : vector<1x16xf32> to vector<16xf32>
      %parallel_loop3A_638 = arith.constant 5 : i32
      %parallel_loop3A_639 = arith.index_cast %parallel_loop3A_638 : i32 to index
      %parallel_loop3A_640 = arith.constant 0 : index
      %parallel_loop3A_641 = tpu.vector_load %arg12[%parallel_loop3A_639, %parallel_loop3A_640] {strides = array<i32>} : memref<32x16xf32, #tpu.memory_space<vmem>>, vector<1x16xf32>,
      %parallel_loop3A_642 = vector.shape_cast %parallel_loop3A_641 : vector<1x16xf32> to vector<16xf32>
      %parallel_loop3A_643 = arith.constant 6 : i32
      %parallel_loop3A_644 = arith.index_cast %parallel_loop3A_643 : i32 to index
      %parallel_loop3A_645 = arith.constant 0 : index
      %parallel_loop3A_646 = tpu.vector_load %arg12[%parallel_loop3A_644, %parallel_loop3A_645] {strides = array<i32>} : memref<32x16xf32, #tpu.memory_space<vmem>>, vector<1x16xf32>,
      %parallel_loop3A_647 = vector.shape_cast %parallel_loop3A_646 : vector<1x16xf32> to vector<16xf32>
      %parallel_loop3A_648 = arith.constant 7 : i32
      %parallel_loop3A_649 = arith.index_cast %parallel_loop3A_648 : i32 to index
      %parallel_loop3A_650 = arith.constant 0 : index
      %parallel_loop3A_651 = tpu.vector_load %arg12[%parallel_loop3A_649, %parallel_loop3A_650] {strides = array<i32>} : memref<32x16xf32, #tpu.memory_space<vmem>>, vector<1x16xf32>,
      %parallel_loop3A_652 = vector.shape_cast %parallel_loop3A_651 : vector<1x16xf32> to vector<16xf32>
      %parallel_loop3A_653 = arith.constant 0 : i32
      %parallel_loop3A_654 = arith.index_cast %parallel_loop3A_653 : i32 to index
      %parallel_loop3A_655 = arith.index_cast %parallel_loop3A_388 : i32 to index
      %parallel_loop3A_656 = tpu.vector_load %arg9[%parallel_loop3A_654, %parallel_loop3A_655] {strides = array<i32>} : memref<4x2512xf32, #tpu.memory_space<vmem>>, vector<1x16xf32>,
      %parallel_loop3A_657 = vector.shape_cast %parallel_loop3A_656 : vector<1x16xf32> to vector<16xf32>
      %parallel_loop3A_658 = arith.constant 1 : i32
      %parallel_loop3A_659 = arith.index_cast %parallel_loop3A_658 : i32 to index
      %parallel_loop3A_660 = arith.index_cast %parallel_loop3A_388 : i32 to index
      %parallel_loop3A_661 = tpu.vector_load %arg9[%parallel_loop3A_659, %parallel_loop3A_660] {strides = array<i32>} : memref<4x2512xf32, #tpu.memory_space<vmem>>, vector<1x16xf32>,
      %parallel_loop3A_662 = vector.shape_cast %parallel_loop3A_661 : vector<1x16xf32> to vector<16xf32>
      %parallel_loop3A_663 = arith.constant 2 : i32
      %parallel_loop3A_664 = arith.index_cast %parallel_loop3A_663 : i32 to index
      %parallel_loop3A_665 = arith.index_cast %parallel_loop3A_388 : i32 to index
      %parallel_loop3A_666 = tpu.vector_load %arg9[%parallel_loop3A_664, %parallel_loop3A_665] {strides = array<i32>} : memref<4x2512xf32, #tpu.memory_space<vmem>>, vector<1x16xf32>,
      %parallel_loop3A_667 = vector.shape_cast %parallel_loop3A_666 : vector<1x16xf32> to vector<16xf32>
      %parallel_loop3A_668 = arith.constant 3 : i32
      %parallel_loop3A_669 = arith.index_cast %parallel_loop3A_668 : i32 to index
      %parallel_loop3A_670 = arith.index_cast %parallel_loop3A_388 : i32 to index
      %parallel_loop3A_671 = tpu.vector_load %arg9[%parallel_loop3A_669, %parallel_loop3A_670] {strides = array<i32>} : memref<4x2512xf32, #tpu.memory_space<vmem>>, vector<1x16xf32>,
      %parallel_loop3A_672 = vector.shape_cast %parallel_loop3A_671 : vector<1x16xf32> to vector<16xf32>
      %parallel_loop3A_673 = arith.subf %parallel_loop3A_667, %parallel_loop3A_657 : vector<16xf32>
      %parallel_loop3A_674 = arith.constant 0.000000e+00 : f32
      %parallel_loop3A_675 = vector.broadcast %parallel_loop3A_674 : f32 to vector<16xf32>
      %parallel_loop3A_676 = arith.maximumf %parallel_loop3A_673, %parallel_loop3A_675 : vector<16xf32>
      %parallel_loop3A_677 = arith.subf %parallel_loop3A_672, %parallel_loop3A_662 : vector<16xf32>
      %parallel_loop3A_678 = arith.constant 0.000000e+00 : f32
      %parallel_loop3A_679 = vector.broadcast %parallel_loop3A_678 : f32 to vector<16xf32>
      %parallel_loop3A_680 = arith.maximumf %parallel_loop3A_677, %parallel_loop3A_679 : vector<16xf32>
      %parallel_loop3A_681 = arith.mulf %parallel_loop3A_676, %parallel_loop3A_680 : vector<16xf32>
      %parallel_loop3A_682 = arith.constant -1.000000e+00 : f32
      %parallel_loop3A_683 = vector.broadcast %parallel_loop3A_682 : f32 to vector<16xf32>
      %parallel_loop3A_684 = arith.constant 1.000000e+00 : f32
      %parallel_loop3A_685 = vector.broadcast %parallel_loop3A_684 : f32 to vector<16xf32>
      %parallel_loop3A_686 = arith.constant 0.000000e+00 : f32
      %parallel_loop3A_687 = vector.broadcast %parallel_loop3A_686 : f32 to vector<16xf32>
      %parallel_loop3A_688 = arith.constant 0.000000e+00 : f32
      %parallel_loop3A_689 = vector.broadcast %parallel_loop3A_688 : f32 to vector<16xf32>
      %parallel_loop3A_690 = arith.constant 0.000000e+00 : f32
      %parallel_loop3A_691 = vector.broadcast %parallel_loop3A_690 : f32 to vector<16xf32>
      %parallel_loop3A_692 = arith.constant 0.000000e+00 : f32
      %parallel_loop3A_693 = vector.broadcast %parallel_loop3A_692 : f32 to vector<16xf32>
      %parallel_loop3A_694 = arith.minimumf %parallel_loop3A_667, %parallel_loop3A_409 : vector<16xf32>
      %parallel_loop3A_695 = arith.maximumf %parallel_loop3A_657, %parallel_loop3A_395 : vector<16xf32>
      %parallel_loop3A_696 = arith.subf %parallel_loop3A_694, %parallel_loop3A_695 : vector<16xf32>
      %parallel_loop3A_697 = arith.constant 0.000000e+00 : f32
      %parallel_loop3A_698 = vector.broadcast %parallel_loop3A_697 : f32 to vector<16xf32>
      %parallel_loop3A_699 = arith.maximumf %parallel_loop3A_696, %parallel_loop3A_698 : vector<16xf32>
      %parallel_loop3A_700 = arith.minimumf %parallel_loop3A_672, %parallel_loop3A_416 : vector<16xf32>
      %parallel_loop3A_701 = arith.maximumf %parallel_loop3A_662, %parallel_loop3A_402 : vector<16xf32>
      %parallel_loop3A_702 = arith.subf %parallel_loop3A_700, %parallel_loop3A_701 : vector<16xf32>
      %parallel_loop3A_703 = arith.constant 0.000000e+00 : f32
      %parallel_loop3A_704 = vector.broadcast %parallel_loop3A_703 : f32 to vector<16xf32>
      %parallel_loop3A_705 = arith.maximumf %parallel_loop3A_702, %parallel_loop3A_704 : vector<16xf32>
      %parallel_loop3A_706 = arith.mulf %parallel_loop3A_699, %parallel_loop3A_705 : vector<16xf32>
      %parallel_loop3A_707 = arith.addf %parallel_loop3A_681, %parallel_loop3A_617 : vector<16xf32>
      %parallel_loop3A_708 = arith.subf %parallel_loop3A_707, %parallel_loop3A_706 : vector<16xf32>
      %parallel_loop3A_709 = arith.constant 9.99999993E-9 : f32
      %parallel_loop3A_710 = vector.broadcast %parallel_loop3A_709 : f32 to vector<16xf32>
      %parallel_loop3A_711 = arith.maximumf %parallel_loop3A_708, %parallel_loop3A_710 : vector<16xf32>
      %parallel_loop3A_712 = arith.mulf %parallel_loop3A_706, %parallel_loop3A_685 : vector<16xf32>
      %parallel_loop3A_713 = arith.mulf %parallel_loop3A_683, %parallel_loop3A_711 : vector<16xf32>
      %parallel_loop3A_714 = arith.cmpf oge, %parallel_loop3A_712, %parallel_loop3A_713 : vector<16xf32>
      %parallel_loop3A_715 = arith.select %parallel_loop3A_714, %parallel_loop3A_706, %parallel_loop3A_683 : vector<16xi1>, vector<16xf32>
      %parallel_loop3A_716 = arith.select %parallel_loop3A_714, %parallel_loop3A_711, %parallel_loop3A_685 : vector<16xi1>, vector<16xf32>
      %parallel_loop3A_717 = arith.select %parallel_loop3A_714, %parallel_loop3A_395, %parallel_loop3A_687 : vector<16xi1>, vector<16xf32>
      %parallel_loop3A_718 = arith.select %parallel_loop3A_714, %parallel_loop3A_402, %parallel_loop3A_689 : vector<16xi1>, vector<16xf32>
      %parallel_loop3A_719 = arith.select %parallel_loop3A_714, %parallel_loop3A_409, %parallel_loop3A_691 : vector<16xi1>, vector<16xf32>
      %parallel_loop3A_720 = arith.select %parallel_loop3A_714, %parallel_loop3A_416, %parallel_loop3A_693 : vector<16xi1>, vector<16xf32>
      %parallel_loop3A_721 = arith.minimumf %parallel_loop3A_667, %parallel_loop3A_437 : vector<16xf32>
      %parallel_loop3A_722 = arith.maximumf %parallel_loop3A_657, %parallel_loop3A_423 : vector<16xf32>
      %parallel_loop3A_723 = arith.subf %parallel_loop3A_721, %parallel_loop3A_722 : vector<16xf32>
      %parallel_loop3A_724 = arith.constant 0.000000e+00 : f32
      %parallel_loop3A_725 = vector.broadcast %parallel_loop3A_724 : f32 to vector<16xf32>
      %parallel_loop3A_726 = arith.maximumf %parallel_loop3A_723, %parallel_loop3A_725 : vector<16xf32>
      %parallel_loop3A_727 = arith.minimumf %parallel_loop3A_672, %parallel_loop3A_444 : vector<16xf32>
      %parallel_loop3A_728 = arith.maximumf %parallel_loop3A_662, %parallel_loop3A_430 : vector<16xf32>
      %parallel_loop3A_729 = arith.subf %parallel_loop3A_727, %parallel_loop3A_728 : vector<16xf32>
      %parallel_loop3A_730 = arith.constant 0.000000e+00 : f32
      %parallel_loop3A_731 = vector.broadcast %parallel_loop3A_730 : f32 to vector<16xf32>
      %parallel_loop3A_732 = arith.maximumf %parallel_loop3A_729, %parallel_loop3A_731 : vector<16xf32>
      %parallel_loop3A_733 = arith.mulf %parallel_loop3A_726, %parallel_loop3A_732 : vector<16xf32>
      %parallel_loop3A_734 = arith.addf %parallel_loop3A_681, %parallel_loop3A_622 : vector<16xf32>
      %parallel_loop3A_735 = arith.subf %parallel_loop3A_734, %parallel_loop3A_733 : vector<16xf32>
      %parallel_loop3A_736 = arith.constant 9.99999993E-9 : f32
      %parallel_loop3A_737 = vector.broadcast %parallel_loop3A_736 : f32 to vector<16xf32>
      %parallel_loop3A_738 = arith.maximumf %parallel_loop3A_735, %parallel_loop3A_737 : vector<16xf32>
      %parallel_loop3A_739 = arith.mulf %parallel_loop3A_733, %parallel_loop3A_716 : vector<16xf32>
      %parallel_loop3A_740 = arith.mulf %parallel_loop3A_715, %parallel_loop3A_738 : vector<16xf32>
      %parallel_loop3A_741 = arith.cmpf oge, %parallel_loop3A_739, %parallel_loop3A_740 : vector<16xf32>
      %parallel_loop3A_742 = arith.select %parallel_loop3A_741, %parallel_loop3A_733, %parallel_loop3A_715 : vector<16xi1>, vector<16xf32>
      %parallel_loop3A_743 = arith.select %parallel_loop3A_741, %parallel_loop3A_738, %parallel_loop3A_716 : vector<16xi1>, vector<16xf32>
      %parallel_loop3A_744 = arith.select %parallel_loop3A_741, %parallel_loop3A_423, %parallel_loop3A_717 : vector<16xi1>, vector<16xf32>
      %parallel_loop3A_745 = arith.select %parallel_loop3A_741, %parallel_loop3A_430, %parallel_loop3A_718 : vector<16xi1>, vector<16xf32>
      %parallel_loop3A_746 = arith.select %parallel_loop3A_741, %parallel_loop3A_437, %parallel_loop3A_719 : vector<16xi1>, vector<16xf32>
      %parallel_loop3A_747 = arith.select %parallel_loop3A_741, %parallel_loop3A_444, %parallel_loop3A_720 : vector<16xi1>, vector<16xf32>
      %parallel_loop3A_748 = arith.minimumf %parallel_loop3A_667, %parallel_loop3A_465 : vector<16xf32>
      %parallel_loop3A_749 = arith.maximumf %parallel_loop3A_657, %parallel_loop3A_451 : vector<16xf32>
      %parallel_loop3A_750 = arith.subf %parallel_loop3A_748, %parallel_loop3A_749 : vector<16xf32>
      %parallel_loop3A_751 = arith.constant 0.000000e+00 : f32
      %parallel_loop3A_752 = vector.broadcast %parallel_loop3A_751 : f32 to vector<16xf32>
      %parallel_loop3A_753 = arith.maximumf %parallel_loop3A_750, %parallel_loop3A_752 : vector<16xf32>
      %parallel_loop3A_754 = arith.minimumf %parallel_loop3A_672, %parallel_loop3A_472 : vector<16xf32>
      %parallel_loop3A_755 = arith.maximumf %parallel_loop3A_662, %parallel_loop3A_458 : vector<16xf32>
      %parallel_loop3A_756 = arith.subf %parallel_loop3A_754, %parallel_loop3A_755 : vector<16xf32>
      %parallel_loop3A_757 = arith.constant 0.000000e+00 : f32
      %parallel_loop3A_758 = vector.broadcast %parallel_loop3A_757 : f32 to vector<16xf32>
      %parallel_loop3A_759 = arith.maximumf %parallel_loop3A_756, %parallel_loop3A_758 : vector<16xf32>
      %parallel_loop3A_760 = arith.mulf %parallel_loop3A_753, %parallel_loop3A_759 : vector<16xf32>
      %parallel_loop3A_761 = arith.addf %parallel_loop3A_681, %parallel_loop3A_627 : vector<16xf32>
      %parallel_loop3A_762 = arith.subf %parallel_loop3A_761, %parallel_loop3A_760 : vector<16xf32>
      %parallel_loop3A_763 = arith.constant 9.99999993E-9 : f32
      %parallel_loop3A_764 = vector.broadcast %parallel_loop3A_763 : f32 to vector<16xf32>
      %parallel_loop3A_765 = arith.maximumf %parallel_loop3A_762, %parallel_loop3A_764 : vector<16xf32>
      %parallel_loop3A_766 = arith.mulf %parallel_loop3A_760, %parallel_loop3A_743 : vector<16xf32>
      %parallel_loop3A_767 = arith.mulf %parallel_loop3A_742, %parallel_loop3A_765 : vector<16xf32>
      %parallel_loop3A_768 = arith.cmpf oge, %parallel_loop3A_766, %parallel_loop3A_767 : vector<16xf32>
      %parallel_loop3A_769 = arith.select %parallel_loop3A_768, %parallel_loop3A_760, %parallel_loop3A_742 : vector<16xi1>, vector<16xf32>
      %parallel_loop3A_770 = arith.select %parallel_loop3A_768, %parallel_loop3A_765, %parallel_loop3A_743 : vector<16xi1>, vector<16xf32>
      %parallel_loop3A_771 = arith.select %parallel_loop3A_768, %parallel_loop3A_451, %parallel_loop3A_744 : vector<16xi1>, vector<16xf32>
      %parallel_loop3A_772 = arith.select %parallel_loop3A_768, %parallel_loop3A_458, %parallel_loop3A_745 : vector<16xi1>, vector<16xf32>
      %parallel_loop3A_773 = arith.select %parallel_loop3A_768, %parallel_loop3A_465, %parallel_loop3A_746 : vector<16xi1>, vector<16xf32>
      %parallel_loop3A_774 = arith.select %parallel_loop3A_768, %parallel_loop3A_472, %parallel_loop3A_747 : vector<16xi1>, vector<16xf32>
      %parallel_loop3A_775 = arith.minimumf %parallel_loop3A_667, %parallel_loop3A_493 : vector<16xf32>
      %parallel_loop3A_776 = arith.maximumf %parallel_loop3A_657, %parallel_loop3A_479 : vector<16xf32>
      %parallel_loop3A_777 = arith.subf %parallel_loop3A_775, %parallel_loop3A_776 : vector<16xf32>
      %parallel_loop3A_778 = arith.constant 0.000000e+00 : f32
      %parallel_loop3A_779 = vector.broadcast %parallel_loop3A_778 : f32 to vector<16xf32>
      %parallel_loop3A_780 = arith.maximumf %parallel_loop3A_777, %parallel_loop3A_779 : vector<16xf32>
      %parallel_loop3A_781 = arith.minimumf %parallel_loop3A_672, %parallel_loop3A_500 : vector<16xf32>
      %parallel_loop3A_782 = arith.maximumf %parallel_loop3A_662, %parallel_loop3A_486 : vector<16xf32>
      %parallel_loop3A_783 = arith.subf %parallel_loop3A_781, %parallel_loop3A_782 : vector<16xf32>
      %parallel_loop3A_784 = arith.constant 0.000000e+00 : f32
      %parallel_loop3A_785 = vector.broadcast %parallel_loop3A_784 : f32 to vector<16xf32>
      %parallel_loop3A_786 = arith.maximumf %parallel_loop3A_783, %parallel_loop3A_785 : vector<16xf32>
      %parallel_loop3A_787 = arith.mulf %parallel_loop3A_780, %parallel_loop3A_786 : vector<16xf32>
      %parallel_loop3A_788 = arith.addf %parallel_loop3A_681, %parallel_loop3A_632 : vector<16xf32>
      %parallel_loop3A_789 = arith.subf %parallel_loop3A_788, %parallel_loop3A_787 : vector<16xf32>
      %parallel_loop3A_790 = arith.constant 9.99999993E-9 : f32
      %parallel_loop3A_791 = vector.broadcast %parallel_loop3A_790 : f32 to vector<16xf32>
      %parallel_loop3A_792 = arith.maximumf %parallel_loop3A_789, %parallel_loop3A_791 : vector<16xf32>
      %parallel_loop3A_793 = arith.mulf %parallel_loop3A_787, %parallel_loop3A_770 : vector<16xf32>
      %parallel_loop3A_794 = arith.mulf %parallel_loop3A_769, %parallel_loop3A_792 : vector<16xf32>
      %parallel_loop3A_795 = arith.cmpf oge, %parallel_loop3A_793, %parallel_loop3A_794 : vector<16xf32>
      %parallel_loop3A_796 = arith.select %parallel_loop3A_795, %parallel_loop3A_787, %parallel_loop3A_769 : vector<16xi1>, vector<16xf32>
      %parallel_loop3A_797 = arith.select %parallel_loop3A_795, %parallel_loop3A_792, %parallel_loop3A_770 : vector<16xi1>, vector<16xf32>
      %parallel_loop3A_798 = arith.select %parallel_loop3A_795, %parallel_loop3A_479, %parallel_loop3A_771 : vector<16xi1>, vector<16xf32>
      %parallel_loop3A_799 = arith.select %parallel_loop3A_795, %parallel_loop3A_486, %parallel_loop3A_772 : vector<16xi1>, vector<16xf32>
      %parallel_loop3A_800 = arith.select %parallel_loop3A_795, %parallel_loop3A_493, %parallel_loop3A_773 : vector<16xi1>, vector<16xf32>
      %parallel_loop3A_801 = arith.select %parallel_loop3A_795, %parallel_loop3A_500, %parallel_loop3A_774 : vector<16xi1>, vector<16xf32>
      %parallel_loop3A_802 = arith.minimumf %parallel_loop3A_667, %parallel_loop3A_521 : vector<16xf32>
      %parallel_loop3A_803 = arith.maximumf %parallel_loop3A_657, %parallel_loop3A_507 : vector<16xf32>
      %parallel_loop3A_804 = arith.subf %parallel_loop3A_802, %parallel_loop3A_803 : vector<16xf32>
      %parallel_loop3A_805 = arith.constant 0.000000e+00 : f32
      %parallel_loop3A_806 = vector.broadcast %parallel_loop3A_805 : f32 to vector<16xf32>
      %parallel_loop3A_807 = arith.maximumf %parallel_loop3A_804, %parallel_loop3A_806 : vector<16xf32>
      %parallel_loop3A_808 = arith.minimumf %parallel_loop3A_672, %parallel_loop3A_528 : vector<16xf32>
      %parallel_loop3A_809 = arith.maximumf %parallel_loop3A_662, %parallel_loop3A_514 : vector<16xf32>
      %parallel_loop3A_810 = arith.subf %parallel_loop3A_808, %parallel_loop3A_809 : vector<16xf32>
      %parallel_loop3A_811 = arith.constant 0.000000e+00 : f32
      %parallel_loop3A_812 = vector.broadcast %parallel_loop3A_811 : f32 to vector<16xf32>
      %parallel_loop3A_813 = arith.maximumf %parallel_loop3A_810, %parallel_loop3A_812 : vector<16xf32>
      %parallel_loop3A_814 = arith.mulf %parallel_loop3A_807, %parallel_loop3A_813 : vector<16xf32>
      %parallel_loop3A_815 = arith.addf %parallel_loop3A_681, %parallel_loop3A_637 : vector<16xf32>
      %parallel_loop3A_816 = arith.subf %parallel_loop3A_815, %parallel_loop3A_814 : vector<16xf32>
      %parallel_loop3A_817 = arith.constant 9.99999993E-9 : f32
      %parallel_loop3A_818 = vector.broadcast %parallel_loop3A_817 : f32 to vector<16xf32>
      %parallel_loop3A_819 = arith.maximumf %parallel_loop3A_816, %parallel_loop3A_818 : vector<16xf32>
      %parallel_loop3A_820 = arith.mulf %parallel_loop3A_814, %parallel_loop3A_797 : vector<16xf32>
      %parallel_loop3A_821 = arith.mulf %parallel_loop3A_796, %parallel_loop3A_819 : vector<16xf32>
      %parallel_loop3A_822 = arith.cmpf oge, %parallel_loop3A_820, %parallel_loop3A_821 : vector<16xf32>
      %parallel_loop3A_823 = arith.select %parallel_loop3A_822, %parallel_loop3A_814, %parallel_loop3A_796 : vector<16xi1>, vector<16xf32>
      %parallel_loop3A_824 = arith.select %parallel_loop3A_822, %parallel_loop3A_819, %parallel_loop3A_797 : vector<16xi1>, vector<16xf32>
      %parallel_loop3A_825 = arith.select %parallel_loop3A_822, %parallel_loop3A_507, %parallel_loop3A_798 : vector<16xi1>, vector<16xf32>
      %parallel_loop3A_826 = arith.select %parallel_loop3A_822, %parallel_loop3A_514, %parallel_loop3A_799 : vector<16xi1>, vector<16xf32>
      %parallel_loop3A_827 = arith.select %parallel_loop3A_822, %parallel_loop3A_521, %parallel_loop3A_800 : vector<16xi1>, vector<16xf32>
      %parallel_loop3A_828 = arith.select %parallel_loop3A_822, %parallel_loop3A_528, %parallel_loop3A_801 : vector<16xi1>, vector<16xf32>
      %parallel_loop3A_829 = arith.minimumf %parallel_loop3A_667, %parallel_loop3A_549 : vector<16xf32>
      %parallel_loop3A_830 = arith.maximumf %parallel_loop3A_657, %parallel_loop3A_535 : vector<16xf32>
      %parallel_loop3A_831 = arith.subf %parallel_loop3A_829, %parallel_loop3A_830 : vector<16xf32>
      %parallel_loop3A_832 = arith.constant 0.000000e+00 : f32
      %parallel_loop3A_833 = vector.broadcast %parallel_loop3A_832 : f32 to vector<16xf32>
      %parallel_loop3A_834 = arith.maximumf %parallel_loop3A_831, %parallel_loop3A_833 : vector<16xf32>
      %parallel_loop3A_835 = arith.minimumf %parallel_loop3A_672, %parallel_loop3A_556 : vector<16xf32>
      %parallel_loop3A_836 = arith.maximumf %parallel_loop3A_662, %parallel_loop3A_542 : vector<16xf32>
      %parallel_loop3A_837 = arith.subf %parallel_loop3A_835, %parallel_loop3A_836 : vector<16xf32>
      %parallel_loop3A_838 = arith.constant 0.000000e+00 : f32
      %parallel_loop3A_839 = vector.broadcast %parallel_loop3A_838 : f32 to vector<16xf32>
      %parallel_loop3A_840 = arith.maximumf %parallel_loop3A_837, %parallel_loop3A_839 : vector<16xf32>
      %parallel_loop3A_841 = arith.mulf %parallel_loop3A_834, %parallel_loop3A_840 : vector<16xf32>
      %parallel_loop3A_842 = arith.addf %parallel_loop3A_681, %parallel_loop3A_642 : vector<16xf32>
      %parallel_loop3A_843 = arith.subf %parallel_loop3A_842, %parallel_loop3A_841 : vector<16xf32>
      %parallel_loop3A_844 = arith.constant 9.99999993E-9 : f32
      %parallel_loop3A_845 = vector.broadcast %parallel_loop3A_844 : f32 to vector<16xf32>
      %parallel_loop3A_846 = arith.maximumf %parallel_loop3A_843, %parallel_loop3A_845 : vector<16xf32>
      %parallel_loop3A_847 = arith.mulf %parallel_loop3A_841, %parallel_loop3A_824 : vector<16xf32>
      %parallel_loop3A_848 = arith.mulf %parallel_loop3A_823, %parallel_loop3A_846 : vector<16xf32>
      %parallel_loop3A_849 = arith.cmpf oge, %parallel_loop3A_847, %parallel_loop3A_848 : vector<16xf32>
      %parallel_loop3A_850 = arith.select %parallel_loop3A_849, %parallel_loop3A_841, %parallel_loop3A_823 : vector<16xi1>, vector<16xf32>
      %parallel_loop3A_851 = arith.select %parallel_loop3A_849, %parallel_loop3A_846, %parallel_loop3A_824 : vector<16xi1>, vector<16xf32>
      %parallel_loop3A_852 = arith.select %parallel_loop3A_849, %parallel_loop3A_535, %parallel_loop3A_825 : vector<16xi1>, vector<16xf32>
      %parallel_loop3A_853 = arith.select %parallel_loop3A_849, %parallel_loop3A_542, %parallel_loop3A_826 : vector<16xi1>, vector<16xf32>
      %parallel_loop3A_854 = arith.select %parallel_loop3A_849, %parallel_loop3A_549, %parallel_loop3A_827 : vector<16xi1>, vector<16xf32>
      %parallel_loop3A_855 = arith.select %parallel_loop3A_849, %parallel_loop3A_556, %parallel_loop3A_828 : vector<16xi1>, vector<16xf32>
      %parallel_loop3A_856 = arith.minimumf %parallel_loop3A_667, %parallel_loop3A_577 : vector<16xf32>
      %parallel_loop3A_857 = arith.maximumf %parallel_loop3A_657, %parallel_loop3A_563 : vector<16xf32>
      %parallel_loop3A_858 = arith.subf %parallel_loop3A_856, %parallel_loop3A_857 : vector<16xf32>
      %parallel_loop3A_859 = arith.constant 0.000000e+00 : f32
      %parallel_loop3A_860 = vector.broadcast %parallel_loop3A_859 : f32 to vector<16xf32>
      %parallel_loop3A_861 = arith.maximumf %parallel_loop3A_858, %parallel_loop3A_860 : vector<16xf32>
      %parallel_loop3A_862 = arith.minimumf %parallel_loop3A_672, %parallel_loop3A_584 : vector<16xf32>
      %parallel_loop3A_863 = arith.maximumf %parallel_loop3A_662, %parallel_loop3A_570 : vector<16xf32>
      %parallel_loop3A_864 = arith.subf %parallel_loop3A_862, %parallel_loop3A_863 : vector<16xf32>
      %parallel_loop3A_865 = arith.constant 0.000000e+00 : f32
      %parallel_loop3A_866 = vector.broadcast %parallel_loop3A_865 : f32 to vector<16xf32>
      %parallel_loop3A_867 = arith.maximumf %parallel_loop3A_864, %parallel_loop3A_866 : vector<16xf32>
      %parallel_loop3A_868 = arith.mulf %parallel_loop3A_861, %parallel_loop3A_867 : vector<16xf32>
      %parallel_loop3A_869 = arith.addf %parallel_loop3A_681, %parallel_loop3A_647 : vector<16xf32>
      %parallel_loop3A_870 = arith.subf %parallel_loop3A_869, %parallel_loop3A_868 : vector<16xf32>
      %parallel_loop3A_871 = arith.constant 9.99999993E-9 : f32
      %parallel_loop3A_872 = vector.broadcast %parallel_loop3A_871 : f32 to vector<16xf32>
      %parallel_loop3A_873 = arith.maximumf %parallel_loop3A_870, %parallel_loop3A_872 : vector<16xf32>
      %parallel_loop3A_874 = arith.mulf %parallel_loop3A_868, %parallel_loop3A_851 : vector<16xf32>
      %parallel_loop3A_875 = arith.mulf %parallel_loop3A_850, %parallel_loop3A_873 : vector<16xf32>
      %parallel_loop3A_876 = arith.cmpf oge, %parallel_loop3A_874, %parallel_loop3A_875 : vector<16xf32>
      %parallel_loop3A_877 = arith.select %parallel_loop3A_876, %parallel_loop3A_868, %parallel_loop3A_850 : vector<16xi1>, vector<16xf32>
      %parallel_loop3A_878 = arith.select %parallel_loop3A_876, %parallel_loop3A_873, %parallel_loop3A_851 : vector<16xi1>, vector<16xf32>
      %parallel_loop3A_879 = arith.select %parallel_loop3A_876, %parallel_loop3A_563, %parallel_loop3A_852 : vector<16xi1>, vector<16xf32>
      %parallel_loop3A_880 = arith.select %parallel_loop3A_876, %parallel_loop3A_570, %parallel_loop3A_853 : vector<16xi1>, vector<16xf32>
      %parallel_loop3A_881 = arith.select %parallel_loop3A_876, %parallel_loop3A_577, %parallel_loop3A_854 : vector<16xi1>, vector<16xf32>
      %parallel_loop3A_882 = arith.select %parallel_loop3A_876, %parallel_loop3A_584, %parallel_loop3A_855 : vector<16xi1>, vector<16xf32>
      %parallel_loop3A_883 = arith.minimumf %parallel_loop3A_667, %parallel_loop3A_605 : vector<16xf32>
      %parallel_loop3A_884 = arith.maximumf %parallel_loop3A_657, %parallel_loop3A_591 : vector<16xf32>
      %parallel_loop3A_885 = arith.subf %parallel_loop3A_883, %parallel_loop3A_884 : vector<16xf32>
      %parallel_loop3A_886 = arith.constant 0.000000e+00 : f32
      %parallel_loop3A_887 = vector.broadcast %parallel_loop3A_886 : f32 to vector<16xf32>
      %parallel_loop3A_888 = arith.maximumf %parallel_loop3A_885, %parallel_loop3A_887 : vector<16xf32>
      %parallel_loop3A_889 = arith.minimumf %parallel_loop3A_672, %parallel_loop3A_612 : vector<16xf32>
      %parallel_loop3A_890 = arith.maximumf %parallel_loop3A_662, %parallel_loop3A_598 : vector<16xf32>
      %parallel_loop3A_891 = arith.subf %parallel_loop3A_889, %parallel_loop3A_890 : vector<16xf32>
      %parallel_loop3A_892 = arith.constant 0.000000e+00 : f32
      %parallel_loop3A_893 = vector.broadcast %parallel_loop3A_892 : f32 to vector<16xf32>
      %parallel_loop3A_894 = arith.maximumf %parallel_loop3A_891, %parallel_loop3A_893 : vector<16xf32>
      %parallel_loop3A_895 = arith.mulf %parallel_loop3A_888, %parallel_loop3A_894 : vector<16xf32>
      %parallel_loop3A_896 = arith.addf %parallel_loop3A_681, %parallel_loop3A_652 : vector<16xf32>
      %parallel_loop3A_897 = arith.subf %parallel_loop3A_896, %parallel_loop3A_895 : vector<16xf32>
      %parallel_loop3A_898 = arith.constant 9.99999993E-9 : f32
      %parallel_loop3A_899 = vector.broadcast %parallel_loop3A_898 : f32 to vector<16xf32>
      %parallel_loop3A_900 = arith.maximumf %parallel_loop3A_897, %parallel_loop3A_899 : vector<16xf32>
      %parallel_loop3A_901 = arith.mulf %parallel_loop3A_895, %parallel_loop3A_878 : vector<16xf32>
      %parallel_loop3A_902 = arith.mulf %parallel_loop3A_877, %parallel_loop3A_900 : vector<16xf32>
      %parallel_loop3A_903 = arith.cmpf oge, %parallel_loop3A_901, %parallel_loop3A_902 : vector<16xf32>
      %parallel_loop3A_904 = arith.select %parallel_loop3A_903, %parallel_loop3A_895, %parallel_loop3A_877 : vector<16xi1>, vector<16xf32>
      %parallel_loop3A_905 = arith.select %parallel_loop3A_903, %parallel_loop3A_900, %parallel_loop3A_878 : vector<16xi1>, vector<16xf32>
      %parallel_loop3A_906 = arith.select %parallel_loop3A_903, %parallel_loop3A_591, %parallel_loop3A_879 : vector<16xi1>, vector<16xf32>
      %parallel_loop3A_907 = arith.select %parallel_loop3A_903, %parallel_loop3A_598, %parallel_loop3A_880 : vector<16xi1>, vector<16xf32>
      %parallel_loop3A_908 = arith.select %parallel_loop3A_903, %parallel_loop3A_605, %parallel_loop3A_881 : vector<16xi1>, vector<16xf32>
      %parallel_loop3A_909 = arith.select %parallel_loop3A_903, %parallel_loop3A_612, %parallel_loop3A_882 : vector<16xi1>, vector<16xf32>
      %parallel_loop3A_910 = arith.constant 0 : i32
      %parallel_loop3A_911 = arith.index_cast %parallel_loop3A_910 : i32 to index
      %parallel_loop3A_912 = arith.index_cast %parallel_loop3A_388 : i32 to index
      %parallel_loop3A_913 = tpu.vector_load %arg13[%parallel_loop3A_911, %parallel_loop3A_912] {strides = array<i32>} : memref<6x2512xf32, #tpu.memory_space<vmem>>, vector<1x16xf32>,
      %parallel_loop3A_914 = vector.shape_cast %parallel_loop3A_913 : vector<1x16xf32> to vector<16xf32>
      %parallel_loop3A_915 = vector.shape_cast %parallel_loop3A_904 : vector<16xf32> to vector<1x16xf32>
      tpu.vector_store %arg13[%parallel_loop3A_911, %parallel_loop3A_912], %parallel_loop3A_915 {strides = array<i32>} : memref<6x2512xf32, #tpu.memory_space<vmem>>, vector<1x16xf32>,
      %parallel_loop3A_916 = arith.constant 1 : i32
      %parallel_loop3A_917 = arith.index_cast %parallel_loop3A_916 : i32 to index
      %parallel_loop3A_918 = arith.index_cast %parallel_loop3A_388 : i32 to index
      %parallel_loop3A_919 = tpu.vector_load %arg13[%parallel_loop3A_917, %parallel_loop3A_918] {strides = array<i32>} : memref<6x2512xf32, #tpu.memory_space<vmem>>, vector<1x16xf32>,
      %parallel_loop3A_920 = vector.shape_cast %parallel_loop3A_919 : vector<1x16xf32> to vector<16xf32>
      %parallel_loop3A_921 = vector.shape_cast %parallel_loop3A_905 : vector<16xf32> to vector<1x16xf32>
      tpu.vector_store %arg13[%parallel_loop3A_917, %parallel_loop3A_918], %parallel_loop3A_921 {strides = array<i32>} : memref<6x2512xf32, #tpu.memory_space<vmem>>, vector<1x16xf32>,
      %parallel_loop3A_922 = arith.constant 2 : i32
      %parallel_loop3A_923 = arith.index_cast %parallel_loop3A_922 : i32 to index
      %parallel_loop3A_924 = arith.index_cast %parallel_loop3A_388 : i32 to index
      %parallel_loop3A_925 = tpu.vector_load %arg13[%parallel_loop3A_923, %parallel_loop3A_924] {strides = array<i32>} : memref<6x2512xf32, #tpu.memory_space<vmem>>, vector<1x16xf32>,
      %parallel_loop3A_926 = vector.shape_cast %parallel_loop3A_925 : vector<1x16xf32> to vector<16xf32>
      %parallel_loop3A_927 = vector.shape_cast %parallel_loop3A_906 : vector<16xf32> to vector<1x16xf32>
      tpu.vector_store %arg13[%parallel_loop3A_923, %parallel_loop3A_924], %parallel_loop3A_927 {strides = array<i32>} : memref<6x2512xf32, #tpu.memory_space<vmem>>, vector<1x16xf32>,
      %parallel_loop3A_928 = arith.constant 3 : i32
      %parallel_loop3A_929 = arith.index_cast %parallel_loop3A_928 : i32 to index
      %parallel_loop3A_930 = arith.index_cast %parallel_loop3A_388 : i32 to index
      %parallel_loop3A_931 = tpu.vector_load %arg13[%parallel_loop3A_929, %parallel_loop3A_930] {strides = array<i32>} : memref<6x2512xf32, #tpu.memory_space<vmem>>, vector<1x16xf32>,
      %parallel_loop3A_932 = vector.shape_cast %parallel_loop3A_931 : vector<1x16xf32> to vector<16xf32>
      %parallel_loop3A_933 = vector.shape_cast %parallel_loop3A_907 : vector<16xf32> to vector<1x16xf32>
      tpu.vector_store %arg13[%parallel_loop3A_929, %parallel_loop3A_930], %parallel_loop3A_933 {strides = array<i32>} : memref<6x2512xf32, #tpu.memory_space<vmem>>, vector<1x16xf32>,
      %parallel_loop3A_934 = arith.constant 4 : i32
      %parallel_loop3A_935 = arith.index_cast %parallel_loop3A_934 : i32 to index
      %parallel_loop3A_936 = arith.index_cast %parallel_loop3A_388 : i32 to index
      %parallel_loop3A_937 = tpu.vector_load %arg13[%parallel_loop3A_935, %parallel_loop3A_936] {strides = array<i32>} : memref<6x2512xf32, #tpu.memory_space<vmem>>, vector<1x16xf32>,
      %parallel_loop3A_938 = vector.shape_cast %parallel_loop3A_937 : vector<1x16xf32> to vector<16xf32>
      %parallel_loop3A_939 = vector.shape_cast %parallel_loop3A_908 : vector<16xf32> to vector<1x16xf32>
      tpu.vector_store %arg13[%parallel_loop3A_935, %parallel_loop3A_936], %parallel_loop3A_939 {strides = array<i32>} : memref<6x2512xf32, #tpu.memory_space<vmem>>, vector<1x16xf32>,
      %parallel_loop3A_940 = arith.constant 5 : i32
      %parallel_loop3A_941 = arith.index_cast %parallel_loop3A_940 : i32 to index
      %parallel_loop3A_942 = arith.index_cast %parallel_loop3A_388 : i32 to index
      %parallel_loop3A_943 = tpu.vector_load %arg13[%parallel_loop3A_941, %parallel_loop3A_942] {strides = array<i32>} : memref<6x2512xf32, #tpu.memory_space<vmem>>, vector<1x16xf32>,
      %parallel_loop3A_944 = vector.shape_cast %parallel_loop3A_943 : vector<1x16xf32> to vector<16xf32>
      %parallel_loop3A_945 = vector.shape_cast %parallel_loop3A_909 : vector<16xf32> to vector<1x16xf32>
      tpu.vector_store %arg13[%parallel_loop3A_941, %parallel_loop3A_942], %parallel_loop3A_945 {strides = array<i32>} : memref<6x2512xf32, #tpu.memory_space<vmem>>, vector<1x16xf32>,
    } {sc.loop_unroll_factor = 2 : i64, sc.parallel_access}
    %parallel_loop3A_97 = arith.constant 0 : i32
    %parallel_loop3A_98 = arith.constant 2512 : i32
    %parallel_loop3A_99 = arith.constant 16 : i32
    scf.for %parallel_loop3A_388 = %parallel_loop3A_97 to %parallel_loop3A_98 step %parallel_loop3A_99  : i32 {
      %parallel_loop3A_389 = arith.constant 8 : i32
      %parallel_loop3A_390 = arith.constant 0 : i32
      %parallel_loop3A_391 = arith.index_cast %parallel_loop3A_389 : i32 to index
      %parallel_loop3A_392 = arith.index_cast %parallel_loop3A_390 : i32 to index
      %parallel_loop3A_393 = arith.constant 0 : index
      %parallel_loop3A_394 = tpu.vector_load %arg11[%parallel_loop3A_391, %parallel_loop3A_392, %parallel_loop3A_393] {strides = array<i32>} : memref<32x4x16xf32, #tpu.memory_space<vmem>>, vector<1x1x16xf32>,
      %parallel_loop3A_395 = vector.shape_cast %parallel_loop3A_394 : vector<1x1x16xf32> to vector<16xf32>
      %parallel_loop3A_396 = arith.constant 8 : i32
      %parallel_loop3A_397 = arith.constant 1 : i32
      %parallel_loop3A_398 = arith.index_cast %parallel_loop3A_396 : i32 to index
      %parallel_loop3A_399 = arith.index_cast %parallel_loop3A_397 : i32 to index
      %parallel_loop3A_400 = arith.constant 0 : index
      %parallel_loop3A_401 = tpu.vector_load %arg11[%parallel_loop3A_398, %parallel_loop3A_399, %parallel_loop3A_400] {strides = array<i32>} : memref<32x4x16xf32, #tpu.memory_space<vmem>>, vector<1x1x16xf32>,
      %parallel_loop3A_402 = vector.shape_cast %parallel_loop3A_401 : vector<1x1x16xf32> to vector<16xf32>
      %parallel_loop3A_403 = arith.constant 8 : i32
      %parallel_loop3A_404 = arith.constant 2 : i32
      %parallel_loop3A_405 = arith.index_cast %parallel_loop3A_403 : i32 to index
      %parallel_loop3A_406 = arith.index_cast %parallel_loop3A_404 : i32 to index
      %parallel_loop3A_407 = arith.constant 0 : index
      %parallel_loop3A_408 = tpu.vector_load %arg11[%parallel_loop3A_405, %parallel_loop3A_406, %parallel_loop3A_407] {strides = array<i32>} : memref<32x4x16xf32, #tpu.memory_space<vmem>>, vector<1x1x16xf32>,
      %parallel_loop3A_409 = vector.shape_cast %parallel_loop3A_408 : vector<1x1x16xf32> to vector<16xf32>
      %parallel_loop3A_410 = arith.constant 8 : i32
      %parallel_loop3A_411 = arith.constant 3 : i32
      %parallel_loop3A_412 = arith.index_cast %parallel_loop3A_410 : i32 to index
      %parallel_loop3A_413 = arith.index_cast %parallel_loop3A_411 : i32 to index
      %parallel_loop3A_414 = arith.constant 0 : index
      %parallel_loop3A_415 = tpu.vector_load %arg11[%parallel_loop3A_412, %parallel_loop3A_413, %parallel_loop3A_414] {strides = array<i32>} : memref<32x4x16xf32, #tpu.memory_space<vmem>>, vector<1x1x16xf32>,
      %parallel_loop3A_416 = vector.shape_cast %parallel_loop3A_415 : vector<1x1x16xf32> to vector<16xf32>
      %parallel_loop3A_417 = arith.constant 9 : i32
      %parallel_loop3A_418 = arith.constant 0 : i32
      %parallel_loop3A_419 = arith.index_cast %parallel_loop3A_417 : i32 to index
      %parallel_loop3A_420 = arith.index_cast %parallel_loop3A_418 : i32 to index
      %parallel_loop3A_421 = arith.constant 0 : index
      %parallel_loop3A_422 = tpu.vector_load %arg11[%parallel_loop3A_419, %parallel_loop3A_420, %parallel_loop3A_421] {strides = array<i32>} : memref<32x4x16xf32, #tpu.memory_space<vmem>>, vector<1x1x16xf32>,
      %parallel_loop3A_423 = vector.shape_cast %parallel_loop3A_422 : vector<1x1x16xf32> to vector<16xf32>
      %parallel_loop3A_424 = arith.constant 9 : i32
      %parallel_loop3A_425 = arith.constant 1 : i32
      %parallel_loop3A_426 = arith.index_cast %parallel_loop3A_424 : i32 to index
      %parallel_loop3A_427 = arith.index_cast %parallel_loop3A_425 : i32 to index
      %parallel_loop3A_428 = arith.constant 0 : index
      %parallel_loop3A_429 = tpu.vector_load %arg11[%parallel_loop3A_426, %parallel_loop3A_427, %parallel_loop3A_428] {strides = array<i32>} : memref<32x4x16xf32, #tpu.memory_space<vmem>>, vector<1x1x16xf32>,
      %parallel_loop3A_430 = vector.shape_cast %parallel_loop3A_429 : vector<1x1x16xf32> to vector<16xf32>
      %parallel_loop3A_431 = arith.constant 9 : i32
      %parallel_loop3A_432 = arith.constant 2 : i32
      %parallel_loop3A_433 = arith.index_cast %parallel_loop3A_431 : i32 to index
      %parallel_loop3A_434 = arith.index_cast %parallel_loop3A_432 : i32 to index
      %parallel_loop3A_435 = arith.constant 0 : index
      %parallel_loop3A_436 = tpu.vector_load %arg11[%parallel_loop3A_433, %parallel_loop3A_434, %parallel_loop3A_435] {strides = array<i32>} : memref<32x4x16xf32, #tpu.memory_space<vmem>>, vector<1x1x16xf32>,
      %parallel_loop3A_437 = vector.shape_cast %parallel_loop3A_436 : vector<1x1x16xf32> to vector<16xf32>
      %parallel_loop3A_438 = arith.constant 9 : i32
      %parallel_loop3A_439 = arith.constant 3 : i32
      %parallel_loop3A_440 = arith.index_cast %parallel_loop3A_438 : i32 to index
      %parallel_loop3A_441 = arith.index_cast %parallel_loop3A_439 : i32 to index
      %parallel_loop3A_442 = arith.constant 0 : index
      %parallel_loop3A_443 = tpu.vector_load %arg11[%parallel_loop3A_440, %parallel_loop3A_441, %parallel_loop3A_442] {strides = array<i32>} : memref<32x4x16xf32, #tpu.memory_space<vmem>>, vector<1x1x16xf32>,
      %parallel_loop3A_444 = vector.shape_cast %parallel_loop3A_443 : vector<1x1x16xf32> to vector<16xf32>
      %parallel_loop3A_445 = arith.constant 10 : i32
      %parallel_loop3A_446 = arith.constant 0 : i32
      %parallel_loop3A_447 = arith.index_cast %parallel_loop3A_445 : i32 to index
      %parallel_loop3A_448 = arith.index_cast %parallel_loop3A_446 : i32 to index
      %parallel_loop3A_449 = arith.constant 0 : index
      %parallel_loop3A_450 = tpu.vector_load %arg11[%parallel_loop3A_447, %parallel_loop3A_448, %parallel_loop3A_449] {strides = array<i32>} : memref<32x4x16xf32, #tpu.memory_space<vmem>>, vector<1x1x16xf32>,
      %parallel_loop3A_451 = vector.shape_cast %parallel_loop3A_450 : vector<1x1x16xf32> to vector<16xf32>
      %parallel_loop3A_452 = arith.constant 10 : i32
      %parallel_loop3A_453 = arith.constant 1 : i32
      %parallel_loop3A_454 = arith.index_cast %parallel_loop3A_452 : i32 to index
      %parallel_loop3A_455 = arith.index_cast %parallel_loop3A_453 : i32 to index
      %parallel_loop3A_456 = arith.constant 0 : index
      %parallel_loop3A_457 = tpu.vector_load %arg11[%parallel_loop3A_454, %parallel_loop3A_455, %parallel_loop3A_456] {strides = array<i32>} : memref<32x4x16xf32, #tpu.memory_space<vmem>>, vector<1x1x16xf32>,
      %parallel_loop3A_458 = vector.shape_cast %parallel_loop3A_457 : vector<1x1x16xf32> to vector<16xf32>
      %parallel_loop3A_459 = arith.constant 10 : i32
      %parallel_loop3A_460 = arith.constant 2 : i32
      %parallel_loop3A_461 = arith.index_cast %parallel_loop3A_459 : i32 to index
      %parallel_loop3A_462 = arith.index_cast %parallel_loop3A_460 : i32 to index
      %parallel_loop3A_463 = arith.constant 0 : index
      %parallel_loop3A_464 = tpu.vector_load %arg11[%parallel_loop3A_461, %parallel_loop3A_462, %parallel_loop3A_463] {strides = array<i32>} : memref<32x4x16xf32, #tpu.memory_space<vmem>>, vector<1x1x16xf32>,
      %parallel_loop3A_465 = vector.shape_cast %parallel_loop3A_464 : vector<1x1x16xf32> to vector<16xf32>
      %parallel_loop3A_466 = arith.constant 10 : i32
      %parallel_loop3A_467 = arith.constant 3 : i32
      %parallel_loop3A_468 = arith.index_cast %parallel_loop3A_466 : i32 to index
      %parallel_loop3A_469 = arith.index_cast %parallel_loop3A_467 : i32 to index
      %parallel_loop3A_470 = arith.constant 0 : index
      %parallel_loop3A_471 = tpu.vector_load %arg11[%parallel_loop3A_468, %parallel_loop3A_469, %parallel_loop3A_470] {strides = array<i32>} : memref<32x4x16xf32, #tpu.memory_space<vmem>>, vector<1x1x16xf32>,
      %parallel_loop3A_472 = vector.shape_cast %parallel_loop3A_471 : vector<1x1x16xf32> to vector<16xf32>
      %parallel_loop3A_473 = arith.constant 11 : i32
      %parallel_loop3A_474 = arith.constant 0 : i32
      %parallel_loop3A_475 = arith.index_cast %parallel_loop3A_473 : i32 to index
      %parallel_loop3A_476 = arith.index_cast %parallel_loop3A_474 : i32 to index
      %parallel_loop3A_477 = arith.constant 0 : index
      %parallel_loop3A_478 = tpu.vector_load %arg11[%parallel_loop3A_475, %parallel_loop3A_476, %parallel_loop3A_477] {strides = array<i32>} : memref<32x4x16xf32, #tpu.memory_space<vmem>>, vector<1x1x16xf32>,
      %parallel_loop3A_479 = vector.shape_cast %parallel_loop3A_478 : vector<1x1x16xf32> to vector<16xf32>
      %parallel_loop3A_480 = arith.constant 11 : i32
      %parallel_loop3A_481 = arith.constant 1 : i32
      %parallel_loop3A_482 = arith.index_cast %parallel_loop3A_480 : i32 to index
      %parallel_loop3A_483 = arith.index_cast %parallel_loop3A_481 : i32 to index
      %parallel_loop3A_484 = arith.constant 0 : index
      %parallel_loop3A_485 = tpu.vector_load %arg11[%parallel_loop3A_482, %parallel_loop3A_483, %parallel_loop3A_484] {strides = array<i32>} : memref<32x4x16xf32, #tpu.memory_space<vmem>>, vector<1x1x16xf32>,
      %parallel_loop3A_486 = vector.shape_cast %parallel_loop3A_485 : vector<1x1x16xf32> to vector<16xf32>
      %parallel_loop3A_487 = arith.constant 11 : i32
      %parallel_loop3A_488 = arith.constant 2 : i32
      %parallel_loop3A_489 = arith.index_cast %parallel_loop3A_487 : i32 to index
      %parallel_loop3A_490 = arith.index_cast %parallel_loop3A_488 : i32 to index
      %parallel_loop3A_491 = arith.constant 0 : index
      %parallel_loop3A_492 = tpu.vector_load %arg11[%parallel_loop3A_489, %parallel_loop3A_490, %parallel_loop3A_491] {strides = array<i32>} : memref<32x4x16xf32, #tpu.memory_space<vmem>>, vector<1x1x16xf32>,
      %parallel_loop3A_493 = vector.shape_cast %parallel_loop3A_492 : vector<1x1x16xf32> to vector<16xf32>
      %parallel_loop3A_494 = arith.constant 11 : i32
      %parallel_loop3A_495 = arith.constant 3 : i32
      %parallel_loop3A_496 = arith.index_cast %parallel_loop3A_494 : i32 to index
      %parallel_loop3A_497 = arith.index_cast %parallel_loop3A_495 : i32 to index
      %parallel_loop3A_498 = arith.constant 0 : index
      %parallel_loop3A_499 = tpu.vector_load %arg11[%parallel_loop3A_496, %parallel_loop3A_497, %parallel_loop3A_498] {strides = array<i32>} : memref<32x4x16xf32, #tpu.memory_space<vmem>>, vector<1x1x16xf32>,
      %parallel_loop3A_500 = vector.shape_cast %parallel_loop3A_499 : vector<1x1x16xf32> to vector<16xf32>
      %parallel_loop3A_501 = arith.constant 12 : i32
      %parallel_loop3A_502 = arith.constant 0 : i32
      %parallel_loop3A_503 = arith.index_cast %parallel_loop3A_501 : i32 to index
      %parallel_loop3A_504 = arith.index_cast %parallel_loop3A_502 : i32 to index
      %parallel_loop3A_505 = arith.constant 0 : index
      %parallel_loop3A_506 = tpu.vector_load %arg11[%parallel_loop3A_503, %parallel_loop3A_504, %parallel_loop3A_505] {strides = array<i32>} : memref<32x4x16xf32, #tpu.memory_space<vmem>>, vector<1x1x16xf32>,
      %parallel_loop3A_507 = vector.shape_cast %parallel_loop3A_506 : vector<1x1x16xf32> to vector<16xf32>
      %parallel_loop3A_508 = arith.constant 12 : i32
      %parallel_loop3A_509 = arith.constant 1 : i32
      %parallel_loop3A_510 = arith.index_cast %parallel_loop3A_508 : i32 to index
      %parallel_loop3A_511 = arith.index_cast %parallel_loop3A_509 : i32 to index
      %parallel_loop3A_512 = arith.constant 0 : index
      %parallel_loop3A_513 = tpu.vector_load %arg11[%parallel_loop3A_510, %parallel_loop3A_511, %parallel_loop3A_512] {strides = array<i32>} : memref<32x4x16xf32, #tpu.memory_space<vmem>>, vector<1x1x16xf32>,
      %parallel_loop3A_514 = vector.shape_cast %parallel_loop3A_513 : vector<1x1x16xf32> to vector<16xf32>
      %parallel_loop3A_515 = arith.constant 12 : i32
      %parallel_loop3A_516 = arith.constant 2 : i32
      %parallel_loop3A_517 = arith.index_cast %parallel_loop3A_515 : i32 to index
      %parallel_loop3A_518 = arith.index_cast %parallel_loop3A_516 : i32 to index
      %parallel_loop3A_519 = arith.constant 0 : index
      %parallel_loop3A_520 = tpu.vector_load %arg11[%parallel_loop3A_517, %parallel_loop3A_518, %parallel_loop3A_519] {strides = array<i32>} : memref<32x4x16xf32, #tpu.memory_space<vmem>>, vector<1x1x16xf32>,
      %parallel_loop3A_521 = vector.shape_cast %parallel_loop3A_520 : vector<1x1x16xf32> to vector<16xf32>
      %parallel_loop3A_522 = arith.constant 12 : i32
      %parallel_loop3A_523 = arith.constant 3 : i32
      %parallel_loop3A_524 = arith.index_cast %parallel_loop3A_522 : i32 to index
      %parallel_loop3A_525 = arith.index_cast %parallel_loop3A_523 : i32 to index
      %parallel_loop3A_526 = arith.constant 0 : index
      %parallel_loop3A_527 = tpu.vector_load %arg11[%parallel_loop3A_524, %parallel_loop3A_525, %parallel_loop3A_526] {strides = array<i32>} : memref<32x4x16xf32, #tpu.memory_space<vmem>>, vector<1x1x16xf32>,
      %parallel_loop3A_528 = vector.shape_cast %parallel_loop3A_527 : vector<1x1x16xf32> to vector<16xf32>
      %parallel_loop3A_529 = arith.constant 13 : i32
      %parallel_loop3A_530 = arith.constant 0 : i32
      %parallel_loop3A_531 = arith.index_cast %parallel_loop3A_529 : i32 to index
      %parallel_loop3A_532 = arith.index_cast %parallel_loop3A_530 : i32 to index
      %parallel_loop3A_533 = arith.constant 0 : index
      %parallel_loop3A_534 = tpu.vector_load %arg11[%parallel_loop3A_531, %parallel_loop3A_532, %parallel_loop3A_533] {strides = array<i32>} : memref<32x4x16xf32, #tpu.memory_space<vmem>>, vector<1x1x16xf32>,
      %parallel_loop3A_535 = vector.shape_cast %parallel_loop3A_534 : vector<1x1x16xf32> to vector<16xf32>
      %parallel_loop3A_536 = arith.constant 13 : i32
      %parallel_loop3A_537 = arith.constant 1 : i32
      %parallel_loop3A_538 = arith.index_cast %parallel_loop3A_536 : i32 to index
      %parallel_loop3A_539 = arith.index_cast %parallel_loop3A_537 : i32 to index
      %parallel_loop3A_540 = arith.constant 0 : index
      %parallel_loop3A_541 = tpu.vector_load %arg11[%parallel_loop3A_538, %parallel_loop3A_539, %parallel_loop3A_540] {strides = array<i32>} : memref<32x4x16xf32, #tpu.memory_space<vmem>>, vector<1x1x16xf32>,
      %parallel_loop3A_542 = vector.shape_cast %parallel_loop3A_541 : vector<1x1x16xf32> to vector<16xf32>
      %parallel_loop3A_543 = arith.constant 13 : i32
      %parallel_loop3A_544 = arith.constant 2 : i32
      %parallel_loop3A_545 = arith.index_cast %parallel_loop3A_543 : i32 to index
      %parallel_loop3A_546 = arith.index_cast %parallel_loop3A_544 : i32 to index
      %parallel_loop3A_547 = arith.constant 0 : index
      %parallel_loop3A_548 = tpu.vector_load %arg11[%parallel_loop3A_545, %parallel_loop3A_546, %parallel_loop3A_547] {strides = array<i32>} : memref<32x4x16xf32, #tpu.memory_space<vmem>>, vector<1x1x16xf32>,
      %parallel_loop3A_549 = vector.shape_cast %parallel_loop3A_548 : vector<1x1x16xf32> to vector<16xf32>
      %parallel_loop3A_550 = arith.constant 13 : i32
      %parallel_loop3A_551 = arith.constant 3 : i32
      %parallel_loop3A_552 = arith.index_cast %parallel_loop3A_550 : i32 to index
      %parallel_loop3A_553 = arith.index_cast %parallel_loop3A_551 : i32 to index
      %parallel_loop3A_554 = arith.constant 0 : index
      %parallel_loop3A_555 = tpu.vector_load %arg11[%parallel_loop3A_552, %parallel_loop3A_553, %parallel_loop3A_554] {strides = array<i32>} : memref<32x4x16xf32, #tpu.memory_space<vmem>>, vector<1x1x16xf32>,
      %parallel_loop3A_556 = vector.shape_cast %parallel_loop3A_555 : vector<1x1x16xf32> to vector<16xf32>
      %parallel_loop3A_557 = arith.constant 14 : i32
      %parallel_loop3A_558 = arith.constant 0 : i32
      %parallel_loop3A_559 = arith.index_cast %parallel_loop3A_557 : i32 to index
      %parallel_loop3A_560 = arith.index_cast %parallel_loop3A_558 : i32 to index
      %parallel_loop3A_561 = arith.constant 0 : index
      %parallel_loop3A_562 = tpu.vector_load %arg11[%parallel_loop3A_559, %parallel_loop3A_560, %parallel_loop3A_561] {strides = array<i32>} : memref<32x4x16xf32, #tpu.memory_space<vmem>>, vector<1x1x16xf32>,
      %parallel_loop3A_563 = vector.shape_cast %parallel_loop3A_562 : vector<1x1x16xf32> to vector<16xf32>
      %parallel_loop3A_564 = arith.constant 14 : i32
      %parallel_loop3A_565 = arith.constant 1 : i32
      %parallel_loop3A_566 = arith.index_cast %parallel_loop3A_564 : i32 to index
      %parallel_loop3A_567 = arith.index_cast %parallel_loop3A_565 : i32 to index
      %parallel_loop3A_568 = arith.constant 0 : index
      %parallel_loop3A_569 = tpu.vector_load %arg11[%parallel_loop3A_566, %parallel_loop3A_567, %parallel_loop3A_568] {strides = array<i32>} : memref<32x4x16xf32, #tpu.memory_space<vmem>>, vector<1x1x16xf32>,
      %parallel_loop3A_570 = vector.shape_cast %parallel_loop3A_569 : vector<1x1x16xf32> to vector<16xf32>
      %parallel_loop3A_571 = arith.constant 14 : i32
      %parallel_loop3A_572 = arith.constant 2 : i32
      %parallel_loop3A_573 = arith.index_cast %parallel_loop3A_571 : i32 to index
      %parallel_loop3A_574 = arith.index_cast %parallel_loop3A_572 : i32 to index
      %parallel_loop3A_575 = arith.constant 0 : index
      %parallel_loop3A_576 = tpu.vector_load %arg11[%parallel_loop3A_573, %parallel_loop3A_574, %parallel_loop3A_575] {strides = array<i32>} : memref<32x4x16xf32, #tpu.memory_space<vmem>>, vector<1x1x16xf32>,
      %parallel_loop3A_577 = vector.shape_cast %parallel_loop3A_576 : vector<1x1x16xf32> to vector<16xf32>
      %parallel_loop3A_578 = arith.constant 14 : i32
      %parallel_loop3A_579 = arith.constant 3 : i32
      %parallel_loop3A_580 = arith.index_cast %parallel_loop3A_578 : i32 to index
      %parallel_loop3A_581 = arith.index_cast %parallel_loop3A_579 : i32 to index
      %parallel_loop3A_582 = arith.constant 0 : index
      %parallel_loop3A_583 = tpu.vector_load %arg11[%parallel_loop3A_580, %parallel_loop3A_581, %parallel_loop3A_582] {strides = array<i32>} : memref<32x4x16xf32, #tpu.memory_space<vmem>>, vector<1x1x16xf32>,
      %parallel_loop3A_584 = vector.shape_cast %parallel_loop3A_583 : vector<1x1x16xf32> to vector<16xf32>
      %parallel_loop3A_585 = arith.constant 15 : i32
      %parallel_loop3A_586 = arith.constant 0 : i32
      %parallel_loop3A_587 = arith.index_cast %parallel_loop3A_585 : i32 to index
      %parallel_loop3A_588 = arith.index_cast %parallel_loop3A_586 : i32 to index
      %parallel_loop3A_589 = arith.constant 0 : index
      %parallel_loop3A_590 = tpu.vector_load %arg11[%parallel_loop3A_587, %parallel_loop3A_588, %parallel_loop3A_589] {strides = array<i32>} : memref<32x4x16xf32, #tpu.memory_space<vmem>>, vector<1x1x16xf32>,
      %parallel_loop3A_591 = vector.shape_cast %parallel_loop3A_590 : vector<1x1x16xf32> to vector<16xf32>
      %parallel_loop3A_592 = arith.constant 15 : i32
      %parallel_loop3A_593 = arith.constant 1 : i32
      %parallel_loop3A_594 = arith.index_cast %parallel_loop3A_592 : i32 to index
      %parallel_loop3A_595 = arith.index_cast %parallel_loop3A_593 : i32 to index
      %parallel_loop3A_596 = arith.constant 0 : index
      %parallel_loop3A_597 = tpu.vector_load %arg11[%parallel_loop3A_594, %parallel_loop3A_595, %parallel_loop3A_596] {strides = array<i32>} : memref<32x4x16xf32, #tpu.memory_space<vmem>>, vector<1x1x16xf32>,
      %parallel_loop3A_598 = vector.shape_cast %parallel_loop3A_597 : vector<1x1x16xf32> to vector<16xf32>
      %parallel_loop3A_599 = arith.constant 15 : i32
      %parallel_loop3A_600 = arith.constant 2 : i32
      %parallel_loop3A_601 = arith.index_cast %parallel_loop3A_599 : i32 to index
      %parallel_loop3A_602 = arith.index_cast %parallel_loop3A_600 : i32 to index
      %parallel_loop3A_603 = arith.constant 0 : index
      %parallel_loop3A_604 = tpu.vector_load %arg11[%parallel_loop3A_601, %parallel_loop3A_602, %parallel_loop3A_603] {strides = array<i32>} : memref<32x4x16xf32, #tpu.memory_space<vmem>>, vector<1x1x16xf32>,
      %parallel_loop3A_605 = vector.shape_cast %parallel_loop3A_604 : vector<1x1x16xf32> to vector<16xf32>
      %parallel_loop3A_606 = arith.constant 15 : i32
      %parallel_loop3A_607 = arith.constant 3 : i32
      %parallel_loop3A_608 = arith.index_cast %parallel_loop3A_606 : i32 to index
      %parallel_loop3A_609 = arith.index_cast %parallel_loop3A_607 : i32 to index
      %parallel_loop3A_610 = arith.constant 0 : index
      %parallel_loop3A_611 = tpu.vector_load %arg11[%parallel_loop3A_608, %parallel_loop3A_609, %parallel_loop3A_610] {strides = array<i32>} : memref<32x4x16xf32, #tpu.memory_space<vmem>>, vector<1x1x16xf32>,
      %parallel_loop3A_612 = vector.shape_cast %parallel_loop3A_611 : vector<1x1x16xf32> to vector<16xf32>
      %parallel_loop3A_613 = arith.constant 8 : i32
      %parallel_loop3A_614 = arith.index_cast %parallel_loop3A_613 : i32 to index
      %parallel_loop3A_615 = arith.constant 0 : index
      %parallel_loop3A_616 = tpu.vector_load %arg12[%parallel_loop3A_614, %parallel_loop3A_615] {strides = array<i32>} : memref<32x16xf32, #tpu.memory_space<vmem>>, vector<1x16xf32>,
      %parallel_loop3A_617 = vector.shape_cast %parallel_loop3A_616 : vector<1x16xf32> to vector<16xf32>
      %parallel_loop3A_618 = arith.constant 9 : i32
      %parallel_loop3A_619 = arith.index_cast %parallel_loop3A_618 : i32 to index
      %parallel_loop3A_620 = arith.constant 0 : index
      %parallel_loop3A_621 = tpu.vector_load %arg12[%parallel_loop3A_619, %parallel_loop3A_620] {strides = array<i32>} : memref<32x16xf32, #tpu.memory_space<vmem>>, vector<1x16xf32>,
      %parallel_loop3A_622 = vector.shape_cast %parallel_loop3A_621 : vector<1x16xf32> to vector<16xf32>
      %parallel_loop3A_623 = arith.constant 10 : i32
      %parallel_loop3A_624 = arith.index_cast %parallel_loop3A_623 : i32 to index
      %parallel_loop3A_625 = arith.constant 0 : index
      %parallel_loop3A_626 = tpu.vector_load %arg12[%parallel_loop3A_624, %parallel_loop3A_625] {strides = array<i32>} : memref<32x16xf32, #tpu.memory_space<vmem>>, vector<1x16xf32>,
      %parallel_loop3A_627 = vector.shape_cast %parallel_loop3A_626 : vector<1x16xf32> to vector<16xf32>
      %parallel_loop3A_628 = arith.constant 11 : i32
      %parallel_loop3A_629 = arith.index_cast %parallel_loop3A_628 : i32 to index
      %parallel_loop3A_630 = arith.constant 0 : index
      %parallel_loop3A_631 = tpu.vector_load %arg12[%parallel_loop3A_629, %parallel_loop3A_630] {strides = array<i32>} : memref<32x16xf32, #tpu.memory_space<vmem>>, vector<1x16xf32>,
      %parallel_loop3A_632 = vector.shape_cast %parallel_loop3A_631 : vector<1x16xf32> to vector<16xf32>
      %parallel_loop3A_633 = arith.constant 12 : i32
      %parallel_loop3A_634 = arith.index_cast %parallel_loop3A_633 : i32 to index
      %parallel_loop3A_635 = arith.constant 0 : index
      %parallel_loop3A_636 = tpu.vector_load %arg12[%parallel_loop3A_634, %parallel_loop3A_635] {strides = array<i32>} : memref<32x16xf32, #tpu.memory_space<vmem>>, vector<1x16xf32>,
      %parallel_loop3A_637 = vector.shape_cast %parallel_loop3A_636 : vector<1x16xf32> to vector<16xf32>
      %parallel_loop3A_638 = arith.constant 13 : i32
      %parallel_loop3A_639 = arith.index_cast %parallel_loop3A_638 : i32 to index
      %parallel_loop3A_640 = arith.constant 0 : index
      %parallel_loop3A_641 = tpu.vector_load %arg12[%parallel_loop3A_639, %parallel_loop3A_640] {strides = array<i32>} : memref<32x16xf32, #tpu.memory_space<vmem>>, vector<1x16xf32>,
      %parallel_loop3A_642 = vector.shape_cast %parallel_loop3A_641 : vector<1x16xf32> to vector<16xf32>
      %parallel_loop3A_643 = arith.constant 14 : i32
      %parallel_loop3A_644 = arith.index_cast %parallel_loop3A_643 : i32 to index
      %parallel_loop3A_645 = arith.constant 0 : index
      %parallel_loop3A_646 = tpu.vector_load %arg12[%parallel_loop3A_644, %parallel_loop3A_645] {strides = array<i32>} : memref<32x16xf32, #tpu.memory_space<vmem>>, vector<1x16xf32>,
      %parallel_loop3A_647 = vector.shape_cast %parallel_loop3A_646 : vector<1x16xf32> to vector<16xf32>
      %parallel_loop3A_648 = arith.constant 15 : i32
      %parallel_loop3A_649 = arith.index_cast %parallel_loop3A_648 : i32 to index
      %parallel_loop3A_650 = arith.constant 0 : index
      %parallel_loop3A_651 = tpu.vector_load %arg12[%parallel_loop3A_649, %parallel_loop3A_650] {strides = array<i32>} : memref<32x16xf32, #tpu.memory_space<vmem>>, vector<1x16xf32>,
      %parallel_loop3A_652 = vector.shape_cast %parallel_loop3A_651 : vector<1x16xf32> to vector<16xf32>
      %parallel_loop3A_653 = arith.constant 0 : i32
      %parallel_loop3A_654 = arith.index_cast %parallel_loop3A_653 : i32 to index
      %parallel_loop3A_655 = arith.index_cast %parallel_loop3A_388 : i32 to index
      %parallel_loop3A_656 = tpu.vector_load %arg9[%parallel_loop3A_654, %parallel_loop3A_655] {strides = array<i32>} : memref<4x2512xf32, #tpu.memory_space<vmem>>, vector<1x16xf32>,
      %parallel_loop3A_657 = vector.shape_cast %parallel_loop3A_656 : vector<1x16xf32> to vector<16xf32>
      %parallel_loop3A_658 = arith.constant 1 : i32
      %parallel_loop3A_659 = arith.index_cast %parallel_loop3A_658 : i32 to index
      %parallel_loop3A_660 = arith.index_cast %parallel_loop3A_388 : i32 to index
      %parallel_loop3A_661 = tpu.vector_load %arg9[%parallel_loop3A_659, %parallel_loop3A_660] {strides = array<i32>} : memref<4x2512xf32, #tpu.memory_space<vmem>>, vector<1x16xf32>,
      %parallel_loop3A_662 = vector.shape_cast %parallel_loop3A_661 : vector<1x16xf32> to vector<16xf32>
      %parallel_loop3A_663 = arith.constant 2 : i32
      %parallel_loop3A_664 = arith.index_cast %parallel_loop3A_663 : i32 to index
      %parallel_loop3A_665 = arith.index_cast %parallel_loop3A_388 : i32 to index
      %parallel_loop3A_666 = tpu.vector_load %arg9[%parallel_loop3A_664, %parallel_loop3A_665] {strides = array<i32>} : memref<4x2512xf32, #tpu.memory_space<vmem>>, vector<1x16xf32>,
      %parallel_loop3A_667 = vector.shape_cast %parallel_loop3A_666 : vector<1x16xf32> to vector<16xf32>
      %parallel_loop3A_668 = arith.constant 3 : i32
      %parallel_loop3A_669 = arith.index_cast %parallel_loop3A_668 : i32 to index
      %parallel_loop3A_670 = arith.index_cast %parallel_loop3A_388 : i32 to index
      %parallel_loop3A_671 = tpu.vector_load %arg9[%parallel_loop3A_669, %parallel_loop3A_670] {strides = array<i32>} : memref<4x2512xf32, #tpu.memory_space<vmem>>, vector<1x16xf32>,
      %parallel_loop3A_672 = vector.shape_cast %parallel_loop3A_671 : vector<1x16xf32> to vector<16xf32>
      %parallel_loop3A_673 = arith.subf %parallel_loop3A_667, %parallel_loop3A_657 : vector<16xf32>
      %parallel_loop3A_674 = arith.constant 0.000000e+00 : f32
      %parallel_loop3A_675 = vector.broadcast %parallel_loop3A_674 : f32 to vector<16xf32>
      %parallel_loop3A_676 = arith.maximumf %parallel_loop3A_673, %parallel_loop3A_675 : vector<16xf32>
      %parallel_loop3A_677 = arith.subf %parallel_loop3A_672, %parallel_loop3A_662 : vector<16xf32>
      %parallel_loop3A_678 = arith.constant 0.000000e+00 : f32
      %parallel_loop3A_679 = vector.broadcast %parallel_loop3A_678 : f32 to vector<16xf32>
      %parallel_loop3A_680 = arith.maximumf %parallel_loop3A_677, %parallel_loop3A_679 : vector<16xf32>
      %parallel_loop3A_681 = arith.mulf %parallel_loop3A_676, %parallel_loop3A_680 : vector<16xf32>
      %parallel_loop3A_682 = arith.constant 0 : i32
      %parallel_loop3A_683 = arith.index_cast %parallel_loop3A_682 : i32 to index
      %parallel_loop3A_684 = arith.index_cast %parallel_loop3A_388 : i32 to index
      %parallel_loop3A_685 = tpu.vector_load %arg13[%parallel_loop3A_683, %parallel_loop3A_684] {strides = array<i32>} : memref<6x2512xf32, #tpu.memory_space<vmem>>, vector<1x16xf32>,
      %parallel_loop3A_686 = vector.shape_cast %parallel_loop3A_685 : vector<1x16xf32> to vector<16xf32>
      %parallel_loop3A_687 = arith.constant 1 : i32
      %parallel_loop3A_688 = arith.index_cast %parallel_loop3A_687 : i32 to index
      %parallel_loop3A_689 = arith.index_cast %parallel_loop3A_388 : i32 to index
      %parallel_loop3A_690 = tpu.vector_load %arg13[%parallel_loop3A_688, %parallel_loop3A_689] {strides = array<i32>} : memref<6x2512xf32, #tpu.memory_space<vmem>>, vector<1x16xf32>,
      %parallel_loop3A_691 = vector.shape_cast %parallel_loop3A_690 : vector<1x16xf32> to vector<16xf32>
      %parallel_loop3A_692 = arith.constant 2 : i32
      %parallel_loop3A_693 = arith.index_cast %parallel_loop3A_692 : i32 to index
      %parallel_loop3A_694 = arith.index_cast %parallel_loop3A_388 : i32 to index
      %parallel_loop3A_695 = tpu.vector_load %arg13[%parallel_loop3A_693, %parallel_loop3A_694] {strides = array<i32>} : memref<6x2512xf32, #tpu.memory_space<vmem>>, vector<1x16xf32>,
      %parallel_loop3A_696 = vector.shape_cast %parallel_loop3A_695 : vector<1x16xf32> to vector<16xf32>
      %parallel_loop3A_697 = arith.constant 3 : i32
      %parallel_loop3A_698 = arith.index_cast %parallel_loop3A_697 : i32 to index
      %parallel_loop3A_699 = arith.index_cast %parallel_loop3A_388 : i32 to index
      %parallel_loop3A_700 = tpu.vector_load %arg13[%parallel_loop3A_698, %parallel_loop3A_699] {strides = array<i32>} : memref<6x2512xf32, #tpu.memory_space<vmem>>, vector<1x16xf32>,
      %parallel_loop3A_701 = vector.shape_cast %parallel_loop3A_700 : vector<1x16xf32> to vector<16xf32>
      %parallel_loop3A_702 = arith.constant 4 : i32
      %parallel_loop3A_703 = arith.index_cast %parallel_loop3A_702 : i32 to index
      %parallel_loop3A_704 = arith.index_cast %parallel_loop3A_388 : i32 to index
      %parallel_loop3A_705 = tpu.vector_load %arg13[%parallel_loop3A_703, %parallel_loop3A_704] {strides = array<i32>} : memref<6x2512xf32, #tpu.memory_space<vmem>>, vector<1x16xf32>,
      %parallel_loop3A_706 = vector.shape_cast %parallel_loop3A_705 : vector<1x16xf32> to vector<16xf32>
      %parallel_loop3A_707 = arith.constant 5 : i32
      %parallel_loop3A_708 = arith.index_cast %parallel_loop3A_707 : i32 to index
      %parallel_loop3A_709 = arith.index_cast %parallel_loop3A_388 : i32 to index
      %parallel_loop3A_710 = tpu.vector_load %arg13[%parallel_loop3A_708, %parallel_loop3A_709] {strides = array<i32>} : memref<6x2512xf32, #tpu.memory_space<vmem>>, vector<1x16xf32>,
      %parallel_loop3A_711 = vector.shape_cast %parallel_loop3A_710 : vector<1x16xf32> to vector<16xf32>
      %parallel_loop3A_712 = arith.minimumf %parallel_loop3A_667, %parallel_loop3A_409 : vector<16xf32>
      %parallel_loop3A_713 = arith.maximumf %parallel_loop3A_657, %parallel_loop3A_395 : vector<16xf32>
      %parallel_loop3A_714 = arith.subf %parallel_loop3A_712, %parallel_loop3A_713 : vector<16xf32>
      %parallel_loop3A_715 = arith.constant 0.000000e+00 : f32
      %parallel_loop3A_716 = vector.broadcast %parallel_loop3A_715 : f32 to vector<16xf32>
      %parallel_loop3A_717 = arith.maximumf %parallel_loop3A_714, %parallel_loop3A_716 : vector<16xf32>
      %parallel_loop3A_718 = arith.minimumf %parallel_loop3A_672, %parallel_loop3A_416 : vector<16xf32>
      %parallel_loop3A_719 = arith.maximumf %parallel_loop3A_662, %parallel_loop3A_402 : vector<16xf32>
      %parallel_loop3A_720 = arith.subf %parallel_loop3A_718, %parallel_loop3A_719 : vector<16xf32>
      %parallel_loop3A_721 = arith.constant 0.000000e+00 : f32
      %parallel_loop3A_722 = vector.broadcast %parallel_loop3A_721 : f32 to vector<16xf32>
      %parallel_loop3A_723 = arith.maximumf %parallel_loop3A_720, %parallel_loop3A_722 : vector<16xf32>
      %parallel_loop3A_724 = arith.mulf %parallel_loop3A_717, %parallel_loop3A_723 : vector<16xf32>
      %parallel_loop3A_725 = arith.addf %parallel_loop3A_681, %parallel_loop3A_617 : vector<16xf32>
      %parallel_loop3A_726 = arith.subf %parallel_loop3A_725, %parallel_loop3A_724 : vector<16xf32>
      %parallel_loop3A_727 = arith.constant 9.99999993E-9 : f32
      %parallel_loop3A_728 = vector.broadcast %parallel_loop3A_727 : f32 to vector<16xf32>
      %parallel_loop3A_729 = arith.maximumf %parallel_loop3A_726, %parallel_loop3A_728 : vector<16xf32>
      %parallel_loop3A_730 = arith.mulf %parallel_loop3A_724, %parallel_loop3A_691 : vector<16xf32>
      %parallel_loop3A_731 = arith.mulf %parallel_loop3A_686, %parallel_loop3A_729 : vector<16xf32>
      %parallel_loop3A_732 = arith.cmpf oge, %parallel_loop3A_730, %parallel_loop3A_731 : vector<16xf32>
      %parallel_loop3A_733 = arith.select %parallel_loop3A_732, %parallel_loop3A_724, %parallel_loop3A_686 : vector<16xi1>, vector<16xf32>
      %parallel_loop3A_734 = arith.select %parallel_loop3A_732, %parallel_loop3A_729, %parallel_loop3A_691 : vector<16xi1>, vector<16xf32>
      %parallel_loop3A_735 = arith.select %parallel_loop3A_732, %parallel_loop3A_395, %parallel_loop3A_696 : vector<16xi1>, vector<16xf32>
      %parallel_loop3A_736 = arith.select %parallel_loop3A_732, %parallel_loop3A_402, %parallel_loop3A_701 : vector<16xi1>, vector<16xf32>
      %parallel_loop3A_737 = arith.select %parallel_loop3A_732, %parallel_loop3A_409, %parallel_loop3A_706 : vector<16xi1>, vector<16xf32>
      %parallel_loop3A_738 = arith.select %parallel_loop3A_732, %parallel_loop3A_416, %parallel_loop3A_711 : vector<16xi1>, vector<16xf32>
      %parallel_loop3A_739 = arith.minimumf %parallel_loop3A_667, %parallel_loop3A_437 : vector<16xf32>
      %parallel_loop3A_740 = arith.maximumf %parallel_loop3A_657, %parallel_loop3A_423 : vector<16xf32>
      %parallel_loop3A_741 = arith.subf %parallel_loop3A_739, %parallel_loop3A_740 : vector<16xf32>
      %parallel_loop3A_742 = arith.constant 0.000000e+00 : f32
      %parallel_loop3A_743 = vector.broadcast %parallel_loop3A_742 : f32 to vector<16xf32>
      %parallel_loop3A_744 = arith.maximumf %parallel_loop3A_741, %parallel_loop3A_743 : vector<16xf32>
      %parallel_loop3A_745 = arith.minimumf %parallel_loop3A_672, %parallel_loop3A_444 : vector<16xf32>
      %parallel_loop3A_746 = arith.maximumf %parallel_loop3A_662, %parallel_loop3A_430 : vector<16xf32>
      %parallel_loop3A_747 = arith.subf %parallel_loop3A_745, %parallel_loop3A_746 : vector<16xf32>
      %parallel_loop3A_748 = arith.constant 0.000000e+00 : f32
      %parallel_loop3A_749 = vector.broadcast %parallel_loop3A_748 : f32 to vector<16xf32>
      %parallel_loop3A_750 = arith.maximumf %parallel_loop3A_747, %parallel_loop3A_749 : vector<16xf32>
      %parallel_loop3A_751 = arith.mulf %parallel_loop3A_744, %parallel_loop3A_750 : vector<16xf32>
      %parallel_loop3A_752 = arith.addf %parallel_loop3A_681, %parallel_loop3A_622 : vector<16xf32>
      %parallel_loop3A_753 = arith.subf %parallel_loop3A_752, %parallel_loop3A_751 : vector<16xf32>
      %parallel_loop3A_754 = arith.constant 9.99999993E-9 : f32
      %parallel_loop3A_755 = vector.broadcast %parallel_loop3A_754 : f32 to vector<16xf32>
      %parallel_loop3A_756 = arith.maximumf %parallel_loop3A_753, %parallel_loop3A_755 : vector<16xf32>
      %parallel_loop3A_757 = arith.mulf %parallel_loop3A_751, %parallel_loop3A_734 : vector<16xf32>
      %parallel_loop3A_758 = arith.mulf %parallel_loop3A_733, %parallel_loop3A_756 : vector<16xf32>
      %parallel_loop3A_759 = arith.cmpf oge, %parallel_loop3A_757, %parallel_loop3A_758 : vector<16xf32>
      %parallel_loop3A_760 = arith.select %parallel_loop3A_759, %parallel_loop3A_751, %parallel_loop3A_733 : vector<16xi1>, vector<16xf32>
      %parallel_loop3A_761 = arith.select %parallel_loop3A_759, %parallel_loop3A_756, %parallel_loop3A_734 : vector<16xi1>, vector<16xf32>
      %parallel_loop3A_762 = arith.select %parallel_loop3A_759, %parallel_loop3A_423, %parallel_loop3A_735 : vector<16xi1>, vector<16xf32>
      %parallel_loop3A_763 = arith.select %parallel_loop3A_759, %parallel_loop3A_430, %parallel_loop3A_736 : vector<16xi1>, vector<16xf32>
      %parallel_loop3A_764 = arith.select %parallel_loop3A_759, %parallel_loop3A_437, %parallel_loop3A_737 : vector<16xi1>, vector<16xf32>
      %parallel_loop3A_765 = arith.select %parallel_loop3A_759, %parallel_loop3A_444, %parallel_loop3A_738 : vector<16xi1>, vector<16xf32>
      %parallel_loop3A_766 = arith.minimumf %parallel_loop3A_667, %parallel_loop3A_465 : vector<16xf32>
      %parallel_loop3A_767 = arith.maximumf %parallel_loop3A_657, %parallel_loop3A_451 : vector<16xf32>
      %parallel_loop3A_768 = arith.subf %parallel_loop3A_766, %parallel_loop3A_767 : vector<16xf32>
      %parallel_loop3A_769 = arith.constant 0.000000e+00 : f32
      %parallel_loop3A_770 = vector.broadcast %parallel_loop3A_769 : f32 to vector<16xf32>
      %parallel_loop3A_771 = arith.maximumf %parallel_loop3A_768, %parallel_loop3A_770 : vector<16xf32>
      %parallel_loop3A_772 = arith.minimumf %parallel_loop3A_672, %parallel_loop3A_472 : vector<16xf32>
      %parallel_loop3A_773 = arith.maximumf %parallel_loop3A_662, %parallel_loop3A_458 : vector<16xf32>
      %parallel_loop3A_774 = arith.subf %parallel_loop3A_772, %parallel_loop3A_773 : vector<16xf32>
      %parallel_loop3A_775 = arith.constant 0.000000e+00 : f32
      %parallel_loop3A_776 = vector.broadcast %parallel_loop3A_775 : f32 to vector<16xf32>
      %parallel_loop3A_777 = arith.maximumf %parallel_loop3A_774, %parallel_loop3A_776 : vector<16xf32>
      %parallel_loop3A_778 = arith.mulf %parallel_loop3A_771, %parallel_loop3A_777 : vector<16xf32>
      %parallel_loop3A_779 = arith.addf %parallel_loop3A_681, %parallel_loop3A_627 : vector<16xf32>
      %parallel_loop3A_780 = arith.subf %parallel_loop3A_779, %parallel_loop3A_778 : vector<16xf32>
      %parallel_loop3A_781 = arith.constant 9.99999993E-9 : f32
      %parallel_loop3A_782 = vector.broadcast %parallel_loop3A_781 : f32 to vector<16xf32>
      %parallel_loop3A_783 = arith.maximumf %parallel_loop3A_780, %parallel_loop3A_782 : vector<16xf32>
      %parallel_loop3A_784 = arith.mulf %parallel_loop3A_778, %parallel_loop3A_761 : vector<16xf32>
      %parallel_loop3A_785 = arith.mulf %parallel_loop3A_760, %parallel_loop3A_783 : vector<16xf32>
      %parallel_loop3A_786 = arith.cmpf oge, %parallel_loop3A_784, %parallel_loop3A_785 : vector<16xf32>
      %parallel_loop3A_787 = arith.select %parallel_loop3A_786, %parallel_loop3A_778, %parallel_loop3A_760 : vector<16xi1>, vector<16xf32>
      %parallel_loop3A_788 = arith.select %parallel_loop3A_786, %parallel_loop3A_783, %parallel_loop3A_761 : vector<16xi1>, vector<16xf32>
      %parallel_loop3A_789 = arith.select %parallel_loop3A_786, %parallel_loop3A_451, %parallel_loop3A_762 : vector<16xi1>, vector<16xf32>
      %parallel_loop3A_790 = arith.select %parallel_loop3A_786, %parallel_loop3A_458, %parallel_loop3A_763 : vector<16xi1>, vector<16xf32>
      %parallel_loop3A_791 = arith.select %parallel_loop3A_786, %parallel_loop3A_465, %parallel_loop3A_764 : vector<16xi1>, vector<16xf32>
      %parallel_loop3A_792 = arith.select %parallel_loop3A_786, %parallel_loop3A_472, %parallel_loop3A_765 : vector<16xi1>, vector<16xf32>
      %parallel_loop3A_793 = arith.minimumf %parallel_loop3A_667, %parallel_loop3A_493 : vector<16xf32>
      %parallel_loop3A_794 = arith.maximumf %parallel_loop3A_657, %parallel_loop3A_479 : vector<16xf32>
      %parallel_loop3A_795 = arith.subf %parallel_loop3A_793, %parallel_loop3A_794 : vector<16xf32>
      %parallel_loop3A_796 = arith.constant 0.000000e+00 : f32
      %parallel_loop3A_797 = vector.broadcast %parallel_loop3A_796 : f32 to vector<16xf32>
      %parallel_loop3A_798 = arith.maximumf %parallel_loop3A_795, %parallel_loop3A_797 : vector<16xf32>
      %parallel_loop3A_799 = arith.minimumf %parallel_loop3A_672, %parallel_loop3A_500 : vector<16xf32>
      %parallel_loop3A_800 = arith.maximumf %parallel_loop3A_662, %parallel_loop3A_486 : vector<16xf32>
      %parallel_loop3A_801 = arith.subf %parallel_loop3A_799, %parallel_loop3A_800 : vector<16xf32>
      %parallel_loop3A_802 = arith.constant 0.000000e+00 : f32
      %parallel_loop3A_803 = vector.broadcast %parallel_loop3A_802 : f32 to vector<16xf32>
      %parallel_loop3A_804 = arith.maximumf %parallel_loop3A_801, %parallel_loop3A_803 : vector<16xf32>
      %parallel_loop3A_805 = arith.mulf %parallel_loop3A_798, %parallel_loop3A_804 : vector<16xf32>
      %parallel_loop3A_806 = arith.addf %parallel_loop3A_681, %parallel_loop3A_632 : vector<16xf32>
      %parallel_loop3A_807 = arith.subf %parallel_loop3A_806, %parallel_loop3A_805 : vector<16xf32>
      %parallel_loop3A_808 = arith.constant 9.99999993E-9 : f32
      %parallel_loop3A_809 = vector.broadcast %parallel_loop3A_808 : f32 to vector<16xf32>
      %parallel_loop3A_810 = arith.maximumf %parallel_loop3A_807, %parallel_loop3A_809 : vector<16xf32>
      %parallel_loop3A_811 = arith.mulf %parallel_loop3A_805, %parallel_loop3A_788 : vector<16xf32>
      %parallel_loop3A_812 = arith.mulf %parallel_loop3A_787, %parallel_loop3A_810 : vector<16xf32>
      %parallel_loop3A_813 = arith.cmpf oge, %parallel_loop3A_811, %parallel_loop3A_812 : vector<16xf32>
      %parallel_loop3A_814 = arith.select %parallel_loop3A_813, %parallel_loop3A_805, %parallel_loop3A_787 : vector<16xi1>, vector<16xf32>
      %parallel_loop3A_815 = arith.select %parallel_loop3A_813, %parallel_loop3A_810, %parallel_loop3A_788 : vector<16xi1>, vector<16xf32>
      %parallel_loop3A_816 = arith.select %parallel_loop3A_813, %parallel_loop3A_479, %parallel_loop3A_789 : vector<16xi1>, vector<16xf32>
      %parallel_loop3A_817 = arith.select %parallel_loop3A_813, %parallel_loop3A_486, %parallel_loop3A_790 : vector<16xi1>, vector<16xf32>
      %parallel_loop3A_818 = arith.select %parallel_loop3A_813, %parallel_loop3A_493, %parallel_loop3A_791 : vector<16xi1>, vector<16xf32>
      %parallel_loop3A_819 = arith.select %parallel_loop3A_813, %parallel_loop3A_500, %parallel_loop3A_792 : vector<16xi1>, vector<16xf32>
      %parallel_loop3A_820 = arith.minimumf %parallel_loop3A_667, %parallel_loop3A_521 : vector<16xf32>
      %parallel_loop3A_821 = arith.maximumf %parallel_loop3A_657, %parallel_loop3A_507 : vector<16xf32>
      %parallel_loop3A_822 = arith.subf %parallel_loop3A_820, %parallel_loop3A_821 : vector<16xf32>
      %parallel_loop3A_823 = arith.constant 0.000000e+00 : f32
      %parallel_loop3A_824 = vector.broadcast %parallel_loop3A_823 : f32 to vector<16xf32>
      %parallel_loop3A_825 = arith.maximumf %parallel_loop3A_822, %parallel_loop3A_824 : vector<16xf32>
      %parallel_loop3A_826 = arith.minimumf %parallel_loop3A_672, %parallel_loop3A_528 : vector<16xf32>
      %parallel_loop3A_827 = arith.maximumf %parallel_loop3A_662, %parallel_loop3A_514 : vector<16xf32>
      %parallel_loop3A_828 = arith.subf %parallel_loop3A_826, %parallel_loop3A_827 : vector<16xf32>
      %parallel_loop3A_829 = arith.constant 0.000000e+00 : f32
      %parallel_loop3A_830 = vector.broadcast %parallel_loop3A_829 : f32 to vector<16xf32>
      %parallel_loop3A_831 = arith.maximumf %parallel_loop3A_828, %parallel_loop3A_830 : vector<16xf32>
      %parallel_loop3A_832 = arith.mulf %parallel_loop3A_825, %parallel_loop3A_831 : vector<16xf32>
      %parallel_loop3A_833 = arith.addf %parallel_loop3A_681, %parallel_loop3A_637 : vector<16xf32>
      %parallel_loop3A_834 = arith.subf %parallel_loop3A_833, %parallel_loop3A_832 : vector<16xf32>
      %parallel_loop3A_835 = arith.constant 9.99999993E-9 : f32
      %parallel_loop3A_836 = vector.broadcast %parallel_loop3A_835 : f32 to vector<16xf32>
      %parallel_loop3A_837 = arith.maximumf %parallel_loop3A_834, %parallel_loop3A_836 : vector<16xf32>
      %parallel_loop3A_838 = arith.mulf %parallel_loop3A_832, %parallel_loop3A_815 : vector<16xf32>
      %parallel_loop3A_839 = arith.mulf %parallel_loop3A_814, %parallel_loop3A_837 : vector<16xf32>
      %parallel_loop3A_840 = arith.cmpf oge, %parallel_loop3A_838, %parallel_loop3A_839 : vector<16xf32>
      %parallel_loop3A_841 = arith.select %parallel_loop3A_840, %parallel_loop3A_832, %parallel_loop3A_814 : vector<16xi1>, vector<16xf32>
      %parallel_loop3A_842 = arith.select %parallel_loop3A_840, %parallel_loop3A_837, %parallel_loop3A_815 : vector<16xi1>, vector<16xf32>
      %parallel_loop3A_843 = arith.select %parallel_loop3A_840, %parallel_loop3A_507, %parallel_loop3A_816 : vector<16xi1>, vector<16xf32>
      %parallel_loop3A_844 = arith.select %parallel_loop3A_840, %parallel_loop3A_514, %parallel_loop3A_817 : vector<16xi1>, vector<16xf32>
      %parallel_loop3A_845 = arith.select %parallel_loop3A_840, %parallel_loop3A_521, %parallel_loop3A_818 : vector<16xi1>, vector<16xf32>
      %parallel_loop3A_846 = arith.select %parallel_loop3A_840, %parallel_loop3A_528, %parallel_loop3A_819 : vector<16xi1>, vector<16xf32>
      %parallel_loop3A_847 = arith.minimumf %parallel_loop3A_667, %parallel_loop3A_549 : vector<16xf32>
      %parallel_loop3A_848 = arith.maximumf %parallel_loop3A_657, %parallel_loop3A_535 : vector<16xf32>
      %parallel_loop3A_849 = arith.subf %parallel_loop3A_847, %parallel_loop3A_848 : vector<16xf32>
      %parallel_loop3A_850 = arith.constant 0.000000e+00 : f32
      %parallel_loop3A_851 = vector.broadcast %parallel_loop3A_850 : f32 to vector<16xf32>
      %parallel_loop3A_852 = arith.maximumf %parallel_loop3A_849, %parallel_loop3A_851 : vector<16xf32>
      %parallel_loop3A_853 = arith.minimumf %parallel_loop3A_672, %parallel_loop3A_556 : vector<16xf32>
      %parallel_loop3A_854 = arith.maximumf %parallel_loop3A_662, %parallel_loop3A_542 : vector<16xf32>
      %parallel_loop3A_855 = arith.subf %parallel_loop3A_853, %parallel_loop3A_854 : vector<16xf32>
      %parallel_loop3A_856 = arith.constant 0.000000e+00 : f32
      %parallel_loop3A_857 = vector.broadcast %parallel_loop3A_856 : f32 to vector<16xf32>
      %parallel_loop3A_858 = arith.maximumf %parallel_loop3A_855, %parallel_loop3A_857 : vector<16xf32>
      %parallel_loop3A_859 = arith.mulf %parallel_loop3A_852, %parallel_loop3A_858 : vector<16xf32>
      %parallel_loop3A_860 = arith.addf %parallel_loop3A_681, %parallel_loop3A_642 : vector<16xf32>
      %parallel_loop3A_861 = arith.subf %parallel_loop3A_860, %parallel_loop3A_859 : vector<16xf32>
      %parallel_loop3A_862 = arith.constant 9.99999993E-9 : f32
      %parallel_loop3A_863 = vector.broadcast %parallel_loop3A_862 : f32 to vector<16xf32>
      %parallel_loop3A_864 = arith.maximumf %parallel_loop3A_861, %parallel_loop3A_863 : vector<16xf32>
      %parallel_loop3A_865 = arith.mulf %parallel_loop3A_859, %parallel_loop3A_842 : vector<16xf32>
      %parallel_loop3A_866 = arith.mulf %parallel_loop3A_841, %parallel_loop3A_864 : vector<16xf32>
      %parallel_loop3A_867 = arith.cmpf oge, %parallel_loop3A_865, %parallel_loop3A_866 : vector<16xf32>
      %parallel_loop3A_868 = arith.select %parallel_loop3A_867, %parallel_loop3A_859, %parallel_loop3A_841 : vector<16xi1>, vector<16xf32>
      %parallel_loop3A_869 = arith.select %parallel_loop3A_867, %parallel_loop3A_864, %parallel_loop3A_842 : vector<16xi1>, vector<16xf32>
      %parallel_loop3A_870 = arith.select %parallel_loop3A_867, %parallel_loop3A_535, %parallel_loop3A_843 : vector<16xi1>, vector<16xf32>
      %parallel_loop3A_871 = arith.select %parallel_loop3A_867, %parallel_loop3A_542, %parallel_loop3A_844 : vector<16xi1>, vector<16xf32>
      %parallel_loop3A_872 = arith.select %parallel_loop3A_867, %parallel_loop3A_549, %parallel_loop3A_845 : vector<16xi1>, vector<16xf32>
      %parallel_loop3A_873 = arith.select %parallel_loop3A_867, %parallel_loop3A_556, %parallel_loop3A_846 : vector<16xi1>, vector<16xf32>
      %parallel_loop3A_874 = arith.minimumf %parallel_loop3A_667, %parallel_loop3A_577 : vector<16xf32>
      %parallel_loop3A_875 = arith.maximumf %parallel_loop3A_657, %parallel_loop3A_563 : vector<16xf32>
      %parallel_loop3A_876 = arith.subf %parallel_loop3A_874, %parallel_loop3A_875 : vector<16xf32>
      %parallel_loop3A_877 = arith.constant 0.000000e+00 : f32
      %parallel_loop3A_878 = vector.broadcast %parallel_loop3A_877 : f32 to vector<16xf32>
      %parallel_loop3A_879 = arith.maximumf %parallel_loop3A_876, %parallel_loop3A_878 : vector<16xf32>
      %parallel_loop3A_880 = arith.minimumf %parallel_loop3A_672, %parallel_loop3A_584 : vector<16xf32>
      %parallel_loop3A_881 = arith.maximumf %parallel_loop3A_662, %parallel_loop3A_570 : vector<16xf32>
      %parallel_loop3A_882 = arith.subf %parallel_loop3A_880, %parallel_loop3A_881 : vector<16xf32>
      %parallel_loop3A_883 = arith.constant 0.000000e+00 : f32
      %parallel_loop3A_884 = vector.broadcast %parallel_loop3A_883 : f32 to vector<16xf32>
      %parallel_loop3A_885 = arith.maximumf %parallel_loop3A_882, %parallel_loop3A_884 : vector<16xf32>
      %parallel_loop3A_886 = arith.mulf %parallel_loop3A_879, %parallel_loop3A_885 : vector<16xf32>
      %parallel_loop3A_887 = arith.addf %parallel_loop3A_681, %parallel_loop3A_647 : vector<16xf32>
      %parallel_loop3A_888 = arith.subf %parallel_loop3A_887, %parallel_loop3A_886 : vector<16xf32>
      %parallel_loop3A_889 = arith.constant 9.99999993E-9 : f32
      %parallel_loop3A_890 = vector.broadcast %parallel_loop3A_889 : f32 to vector<16xf32>
      %parallel_loop3A_891 = arith.maximumf %parallel_loop3A_888, %parallel_loop3A_890 : vector<16xf32>
      %parallel_loop3A_892 = arith.mulf %parallel_loop3A_886, %parallel_loop3A_869 : vector<16xf32>
      %parallel_loop3A_893 = arith.mulf %parallel_loop3A_868, %parallel_loop3A_891 : vector<16xf32>
      %parallel_loop3A_894 = arith.cmpf oge, %parallel_loop3A_892, %parallel_loop3A_893 : vector<16xf32>
      %parallel_loop3A_895 = arith.select %parallel_loop3A_894, %parallel_loop3A_886, %parallel_loop3A_868 : vector<16xi1>, vector<16xf32>
      %parallel_loop3A_896 = arith.select %parallel_loop3A_894, %parallel_loop3A_891, %parallel_loop3A_869 : vector<16xi1>, vector<16xf32>
      %parallel_loop3A_897 = arith.select %parallel_loop3A_894, %parallel_loop3A_563, %parallel_loop3A_870 : vector<16xi1>, vector<16xf32>
      %parallel_loop3A_898 = arith.select %parallel_loop3A_894, %parallel_loop3A_570, %parallel_loop3A_871 : vector<16xi1>, vector<16xf32>
      %parallel_loop3A_899 = arith.select %parallel_loop3A_894, %parallel_loop3A_577, %parallel_loop3A_872 : vector<16xi1>, vector<16xf32>
      %parallel_loop3A_900 = arith.select %parallel_loop3A_894, %parallel_loop3A_584, %parallel_loop3A_873 : vector<16xi1>, vector<16xf32>
      %parallel_loop3A_901 = arith.minimumf %parallel_loop3A_667, %parallel_loop3A_605 : vector<16xf32>
      %parallel_loop3A_902 = arith.maximumf %parallel_loop3A_657, %parallel_loop3A_591 : vector<16xf32>
      %parallel_loop3A_903 = arith.subf %parallel_loop3A_901, %parallel_loop3A_902 : vector<16xf32>
      %parallel_loop3A_904 = arith.constant 0.000000e+00 : f32
      %parallel_loop3A_905 = vector.broadcast %parallel_loop3A_904 : f32 to vector<16xf32>
      %parallel_loop3A_906 = arith.maximumf %parallel_loop3A_903, %parallel_loop3A_905 : vector<16xf32>
      %parallel_loop3A_907 = arith.minimumf %parallel_loop3A_672, %parallel_loop3A_612 : vector<16xf32>
      %parallel_loop3A_908 = arith.maximumf %parallel_loop3A_662, %parallel_loop3A_598 : vector<16xf32>
      %parallel_loop3A_909 = arith.subf %parallel_loop3A_907, %parallel_loop3A_908 : vector<16xf32>
      %parallel_loop3A_910 = arith.constant 0.000000e+00 : f32
      %parallel_loop3A_911 = vector.broadcast %parallel_loop3A_910 : f32 to vector<16xf32>
      %parallel_loop3A_912 = arith.maximumf %parallel_loop3A_909, %parallel_loop3A_911 : vector<16xf32>
      %parallel_loop3A_913 = arith.mulf %parallel_loop3A_906, %parallel_loop3A_912 : vector<16xf32>
      %parallel_loop3A_914 = arith.addf %parallel_loop3A_681, %parallel_loop3A_652 : vector<16xf32>
      %parallel_loop3A_915 = arith.subf %parallel_loop3A_914, %parallel_loop3A_913 : vector<16xf32>
      %parallel_loop3A_916 = arith.constant 9.99999993E-9 : f32
      %parallel_loop3A_917 = vector.broadcast %parallel_loop3A_916 : f32 to vector<16xf32>
      %parallel_loop3A_918 = arith.maximumf %parallel_loop3A_915, %parallel_loop3A_917 : vector<16xf32>
      %parallel_loop3A_919 = arith.mulf %parallel_loop3A_913, %parallel_loop3A_896 : vector<16xf32>
      %parallel_loop3A_920 = arith.mulf %parallel_loop3A_895, %parallel_loop3A_918 : vector<16xf32>
      %parallel_loop3A_921 = arith.cmpf oge, %parallel_loop3A_919, %parallel_loop3A_920 : vector<16xf32>
      %parallel_loop3A_922 = arith.select %parallel_loop3A_921, %parallel_loop3A_913, %parallel_loop3A_895 : vector<16xi1>, vector<16xf32>
      %parallel_loop3A_923 = arith.select %parallel_loop3A_921, %parallel_loop3A_918, %parallel_loop3A_896 : vector<16xi1>, vector<16xf32>
      %parallel_loop3A_924 = arith.select %parallel_loop3A_921, %parallel_loop3A_591, %parallel_loop3A_897 : vector<16xi1>, vector<16xf32>
      %parallel_loop3A_925 = arith.select %parallel_loop3A_921, %parallel_loop3A_598, %parallel_loop3A_898 : vector<16xi1>, vector<16xf32>
      %parallel_loop3A_926 = arith.select %parallel_loop3A_921, %parallel_loop3A_605, %parallel_loop3A_899 : vector<16xi1>, vector<16xf32>
      %parallel_loop3A_927 = arith.select %parallel_loop3A_921, %parallel_loop3A_612, %parallel_loop3A_900 : vector<16xi1>, vector<16xf32>
      %parallel_loop3A_928 = arith.constant 0 : i32
      %parallel_loop3A_929 = arith.index_cast %parallel_loop3A_928 : i32 to index
      %parallel_loop3A_930 = arith.index_cast %parallel_loop3A_388 : i32 to index
      %parallel_loop3A_931 = tpu.vector_load %arg13[%parallel_loop3A_929, %parallel_loop3A_930] {strides = array<i32>} : memref<6x2512xf32, #tpu.memory_space<vmem>>, vector<1x16xf32>,
      %parallel_loop3A_932 = vector.shape_cast %parallel_loop3A_931 : vector<1x16xf32> to vector<16xf32>
      %parallel_loop3A_933 = vector.shape_cast %parallel_loop3A_922 : vector<16xf32> to vector<1x16xf32>
      tpu.vector_store %arg13[%parallel_loop3A_929, %parallel_loop3A_930], %parallel_loop3A_933 {strides = array<i32>} : memref<6x2512xf32, #tpu.memory_space<vmem>>, vector<1x16xf32>,
      %parallel_loop3A_934 = arith.constant 1 : i32
      %parallel_loop3A_935 = arith.index_cast %parallel_loop3A_934 : i32 to index
      %parallel_loop3A_936 = arith.index_cast %parallel_loop3A_388 : i32 to index
      %parallel_loop3A_937 = tpu.vector_load %arg13[%parallel_loop3A_935, %parallel_loop3A_936] {strides = array<i32>} : memref<6x2512xf32, #tpu.memory_space<vmem>>, vector<1x16xf32>,
      %parallel_loop3A_938 = vector.shape_cast %parallel_loop3A_937 : vector<1x16xf32> to vector<16xf32>
      %parallel_loop3A_939 = vector.shape_cast %parallel_loop3A_923 : vector<16xf32> to vector<1x16xf32>
      tpu.vector_store %arg13[%parallel_loop3A_935, %parallel_loop3A_936], %parallel_loop3A_939 {strides = array<i32>} : memref<6x2512xf32, #tpu.memory_space<vmem>>, vector<1x16xf32>,
      %parallel_loop3A_940 = arith.constant 2 : i32
      %parallel_loop3A_941 = arith.index_cast %parallel_loop3A_940 : i32 to index
      %parallel_loop3A_942 = arith.index_cast %parallel_loop3A_388 : i32 to index
      %parallel_loop3A_943 = tpu.vector_load %arg13[%parallel_loop3A_941, %parallel_loop3A_942] {strides = array<i32>} : memref<6x2512xf32, #tpu.memory_space<vmem>>, vector<1x16xf32>,
      %parallel_loop3A_944 = vector.shape_cast %parallel_loop3A_943 : vector<1x16xf32> to vector<16xf32>
      %parallel_loop3A_945 = vector.shape_cast %parallel_loop3A_924 : vector<16xf32> to vector<1x16xf32>
      tpu.vector_store %arg13[%parallel_loop3A_941, %parallel_loop3A_942], %parallel_loop3A_945 {strides = array<i32>} : memref<6x2512xf32, #tpu.memory_space<vmem>>, vector<1x16xf32>,
      %parallel_loop3A_946 = arith.constant 3 : i32
      %parallel_loop3A_947 = arith.index_cast %parallel_loop3A_946 : i32 to index
      %parallel_loop3A_948 = arith.index_cast %parallel_loop3A_388 : i32 to index
      %parallel_loop3A_949 = tpu.vector_load %arg13[%parallel_loop3A_947, %parallel_loop3A_948] {strides = array<i32>} : memref<6x2512xf32, #tpu.memory_space<vmem>>, vector<1x16xf32>,
      %parallel_loop3A_950 = vector.shape_cast %parallel_loop3A_949 : vector<1x16xf32> to vector<16xf32>
      %parallel_loop3A_951 = vector.shape_cast %parallel_loop3A_925 : vector<16xf32> to vector<1x16xf32>
      tpu.vector_store %arg13[%parallel_loop3A_947, %parallel_loop3A_948], %parallel_loop3A_951 {strides = array<i32>} : memref<6x2512xf32, #tpu.memory_space<vmem>>, vector<1x16xf32>,
      %parallel_loop3A_952 = arith.constant 4 : i32
      %parallel_loop3A_953 = arith.index_cast %parallel_loop3A_952 : i32 to index
      %parallel_loop3A_954 = arith.index_cast %parallel_loop3A_388 : i32 to index
      %parallel_loop3A_955 = tpu.vector_load %arg13[%parallel_loop3A_953, %parallel_loop3A_954] {strides = array<i32>} : memref<6x2512xf32, #tpu.memory_space<vmem>>, vector<1x16xf32>,
      %parallel_loop3A_956 = vector.shape_cast %parallel_loop3A_955 : vector<1x16xf32> to vector<16xf32>
      %parallel_loop3A_957 = vector.shape_cast %parallel_loop3A_926 : vector<16xf32> to vector<1x16xf32>
      tpu.vector_store %arg13[%parallel_loop3A_953, %parallel_loop3A_954], %parallel_loop3A_957 {strides = array<i32>} : memref<6x2512xf32, #tpu.memory_space<vmem>>, vector<1x16xf32>,
      %parallel_loop3A_958 = arith.constant 5 : i32
      %parallel_loop3A_959 = arith.index_cast %parallel_loop3A_958 : i32 to index
      %parallel_loop3A_960 = arith.index_cast %parallel_loop3A_388 : i32 to index
      %parallel_loop3A_961 = tpu.vector_load %arg13[%parallel_loop3A_959, %parallel_loop3A_960] {strides = array<i32>} : memref<6x2512xf32, #tpu.memory_space<vmem>>, vector<1x16xf32>,
      %parallel_loop3A_962 = vector.shape_cast %parallel_loop3A_961 : vector<1x16xf32> to vector<16xf32>
      %parallel_loop3A_963 = vector.shape_cast %parallel_loop3A_927 : vector<16xf32> to vector<1x16xf32>
      tpu.vector_store %arg13[%parallel_loop3A_959, %parallel_loop3A_960], %parallel_loop3A_963 {strides = array<i32>} : memref<6x2512xf32, #tpu.memory_space<vmem>>, vector<1x16xf32>,
    } {sc.loop_unroll_factor = 2 : i64, sc.parallel_access}
    %parallel_loop3A_100 = arith.constant 0 : i32
    %parallel_loop3A_101 = arith.constant 2512 : i32
    %parallel_loop3A_102 = arith.constant 16 : i32
    scf.for %parallel_loop3A_388 = %parallel_loop3A_100 to %parallel_loop3A_101 step %parallel_loop3A_102  : i32 {
      %parallel_loop3A_389 = arith.constant 16 : i32
      %parallel_loop3A_390 = arith.constant 0 : i32
      %parallel_loop3A_391 = arith.index_cast %parallel_loop3A_389 : i32 to index
      %parallel_loop3A_392 = arith.index_cast %parallel_loop3A_390 : i32 to index
      %parallel_loop3A_393 = arith.constant 0 : index
      %parallel_loop3A_394 = tpu.vector_load %arg11[%parallel_loop3A_391, %parallel_loop3A_392, %parallel_loop3A_393] {strides = array<i32>} : memref<32x4x16xf32, #tpu.memory_space<vmem>>, vector<1x1x16xf32>,
      %parallel_loop3A_395 = vector.shape_cast %parallel_loop3A_394 : vector<1x1x16xf32> to vector<16xf32>
      %parallel_loop3A_396 = arith.constant 16 : i32
      %parallel_loop3A_397 = arith.constant 1 : i32
      %parallel_loop3A_398 = arith.index_cast %parallel_loop3A_396 : i32 to index
      %parallel_loop3A_399 = arith.index_cast %parallel_loop3A_397 : i32 to index
      %parallel_loop3A_400 = arith.constant 0 : index
      %parallel_loop3A_401 = tpu.vector_load %arg11[%parallel_loop3A_398, %parallel_loop3A_399, %parallel_loop3A_400] {strides = array<i32>} : memref<32x4x16xf32, #tpu.memory_space<vmem>>, vector<1x1x16xf32>,
      %parallel_loop3A_402 = vector.shape_cast %parallel_loop3A_401 : vector<1x1x16xf32> to vector<16xf32>
      %parallel_loop3A_403 = arith.constant 16 : i32
      %parallel_loop3A_404 = arith.constant 2 : i32
      %parallel_loop3A_405 = arith.index_cast %parallel_loop3A_403 : i32 to index
      %parallel_loop3A_406 = arith.index_cast %parallel_loop3A_404 : i32 to index
      %parallel_loop3A_407 = arith.constant 0 : index
      %parallel_loop3A_408 = tpu.vector_load %arg11[%parallel_loop3A_405, %parallel_loop3A_406, %parallel_loop3A_407] {strides = array<i32>} : memref<32x4x16xf32, #tpu.memory_space<vmem>>, vector<1x1x16xf32>,
      %parallel_loop3A_409 = vector.shape_cast %parallel_loop3A_408 : vector<1x1x16xf32> to vector<16xf32>
      %parallel_loop3A_410 = arith.constant 16 : i32
      %parallel_loop3A_411 = arith.constant 3 : i32
      %parallel_loop3A_412 = arith.index_cast %parallel_loop3A_410 : i32 to index
      %parallel_loop3A_413 = arith.index_cast %parallel_loop3A_411 : i32 to index
      %parallel_loop3A_414 = arith.constant 0 : index
      %parallel_loop3A_415 = tpu.vector_load %arg11[%parallel_loop3A_412, %parallel_loop3A_413, %parallel_loop3A_414] {strides = array<i32>} : memref<32x4x16xf32, #tpu.memory_space<vmem>>, vector<1x1x16xf32>,
      %parallel_loop3A_416 = vector.shape_cast %parallel_loop3A_415 : vector<1x1x16xf32> to vector<16xf32>
      %parallel_loop3A_417 = arith.constant 17 : i32
      %parallel_loop3A_418 = arith.constant 0 : i32
      %parallel_loop3A_419 = arith.index_cast %parallel_loop3A_417 : i32 to index
      %parallel_loop3A_420 = arith.index_cast %parallel_loop3A_418 : i32 to index
      %parallel_loop3A_421 = arith.constant 0 : index
      %parallel_loop3A_422 = tpu.vector_load %arg11[%parallel_loop3A_419, %parallel_loop3A_420, %parallel_loop3A_421] {strides = array<i32>} : memref<32x4x16xf32, #tpu.memory_space<vmem>>, vector<1x1x16xf32>,
      %parallel_loop3A_423 = vector.shape_cast %parallel_loop3A_422 : vector<1x1x16xf32> to vector<16xf32>
      %parallel_loop3A_424 = arith.constant 17 : i32
      %parallel_loop3A_425 = arith.constant 1 : i32
      %parallel_loop3A_426 = arith.index_cast %parallel_loop3A_424 : i32 to index
      %parallel_loop3A_427 = arith.index_cast %parallel_loop3A_425 : i32 to index
      %parallel_loop3A_428 = arith.constant 0 : index
      %parallel_loop3A_429 = tpu.vector_load %arg11[%parallel_loop3A_426, %parallel_loop3A_427, %parallel_loop3A_428] {strides = array<i32>} : memref<32x4x16xf32, #tpu.memory_space<vmem>>, vector<1x1x16xf32>,
      %parallel_loop3A_430 = vector.shape_cast %parallel_loop3A_429 : vector<1x1x16xf32> to vector<16xf32>
      %parallel_loop3A_431 = arith.constant 17 : i32
      %parallel_loop3A_432 = arith.constant 2 : i32
      %parallel_loop3A_433 = arith.index_cast %parallel_loop3A_431 : i32 to index
      %parallel_loop3A_434 = arith.index_cast %parallel_loop3A_432 : i32 to index
      %parallel_loop3A_435 = arith.constant 0 : index
      %parallel_loop3A_436 = tpu.vector_load %arg11[%parallel_loop3A_433, %parallel_loop3A_434, %parallel_loop3A_435] {strides = array<i32>} : memref<32x4x16xf32, #tpu.memory_space<vmem>>, vector<1x1x16xf32>,
      %parallel_loop3A_437 = vector.shape_cast %parallel_loop3A_436 : vector<1x1x16xf32> to vector<16xf32>
      %parallel_loop3A_438 = arith.constant 17 : i32
      %parallel_loop3A_439 = arith.constant 3 : i32
      %parallel_loop3A_440 = arith.index_cast %parallel_loop3A_438 : i32 to index
      %parallel_loop3A_441 = arith.index_cast %parallel_loop3A_439 : i32 to index
      %parallel_loop3A_442 = arith.constant 0 : index
      %parallel_loop3A_443 = tpu.vector_load %arg11[%parallel_loop3A_440, %parallel_loop3A_441, %parallel_loop3A_442] {strides = array<i32>} : memref<32x4x16xf32, #tpu.memory_space<vmem>>, vector<1x1x16xf32>,
      %parallel_loop3A_444 = vector.shape_cast %parallel_loop3A_443 : vector<1x1x16xf32> to vector<16xf32>
      %parallel_loop3A_445 = arith.constant 18 : i32
      %parallel_loop3A_446 = arith.constant 0 : i32
      %parallel_loop3A_447 = arith.index_cast %parallel_loop3A_445 : i32 to index
      %parallel_loop3A_448 = arith.index_cast %parallel_loop3A_446 : i32 to index
      %parallel_loop3A_449 = arith.constant 0 : index
      %parallel_loop3A_450 = tpu.vector_load %arg11[%parallel_loop3A_447, %parallel_loop3A_448, %parallel_loop3A_449] {strides = array<i32>} : memref<32x4x16xf32, #tpu.memory_space<vmem>>, vector<1x1x16xf32>,
      %parallel_loop3A_451 = vector.shape_cast %parallel_loop3A_450 : vector<1x1x16xf32> to vector<16xf32>
      %parallel_loop3A_452 = arith.constant 18 : i32
      %parallel_loop3A_453 = arith.constant 1 : i32
      %parallel_loop3A_454 = arith.index_cast %parallel_loop3A_452 : i32 to index
      %parallel_loop3A_455 = arith.index_cast %parallel_loop3A_453 : i32 to index
      %parallel_loop3A_456 = arith.constant 0 : index
      %parallel_loop3A_457 = tpu.vector_load %arg11[%parallel_loop3A_454, %parallel_loop3A_455, %parallel_loop3A_456] {strides = array<i32>} : memref<32x4x16xf32, #tpu.memory_space<vmem>>, vector<1x1x16xf32>,
      %parallel_loop3A_458 = vector.shape_cast %parallel_loop3A_457 : vector<1x1x16xf32> to vector<16xf32>
      %parallel_loop3A_459 = arith.constant 18 : i32
      %parallel_loop3A_460 = arith.constant 2 : i32
      %parallel_loop3A_461 = arith.index_cast %parallel_loop3A_459 : i32 to index
      %parallel_loop3A_462 = arith.index_cast %parallel_loop3A_460 : i32 to index
      %parallel_loop3A_463 = arith.constant 0 : index
      %parallel_loop3A_464 = tpu.vector_load %arg11[%parallel_loop3A_461, %parallel_loop3A_462, %parallel_loop3A_463] {strides = array<i32>} : memref<32x4x16xf32, #tpu.memory_space<vmem>>, vector<1x1x16xf32>,
      %parallel_loop3A_465 = vector.shape_cast %parallel_loop3A_464 : vector<1x1x16xf32> to vector<16xf32>
      %parallel_loop3A_466 = arith.constant 18 : i32
      %parallel_loop3A_467 = arith.constant 3 : i32
      %parallel_loop3A_468 = arith.index_cast %parallel_loop3A_466 : i32 to index
      %parallel_loop3A_469 = arith.index_cast %parallel_loop3A_467 : i32 to index
      %parallel_loop3A_470 = arith.constant 0 : index
      %parallel_loop3A_471 = tpu.vector_load %arg11[%parallel_loop3A_468, %parallel_loop3A_469, %parallel_loop3A_470] {strides = array<i32>} : memref<32x4x16xf32, #tpu.memory_space<vmem>>, vector<1x1x16xf32>,
      %parallel_loop3A_472 = vector.shape_cast %parallel_loop3A_471 : vector<1x1x16xf32> to vector<16xf32>
      %parallel_loop3A_473 = arith.constant 19 : i32
      %parallel_loop3A_474 = arith.constant 0 : i32
      %parallel_loop3A_475 = arith.index_cast %parallel_loop3A_473 : i32 to index
      %parallel_loop3A_476 = arith.index_cast %parallel_loop3A_474 : i32 to index
      %parallel_loop3A_477 = arith.constant 0 : index
      %parallel_loop3A_478 = tpu.vector_load %arg11[%parallel_loop3A_475, %parallel_loop3A_476, %parallel_loop3A_477] {strides = array<i32>} : memref<32x4x16xf32, #tpu.memory_space<vmem>>, vector<1x1x16xf32>,
      %parallel_loop3A_479 = vector.shape_cast %parallel_loop3A_478 : vector<1x1x16xf32> to vector<16xf32>
      %parallel_loop3A_480 = arith.constant 19 : i32
      %parallel_loop3A_481 = arith.constant 1 : i32
      %parallel_loop3A_482 = arith.index_cast %parallel_loop3A_480 : i32 to index
      %parallel_loop3A_483 = arith.index_cast %parallel_loop3A_481 : i32 to index
      %parallel_loop3A_484 = arith.constant 0 : index
      %parallel_loop3A_485 = tpu.vector_load %arg11[%parallel_loop3A_482, %parallel_loop3A_483, %parallel_loop3A_484] {strides = array<i32>} : memref<32x4x16xf32, #tpu.memory_space<vmem>>, vector<1x1x16xf32>,
      %parallel_loop3A_486 = vector.shape_cast %parallel_loop3A_485 : vector<1x1x16xf32> to vector<16xf32>
      %parallel_loop3A_487 = arith.constant 19 : i32
      %parallel_loop3A_488 = arith.constant 2 : i32
      %parallel_loop3A_489 = arith.index_cast %parallel_loop3A_487 : i32 to index
      %parallel_loop3A_490 = arith.index_cast %parallel_loop3A_488 : i32 to index
      %parallel_loop3A_491 = arith.constant 0 : index
      %parallel_loop3A_492 = tpu.vector_load %arg11[%parallel_loop3A_489, %parallel_loop3A_490, %parallel_loop3A_491] {strides = array<i32>} : memref<32x4x16xf32, #tpu.memory_space<vmem>>, vector<1x1x16xf32>,
      %parallel_loop3A_493 = vector.shape_cast %parallel_loop3A_492 : vector<1x1x16xf32> to vector<16xf32>
      %parallel_loop3A_494 = arith.constant 19 : i32
      %parallel_loop3A_495 = arith.constant 3 : i32
      %parallel_loop3A_496 = arith.index_cast %parallel_loop3A_494 : i32 to index
      %parallel_loop3A_497 = arith.index_cast %parallel_loop3A_495 : i32 to index
      %parallel_loop3A_498 = arith.constant 0 : index
      %parallel_loop3A_499 = tpu.vector_load %arg11[%parallel_loop3A_496, %parallel_loop3A_497, %parallel_loop3A_498] {strides = array<i32>} : memref<32x4x16xf32, #tpu.memory_space<vmem>>, vector<1x1x16xf32>,
      %parallel_loop3A_500 = vector.shape_cast %parallel_loop3A_499 : vector<1x1x16xf32> to vector<16xf32>
      %parallel_loop3A_501 = arith.constant 20 : i32
      %parallel_loop3A_502 = arith.constant 0 : i32
      %parallel_loop3A_503 = arith.index_cast %parallel_loop3A_501 : i32 to index
      %parallel_loop3A_504 = arith.index_cast %parallel_loop3A_502 : i32 to index
      %parallel_loop3A_505 = arith.constant 0 : index
      %parallel_loop3A_506 = tpu.vector_load %arg11[%parallel_loop3A_503, %parallel_loop3A_504, %parallel_loop3A_505] {strides = array<i32>} : memref<32x4x16xf32, #tpu.memory_space<vmem>>, vector<1x1x16xf32>,
      %parallel_loop3A_507 = vector.shape_cast %parallel_loop3A_506 : vector<1x1x16xf32> to vector<16xf32>
      %parallel_loop3A_508 = arith.constant 20 : i32
      %parallel_loop3A_509 = arith.constant 1 : i32
      %parallel_loop3A_510 = arith.index_cast %parallel_loop3A_508 : i32 to index
      %parallel_loop3A_511 = arith.index_cast %parallel_loop3A_509 : i32 to index
      %parallel_loop3A_512 = arith.constant 0 : index
      %parallel_loop3A_513 = tpu.vector_load %arg11[%parallel_loop3A_510, %parallel_loop3A_511, %parallel_loop3A_512] {strides = array<i32>} : memref<32x4x16xf32, #tpu.memory_space<vmem>>, vector<1x1x16xf32>,
      %parallel_loop3A_514 = vector.shape_cast %parallel_loop3A_513 : vector<1x1x16xf32> to vector<16xf32>
      %parallel_loop3A_515 = arith.constant 20 : i32
      %parallel_loop3A_516 = arith.constant 2 : i32
      %parallel_loop3A_517 = arith.index_cast %parallel_loop3A_515 : i32 to index
      %parallel_loop3A_518 = arith.index_cast %parallel_loop3A_516 : i32 to index
      %parallel_loop3A_519 = arith.constant 0 : index
      %parallel_loop3A_520 = tpu.vector_load %arg11[%parallel_loop3A_517, %parallel_loop3A_518, %parallel_loop3A_519] {strides = array<i32>} : memref<32x4x16xf32, #tpu.memory_space<vmem>>, vector<1x1x16xf32>,
      %parallel_loop3A_521 = vector.shape_cast %parallel_loop3A_520 : vector<1x1x16xf32> to vector<16xf32>
      %parallel_loop3A_522 = arith.constant 20 : i32
      %parallel_loop3A_523 = arith.constant 3 : i32
      %parallel_loop3A_524 = arith.index_cast %parallel_loop3A_522 : i32 to index
      %parallel_loop3A_525 = arith.index_cast %parallel_loop3A_523 : i32 to index
      %parallel_loop3A_526 = arith.constant 0 : index
      %parallel_loop3A_527 = tpu.vector_load %arg11[%parallel_loop3A_524, %parallel_loop3A_525, %parallel_loop3A_526] {strides = array<i32>} : memref<32x4x16xf32, #tpu.memory_space<vmem>>, vector<1x1x16xf32>,
      %parallel_loop3A_528 = vector.shape_cast %parallel_loop3A_527 : vector<1x1x16xf32> to vector<16xf32>
      %parallel_loop3A_529 = arith.constant 21 : i32
      %parallel_loop3A_530 = arith.constant 0 : i32
      %parallel_loop3A_531 = arith.index_cast %parallel_loop3A_529 : i32 to index
      %parallel_loop3A_532 = arith.index_cast %parallel_loop3A_530 : i32 to index
      %parallel_loop3A_533 = arith.constant 0 : index
      %parallel_loop3A_534 = tpu.vector_load %arg11[%parallel_loop3A_531, %parallel_loop3A_532, %parallel_loop3A_533] {strides = array<i32>} : memref<32x4x16xf32, #tpu.memory_space<vmem>>, vector<1x1x16xf32>,
      %parallel_loop3A_535 = vector.shape_cast %parallel_loop3A_534 : vector<1x1x16xf32> to vector<16xf32>
      %parallel_loop3A_536 = arith.constant 21 : i32
      %parallel_loop3A_537 = arith.constant 1 : i32
      %parallel_loop3A_538 = arith.index_cast %parallel_loop3A_536 : i32 to index
      %parallel_loop3A_539 = arith.index_cast %parallel_loop3A_537 : i32 to index
      %parallel_loop3A_540 = arith.constant 0 : index
      %parallel_loop3A_541 = tpu.vector_load %arg11[%parallel_loop3A_538, %parallel_loop3A_539, %parallel_loop3A_540] {strides = array<i32>} : memref<32x4x16xf32, #tpu.memory_space<vmem>>, vector<1x1x16xf32>,
      %parallel_loop3A_542 = vector.shape_cast %parallel_loop3A_541 : vector<1x1x16xf32> to vector<16xf32>
      %parallel_loop3A_543 = arith.constant 21 : i32
      %parallel_loop3A_544 = arith.constant 2 : i32
      %parallel_loop3A_545 = arith.index_cast %parallel_loop3A_543 : i32 to index
      %parallel_loop3A_546 = arith.index_cast %parallel_loop3A_544 : i32 to index
      %parallel_loop3A_547 = arith.constant 0 : index
      %parallel_loop3A_548 = tpu.vector_load %arg11[%parallel_loop3A_545, %parallel_loop3A_546, %parallel_loop3A_547] {strides = array<i32>} : memref<32x4x16xf32, #tpu.memory_space<vmem>>, vector<1x1x16xf32>,
      %parallel_loop3A_549 = vector.shape_cast %parallel_loop3A_548 : vector<1x1x16xf32> to vector<16xf32>
      %parallel_loop3A_550 = arith.constant 21 : i32
      %parallel_loop3A_551 = arith.constant 3 : i32
      %parallel_loop3A_552 = arith.index_cast %parallel_loop3A_550 : i32 to index
      %parallel_loop3A_553 = arith.index_cast %parallel_loop3A_551 : i32 to index
      %parallel_loop3A_554 = arith.constant 0 : index
      %parallel_loop3A_555 = tpu.vector_load %arg11[%parallel_loop3A_552, %parallel_loop3A_553, %parallel_loop3A_554] {strides = array<i32>} : memref<32x4x16xf32, #tpu.memory_space<vmem>>, vector<1x1x16xf32>,
      %parallel_loop3A_556 = vector.shape_cast %parallel_loop3A_555 : vector<1x1x16xf32> to vector<16xf32>
      %parallel_loop3A_557 = arith.constant 22 : i32
      %parallel_loop3A_558 = arith.constant 0 : i32
      %parallel_loop3A_559 = arith.index_cast %parallel_loop3A_557 : i32 to index
      %parallel_loop3A_560 = arith.index_cast %parallel_loop3A_558 : i32 to index
      %parallel_loop3A_561 = arith.constant 0 : index
      %parallel_loop3A_562 = tpu.vector_load %arg11[%parallel_loop3A_559, %parallel_loop3A_560, %parallel_loop3A_561] {strides = array<i32>} : memref<32x4x16xf32, #tpu.memory_space<vmem>>, vector<1x1x16xf32>,
      %parallel_loop3A_563 = vector.shape_cast %parallel_loop3A_562 : vector<1x1x16xf32> to vector<16xf32>
      %parallel_loop3A_564 = arith.constant 22 : i32
      %parallel_loop3A_565 = arith.constant 1 : i32
      %parallel_loop3A_566 = arith.index_cast %parallel_loop3A_564 : i32 to index
      %parallel_loop3A_567 = arith.index_cast %parallel_loop3A_565 : i32 to index
      %parallel_loop3A_568 = arith.constant 0 : index
      %parallel_loop3A_569 = tpu.vector_load %arg11[%parallel_loop3A_566, %parallel_loop3A_567, %parallel_loop3A_568] {strides = array<i32>} : memref<32x4x16xf32, #tpu.memory_space<vmem>>, vector<1x1x16xf32>,
      %parallel_loop3A_570 = vector.shape_cast %parallel_loop3A_569 : vector<1x1x16xf32> to vector<16xf32>
      %parallel_loop3A_571 = arith.constant 22 : i32
      %parallel_loop3A_572 = arith.constant 2 : i32
      %parallel_loop3A_573 = arith.index_cast %parallel_loop3A_571 : i32 to index
      %parallel_loop3A_574 = arith.index_cast %parallel_loop3A_572 : i32 to index
      %parallel_loop3A_575 = arith.constant 0 : index
      %parallel_loop3A_576 = tpu.vector_load %arg11[%parallel_loop3A_573, %parallel_loop3A_574, %parallel_loop3A_575] {strides = array<i32>} : memref<32x4x16xf32, #tpu.memory_space<vmem>>, vector<1x1x16xf32>,
      %parallel_loop3A_577 = vector.shape_cast %parallel_loop3A_576 : vector<1x1x16xf32> to vector<16xf32>
      %parallel_loop3A_578 = arith.constant 22 : i32
      %parallel_loop3A_579 = arith.constant 3 : i32
      %parallel_loop3A_580 = arith.index_cast %parallel_loop3A_578 : i32 to index
      %parallel_loop3A_581 = arith.index_cast %parallel_loop3A_579 : i32 to index
      %parallel_loop3A_582 = arith.constant 0 : index
      %parallel_loop3A_583 = tpu.vector_load %arg11[%parallel_loop3A_580, %parallel_loop3A_581, %parallel_loop3A_582] {strides = array<i32>} : memref<32x4x16xf32, #tpu.memory_space<vmem>>, vector<1x1x16xf32>,
      %parallel_loop3A_584 = vector.shape_cast %parallel_loop3A_583 : vector<1x1x16xf32> to vector<16xf32>
      %parallel_loop3A_585 = arith.constant 23 : i32
      %parallel_loop3A_586 = arith.constant 0 : i32
      %parallel_loop3A_587 = arith.index_cast %parallel_loop3A_585 : i32 to index
      %parallel_loop3A_588 = arith.index_cast %parallel_loop3A_586 : i32 to index
      %parallel_loop3A_589 = arith.constant 0 : index
      %parallel_loop3A_590 = tpu.vector_load %arg11[%parallel_loop3A_587, %parallel_loop3A_588, %parallel_loop3A_589] {strides = array<i32>} : memref<32x4x16xf32, #tpu.memory_space<vmem>>, vector<1x1x16xf32>,
      %parallel_loop3A_591 = vector.shape_cast %parallel_loop3A_590 : vector<1x1x16xf32> to vector<16xf32>
      %parallel_loop3A_592 = arith.constant 23 : i32
      %parallel_loop3A_593 = arith.constant 1 : i32
      %parallel_loop3A_594 = arith.index_cast %parallel_loop3A_592 : i32 to index
      %parallel_loop3A_595 = arith.index_cast %parallel_loop3A_593 : i32 to index
      %parallel_loop3A_596 = arith.constant 0 : index
      %parallel_loop3A_597 = tpu.vector_load %arg11[%parallel_loop3A_594, %parallel_loop3A_595, %parallel_loop3A_596] {strides = array<i32>} : memref<32x4x16xf32, #tpu.memory_space<vmem>>, vector<1x1x16xf32>,
      %parallel_loop3A_598 = vector.shape_cast %parallel_loop3A_597 : vector<1x1x16xf32> to vector<16xf32>
      %parallel_loop3A_599 = arith.constant 23 : i32
      %parallel_loop3A_600 = arith.constant 2 : i32
      %parallel_loop3A_601 = arith.index_cast %parallel_loop3A_599 : i32 to index
      %parallel_loop3A_602 = arith.index_cast %parallel_loop3A_600 : i32 to index
      %parallel_loop3A_603 = arith.constant 0 : index
      %parallel_loop3A_604 = tpu.vector_load %arg11[%parallel_loop3A_601, %parallel_loop3A_602, %parallel_loop3A_603] {strides = array<i32>} : memref<32x4x16xf32, #tpu.memory_space<vmem>>, vector<1x1x16xf32>,
      %parallel_loop3A_605 = vector.shape_cast %parallel_loop3A_604 : vector<1x1x16xf32> to vector<16xf32>
      %parallel_loop3A_606 = arith.constant 23 : i32
      %parallel_loop3A_607 = arith.constant 3 : i32
      %parallel_loop3A_608 = arith.index_cast %parallel_loop3A_606 : i32 to index
      %parallel_loop3A_609 = arith.index_cast %parallel_loop3A_607 : i32 to index
      %parallel_loop3A_610 = arith.constant 0 : index
      %parallel_loop3A_611 = tpu.vector_load %arg11[%parallel_loop3A_608, %parallel_loop3A_609, %parallel_loop3A_610] {strides = array<i32>} : memref<32x4x16xf32, #tpu.memory_space<vmem>>, vector<1x1x16xf32>,
      %parallel_loop3A_612 = vector.shape_cast %parallel_loop3A_611 : vector<1x1x16xf32> to vector<16xf32>
      %parallel_loop3A_613 = arith.constant 16 : i32
      %parallel_loop3A_614 = arith.index_cast %parallel_loop3A_613 : i32 to index
      %parallel_loop3A_615 = arith.constant 0 : index
      %parallel_loop3A_616 = tpu.vector_load %arg12[%parallel_loop3A_614, %parallel_loop3A_615] {strides = array<i32>} : memref<32x16xf32, #tpu.memory_space<vmem>>, vector<1x16xf32>,
      %parallel_loop3A_617 = vector.shape_cast %parallel_loop3A_616 : vector<1x16xf32> to vector<16xf32>
      %parallel_loop3A_618 = arith.constant 17 : i32
      %parallel_loop3A_619 = arith.index_cast %parallel_loop3A_618 : i32 to index
      %parallel_loop3A_620 = arith.constant 0 : index
      %parallel_loop3A_621 = tpu.vector_load %arg12[%parallel_loop3A_619, %parallel_loop3A_620] {strides = array<i32>} : memref<32x16xf32, #tpu.memory_space<vmem>>, vector<1x16xf32>,
      %parallel_loop3A_622 = vector.shape_cast %parallel_loop3A_621 : vector<1x16xf32> to vector<16xf32>
      %parallel_loop3A_623 = arith.constant 18 : i32
      %parallel_loop3A_624 = arith.index_cast %parallel_loop3A_623 : i32 to index
      %parallel_loop3A_625 = arith.constant 0 : index
      %parallel_loop3A_626 = tpu.vector_load %arg12[%parallel_loop3A_624, %parallel_loop3A_625] {strides = array<i32>} : memref<32x16xf32, #tpu.memory_space<vmem>>, vector<1x16xf32>,
      %parallel_loop3A_627 = vector.shape_cast %parallel_loop3A_626 : vector<1x16xf32> to vector<16xf32>
      %parallel_loop3A_628 = arith.constant 19 : i32
      %parallel_loop3A_629 = arith.index_cast %parallel_loop3A_628 : i32 to index
      %parallel_loop3A_630 = arith.constant 0 : index
      %parallel_loop3A_631 = tpu.vector_load %arg12[%parallel_loop3A_629, %parallel_loop3A_630] {strides = array<i32>} : memref<32x16xf32, #tpu.memory_space<vmem>>, vector<1x16xf32>,
      %parallel_loop3A_632 = vector.shape_cast %parallel_loop3A_631 : vector<1x16xf32> to vector<16xf32>
      %parallel_loop3A_633 = arith.constant 20 : i32
      %parallel_loop3A_634 = arith.index_cast %parallel_loop3A_633 : i32 to index
      %parallel_loop3A_635 = arith.constant 0 : index
      %parallel_loop3A_636 = tpu.vector_load %arg12[%parallel_loop3A_634, %parallel_loop3A_635] {strides = array<i32>} : memref<32x16xf32, #tpu.memory_space<vmem>>, vector<1x16xf32>,
      %parallel_loop3A_637 = vector.shape_cast %parallel_loop3A_636 : vector<1x16xf32> to vector<16xf32>
      %parallel_loop3A_638 = arith.constant 21 : i32
      %parallel_loop3A_639 = arith.index_cast %parallel_loop3A_638 : i32 to index
      %parallel_loop3A_640 = arith.constant 0 : index
      %parallel_loop3A_641 = tpu.vector_load %arg12[%parallel_loop3A_639, %parallel_loop3A_640] {strides = array<i32>} : memref<32x16xf32, #tpu.memory_space<vmem>>, vector<1x16xf32>,
      %parallel_loop3A_642 = vector.shape_cast %parallel_loop3A_641 : vector<1x16xf32> to vector<16xf32>
      %parallel_loop3A_643 = arith.constant 22 : i32
      %parallel_loop3A_644 = arith.index_cast %parallel_loop3A_643 : i32 to index
      %parallel_loop3A_645 = arith.constant 0 : index
      %parallel_loop3A_646 = tpu.vector_load %arg12[%parallel_loop3A_644, %parallel_loop3A_645] {strides = array<i32>} : memref<32x16xf32, #tpu.memory_space<vmem>>, vector<1x16xf32>,
      %parallel_loop3A_647 = vector.shape_cast %parallel_loop3A_646 : vector<1x16xf32> to vector<16xf32>
      %parallel_loop3A_648 = arith.constant 23 : i32
      %parallel_loop3A_649 = arith.index_cast %parallel_loop3A_648 : i32 to index
      %parallel_loop3A_650 = arith.constant 0 : index
      %parallel_loop3A_651 = tpu.vector_load %arg12[%parallel_loop3A_649, %parallel_loop3A_650] {strides = array<i32>} : memref<32x16xf32, #tpu.memory_space<vmem>>, vector<1x16xf32>,
      %parallel_loop3A_652 = vector.shape_cast %parallel_loop3A_651 : vector<1x16xf32> to vector<16xf32>
      %parallel_loop3A_653 = arith.constant 0 : i32
      %parallel_loop3A_654 = arith.index_cast %parallel_loop3A_653 : i32 to index
      %parallel_loop3A_655 = arith.index_cast %parallel_loop3A_388 : i32 to index
      %parallel_loop3A_656 = tpu.vector_load %arg9[%parallel_loop3A_654, %parallel_loop3A_655] {strides = array<i32>} : memref<4x2512xf32, #tpu.memory_space<vmem>>, vector<1x16xf32>,
      %parallel_loop3A_657 = vector.shape_cast %parallel_loop3A_656 : vector<1x16xf32> to vector<16xf32>
      %parallel_loop3A_658 = arith.constant 1 : i32
      %parallel_loop3A_659 = arith.index_cast %parallel_loop3A_658 : i32 to index
      %parallel_loop3A_660 = arith.index_cast %parallel_loop3A_388 : i32 to index
      %parallel_loop3A_661 = tpu.vector_load %arg9[%parallel_loop3A_659, %parallel_loop3A_660] {strides = array<i32>} : memref<4x2512xf32, #tpu.memory_space<vmem>>, vector<1x16xf32>,
      %parallel_loop3A_662 = vector.shape_cast %parallel_loop3A_661 : vector<1x16xf32> to vector<16xf32>
      %parallel_loop3A_663 = arith.constant 2 : i32
      %parallel_loop3A_664 = arith.index_cast %parallel_loop3A_663 : i32 to index
      %parallel_loop3A_665 = arith.index_cast %parallel_loop3A_388 : i32 to index
      %parallel_loop3A_666 = tpu.vector_load %arg9[%parallel_loop3A_664, %parallel_loop3A_665] {strides = array<i32>} : memref<4x2512xf32, #tpu.memory_space<vmem>>, vector<1x16xf32>,
      %parallel_loop3A_667 = vector.shape_cast %parallel_loop3A_666 : vector<1x16xf32> to vector<16xf32>
      %parallel_loop3A_668 = arith.constant 3 : i32
      %parallel_loop3A_669 = arith.index_cast %parallel_loop3A_668 : i32 to index
      %parallel_loop3A_670 = arith.index_cast %parallel_loop3A_388 : i32 to index
      %parallel_loop3A_671 = tpu.vector_load %arg9[%parallel_loop3A_669, %parallel_loop3A_670] {strides = array<i32>} : memref<4x2512xf32, #tpu.memory_space<vmem>>, vector<1x16xf32>,
      %parallel_loop3A_672 = vector.shape_cast %parallel_loop3A_671 : vector<1x16xf32> to vector<16xf32>
      %parallel_loop3A_673 = arith.subf %parallel_loop3A_667, %parallel_loop3A_657 : vector<16xf32>
      %parallel_loop3A_674 = arith.constant 0.000000e+00 : f32
      %parallel_loop3A_675 = vector.broadcast %parallel_loop3A_674 : f32 to vector<16xf32>
      %parallel_loop3A_676 = arith.maximumf %parallel_loop3A_673, %parallel_loop3A_675 : vector<16xf32>
      %parallel_loop3A_677 = arith.subf %parallel_loop3A_672, %parallel_loop3A_662 : vector<16xf32>
      %parallel_loop3A_678 = arith.constant 0.000000e+00 : f32
      %parallel_loop3A_679 = vector.broadcast %parallel_loop3A_678 : f32 to vector<16xf32>
      %parallel_loop3A_680 = arith.maximumf %parallel_loop3A_677, %parallel_loop3A_679 : vector<16xf32>
      %parallel_loop3A_681 = arith.mulf %parallel_loop3A_676, %parallel_loop3A_680 : vector<16xf32>
      %parallel_loop3A_682 = arith.constant 0 : i32
      %parallel_loop3A_683 = arith.index_cast %parallel_loop3A_682 : i32 to index
      %parallel_loop3A_684 = arith.index_cast %parallel_loop3A_388 : i32 to index
      %parallel_loop3A_685 = tpu.vector_load %arg13[%parallel_loop3A_683, %parallel_loop3A_684] {strides = array<i32>} : memref<6x2512xf32, #tpu.memory_space<vmem>>, vector<1x16xf32>,
      %parallel_loop3A_686 = vector.shape_cast %parallel_loop3A_685 : vector<1x16xf32> to vector<16xf32>
      %parallel_loop3A_687 = arith.constant 1 : i32
      %parallel_loop3A_688 = arith.index_cast %parallel_loop3A_687 : i32 to index
      %parallel_loop3A_689 = arith.index_cast %parallel_loop3A_388 : i32 to index
      %parallel_loop3A_690 = tpu.vector_load %arg13[%parallel_loop3A_688, %parallel_loop3A_689] {strides = array<i32>} : memref<6x2512xf32, #tpu.memory_space<vmem>>, vector<1x16xf32>,
      %parallel_loop3A_691 = vector.shape_cast %parallel_loop3A_690 : vector<1x16xf32> to vector<16xf32>
      %parallel_loop3A_692 = arith.constant 2 : i32
      %parallel_loop3A_693 = arith.index_cast %parallel_loop3A_692 : i32 to index
      %parallel_loop3A_694 = arith.index_cast %parallel_loop3A_388 : i32 to index
      %parallel_loop3A_695 = tpu.vector_load %arg13[%parallel_loop3A_693, %parallel_loop3A_694] {strides = array<i32>} : memref<6x2512xf32, #tpu.memory_space<vmem>>, vector<1x16xf32>,
      %parallel_loop3A_696 = vector.shape_cast %parallel_loop3A_695 : vector<1x16xf32> to vector<16xf32>
      %parallel_loop3A_697 = arith.constant 3 : i32
      %parallel_loop3A_698 = arith.index_cast %parallel_loop3A_697 : i32 to index
      %parallel_loop3A_699 = arith.index_cast %parallel_loop3A_388 : i32 to index
      %parallel_loop3A_700 = tpu.vector_load %arg13[%parallel_loop3A_698, %parallel_loop3A_699] {strides = array<i32>} : memref<6x2512xf32, #tpu.memory_space<vmem>>, vector<1x16xf32>,
      %parallel_loop3A_701 = vector.shape_cast %parallel_loop3A_700 : vector<1x16xf32> to vector<16xf32>
      %parallel_loop3A_702 = arith.constant 4 : i32
      %parallel_loop3A_703 = arith.index_cast %parallel_loop3A_702 : i32 to index
      %parallel_loop3A_704 = arith.index_cast %parallel_loop3A_388 : i32 to index
      %parallel_loop3A_705 = tpu.vector_load %arg13[%parallel_loop3A_703, %parallel_loop3A_704] {strides = array<i32>} : memref<6x2512xf32, #tpu.memory_space<vmem>>, vector<1x16xf32>,
      %parallel_loop3A_706 = vector.shape_cast %parallel_loop3A_705 : vector<1x16xf32> to vector<16xf32>
      %parallel_loop3A_707 = arith.constant 5 : i32
      %parallel_loop3A_708 = arith.index_cast %parallel_loop3A_707 : i32 to index
      %parallel_loop3A_709 = arith.index_cast %parallel_loop3A_388 : i32 to index
      %parallel_loop3A_710 = tpu.vector_load %arg13[%parallel_loop3A_708, %parallel_loop3A_709] {strides = array<i32>} : memref<6x2512xf32, #tpu.memory_space<vmem>>, vector<1x16xf32>,
      %parallel_loop3A_711 = vector.shape_cast %parallel_loop3A_710 : vector<1x16xf32> to vector<16xf32>
      %parallel_loop3A_712 = arith.minimumf %parallel_loop3A_667, %parallel_loop3A_409 : vector<16xf32>
      %parallel_loop3A_713 = arith.maximumf %parallel_loop3A_657, %parallel_loop3A_395 : vector<16xf32>
      %parallel_loop3A_714 = arith.subf %parallel_loop3A_712, %parallel_loop3A_713 : vector<16xf32>
      %parallel_loop3A_715 = arith.constant 0.000000e+00 : f32
      %parallel_loop3A_716 = vector.broadcast %parallel_loop3A_715 : f32 to vector<16xf32>
      %parallel_loop3A_717 = arith.maximumf %parallel_loop3A_714, %parallel_loop3A_716 : vector<16xf32>
      %parallel_loop3A_718 = arith.minimumf %parallel_loop3A_672, %parallel_loop3A_416 : vector<16xf32>
      %parallel_loop3A_719 = arith.maximumf %parallel_loop3A_662, %parallel_loop3A_402 : vector<16xf32>
      %parallel_loop3A_720 = arith.subf %parallel_loop3A_718, %parallel_loop3A_719 : vector<16xf32>
      %parallel_loop3A_721 = arith.constant 0.000000e+00 : f32
      %parallel_loop3A_722 = vector.broadcast %parallel_loop3A_721 : f32 to vector<16xf32>
      %parallel_loop3A_723 = arith.maximumf %parallel_loop3A_720, %parallel_loop3A_722 : vector<16xf32>
      %parallel_loop3A_724 = arith.mulf %parallel_loop3A_717, %parallel_loop3A_723 : vector<16xf32>
      %parallel_loop3A_725 = arith.addf %parallel_loop3A_681, %parallel_loop3A_617 : vector<16xf32>
      %parallel_loop3A_726 = arith.subf %parallel_loop3A_725, %parallel_loop3A_724 : vector<16xf32>
      %parallel_loop3A_727 = arith.constant 9.99999993E-9 : f32
      %parallel_loop3A_728 = vector.broadcast %parallel_loop3A_727 : f32 to vector<16xf32>
      %parallel_loop3A_729 = arith.maximumf %parallel_loop3A_726, %parallel_loop3A_728 : vector<16xf32>
      %parallel_loop3A_730 = arith.mulf %parallel_loop3A_724, %parallel_loop3A_691 : vector<16xf32>
      %parallel_loop3A_731 = arith.mulf %parallel_loop3A_686, %parallel_loop3A_729 : vector<16xf32>
      %parallel_loop3A_732 = arith.cmpf oge, %parallel_loop3A_730, %parallel_loop3A_731 : vector<16xf32>
      %parallel_loop3A_733 = arith.select %parallel_loop3A_732, %parallel_loop3A_724, %parallel_loop3A_686 : vector<16xi1>, vector<16xf32>
      %parallel_loop3A_734 = arith.select %parallel_loop3A_732, %parallel_loop3A_729, %parallel_loop3A_691 : vector<16xi1>, vector<16xf32>
      %parallel_loop3A_735 = arith.select %parallel_loop3A_732, %parallel_loop3A_395, %parallel_loop3A_696 : vector<16xi1>, vector<16xf32>
      %parallel_loop3A_736 = arith.select %parallel_loop3A_732, %parallel_loop3A_402, %parallel_loop3A_701 : vector<16xi1>, vector<16xf32>
      %parallel_loop3A_737 = arith.select %parallel_loop3A_732, %parallel_loop3A_409, %parallel_loop3A_706 : vector<16xi1>, vector<16xf32>
      %parallel_loop3A_738 = arith.select %parallel_loop3A_732, %parallel_loop3A_416, %parallel_loop3A_711 : vector<16xi1>, vector<16xf32>
      %parallel_loop3A_739 = arith.minimumf %parallel_loop3A_667, %parallel_loop3A_437 : vector<16xf32>
      %parallel_loop3A_740 = arith.maximumf %parallel_loop3A_657, %parallel_loop3A_423 : vector<16xf32>
      %parallel_loop3A_741 = arith.subf %parallel_loop3A_739, %parallel_loop3A_740 : vector<16xf32>
      %parallel_loop3A_742 = arith.constant 0.000000e+00 : f32
      %parallel_loop3A_743 = vector.broadcast %parallel_loop3A_742 : f32 to vector<16xf32>
      %parallel_loop3A_744 = arith.maximumf %parallel_loop3A_741, %parallel_loop3A_743 : vector<16xf32>
      %parallel_loop3A_745 = arith.minimumf %parallel_loop3A_672, %parallel_loop3A_444 : vector<16xf32>
      %parallel_loop3A_746 = arith.maximumf %parallel_loop3A_662, %parallel_loop3A_430 : vector<16xf32>
      %parallel_loop3A_747 = arith.subf %parallel_loop3A_745, %parallel_loop3A_746 : vector<16xf32>
      %parallel_loop3A_748 = arith.constant 0.000000e+00 : f32
      %parallel_loop3A_749 = vector.broadcast %parallel_loop3A_748 : f32 to vector<16xf32>
      %parallel_loop3A_750 = arith.maximumf %parallel_loop3A_747, %parallel_loop3A_749 : vector<16xf32>
      %parallel_loop3A_751 = arith.mulf %parallel_loop3A_744, %parallel_loop3A_750 : vector<16xf32>
      %parallel_loop3A_752 = arith.addf %parallel_loop3A_681, %parallel_loop3A_622 : vector<16xf32>
      %parallel_loop3A_753 = arith.subf %parallel_loop3A_752, %parallel_loop3A_751 : vector<16xf32>
      %parallel_loop3A_754 = arith.constant 9.99999993E-9 : f32
      %parallel_loop3A_755 = vector.broadcast %parallel_loop3A_754 : f32 to vector<16xf32>
      %parallel_loop3A_756 = arith.maximumf %parallel_loop3A_753, %parallel_loop3A_755 : vector<16xf32>
      %parallel_loop3A_757 = arith.mulf %parallel_loop3A_751, %parallel_loop3A_734 : vector<16xf32>
      %parallel_loop3A_758 = arith.mulf %parallel_loop3A_733, %parallel_loop3A_756 : vector<16xf32>
      %parallel_loop3A_759 = arith.cmpf oge, %parallel_loop3A_757, %parallel_loop3A_758 : vector<16xf32>
      %parallel_loop3A_760 = arith.select %parallel_loop3A_759, %parallel_loop3A_751, %parallel_loop3A_733 : vector<16xi1>, vector<16xf32>
      %parallel_loop3A_761 = arith.select %parallel_loop3A_759, %parallel_loop3A_756, %parallel_loop3A_734 : vector<16xi1>, vector<16xf32>
      %parallel_loop3A_762 = arith.select %parallel_loop3A_759, %parallel_loop3A_423, %parallel_loop3A_735 : vector<16xi1>, vector<16xf32>
      %parallel_loop3A_763 = arith.select %parallel_loop3A_759, %parallel_loop3A_430, %parallel_loop3A_736 : vector<16xi1>, vector<16xf32>
      %parallel_loop3A_764 = arith.select %parallel_loop3A_759, %parallel_loop3A_437, %parallel_loop3A_737 : vector<16xi1>, vector<16xf32>
      %parallel_loop3A_765 = arith.select %parallel_loop3A_759, %parallel_loop3A_444, %parallel_loop3A_738 : vector<16xi1>, vector<16xf32>
      %parallel_loop3A_766 = arith.minimumf %parallel_loop3A_667, %parallel_loop3A_465 : vector<16xf32>
      %parallel_loop3A_767 = arith.maximumf %parallel_loop3A_657, %parallel_loop3A_451 : vector<16xf32>
      %parallel_loop3A_768 = arith.subf %parallel_loop3A_766, %parallel_loop3A_767 : vector<16xf32>
      %parallel_loop3A_769 = arith.constant 0.000000e+00 : f32
      %parallel_loop3A_770 = vector.broadcast %parallel_loop3A_769 : f32 to vector<16xf32>
      %parallel_loop3A_771 = arith.maximumf %parallel_loop3A_768, %parallel_loop3A_770 : vector<16xf32>
      %parallel_loop3A_772 = arith.minimumf %parallel_loop3A_672, %parallel_loop3A_472 : vector<16xf32>
      %parallel_loop3A_773 = arith.maximumf %parallel_loop3A_662, %parallel_loop3A_458 : vector<16xf32>
      %parallel_loop3A_774 = arith.subf %parallel_loop3A_772, %parallel_loop3A_773 : vector<16xf32>
      %parallel_loop3A_775 = arith.constant 0.000000e+00 : f32
      %parallel_loop3A_776 = vector.broadcast %parallel_loop3A_775 : f32 to vector<16xf32>
      %parallel_loop3A_777 = arith.maximumf %parallel_loop3A_774, %parallel_loop3A_776 : vector<16xf32>
      %parallel_loop3A_778 = arith.mulf %parallel_loop3A_771, %parallel_loop3A_777 : vector<16xf32>
      %parallel_loop3A_779 = arith.addf %parallel_loop3A_681, %parallel_loop3A_627 : vector<16xf32>
      %parallel_loop3A_780 = arith.subf %parallel_loop3A_779, %parallel_loop3A_778 : vector<16xf32>
      %parallel_loop3A_781 = arith.constant 9.99999993E-9 : f32
      %parallel_loop3A_782 = vector.broadcast %parallel_loop3A_781 : f32 to vector<16xf32>
      %parallel_loop3A_783 = arith.maximumf %parallel_loop3A_780, %parallel_loop3A_782 : vector<16xf32>
      %parallel_loop3A_784 = arith.mulf %parallel_loop3A_778, %parallel_loop3A_761 : vector<16xf32>
      %parallel_loop3A_785 = arith.mulf %parallel_loop3A_760, %parallel_loop3A_783 : vector<16xf32>
      %parallel_loop3A_786 = arith.cmpf oge, %parallel_loop3A_784, %parallel_loop3A_785 : vector<16xf32>
      %parallel_loop3A_787 = arith.select %parallel_loop3A_786, %parallel_loop3A_778, %parallel_loop3A_760 : vector<16xi1>, vector<16xf32>
      %parallel_loop3A_788 = arith.select %parallel_loop3A_786, %parallel_loop3A_783, %parallel_loop3A_761 : vector<16xi1>, vector<16xf32>
      %parallel_loop3A_789 = arith.select %parallel_loop3A_786, %parallel_loop3A_451, %parallel_loop3A_762 : vector<16xi1>, vector<16xf32>
      %parallel_loop3A_790 = arith.select %parallel_loop3A_786, %parallel_loop3A_458, %parallel_loop3A_763 : vector<16xi1>, vector<16xf32>
      %parallel_loop3A_791 = arith.select %parallel_loop3A_786, %parallel_loop3A_465, %parallel_loop3A_764 : vector<16xi1>, vector<16xf32>
      %parallel_loop3A_792 = arith.select %parallel_loop3A_786, %parallel_loop3A_472, %parallel_loop3A_765 : vector<16xi1>, vector<16xf32>
      %parallel_loop3A_793 = arith.minimumf %parallel_loop3A_667, %parallel_loop3A_493 : vector<16xf32>
      %parallel_loop3A_794 = arith.maximumf %parallel_loop3A_657, %parallel_loop3A_479 : vector<16xf32>
      %parallel_loop3A_795 = arith.subf %parallel_loop3A_793, %parallel_loop3A_794 : vector<16xf32>
      %parallel_loop3A_796 = arith.constant 0.000000e+00 : f32
      %parallel_loop3A_797 = vector.broadcast %parallel_loop3A_796 : f32 to vector<16xf32>
      %parallel_loop3A_798 = arith.maximumf %parallel_loop3A_795, %parallel_loop3A_797 : vector<16xf32>
      %parallel_loop3A_799 = arith.minimumf %parallel_loop3A_672, %parallel_loop3A_500 : vector<16xf32>
      %parallel_loop3A_800 = arith.maximumf %parallel_loop3A_662, %parallel_loop3A_486 : vector<16xf32>
      %parallel_loop3A_801 = arith.subf %parallel_loop3A_799, %parallel_loop3A_800 : vector<16xf32>
      %parallel_loop3A_802 = arith.constant 0.000000e+00 : f32
      %parallel_loop3A_803 = vector.broadcast %parallel_loop3A_802 : f32 to vector<16xf32>
      %parallel_loop3A_804 = arith.maximumf %parallel_loop3A_801, %parallel_loop3A_803 : vector<16xf32>
      %parallel_loop3A_805 = arith.mulf %parallel_loop3A_798, %parallel_loop3A_804 : vector<16xf32>
      %parallel_loop3A_806 = arith.addf %parallel_loop3A_681, %parallel_loop3A_632 : vector<16xf32>
      %parallel_loop3A_807 = arith.subf %parallel_loop3A_806, %parallel_loop3A_805 : vector<16xf32>
      %parallel_loop3A_808 = arith.constant 9.99999993E-9 : f32
      %parallel_loop3A_809 = vector.broadcast %parallel_loop3A_808 : f32 to vector<16xf32>
      %parallel_loop3A_810 = arith.maximumf %parallel_loop3A_807, %parallel_loop3A_809 : vector<16xf32>
      %parallel_loop3A_811 = arith.mulf %parallel_loop3A_805, %parallel_loop3A_788 : vector<16xf32>
      %parallel_loop3A_812 = arith.mulf %parallel_loop3A_787, %parallel_loop3A_810 : vector<16xf32>
      %parallel_loop3A_813 = arith.cmpf oge, %parallel_loop3A_811, %parallel_loop3A_812 : vector<16xf32>
      %parallel_loop3A_814 = arith.select %parallel_loop3A_813, %parallel_loop3A_805, %parallel_loop3A_787 : vector<16xi1>, vector<16xf32>
      %parallel_loop3A_815 = arith.select %parallel_loop3A_813, %parallel_loop3A_810, %parallel_loop3A_788 : vector<16xi1>, vector<16xf32>
      %parallel_loop3A_816 = arith.select %parallel_loop3A_813, %parallel_loop3A_479, %parallel_loop3A_789 : vector<16xi1>, vector<16xf32>
      %parallel_loop3A_817 = arith.select %parallel_loop3A_813, %parallel_loop3A_486, %parallel_loop3A_790 : vector<16xi1>, vector<16xf32>
      %parallel_loop3A_818 = arith.select %parallel_loop3A_813, %parallel_loop3A_493, %parallel_loop3A_791 : vector<16xi1>, vector<16xf32>
      %parallel_loop3A_819 = arith.select %parallel_loop3A_813, %parallel_loop3A_500, %parallel_loop3A_792 : vector<16xi1>, vector<16xf32>
      %parallel_loop3A_820 = arith.minimumf %parallel_loop3A_667, %parallel_loop3A_521 : vector<16xf32>
      %parallel_loop3A_821 = arith.maximumf %parallel_loop3A_657, %parallel_loop3A_507 : vector<16xf32>
      %parallel_loop3A_822 = arith.subf %parallel_loop3A_820, %parallel_loop3A_821 : vector<16xf32>
      %parallel_loop3A_823 = arith.constant 0.000000e+00 : f32
      %parallel_loop3A_824 = vector.broadcast %parallel_loop3A_823 : f32 to vector<16xf32>
      %parallel_loop3A_825 = arith.maximumf %parallel_loop3A_822, %parallel_loop3A_824 : vector<16xf32>
      %parallel_loop3A_826 = arith.minimumf %parallel_loop3A_672, %parallel_loop3A_528 : vector<16xf32>
      %parallel_loop3A_827 = arith.maximumf %parallel_loop3A_662, %parallel_loop3A_514 : vector<16xf32>
      %parallel_loop3A_828 = arith.subf %parallel_loop3A_826, %parallel_loop3A_827 : vector<16xf32>
      %parallel_loop3A_829 = arith.constant 0.000000e+00 : f32
      %parallel_loop3A_830 = vector.broadcast %parallel_loop3A_829 : f32 to vector<16xf32>
      %parallel_loop3A_831 = arith.maximumf %parallel_loop3A_828, %parallel_loop3A_830 : vector<16xf32>
      %parallel_loop3A_832 = arith.mulf %parallel_loop3A_825, %parallel_loop3A_831 : vector<16xf32>
      %parallel_loop3A_833 = arith.addf %parallel_loop3A_681, %parallel_loop3A_637 : vector<16xf32>
      %parallel_loop3A_834 = arith.subf %parallel_loop3A_833, %parallel_loop3A_832 : vector<16xf32>
      %parallel_loop3A_835 = arith.constant 9.99999993E-9 : f32
      %parallel_loop3A_836 = vector.broadcast %parallel_loop3A_835 : f32 to vector<16xf32>
      %parallel_loop3A_837 = arith.maximumf %parallel_loop3A_834, %parallel_loop3A_836 : vector<16xf32>
      %parallel_loop3A_838 = arith.mulf %parallel_loop3A_832, %parallel_loop3A_815 : vector<16xf32>
      %parallel_loop3A_839 = arith.mulf %parallel_loop3A_814, %parallel_loop3A_837 : vector<16xf32>
      %parallel_loop3A_840 = arith.cmpf oge, %parallel_loop3A_838, %parallel_loop3A_839 : vector<16xf32>
      %parallel_loop3A_841 = arith.select %parallel_loop3A_840, %parallel_loop3A_832, %parallel_loop3A_814 : vector<16xi1>, vector<16xf32>
      %parallel_loop3A_842 = arith.select %parallel_loop3A_840, %parallel_loop3A_837, %parallel_loop3A_815 : vector<16xi1>, vector<16xf32>
      %parallel_loop3A_843 = arith.select %parallel_loop3A_840, %parallel_loop3A_507, %parallel_loop3A_816 : vector<16xi1>, vector<16xf32>
      %parallel_loop3A_844 = arith.select %parallel_loop3A_840, %parallel_loop3A_514, %parallel_loop3A_817 : vector<16xi1>, vector<16xf32>
      %parallel_loop3A_845 = arith.select %parallel_loop3A_840, %parallel_loop3A_521, %parallel_loop3A_818 : vector<16xi1>, vector<16xf32>
      %parallel_loop3A_846 = arith.select %parallel_loop3A_840, %parallel_loop3A_528, %parallel_loop3A_819 : vector<16xi1>, vector<16xf32>
      %parallel_loop3A_847 = arith.minimumf %parallel_loop3A_667, %parallel_loop3A_549 : vector<16xf32>
      %parallel_loop3A_848 = arith.maximumf %parallel_loop3A_657, %parallel_loop3A_535 : vector<16xf32>
      %parallel_loop3A_849 = arith.subf %parallel_loop3A_847, %parallel_loop3A_848 : vector<16xf32>
      %parallel_loop3A_850 = arith.constant 0.000000e+00 : f32
      %parallel_loop3A_851 = vector.broadcast %parallel_loop3A_850 : f32 to vector<16xf32>
      %parallel_loop3A_852 = arith.maximumf %parallel_loop3A_849, %parallel_loop3A_851 : vector<16xf32>
      %parallel_loop3A_853 = arith.minimumf %parallel_loop3A_672, %parallel_loop3A_556 : vector<16xf32>
      %parallel_loop3A_854 = arith.maximumf %parallel_loop3A_662, %parallel_loop3A_542 : vector<16xf32>
      %parallel_loop3A_855 = arith.subf %parallel_loop3A_853, %parallel_loop3A_854 : vector<16xf32>
      %parallel_loop3A_856 = arith.constant 0.000000e+00 : f32
      %parallel_loop3A_857 = vector.broadcast %parallel_loop3A_856 : f32 to vector<16xf32>
      %parallel_loop3A_858 = arith.maximumf %parallel_loop3A_855, %parallel_loop3A_857 : vector<16xf32>
      %parallel_loop3A_859 = arith.mulf %parallel_loop3A_852, %parallel_loop3A_858 : vector<16xf32>
      %parallel_loop3A_860 = arith.addf %parallel_loop3A_681, %parallel_loop3A_642 : vector<16xf32>
      %parallel_loop3A_861 = arith.subf %parallel_loop3A_860, %parallel_loop3A_859 : vector<16xf32>
      %parallel_loop3A_862 = arith.constant 9.99999993E-9 : f32
      %parallel_loop3A_863 = vector.broadcast %parallel_loop3A_862 : f32 to vector<16xf32>
      %parallel_loop3A_864 = arith.maximumf %parallel_loop3A_861, %parallel_loop3A_863 : vector<16xf32>
      %parallel_loop3A_865 = arith.mulf %parallel_loop3A_859, %parallel_loop3A_842 : vector<16xf32>
      %parallel_loop3A_866 = arith.mulf %parallel_loop3A_841, %parallel_loop3A_864 : vector<16xf32>
      %parallel_loop3A_867 = arith.cmpf oge, %parallel_loop3A_865, %parallel_loop3A_866 : vector<16xf32>
      %parallel_loop3A_868 = arith.select %parallel_loop3A_867, %parallel_loop3A_859, %parallel_loop3A_841 : vector<16xi1>, vector<16xf32>
      %parallel_loop3A_869 = arith.select %parallel_loop3A_867, %parallel_loop3A_864, %parallel_loop3A_842 : vector<16xi1>, vector<16xf32>
      %parallel_loop3A_870 = arith.select %parallel_loop3A_867, %parallel_loop3A_535, %parallel_loop3A_843 : vector<16xi1>, vector<16xf32>
      %parallel_loop3A_871 = arith.select %parallel_loop3A_867, %parallel_loop3A_542, %parallel_loop3A_844 : vector<16xi1>, vector<16xf32>
      %parallel_loop3A_872 = arith.select %parallel_loop3A_867, %parallel_loop3A_549, %parallel_loop3A_845 : vector<16xi1>, vector<16xf32>
      %parallel_loop3A_873 = arith.select %parallel_loop3A_867, %parallel_loop3A_556, %parallel_loop3A_846 : vector<16xi1>, vector<16xf32>
      %parallel_loop3A_874 = arith.minimumf %parallel_loop3A_667, %parallel_loop3A_577 : vector<16xf32>
      %parallel_loop3A_875 = arith.maximumf %parallel_loop3A_657, %parallel_loop3A_563 : vector<16xf32>
      %parallel_loop3A_876 = arith.subf %parallel_loop3A_874, %parallel_loop3A_875 : vector<16xf32>
      %parallel_loop3A_877 = arith.constant 0.000000e+00 : f32
      %parallel_loop3A_878 = vector.broadcast %parallel_loop3A_877 : f32 to vector<16xf32>
      %parallel_loop3A_879 = arith.maximumf %parallel_loop3A_876, %parallel_loop3A_878 : vector<16xf32>
      %parallel_loop3A_880 = arith.minimumf %parallel_loop3A_672, %parallel_loop3A_584 : vector<16xf32>
      %parallel_loop3A_881 = arith.maximumf %parallel_loop3A_662, %parallel_loop3A_570 : vector<16xf32>
      %parallel_loop3A_882 = arith.subf %parallel_loop3A_880, %parallel_loop3A_881 : vector<16xf32>
      %parallel_loop3A_883 = arith.constant 0.000000e+00 : f32
      %parallel_loop3A_884 = vector.broadcast %parallel_loop3A_883 : f32 to vector<16xf32>
      %parallel_loop3A_885 = arith.maximumf %parallel_loop3A_882, %parallel_loop3A_884 : vector<16xf32>
      %parallel_loop3A_886 = arith.mulf %parallel_loop3A_879, %parallel_loop3A_885 : vector<16xf32>
      %parallel_loop3A_887 = arith.addf %parallel_loop3A_681, %parallel_loop3A_647 : vector<16xf32>
      %parallel_loop3A_888 = arith.subf %parallel_loop3A_887, %parallel_loop3A_886 : vector<16xf32>
      %parallel_loop3A_889 = arith.constant 9.99999993E-9 : f32
      %parallel_loop3A_890 = vector.broadcast %parallel_loop3A_889 : f32 to vector<16xf32>
      %parallel_loop3A_891 = arith.maximumf %parallel_loop3A_888, %parallel_loop3A_890 : vector<16xf32>
      %parallel_loop3A_892 = arith.mulf %parallel_loop3A_886, %parallel_loop3A_869 : vector<16xf32>
      %parallel_loop3A_893 = arith.mulf %parallel_loop3A_868, %parallel_loop3A_891 : vector<16xf32>
      %parallel_loop3A_894 = arith.cmpf oge, %parallel_loop3A_892, %parallel_loop3A_893 : vector<16xf32>
      %parallel_loop3A_895 = arith.select %parallel_loop3A_894, %parallel_loop3A_886, %parallel_loop3A_868 : vector<16xi1>, vector<16xf32>
      %parallel_loop3A_896 = arith.select %parallel_loop3A_894, %parallel_loop3A_891, %parallel_loop3A_869 : vector<16xi1>, vector<16xf32>
      %parallel_loop3A_897 = arith.select %parallel_loop3A_894, %parallel_loop3A_563, %parallel_loop3A_870 : vector<16xi1>, vector<16xf32>
      %parallel_loop3A_898 = arith.select %parallel_loop3A_894, %parallel_loop3A_570, %parallel_loop3A_871 : vector<16xi1>, vector<16xf32>
      %parallel_loop3A_899 = arith.select %parallel_loop3A_894, %parallel_loop3A_577, %parallel_loop3A_872 : vector<16xi1>, vector<16xf32>
      %parallel_loop3A_900 = arith.select %parallel_loop3A_894, %parallel_loop3A_584, %parallel_loop3A_873 : vector<16xi1>, vector<16xf32>
      %parallel_loop3A_901 = arith.minimumf %parallel_loop3A_667, %parallel_loop3A_605 : vector<16xf32>
      %parallel_loop3A_902 = arith.maximumf %parallel_loop3A_657, %parallel_loop3A_591 : vector<16xf32>
      %parallel_loop3A_903 = arith.subf %parallel_loop3A_901, %parallel_loop3A_902 : vector<16xf32>
      %parallel_loop3A_904 = arith.constant 0.000000e+00 : f32
      %parallel_loop3A_905 = vector.broadcast %parallel_loop3A_904 : f32 to vector<16xf32>
      %parallel_loop3A_906 = arith.maximumf %parallel_loop3A_903, %parallel_loop3A_905 : vector<16xf32>
      %parallel_loop3A_907 = arith.minimumf %parallel_loop3A_672, %parallel_loop3A_612 : vector<16xf32>
      %parallel_loop3A_908 = arith.maximumf %parallel_loop3A_662, %parallel_loop3A_598 : vector<16xf32>
      %parallel_loop3A_909 = arith.subf %parallel_loop3A_907, %parallel_loop3A_908 : vector<16xf32>
      %parallel_loop3A_910 = arith.constant 0.000000e+00 : f32
      %parallel_loop3A_911 = vector.broadcast %parallel_loop3A_910 : f32 to vector<16xf32>
      %parallel_loop3A_912 = arith.maximumf %parallel_loop3A_909, %parallel_loop3A_911 : vector<16xf32>
      %parallel_loop3A_913 = arith.mulf %parallel_loop3A_906, %parallel_loop3A_912 : vector<16xf32>
      %parallel_loop3A_914 = arith.addf %parallel_loop3A_681, %parallel_loop3A_652 : vector<16xf32>
      %parallel_loop3A_915 = arith.subf %parallel_loop3A_914, %parallel_loop3A_913 : vector<16xf32>
      %parallel_loop3A_916 = arith.constant 9.99999993E-9 : f32
      %parallel_loop3A_917 = vector.broadcast %parallel_loop3A_916 : f32 to vector<16xf32>
      %parallel_loop3A_918 = arith.maximumf %parallel_loop3A_915, %parallel_loop3A_917 : vector<16xf32>
      %parallel_loop3A_919 = arith.mulf %parallel_loop3A_913, %parallel_loop3A_896 : vector<16xf32>
      %parallel_loop3A_920 = arith.mulf %parallel_loop3A_895, %parallel_loop3A_918 : vector<16xf32>
      %parallel_loop3A_921 = arith.cmpf oge, %parallel_loop3A_919, %parallel_loop3A_920 : vector<16xf32>
      %parallel_loop3A_922 = arith.select %parallel_loop3A_921, %parallel_loop3A_913, %parallel_loop3A_895 : vector<16xi1>, vector<16xf32>
      %parallel_loop3A_923 = arith.select %parallel_loop3A_921, %parallel_loop3A_918, %parallel_loop3A_896 : vector<16xi1>, vector<16xf32>
      %parallel_loop3A_924 = arith.select %parallel_loop3A_921, %parallel_loop3A_591, %parallel_loop3A_897 : vector<16xi1>, vector<16xf32>
      %parallel_loop3A_925 = arith.select %parallel_loop3A_921, %parallel_loop3A_598, %parallel_loop3A_898 : vector<16xi1>, vector<16xf32>
      %parallel_loop3A_926 = arith.select %parallel_loop3A_921, %parallel_loop3A_605, %parallel_loop3A_899 : vector<16xi1>, vector<16xf32>
      %parallel_loop3A_927 = arith.select %parallel_loop3A_921, %parallel_loop3A_612, %parallel_loop3A_900 : vector<16xi1>, vector<16xf32>
      %parallel_loop3A_928 = arith.constant 0 : i32
      %parallel_loop3A_929 = arith.index_cast %parallel_loop3A_928 : i32 to index
      %parallel_loop3A_930 = arith.index_cast %parallel_loop3A_388 : i32 to index
      %parallel_loop3A_931 = tpu.vector_load %arg13[%parallel_loop3A_929, %parallel_loop3A_930] {strides = array<i32>} : memref<6x2512xf32, #tpu.memory_space<vmem>>, vector<1x16xf32>,
      %parallel_loop3A_932 = vector.shape_cast %parallel_loop3A_931 : vector<1x16xf32> to vector<16xf32>
      %parallel_loop3A_933 = vector.shape_cast %parallel_loop3A_922 : vector<16xf32> to vector<1x16xf32>
      tpu.vector_store %arg13[%parallel_loop3A_929, %parallel_loop3A_930], %parallel_loop3A_933 {strides = array<i32>} : memref<6x2512xf32, #tpu.memory_space<vmem>>, vector<1x16xf32>,
      %parallel_loop3A_934 = arith.constant 1 : i32
      %parallel_loop3A_935 = arith.index_cast %parallel_loop3A_934 : i32 to index
      %parallel_loop3A_936 = arith.index_cast %parallel_loop3A_388 : i32 to index
      %parallel_loop3A_937 = tpu.vector_load %arg13[%parallel_loop3A_935, %parallel_loop3A_936] {strides = array<i32>} : memref<6x2512xf32, #tpu.memory_space<vmem>>, vector<1x16xf32>,
      %parallel_loop3A_938 = vector.shape_cast %parallel_loop3A_937 : vector<1x16xf32> to vector<16xf32>
      %parallel_loop3A_939 = vector.shape_cast %parallel_loop3A_923 : vector<16xf32> to vector<1x16xf32>
      tpu.vector_store %arg13[%parallel_loop3A_935, %parallel_loop3A_936], %parallel_loop3A_939 {strides = array<i32>} : memref<6x2512xf32, #tpu.memory_space<vmem>>, vector<1x16xf32>,
      %parallel_loop3A_940 = arith.constant 2 : i32
      %parallel_loop3A_941 = arith.index_cast %parallel_loop3A_940 : i32 to index
      %parallel_loop3A_942 = arith.index_cast %parallel_loop3A_388 : i32 to index
      %parallel_loop3A_943 = tpu.vector_load %arg13[%parallel_loop3A_941, %parallel_loop3A_942] {strides = array<i32>} : memref<6x2512xf32, #tpu.memory_space<vmem>>, vector<1x16xf32>,
      %parallel_loop3A_944 = vector.shape_cast %parallel_loop3A_943 : vector<1x16xf32> to vector<16xf32>
      %parallel_loop3A_945 = vector.shape_cast %parallel_loop3A_924 : vector<16xf32> to vector<1x16xf32>
      tpu.vector_store %arg13[%parallel_loop3A_941, %parallel_loop3A_942], %parallel_loop3A_945 {strides = array<i32>} : memref<6x2512xf32, #tpu.memory_space<vmem>>, vector<1x16xf32>,
      %parallel_loop3A_946 = arith.constant 3 : i32
      %parallel_loop3A_947 = arith.index_cast %parallel_loop3A_946 : i32 to index
      %parallel_loop3A_948 = arith.index_cast %parallel_loop3A_388 : i32 to index
      %parallel_loop3A_949 = tpu.vector_load %arg13[%parallel_loop3A_947, %parallel_loop3A_948] {strides = array<i32>} : memref<6x2512xf32, #tpu.memory_space<vmem>>, vector<1x16xf32>,
      %parallel_loop3A_950 = vector.shape_cast %parallel_loop3A_949 : vector<1x16xf32> to vector<16xf32>
      %parallel_loop3A_951 = vector.shape_cast %parallel_loop3A_925 : vector<16xf32> to vector<1x16xf32>
      tpu.vector_store %arg13[%parallel_loop3A_947, %parallel_loop3A_948], %parallel_loop3A_951 {strides = array<i32>} : memref<6x2512xf32, #tpu.memory_space<vmem>>, vector<1x16xf32>,
      %parallel_loop3A_952 = arith.constant 4 : i32
      %parallel_loop3A_953 = arith.index_cast %parallel_loop3A_952 : i32 to index
      %parallel_loop3A_954 = arith.index_cast %parallel_loop3A_388 : i32 to index
      %parallel_loop3A_955 = tpu.vector_load %arg13[%parallel_loop3A_953, %parallel_loop3A_954] {strides = array<i32>} : memref<6x2512xf32, #tpu.memory_space<vmem>>, vector<1x16xf32>,
      %parallel_loop3A_956 = vector.shape_cast %parallel_loop3A_955 : vector<1x16xf32> to vector<16xf32>
      %parallel_loop3A_957 = vector.shape_cast %parallel_loop3A_926 : vector<16xf32> to vector<1x16xf32>
      tpu.vector_store %arg13[%parallel_loop3A_953, %parallel_loop3A_954], %parallel_loop3A_957 {strides = array<i32>} : memref<6x2512xf32, #tpu.memory_space<vmem>>, vector<1x16xf32>,
      %parallel_loop3A_958 = arith.constant 5 : i32
      %parallel_loop3A_959 = arith.index_cast %parallel_loop3A_958 : i32 to index
      %parallel_loop3A_960 = arith.index_cast %parallel_loop3A_388 : i32 to index
      %parallel_loop3A_961 = tpu.vector_load %arg13[%parallel_loop3A_959, %parallel_loop3A_960] {strides = array<i32>} : memref<6x2512xf32, #tpu.memory_space<vmem>>, vector<1x16xf32>,
      %parallel_loop3A_962 = vector.shape_cast %parallel_loop3A_961 : vector<1x16xf32> to vector<16xf32>
      %parallel_loop3A_963 = vector.shape_cast %parallel_loop3A_927 : vector<16xf32> to vector<1x16xf32>
      tpu.vector_store %arg13[%parallel_loop3A_959, %parallel_loop3A_960], %parallel_loop3A_963 {strides = array<i32>} : memref<6x2512xf32, #tpu.memory_space<vmem>>, vector<1x16xf32>,
    } {sc.loop_unroll_factor = 2 : i64, sc.parallel_access}
    %broadcast_in_dim3A = arith.constant 0.000000e+00 : f32
    %broadcast_in_dim3A_103 = vector.broadcast %broadcast_in_dim3A : f32 to vector<16xf32>
    %get3A = arith.constant 24 : i32
    %get3A_104 = arith.constant 0 : i32
    %get3A_105 = arith.index_cast %get3A : i32 to index
    %get3A_106 = arith.index_cast %get3A_104 : i32 to index
    %get3A_107 = arith.constant 0 : index
    %get3A_108 = tpu.vector_load %arg11[%get3A_105, %get3A_106, %get3A_107] {strides = array<i32>} : memref<32x4x16xf32, #tpu.memory_space<vmem>>, vector<1x1x16xf32>,
    %get3A_109 = vector.shape_cast %get3A_108 : vector<1x1x16xf32> to vector<16xf32>
    %get3A_110 = arith.constant 24 : i32
    %get3A_111 = arith.constant 1 : i32
    %get3A_112 = arith.index_cast %get3A_110 : i32 to index
    %get3A_113 = arith.index_cast %get3A_111 : i32 to index
    %get3A_114 = arith.constant 0 : index
    %get3A_115 = tpu.vector_load %arg11[%get3A_112, %get3A_113, %get3A_114] {strides = array<i32>} : memref<32x4x16xf32, #tpu.memory_space<vmem>>, vector<1x1x16xf32>,
    %get3A_116 = vector.shape_cast %get3A_115 : vector<1x1x16xf32> to vector<16xf32>
    %get3A_117 = arith.constant 24 : i32
    %get3A_118 = arith.constant 2 : i32
    %get3A_119 = arith.index_cast %get3A_117 : i32 to index
    %get3A_120 = arith.index_cast %get3A_118 : i32 to index
    %get3A_121 = arith.constant 0 : index
    %get3A_122 = tpu.vector_load %arg11[%get3A_119, %get3A_120, %get3A_121] {strides = array<i32>} : memref<32x4x16xf32, #tpu.memory_space<vmem>>, vector<1x1x16xf32>,
    %get3A_123 = vector.shape_cast %get3A_122 : vector<1x1x16xf32> to vector<16xf32>
    %get3A_124 = arith.constant 24 : i32
    %get3A_125 = arith.constant 3 : i32
    %get3A_126 = arith.index_cast %get3A_124 : i32 to index
    %get3A_127 = arith.index_cast %get3A_125 : i32 to index
    %get3A_128 = arith.constant 0 : index
    %get3A_129 = tpu.vector_load %arg11[%get3A_126, %get3A_127, %get3A_128] {strides = array<i32>} : memref<32x4x16xf32, #tpu.memory_space<vmem>>, vector<1x1x16xf32>,
    %get3A_130 = vector.shape_cast %get3A_129 : vector<1x1x16xf32> to vector<16xf32>
    %get3A_131 = arith.constant 25 : i32
    %get3A_132 = arith.constant 0 : i32
    %get3A_133 = arith.index_cast %get3A_131 : i32 to index
    %get3A_134 = arith.index_cast %get3A_132 : i32 to index
    %get3A_135 = arith.constant 0 : index
    %get3A_136 = tpu.vector_load %arg11[%get3A_133, %get3A_134, %get3A_135] {strides = array<i32>} : memref<32x4x16xf32, #tpu.memory_space<vmem>>, vector<1x1x16xf32>,
    %get3A_137 = vector.shape_cast %get3A_136 : vector<1x1x16xf32> to vector<16xf32>
    %get3A_138 = arith.constant 25 : i32
    %get3A_139 = arith.constant 1 : i32
    %get3A_140 = arith.index_cast %get3A_138 : i32 to index
    %get3A_141 = arith.index_cast %get3A_139 : i32 to index
    %get3A_142 = arith.constant 0 : index
    %get3A_143 = tpu.vector_load %arg11[%get3A_140, %get3A_141, %get3A_142] {strides = array<i32>} : memref<32x4x16xf32, #tpu.memory_space<vmem>>, vector<1x1x16xf32>,
    %get3A_144 = vector.shape_cast %get3A_143 : vector<1x1x16xf32> to vector<16xf32>
    %get3A_145 = arith.constant 25 : i32
    %get3A_146 = arith.constant 2 : i32
    %get3A_147 = arith.index_cast %get3A_145 : i32 to index
    %get3A_148 = arith.index_cast %get3A_146 : i32 to index
    %get3A_149 = arith.constant 0 : index
    %get3A_150 = tpu.vector_load %arg11[%get3A_147, %get3A_148, %get3A_149] {strides = array<i32>} : memref<32x4x16xf32, #tpu.memory_space<vmem>>, vector<1x1x16xf32>,
    %get3A_151 = vector.shape_cast %get3A_150 : vector<1x1x16xf32> to vector<16xf32>
    %get3A_152 = arith.constant 25 : i32
    %get3A_153 = arith.constant 3 : i32
    %get3A_154 = arith.index_cast %get3A_152 : i32 to index
    %get3A_155 = arith.index_cast %get3A_153 : i32 to index
    %get3A_156 = arith.constant 0 : index
    %get3A_157 = tpu.vector_load %arg11[%get3A_154, %get3A_155, %get3A_156] {strides = array<i32>} : memref<32x4x16xf32, #tpu.memory_space<vmem>>, vector<1x1x16xf32>,
    %get3A_158 = vector.shape_cast %get3A_157 : vector<1x1x16xf32> to vector<16xf32>
    %get3A_159 = arith.constant 26 : i32
    %get3A_160 = arith.constant 0 : i32
    %get3A_161 = arith.index_cast %get3A_159 : i32 to index
    %get3A_162 = arith.index_cast %get3A_160 : i32 to index
    %get3A_163 = arith.constant 0 : index
    %get3A_164 = tpu.vector_load %arg11[%get3A_161, %get3A_162, %get3A_163] {strides = array<i32>} : memref<32x4x16xf32, #tpu.memory_space<vmem>>, vector<1x1x16xf32>,
    %get3A_165 = vector.shape_cast %get3A_164 : vector<1x1x16xf32> to vector<16xf32>
    %get3A_166 = arith.constant 26 : i32
    %get3A_167 = arith.constant 1 : i32
    %get3A_168 = arith.index_cast %get3A_166 : i32 to index
    %get3A_169 = arith.index_cast %get3A_167 : i32 to index
    %get3A_170 = arith.constant 0 : index
    %get3A_171 = tpu.vector_load %arg11[%get3A_168, %get3A_169, %get3A_170] {strides = array<i32>} : memref<32x4x16xf32, #tpu.memory_space<vmem>>, vector<1x1x16xf32>,
    %get3A_172 = vector.shape_cast %get3A_171 : vector<1x1x16xf32> to vector<16xf32>
    %get3A_173 = arith.constant 26 : i32
    %get3A_174 = arith.constant 2 : i32
    %get3A_175 = arith.index_cast %get3A_173 : i32 to index
    %get3A_176 = arith.index_cast %get3A_174 : i32 to index
    %get3A_177 = arith.constant 0 : index
    %get3A_178 = tpu.vector_load %arg11[%get3A_175, %get3A_176, %get3A_177] {strides = array<i32>} : memref<32x4x16xf32, #tpu.memory_space<vmem>>, vector<1x1x16xf32>,
    %get3A_179 = vector.shape_cast %get3A_178 : vector<1x1x16xf32> to vector<16xf32>
    %get3A_180 = arith.constant 26 : i32
    %get3A_181 = arith.constant 3 : i32
    %get3A_182 = arith.index_cast %get3A_180 : i32 to index
    %get3A_183 = arith.index_cast %get3A_181 : i32 to index
    %get3A_184 = arith.constant 0 : index
    %get3A_185 = tpu.vector_load %arg11[%get3A_182, %get3A_183, %get3A_184] {strides = array<i32>} : memref<32x4x16xf32, #tpu.memory_space<vmem>>, vector<1x1x16xf32>,
    %get3A_186 = vector.shape_cast %get3A_185 : vector<1x1x16xf32> to vector<16xf32>
    %get3A_187 = arith.constant 27 : i32
    %get3A_188 = arith.constant 0 : i32
    %get3A_189 = arith.index_cast %get3A_187 : i32 to index
    %get3A_190 = arith.index_cast %get3A_188 : i32 to index
    %get3A_191 = arith.constant 0 : index
    %get3A_192 = tpu.vector_load %arg11[%get3A_189, %get3A_190, %get3A_191] {strides = array<i32>} : memref<32x4x16xf32, #tpu.memory_space<vmem>>, vector<1x1x16xf32>,
    %get3A_193 = vector.shape_cast %get3A_192 : vector<1x1x16xf32> to vector<16xf32>
    %get3A_194 = arith.constant 27 : i32
    %get3A_195 = arith.constant 1 : i32
    %get3A_196 = arith.index_cast %get3A_194 : i32 to index
    %get3A_197 = arith.index_cast %get3A_195 : i32 to index
    %get3A_198 = arith.constant 0 : index
    %get3A_199 = tpu.vector_load %arg11[%get3A_196, %get3A_197, %get3A_198] {strides = array<i32>} : memref<32x4x16xf32, #tpu.memory_space<vmem>>, vector<1x1x16xf32>,
    %get3A_200 = vector.shape_cast %get3A_199 : vector<1x1x16xf32> to vector<16xf32>
    %get3A_201 = arith.constant 27 : i32
    %get3A_202 = arith.constant 2 : i32
    %get3A_203 = arith.index_cast %get3A_201 : i32 to index
    %get3A_204 = arith.index_cast %get3A_202 : i32 to index
    %get3A_205 = arith.constant 0 : index
    %get3A_206 = tpu.vector_load %arg11[%get3A_203, %get3A_204, %get3A_205] {strides = array<i32>} : memref<32x4x16xf32, #tpu.memory_space<vmem>>, vector<1x1x16xf32>,
    %get3A_207 = vector.shape_cast %get3A_206 : vector<1x1x16xf32> to vector<16xf32>
    %get3A_208 = arith.constant 27 : i32
    %get3A_209 = arith.constant 3 : i32
    %get3A_210 = arith.index_cast %get3A_208 : i32 to index
    %get3A_211 = arith.index_cast %get3A_209 : i32 to index
    %get3A_212 = arith.constant 0 : index
    %get3A_213 = tpu.vector_load %arg11[%get3A_210, %get3A_211, %get3A_212] {strides = array<i32>} : memref<32x4x16xf32, #tpu.memory_space<vmem>>, vector<1x1x16xf32>,
    %get3A_214 = vector.shape_cast %get3A_213 : vector<1x1x16xf32> to vector<16xf32>
    %get3A_215 = arith.constant 28 : i32
    %get3A_216 = arith.constant 0 : i32
    %get3A_217 = arith.index_cast %get3A_215 : i32 to index
    %get3A_218 = arith.index_cast %get3A_216 : i32 to index
    %get3A_219 = arith.constant 0 : index
    %get3A_220 = tpu.vector_load %arg11[%get3A_217, %get3A_218, %get3A_219] {strides = array<i32>} : memref<32x4x16xf32, #tpu.memory_space<vmem>>, vector<1x1x16xf32>,
    %get3A_221 = vector.shape_cast %get3A_220 : vector<1x1x16xf32> to vector<16xf32>
    %get3A_222 = arith.constant 28 : i32
    %get3A_223 = arith.constant 1 : i32
    %get3A_224 = arith.index_cast %get3A_222 : i32 to index
    %get3A_225 = arith.index_cast %get3A_223 : i32 to index
    %get3A_226 = arith.constant 0 : index
    %get3A_227 = tpu.vector_load %arg11[%get3A_224, %get3A_225, %get3A_226] {strides = array<i32>} : memref<32x4x16xf32, #tpu.memory_space<vmem>>, vector<1x1x16xf32>,
    %get3A_228 = vector.shape_cast %get3A_227 : vector<1x1x16xf32> to vector<16xf32>
    %get3A_229 = arith.constant 28 : i32
    %get3A_230 = arith.constant 2 : i32
    %get3A_231 = arith.index_cast %get3A_229 : i32 to index
    %get3A_232 = arith.index_cast %get3A_230 : i32 to index
    %get3A_233 = arith.constant 0 : index
    %get3A_234 = tpu.vector_load %arg11[%get3A_231, %get3A_232, %get3A_233] {strides = array<i32>} : memref<32x4x16xf32, #tpu.memory_space<vmem>>, vector<1x1x16xf32>,
    %get3A_235 = vector.shape_cast %get3A_234 : vector<1x1x16xf32> to vector<16xf32>
    %get3A_236 = arith.constant 28 : i32
    %get3A_237 = arith.constant 3 : i32
    %get3A_238 = arith.index_cast %get3A_236 : i32 to index
    %get3A_239 = arith.index_cast %get3A_237 : i32 to index
    %get3A_240 = arith.constant 0 : index
    %get3A_241 = tpu.vector_load %arg11[%get3A_238, %get3A_239, %get3A_240] {strides = array<i32>} : memref<32x4x16xf32, #tpu.memory_space<vmem>>, vector<1x1x16xf32>,
    %get3A_242 = vector.shape_cast %get3A_241 : vector<1x1x16xf32> to vector<16xf32>
    %get3A_243 = arith.constant 29 : i32
    %get3A_244 = arith.constant 0 : i32
    %get3A_245 = arith.index_cast %get3A_243 : i32 to index
    %get3A_246 = arith.index_cast %get3A_244 : i32 to index
    %get3A_247 = arith.constant 0 : index
    %get3A_248 = tpu.vector_load %arg11[%get3A_245, %get3A_246, %get3A_247] {strides = array<i32>} : memref<32x4x16xf32, #tpu.memory_space<vmem>>, vector<1x1x16xf32>,
    %get3A_249 = vector.shape_cast %get3A_248 : vector<1x1x16xf32> to vector<16xf32>
    %get3A_250 = arith.constant 29 : i32
    %get3A_251 = arith.constant 1 : i32
    %get3A_252 = arith.index_cast %get3A_250 : i32 to index
    %get3A_253 = arith.index_cast %get3A_251 : i32 to index
    %get3A_254 = arith.constant 0 : index
    %get3A_255 = tpu.vector_load %arg11[%get3A_252, %get3A_253, %get3A_254] {strides = array<i32>} : memref<32x4x16xf32, #tpu.memory_space<vmem>>, vector<1x1x16xf32>,
    %get3A_256 = vector.shape_cast %get3A_255 : vector<1x1x16xf32> to vector<16xf32>
    %get3A_257 = arith.constant 29 : i32
    %get3A_258 = arith.constant 2 : i32
    %get3A_259 = arith.index_cast %get3A_257 : i32 to index
    %get3A_260 = arith.index_cast %get3A_258 : i32 to index
    %get3A_261 = arith.constant 0 : index
    %get3A_262 = tpu.vector_load %arg11[%get3A_259, %get3A_260, %get3A_261] {strides = array<i32>} : memref<32x4x16xf32, #tpu.memory_space<vmem>>, vector<1x1x16xf32>,
    %get3A_263 = vector.shape_cast %get3A_262 : vector<1x1x16xf32> to vector<16xf32>
    %get3A_264 = arith.constant 29 : i32
    %get3A_265 = arith.constant 3 : i32
    %get3A_266 = arith.index_cast %get3A_264 : i32 to index
    %get3A_267 = arith.index_cast %get3A_265 : i32 to index
    %get3A_268 = arith.constant 0 : index
    %get3A_269 = tpu.vector_load %arg11[%get3A_266, %get3A_267, %get3A_268] {strides = array<i32>} : memref<32x4x16xf32, #tpu.memory_space<vmem>>, vector<1x1x16xf32>,
    %get3A_270 = vector.shape_cast %get3A_269 : vector<1x1x16xf32> to vector<16xf32>
    %get3A_271 = arith.constant 30 : i32
    %get3A_272 = arith.constant 0 : i32
    %get3A_273 = arith.index_cast %get3A_271 : i32 to index
    %get3A_274 = arith.index_cast %get3A_272 : i32 to index
    %get3A_275 = arith.constant 0 : index
    %get3A_276 = tpu.vector_load %arg11[%get3A_273, %get3A_274, %get3A_275] {strides = array<i32>} : memref<32x4x16xf32, #tpu.memory_space<vmem>>, vector<1x1x16xf32>,
    %get3A_277 = vector.shape_cast %get3A_276 : vector<1x1x16xf32> to vector<16xf32>
    %get3A_278 = arith.constant 30 : i32
    %get3A_279 = arith.constant 1 : i32
    %get3A_280 = arith.index_cast %get3A_278 : i32 to index
    %get3A_281 = arith.index_cast %get3A_279 : i32 to index
    %get3A_282 = arith.constant 0 : index
    %get3A_283 = tpu.vector_load %arg11[%get3A_280, %get3A_281, %get3A_282] {strides = array<i32>} : memref<32x4x16xf32, #tpu.memory_space<vmem>>, vector<1x1x16xf32>,
    %get3A_284 = vector.shape_cast %get3A_283 : vector<1x1x16xf32> to vector<16xf32>
    %get3A_285 = arith.constant 30 : i32
    %get3A_286 = arith.constant 2 : i32
    %get3A_287 = arith.index_cast %get3A_285 : i32 to index
    %get3A_288 = arith.index_cast %get3A_286 : i32 to index
    %get3A_289 = arith.constant 0 : index
    %get3A_290 = tpu.vector_load %arg11[%get3A_287, %get3A_288, %get3A_289] {strides = array<i32>} : memref<32x4x16xf32, #tpu.memory_space<vmem>>, vector<1x1x16xf32>,
    %get3A_291 = vector.shape_cast %get3A_290 : vector<1x1x16xf32> to vector<16xf32>
    %get3A_292 = arith.constant 30 : i32
    %get3A_293 = arith.constant 3 : i32
    %get3A_294 = arith.index_cast %get3A_292 : i32 to index
    %get3A_295 = arith.index_cast %get3A_293 : i32 to index
    %get3A_296 = arith.constant 0 : index
    %get3A_297 = tpu.vector_load %arg11[%get3A_294, %get3A_295, %get3A_296] {strides = array<i32>} : memref<32x4x16xf32, #tpu.memory_space<vmem>>, vector<1x1x16xf32>,
    %get3A_298 = vector.shape_cast %get3A_297 : vector<1x1x16xf32> to vector<16xf32>
    %get3A_299 = arith.constant 31 : i32
    %get3A_300 = arith.constant 0 : i32
    %get3A_301 = arith.index_cast %get3A_299 : i32 to index
    %get3A_302 = arith.index_cast %get3A_300 : i32 to index
    %get3A_303 = arith.constant 0 : index
    %get3A_304 = tpu.vector_load %arg11[%get3A_301, %get3A_302, %get3A_303] {strides = array<i32>} : memref<32x4x16xf32, #tpu.memory_space<vmem>>, vector<1x1x16xf32>,
    %get3A_305 = vector.shape_cast %get3A_304 : vector<1x1x16xf32> to vector<16xf32>
    %get3A_306 = arith.constant 31 : i32
    %get3A_307 = arith.constant 1 : i32
    %get3A_308 = arith.index_cast %get3A_306 : i32 to index
    %get3A_309 = arith.index_cast %get3A_307 : i32 to index
    %get3A_310 = arith.constant 0 : index
    %get3A_311 = tpu.vector_load %arg11[%get3A_308, %get3A_309, %get3A_310] {strides = array<i32>} : memref<32x4x16xf32, #tpu.memory_space<vmem>>, vector<1x1x16xf32>,
    %get3A_312 = vector.shape_cast %get3A_311 : vector<1x1x16xf32> to vector<16xf32>
    %get3A_313 = arith.constant 31 : i32
    %get3A_314 = arith.constant 2 : i32
    %get3A_315 = arith.index_cast %get3A_313 : i32 to index
    %get3A_316 = arith.index_cast %get3A_314 : i32 to index
    %get3A_317 = arith.constant 0 : index
    %get3A_318 = tpu.vector_load %arg11[%get3A_315, %get3A_316, %get3A_317] {strides = array<i32>} : memref<32x4x16xf32, #tpu.memory_space<vmem>>, vector<1x1x16xf32>,
    %get3A_319 = vector.shape_cast %get3A_318 : vector<1x1x16xf32> to vector<16xf32>
    %get3A_320 = arith.constant 31 : i32
    %get3A_321 = arith.constant 3 : i32
    %get3A_322 = arith.index_cast %get3A_320 : i32 to index
    %get3A_323 = arith.index_cast %get3A_321 : i32 to index
    %get3A_324 = arith.constant 0 : index
    %get3A_325 = tpu.vector_load %arg11[%get3A_322, %get3A_323, %get3A_324] {strides = array<i32>} : memref<32x4x16xf32, #tpu.memory_space<vmem>>, vector<1x1x16xf32>,
    %get3A_326 = vector.shape_cast %get3A_325 : vector<1x1x16xf32> to vector<16xf32>
    %get3A_327 = arith.constant 24 : i32
    %get3A_328 = arith.index_cast %get3A_327 : i32 to index
    %get3A_329 = arith.constant 0 : index
    %get3A_330 = tpu.vector_load %arg12[%get3A_328, %get3A_329] {strides = array<i32>} : memref<32x16xf32, #tpu.memory_space<vmem>>, vector<1x16xf32>,
    %get3A_331 = vector.shape_cast %get3A_330 : vector<1x16xf32> to vector<16xf32>
    %get3A_332 = arith.constant 25 : i32
    %get3A_333 = arith.index_cast %get3A_332 : i32 to index
    %get3A_334 = arith.constant 0 : index
    %get3A_335 = tpu.vector_load %arg12[%get3A_333, %get3A_334] {strides = array<i32>} : memref<32x16xf32, #tpu.memory_space<vmem>>, vector<1x16xf32>,
    %get3A_336 = vector.shape_cast %get3A_335 : vector<1x16xf32> to vector<16xf32>
    %get3A_337 = arith.constant 26 : i32
    %get3A_338 = arith.index_cast %get3A_337 : i32 to index
    %get3A_339 = arith.constant 0 : index
    %get3A_340 = tpu.vector_load %arg12[%get3A_338, %get3A_339] {strides = array<i32>} : memref<32x16xf32, #tpu.memory_space<vmem>>, vector<1x16xf32>,
    %get3A_341 = vector.shape_cast %get3A_340 : vector<1x16xf32> to vector<16xf32>
    %get3A_342 = arith.constant 27 : i32
    %get3A_343 = arith.index_cast %get3A_342 : i32 to index
    %get3A_344 = arith.constant 0 : index
    %get3A_345 = tpu.vector_load %arg12[%get3A_343, %get3A_344] {strides = array<i32>} : memref<32x16xf32, #tpu.memory_space<vmem>>, vector<1x16xf32>,
    %get3A_346 = vector.shape_cast %get3A_345 : vector<1x16xf32> to vector<16xf32>
    %get3A_347 = arith.constant 28 : i32
    %get3A_348 = arith.index_cast %get3A_347 : i32 to index
    %get3A_349 = arith.constant 0 : index
    %get3A_350 = tpu.vector_load %arg12[%get3A_348, %get3A_349] {strides = array<i32>} : memref<32x16xf32, #tpu.memory_space<vmem>>, vector<1x16xf32>,
    %get3A_351 = vector.shape_cast %get3A_350 : vector<1x16xf32> to vector<16xf32>
    %get3A_352 = arith.constant 29 : i32
    %get3A_353 = arith.index_cast %get3A_352 : i32 to index
    %get3A_354 = arith.constant 0 : index
    %get3A_355 = tpu.vector_load %arg12[%get3A_353, %get3A_354] {strides = array<i32>} : memref<32x16xf32, #tpu.memory_space<vmem>>, vector<1x16xf32>,
    %get3A_356 = vector.shape_cast %get3A_355 : vector<1x16xf32> to vector<16xf32>
    %get3A_357 = arith.constant 30 : i32
    %get3A_358 = arith.index_cast %get3A_357 : i32 to index
    %get3A_359 = arith.constant 0 : index
    %get3A_360 = tpu.vector_load %arg12[%get3A_358, %get3A_359] {strides = array<i32>} : memref<32x16xf32, #tpu.memory_space<vmem>>, vector<1x16xf32>,
    %get3A_361 = vector.shape_cast %get3A_360 : vector<1x16xf32> to vector<16xf32>
    %get3A_362 = arith.constant 31 : i32
    %get3A_363 = arith.index_cast %get3A_362 : i32 to index
    %get3A_364 = arith.constant 0 : index
    %get3A_365 = tpu.vector_load %arg12[%get3A_363, %get3A_364] {strides = array<i32>} : memref<32x16xf32, #tpu.memory_space<vmem>>, vector<1x16xf32>,
    %get3A_366 = vector.shape_cast %get3A_365 : vector<1x16xf32> to vector<16xf32>
    %parallel_loop3A_367 = arith.constant 0 : i32
    %parallel_loop3A_368 = arith.constant 2512 : i32
    %parallel_loop3A_369 = arith.constant 16 : i32
    %parallel_loop3A_370:3 = scf.for %parallel_loop3A_388 = %parallel_loop3A_367 to %parallel_loop3A_368 step %parallel_loop3A_369 iter_args(%parallel_loop3A_389 = %broadcast_in_dim3A_103, %parallel_loop3A_390 = %broadcast_in_dim3A_103, %parallel_loop3A_391 = %broadcast_in_dim3A_103) -> (vector<16xf32>, vector<16xf32>, vector<16xf32>)  : i32 {
      %parallel_loop3A_392 = arith.constant 0 : i32
      %parallel_loop3A_393 = arith.index_cast %parallel_loop3A_392 : i32 to index
      %parallel_loop3A_394 = arith.index_cast %parallel_loop3A_388 : i32 to index
      %parallel_loop3A_395 = tpu.vector_load %arg9[%parallel_loop3A_393, %parallel_loop3A_394] {strides = array<i32>} : memref<4x2512xf32, #tpu.memory_space<vmem>>, vector<1x16xf32>,
      %parallel_loop3A_396 = vector.shape_cast %parallel_loop3A_395 : vector<1x16xf32> to vector<16xf32>
      %parallel_loop3A_397 = arith.constant 1 : i32
      %parallel_loop3A_398 = arith.index_cast %parallel_loop3A_397 : i32 to index
      %parallel_loop3A_399 = arith.index_cast %parallel_loop3A_388 : i32 to index
      %parallel_loop3A_400 = tpu.vector_load %arg9[%parallel_loop3A_398, %parallel_loop3A_399] {strides = array<i32>} : memref<4x2512xf32, #tpu.memory_space<vmem>>, vector<1x16xf32>,
      %parallel_loop3A_401 = vector.shape_cast %parallel_loop3A_400 : vector<1x16xf32> to vector<16xf32>
      %parallel_loop3A_402 = arith.constant 2 : i32
      %parallel_loop3A_403 = arith.index_cast %parallel_loop3A_402 : i32 to index
      %parallel_loop3A_404 = arith.index_cast %parallel_loop3A_388 : i32 to index
      %parallel_loop3A_405 = tpu.vector_load %arg9[%parallel_loop3A_403, %parallel_loop3A_404] {strides = array<i32>} : memref<4x2512xf32, #tpu.memory_space<vmem>>, vector<1x16xf32>,
      %parallel_loop3A_406 = vector.shape_cast %parallel_loop3A_405 : vector<1x16xf32> to vector<16xf32>
      %parallel_loop3A_407 = arith.constant 3 : i32
      %parallel_loop3A_408 = arith.index_cast %parallel_loop3A_407 : i32 to index
      %parallel_loop3A_409 = arith.index_cast %parallel_loop3A_388 : i32 to index
      %parallel_loop3A_410 = tpu.vector_load %arg9[%parallel_loop3A_408, %parallel_loop3A_409] {strides = array<i32>} : memref<4x2512xf32, #tpu.memory_space<vmem>>, vector<1x16xf32>,
      %parallel_loop3A_411 = vector.shape_cast %parallel_loop3A_410 : vector<1x16xf32> to vector<16xf32>
      %parallel_loop3A_412 = arith.subf %parallel_loop3A_406, %parallel_loop3A_396 : vector<16xf32>
      %parallel_loop3A_413 = arith.constant 0.000000e+00 : f32
      %parallel_loop3A_414 = vector.broadcast %parallel_loop3A_413 : f32 to vector<16xf32>
      %parallel_loop3A_415 = arith.maximumf %parallel_loop3A_412, %parallel_loop3A_414 : vector<16xf32>
      %parallel_loop3A_416 = arith.subf %parallel_loop3A_411, %parallel_loop3A_401 : vector<16xf32>
      %parallel_loop3A_417 = arith.constant 0.000000e+00 : f32
      %parallel_loop3A_418 = vector.broadcast %parallel_loop3A_417 : f32 to vector<16xf32>
      %parallel_loop3A_419 = arith.maximumf %parallel_loop3A_416, %parallel_loop3A_418 : vector<16xf32>
      %parallel_loop3A_420 = arith.mulf %parallel_loop3A_415, %parallel_loop3A_419 : vector<16xf32>
      %parallel_loop3A_421 = arith.constant 0 : i32
      %parallel_loop3A_422 = arith.index_cast %parallel_loop3A_421 : i32 to index
      %parallel_loop3A_423 = arith.index_cast %parallel_loop3A_388 : i32 to index
      %parallel_loop3A_424 = tpu.vector_load %arg13[%parallel_loop3A_422, %parallel_loop3A_423] {strides = array<i32>} : memref<6x2512xf32, #tpu.memory_space<vmem>>, vector<1x16xf32>,
      %parallel_loop3A_425 = vector.shape_cast %parallel_loop3A_424 : vector<1x16xf32> to vector<16xf32>
      %parallel_loop3A_426 = arith.constant 1 : i32
      %parallel_loop3A_427 = arith.index_cast %parallel_loop3A_426 : i32 to index
      %parallel_loop3A_428 = arith.index_cast %parallel_loop3A_388 : i32 to index
      %parallel_loop3A_429 = tpu.vector_load %arg13[%parallel_loop3A_427, %parallel_loop3A_428] {strides = array<i32>} : memref<6x2512xf32, #tpu.memory_space<vmem>>, vector<1x16xf32>,
      %parallel_loop3A_430 = vector.shape_cast %parallel_loop3A_429 : vector<1x16xf32> to vector<16xf32>
      %parallel_loop3A_431 = arith.constant 2 : i32
      %parallel_loop3A_432 = arith.index_cast %parallel_loop3A_431 : i32 to index
      %parallel_loop3A_433 = arith.index_cast %parallel_loop3A_388 : i32 to index
      %parallel_loop3A_434 = tpu.vector_load %arg13[%parallel_loop3A_432, %parallel_loop3A_433] {strides = array<i32>} : memref<6x2512xf32, #tpu.memory_space<vmem>>, vector<1x16xf32>,
      %parallel_loop3A_435 = vector.shape_cast %parallel_loop3A_434 : vector<1x16xf32> to vector<16xf32>
      %parallel_loop3A_436 = arith.constant 3 : i32
      %parallel_loop3A_437 = arith.index_cast %parallel_loop3A_436 : i32 to index
      %parallel_loop3A_438 = arith.index_cast %parallel_loop3A_388 : i32 to index
      %parallel_loop3A_439 = tpu.vector_load %arg13[%parallel_loop3A_437, %parallel_loop3A_438] {strides = array<i32>} : memref<6x2512xf32, #tpu.memory_space<vmem>>, vector<1x16xf32>,
      %parallel_loop3A_440 = vector.shape_cast %parallel_loop3A_439 : vector<1x16xf32> to vector<16xf32>
      %parallel_loop3A_441 = arith.constant 4 : i32
      %parallel_loop3A_442 = arith.index_cast %parallel_loop3A_441 : i32 to index
      %parallel_loop3A_443 = arith.index_cast %parallel_loop3A_388 : i32 to index
      %parallel_loop3A_444 = tpu.vector_load %arg13[%parallel_loop3A_442, %parallel_loop3A_443] {strides = array<i32>} : memref<6x2512xf32, #tpu.memory_space<vmem>>, vector<1x16xf32>,
      %parallel_loop3A_445 = vector.shape_cast %parallel_loop3A_444 : vector<1x16xf32> to vector<16xf32>
      %parallel_loop3A_446 = arith.constant 5 : i32
      %parallel_loop3A_447 = arith.index_cast %parallel_loop3A_446 : i32 to index
      %parallel_loop3A_448 = arith.index_cast %parallel_loop3A_388 : i32 to index
      %parallel_loop3A_449 = tpu.vector_load %arg13[%parallel_loop3A_447, %parallel_loop3A_448] {strides = array<i32>} : memref<6x2512xf32, #tpu.memory_space<vmem>>, vector<1x16xf32>,
      %parallel_loop3A_450 = vector.shape_cast %parallel_loop3A_449 : vector<1x16xf32> to vector<16xf32>
      %parallel_loop3A_451 = arith.minimumf %parallel_loop3A_406, %get3A_123 : vector<16xf32>
      %parallel_loop3A_452 = arith.maximumf %parallel_loop3A_396, %get3A_109 : vector<16xf32>
      %parallel_loop3A_453 = arith.subf %parallel_loop3A_451, %parallel_loop3A_452 : vector<16xf32>
      %parallel_loop3A_454 = arith.constant 0.000000e+00 : f32
      %parallel_loop3A_455 = vector.broadcast %parallel_loop3A_454 : f32 to vector<16xf32>
      %parallel_loop3A_456 = arith.maximumf %parallel_loop3A_453, %parallel_loop3A_455 : vector<16xf32>
      %parallel_loop3A_457 = arith.minimumf %parallel_loop3A_411, %get3A_130 : vector<16xf32>
      %parallel_loop3A_458 = arith.maximumf %parallel_loop3A_401, %get3A_116 : vector<16xf32>
      %parallel_loop3A_459 = arith.subf %parallel_loop3A_457, %parallel_loop3A_458 : vector<16xf32>
      %parallel_loop3A_460 = arith.constant 0.000000e+00 : f32
      %parallel_loop3A_461 = vector.broadcast %parallel_loop3A_460 : f32 to vector<16xf32>
      %parallel_loop3A_462 = arith.maximumf %parallel_loop3A_459, %parallel_loop3A_461 : vector<16xf32>
      %parallel_loop3A_463 = arith.mulf %parallel_loop3A_456, %parallel_loop3A_462 : vector<16xf32>
      %parallel_loop3A_464 = arith.addf %parallel_loop3A_420, %get3A_331 : vector<16xf32>
      %parallel_loop3A_465 = arith.subf %parallel_loop3A_464, %parallel_loop3A_463 : vector<16xf32>
      %parallel_loop3A_466 = arith.constant 9.99999993E-9 : f32
      %parallel_loop3A_467 = vector.broadcast %parallel_loop3A_466 : f32 to vector<16xf32>
      %parallel_loop3A_468 = arith.maximumf %parallel_loop3A_465, %parallel_loop3A_467 : vector<16xf32>
      %parallel_loop3A_469 = arith.mulf %parallel_loop3A_463, %parallel_loop3A_430 : vector<16xf32>
      %parallel_loop3A_470 = arith.mulf %parallel_loop3A_425, %parallel_loop3A_468 : vector<16xf32>
      %parallel_loop3A_471 = arith.cmpf oge, %parallel_loop3A_469, %parallel_loop3A_470 : vector<16xf32>
      %parallel_loop3A_472 = arith.select %parallel_loop3A_471, %parallel_loop3A_463, %parallel_loop3A_425 : vector<16xi1>, vector<16xf32>
      %parallel_loop3A_473 = arith.select %parallel_loop3A_471, %parallel_loop3A_468, %parallel_loop3A_430 : vector<16xi1>, vector<16xf32>
      %parallel_loop3A_474 = arith.select %parallel_loop3A_471, %get3A_109, %parallel_loop3A_435 : vector<16xi1>, vector<16xf32>
      %parallel_loop3A_475 = arith.select %parallel_loop3A_471, %get3A_116, %parallel_loop3A_440 : vector<16xi1>, vector<16xf32>
      %parallel_loop3A_476 = arith.select %parallel_loop3A_471, %get3A_123, %parallel_loop3A_445 : vector<16xi1>, vector<16xf32>
      %parallel_loop3A_477 = arith.select %parallel_loop3A_471, %get3A_130, %parallel_loop3A_450 : vector<16xi1>, vector<16xf32>
      %parallel_loop3A_478 = arith.minimumf %parallel_loop3A_406, %get3A_151 : vector<16xf32>
      %parallel_loop3A_479 = arith.maximumf %parallel_loop3A_396, %get3A_137 : vector<16xf32>
      %parallel_loop3A_480 = arith.subf %parallel_loop3A_478, %parallel_loop3A_479 : vector<16xf32>
      %parallel_loop3A_481 = arith.constant 0.000000e+00 : f32
      %parallel_loop3A_482 = vector.broadcast %parallel_loop3A_481 : f32 to vector<16xf32>
      %parallel_loop3A_483 = arith.maximumf %parallel_loop3A_480, %parallel_loop3A_482 : vector<16xf32>
      %parallel_loop3A_484 = arith.minimumf %parallel_loop3A_411, %get3A_158 : vector<16xf32>
      %parallel_loop3A_485 = arith.maximumf %parallel_loop3A_401, %get3A_144 : vector<16xf32>
      %parallel_loop3A_486 = arith.subf %parallel_loop3A_484, %parallel_loop3A_485 : vector<16xf32>
      %parallel_loop3A_487 = arith.constant 0.000000e+00 : f32
      %parallel_loop3A_488 = vector.broadcast %parallel_loop3A_487 : f32 to vector<16xf32>
      %parallel_loop3A_489 = arith.maximumf %parallel_loop3A_486, %parallel_loop3A_488 : vector<16xf32>
      %parallel_loop3A_490 = arith.mulf %parallel_loop3A_483, %parallel_loop3A_489 : vector<16xf32>
      %parallel_loop3A_491 = arith.addf %parallel_loop3A_420, %get3A_336 : vector<16xf32>
      %parallel_loop3A_492 = arith.subf %parallel_loop3A_491, %parallel_loop3A_490 : vector<16xf32>
      %parallel_loop3A_493 = arith.constant 9.99999993E-9 : f32
      %parallel_loop3A_494 = vector.broadcast %parallel_loop3A_493 : f32 to vector<16xf32>
      %parallel_loop3A_495 = arith.maximumf %parallel_loop3A_492, %parallel_loop3A_494 : vector<16xf32>
      %parallel_loop3A_496 = arith.mulf %parallel_loop3A_490, %parallel_loop3A_473 : vector<16xf32>
      %parallel_loop3A_497 = arith.mulf %parallel_loop3A_472, %parallel_loop3A_495 : vector<16xf32>
      %parallel_loop3A_498 = arith.cmpf oge, %parallel_loop3A_496, %parallel_loop3A_497 : vector<16xf32>
      %parallel_loop3A_499 = arith.select %parallel_loop3A_498, %parallel_loop3A_490, %parallel_loop3A_472 : vector<16xi1>, vector<16xf32>
      %parallel_loop3A_500 = arith.select %parallel_loop3A_498, %parallel_loop3A_495, %parallel_loop3A_473 : vector<16xi1>, vector<16xf32>
      %parallel_loop3A_501 = arith.select %parallel_loop3A_498, %get3A_137, %parallel_loop3A_474 : vector<16xi1>, vector<16xf32>
      %parallel_loop3A_502 = arith.select %parallel_loop3A_498, %get3A_144, %parallel_loop3A_475 : vector<16xi1>, vector<16xf32>
      %parallel_loop3A_503 = arith.select %parallel_loop3A_498, %get3A_151, %parallel_loop3A_476 : vector<16xi1>, vector<16xf32>
      %parallel_loop3A_504 = arith.select %parallel_loop3A_498, %get3A_158, %parallel_loop3A_477 : vector<16xi1>, vector<16xf32>
      %parallel_loop3A_505 = arith.minimumf %parallel_loop3A_406, %get3A_179 : vector<16xf32>
      %parallel_loop3A_506 = arith.maximumf %parallel_loop3A_396, %get3A_165 : vector<16xf32>
      %parallel_loop3A_507 = arith.subf %parallel_loop3A_505, %parallel_loop3A_506 : vector<16xf32>
      %parallel_loop3A_508 = arith.constant 0.000000e+00 : f32
      %parallel_loop3A_509 = vector.broadcast %parallel_loop3A_508 : f32 to vector<16xf32>
      %parallel_loop3A_510 = arith.maximumf %parallel_loop3A_507, %parallel_loop3A_509 : vector<16xf32>
      %parallel_loop3A_511 = arith.minimumf %parallel_loop3A_411, %get3A_186 : vector<16xf32>
      %parallel_loop3A_512 = arith.maximumf %parallel_loop3A_401, %get3A_172 : vector<16xf32>
      %parallel_loop3A_513 = arith.subf %parallel_loop3A_511, %parallel_loop3A_512 : vector<16xf32>
      %parallel_loop3A_514 = arith.constant 0.000000e+00 : f32
      %parallel_loop3A_515 = vector.broadcast %parallel_loop3A_514 : f32 to vector<16xf32>
      %parallel_loop3A_516 = arith.maximumf %parallel_loop3A_513, %parallel_loop3A_515 : vector<16xf32>
      %parallel_loop3A_517 = arith.mulf %parallel_loop3A_510, %parallel_loop3A_516 : vector<16xf32>
      %parallel_loop3A_518 = arith.addf %parallel_loop3A_420, %get3A_341 : vector<16xf32>
      %parallel_loop3A_519 = arith.subf %parallel_loop3A_518, %parallel_loop3A_517 : vector<16xf32>
      %parallel_loop3A_520 = arith.constant 9.99999993E-9 : f32
      %parallel_loop3A_521 = vector.broadcast %parallel_loop3A_520 : f32 to vector<16xf32>
      %parallel_loop3A_522 = arith.maximumf %parallel_loop3A_519, %parallel_loop3A_521 : vector<16xf32>
      %parallel_loop3A_523 = arith.mulf %parallel_loop3A_517, %parallel_loop3A_500 : vector<16xf32>
      %parallel_loop3A_524 = arith.mulf %parallel_loop3A_499, %parallel_loop3A_522 : vector<16xf32>
      %parallel_loop3A_525 = arith.cmpf oge, %parallel_loop3A_523, %parallel_loop3A_524 : vector<16xf32>
      %parallel_loop3A_526 = arith.select %parallel_loop3A_525, %parallel_loop3A_517, %parallel_loop3A_499 : vector<16xi1>, vector<16xf32>
      %parallel_loop3A_527 = arith.select %parallel_loop3A_525, %parallel_loop3A_522, %parallel_loop3A_500 : vector<16xi1>, vector<16xf32>
      %parallel_loop3A_528 = arith.select %parallel_loop3A_525, %get3A_165, %parallel_loop3A_501 : vector<16xi1>, vector<16xf32>
      %parallel_loop3A_529 = arith.select %parallel_loop3A_525, %get3A_172, %parallel_loop3A_502 : vector<16xi1>, vector<16xf32>
      %parallel_loop3A_530 = arith.select %parallel_loop3A_525, %get3A_179, %parallel_loop3A_503 : vector<16xi1>, vector<16xf32>
      %parallel_loop3A_531 = arith.select %parallel_loop3A_525, %get3A_186, %parallel_loop3A_504 : vector<16xi1>, vector<16xf32>
      %parallel_loop3A_532 = arith.minimumf %parallel_loop3A_406, %get3A_207 : vector<16xf32>
      %parallel_loop3A_533 = arith.maximumf %parallel_loop3A_396, %get3A_193 : vector<16xf32>
      %parallel_loop3A_534 = arith.subf %parallel_loop3A_532, %parallel_loop3A_533 : vector<16xf32>
      %parallel_loop3A_535 = arith.constant 0.000000e+00 : f32
      %parallel_loop3A_536 = vector.broadcast %parallel_loop3A_535 : f32 to vector<16xf32>
      %parallel_loop3A_537 = arith.maximumf %parallel_loop3A_534, %parallel_loop3A_536 : vector<16xf32>
      %parallel_loop3A_538 = arith.minimumf %parallel_loop3A_411, %get3A_214 : vector<16xf32>
      %parallel_loop3A_539 = arith.maximumf %parallel_loop3A_401, %get3A_200 : vector<16xf32>
      %parallel_loop3A_540 = arith.subf %parallel_loop3A_538, %parallel_loop3A_539 : vector<16xf32>
      %parallel_loop3A_541 = arith.constant 0.000000e+00 : f32
      %parallel_loop3A_542 = vector.broadcast %parallel_loop3A_541 : f32 to vector<16xf32>
      %parallel_loop3A_543 = arith.maximumf %parallel_loop3A_540, %parallel_loop3A_542 : vector<16xf32>
      %parallel_loop3A_544 = arith.mulf %parallel_loop3A_537, %parallel_loop3A_543 : vector<16xf32>
      %parallel_loop3A_545 = arith.addf %parallel_loop3A_420, %get3A_346 : vector<16xf32>
      %parallel_loop3A_546 = arith.subf %parallel_loop3A_545, %parallel_loop3A_544 : vector<16xf32>
      %parallel_loop3A_547 = arith.constant 9.99999993E-9 : f32
      %parallel_loop3A_548 = vector.broadcast %parallel_loop3A_547 : f32 to vector<16xf32>
      %parallel_loop3A_549 = arith.maximumf %parallel_loop3A_546, %parallel_loop3A_548 : vector<16xf32>
      %parallel_loop3A_550 = arith.mulf %parallel_loop3A_544, %parallel_loop3A_527 : vector<16xf32>
      %parallel_loop3A_551 = arith.mulf %parallel_loop3A_526, %parallel_loop3A_549 : vector<16xf32>
      %parallel_loop3A_552 = arith.cmpf oge, %parallel_loop3A_550, %parallel_loop3A_551 : vector<16xf32>
      %parallel_loop3A_553 = arith.select %parallel_loop3A_552, %parallel_loop3A_544, %parallel_loop3A_526 : vector<16xi1>, vector<16xf32>
      %parallel_loop3A_554 = arith.select %parallel_loop3A_552, %parallel_loop3A_549, %parallel_loop3A_527 : vector<16xi1>, vector<16xf32>
      %parallel_loop3A_555 = arith.select %parallel_loop3A_552, %get3A_193, %parallel_loop3A_528 : vector<16xi1>, vector<16xf32>
      %parallel_loop3A_556 = arith.select %parallel_loop3A_552, %get3A_200, %parallel_loop3A_529 : vector<16xi1>, vector<16xf32>
      %parallel_loop3A_557 = arith.select %parallel_loop3A_552, %get3A_207, %parallel_loop3A_530 : vector<16xi1>, vector<16xf32>
      %parallel_loop3A_558 = arith.select %parallel_loop3A_552, %get3A_214, %parallel_loop3A_531 : vector<16xi1>, vector<16xf32>
      %parallel_loop3A_559 = arith.minimumf %parallel_loop3A_406, %get3A_235 : vector<16xf32>
      %parallel_loop3A_560 = arith.maximumf %parallel_loop3A_396, %get3A_221 : vector<16xf32>
      %parallel_loop3A_561 = arith.subf %parallel_loop3A_559, %parallel_loop3A_560 : vector<16xf32>
      %parallel_loop3A_562 = arith.constant 0.000000e+00 : f32
      %parallel_loop3A_563 = vector.broadcast %parallel_loop3A_562 : f32 to vector<16xf32>
      %parallel_loop3A_564 = arith.maximumf %parallel_loop3A_561, %parallel_loop3A_563 : vector<16xf32>
      %parallel_loop3A_565 = arith.minimumf %parallel_loop3A_411, %get3A_242 : vector<16xf32>
      %parallel_loop3A_566 = arith.maximumf %parallel_loop3A_401, %get3A_228 : vector<16xf32>
      %parallel_loop3A_567 = arith.subf %parallel_loop3A_565, %parallel_loop3A_566 : vector<16xf32>
      %parallel_loop3A_568 = arith.constant 0.000000e+00 : f32
      %parallel_loop3A_569 = vector.broadcast %parallel_loop3A_568 : f32 to vector<16xf32>
      %parallel_loop3A_570 = arith.maximumf %parallel_loop3A_567, %parallel_loop3A_569 : vector<16xf32>
      %parallel_loop3A_571 = arith.mulf %parallel_loop3A_564, %parallel_loop3A_570 : vector<16xf32>
      %parallel_loop3A_572 = arith.addf %parallel_loop3A_420, %get3A_351 : vector<16xf32>
      %parallel_loop3A_573 = arith.subf %parallel_loop3A_572, %parallel_loop3A_571 : vector<16xf32>
      %parallel_loop3A_574 = arith.constant 9.99999993E-9 : f32
      %parallel_loop3A_575 = vector.broadcast %parallel_loop3A_574 : f32 to vector<16xf32>
      %parallel_loop3A_576 = arith.maximumf %parallel_loop3A_573, %parallel_loop3A_575 : vector<16xf32>
      %parallel_loop3A_577 = arith.mulf %parallel_loop3A_571, %parallel_loop3A_554 : vector<16xf32>
      %parallel_loop3A_578 = arith.mulf %parallel_loop3A_553, %parallel_loop3A_576 : vector<16xf32>
      %parallel_loop3A_579 = arith.cmpf oge, %parallel_loop3A_577, %parallel_loop3A_578 : vector<16xf32>
      %parallel_loop3A_580 = arith.select %parallel_loop3A_579, %parallel_loop3A_571, %parallel_loop3A_553 : vector<16xi1>, vector<16xf32>
      %parallel_loop3A_581 = arith.select %parallel_loop3A_579, %parallel_loop3A_576, %parallel_loop3A_554 : vector<16xi1>, vector<16xf32>
      %parallel_loop3A_582 = arith.select %parallel_loop3A_579, %get3A_221, %parallel_loop3A_555 : vector<16xi1>, vector<16xf32>
      %parallel_loop3A_583 = arith.select %parallel_loop3A_579, %get3A_228, %parallel_loop3A_556 : vector<16xi1>, vector<16xf32>
      %parallel_loop3A_584 = arith.select %parallel_loop3A_579, %get3A_235, %parallel_loop3A_557 : vector<16xi1>, vector<16xf32>
      %parallel_loop3A_585 = arith.select %parallel_loop3A_579, %get3A_242, %parallel_loop3A_558 : vector<16xi1>, vector<16xf32>
      %parallel_loop3A_586 = arith.minimumf %parallel_loop3A_406, %get3A_263 : vector<16xf32>
      %parallel_loop3A_587 = arith.maximumf %parallel_loop3A_396, %get3A_249 : vector<16xf32>
      %parallel_loop3A_588 = arith.subf %parallel_loop3A_586, %parallel_loop3A_587 : vector<16xf32>
      %parallel_loop3A_589 = arith.constant 0.000000e+00 : f32
      %parallel_loop3A_590 = vector.broadcast %parallel_loop3A_589 : f32 to vector<16xf32>
      %parallel_loop3A_591 = arith.maximumf %parallel_loop3A_588, %parallel_loop3A_590 : vector<16xf32>
      %parallel_loop3A_592 = arith.minimumf %parallel_loop3A_411, %get3A_270 : vector<16xf32>
      %parallel_loop3A_593 = arith.maximumf %parallel_loop3A_401, %get3A_256 : vector<16xf32>
      %parallel_loop3A_594 = arith.subf %parallel_loop3A_592, %parallel_loop3A_593 : vector<16xf32>
      %parallel_loop3A_595 = arith.constant 0.000000e+00 : f32
      %parallel_loop3A_596 = vector.broadcast %parallel_loop3A_595 : f32 to vector<16xf32>
      %parallel_loop3A_597 = arith.maximumf %parallel_loop3A_594, %parallel_loop3A_596 : vector<16xf32>
      %parallel_loop3A_598 = arith.mulf %parallel_loop3A_591, %parallel_loop3A_597 : vector<16xf32>
      %parallel_loop3A_599 = arith.addf %parallel_loop3A_420, %get3A_356 : vector<16xf32>
      %parallel_loop3A_600 = arith.subf %parallel_loop3A_599, %parallel_loop3A_598 : vector<16xf32>
      %parallel_loop3A_601 = arith.constant 9.99999993E-9 : f32
      %parallel_loop3A_602 = vector.broadcast %parallel_loop3A_601 : f32 to vector<16xf32>
      %parallel_loop3A_603 = arith.maximumf %parallel_loop3A_600, %parallel_loop3A_602 : vector<16xf32>
      %parallel_loop3A_604 = arith.mulf %parallel_loop3A_598, %parallel_loop3A_581 : vector<16xf32>
      %parallel_loop3A_605 = arith.mulf %parallel_loop3A_580, %parallel_loop3A_603 : vector<16xf32>
      %parallel_loop3A_606 = arith.cmpf oge, %parallel_loop3A_604, %parallel_loop3A_605 : vector<16xf32>
      %parallel_loop3A_607 = arith.select %parallel_loop3A_606, %parallel_loop3A_598, %parallel_loop3A_580 : vector<16xi1>, vector<16xf32>
      %parallel_loop3A_608 = arith.select %parallel_loop3A_606, %parallel_loop3A_603, %parallel_loop3A_581 : vector<16xi1>, vector<16xf32>
      %parallel_loop3A_609 = arith.select %parallel_loop3A_606, %get3A_249, %parallel_loop3A_582 : vector<16xi1>, vector<16xf32>
      %parallel_loop3A_610 = arith.select %parallel_loop3A_606, %get3A_256, %parallel_loop3A_583 : vector<16xi1>, vector<16xf32>
      %parallel_loop3A_611 = arith.select %parallel_loop3A_606, %get3A_263, %parallel_loop3A_584 : vector<16xi1>, vector<16xf32>
      %parallel_loop3A_612 = arith.select %parallel_loop3A_606, %get3A_270, %parallel_loop3A_585 : vector<16xi1>, vector<16xf32>
      %parallel_loop3A_613 = arith.minimumf %parallel_loop3A_406, %get3A_291 : vector<16xf32>
      %parallel_loop3A_614 = arith.maximumf %parallel_loop3A_396, %get3A_277 : vector<16xf32>
      %parallel_loop3A_615 = arith.subf %parallel_loop3A_613, %parallel_loop3A_614 : vector<16xf32>
      %parallel_loop3A_616 = arith.constant 0.000000e+00 : f32
      %parallel_loop3A_617 = vector.broadcast %parallel_loop3A_616 : f32 to vector<16xf32>
      %parallel_loop3A_618 = arith.maximumf %parallel_loop3A_615, %parallel_loop3A_617 : vector<16xf32>
      %parallel_loop3A_619 = arith.minimumf %parallel_loop3A_411, %get3A_298 : vector<16xf32>
      %parallel_loop3A_620 = arith.maximumf %parallel_loop3A_401, %get3A_284 : vector<16xf32>
      %parallel_loop3A_621 = arith.subf %parallel_loop3A_619, %parallel_loop3A_620 : vector<16xf32>
      %parallel_loop3A_622 = arith.constant 0.000000e+00 : f32
      %parallel_loop3A_623 = vector.broadcast %parallel_loop3A_622 : f32 to vector<16xf32>
      %parallel_loop3A_624 = arith.maximumf %parallel_loop3A_621, %parallel_loop3A_623 : vector<16xf32>
      %parallel_loop3A_625 = arith.mulf %parallel_loop3A_618, %parallel_loop3A_624 : vector<16xf32>
      %parallel_loop3A_626 = arith.addf %parallel_loop3A_420, %get3A_361 : vector<16xf32>
      %parallel_loop3A_627 = arith.subf %parallel_loop3A_626, %parallel_loop3A_625 : vector<16xf32>
      %parallel_loop3A_628 = arith.constant 9.99999993E-9 : f32
      %parallel_loop3A_629 = vector.broadcast %parallel_loop3A_628 : f32 to vector<16xf32>
      %parallel_loop3A_630 = arith.maximumf %parallel_loop3A_627, %parallel_loop3A_629 : vector<16xf32>
      %parallel_loop3A_631 = arith.mulf %parallel_loop3A_625, %parallel_loop3A_608 : vector<16xf32>
      %parallel_loop3A_632 = arith.mulf %parallel_loop3A_607, %parallel_loop3A_630 : vector<16xf32>
      %parallel_loop3A_633 = arith.cmpf oge, %parallel_loop3A_631, %parallel_loop3A_632 : vector<16xf32>
      %parallel_loop3A_634 = arith.select %parallel_loop3A_633, %parallel_loop3A_625, %parallel_loop3A_607 : vector<16xi1>, vector<16xf32>
      %parallel_loop3A_635 = arith.select %parallel_loop3A_633, %parallel_loop3A_630, %parallel_loop3A_608 : vector<16xi1>, vector<16xf32>
      %parallel_loop3A_636 = arith.select %parallel_loop3A_633, %get3A_277, %parallel_loop3A_609 : vector<16xi1>, vector<16xf32>
      %parallel_loop3A_637 = arith.select %parallel_loop3A_633, %get3A_284, %parallel_loop3A_610 : vector<16xi1>, vector<16xf32>
      %parallel_loop3A_638 = arith.select %parallel_loop3A_633, %get3A_291, %parallel_loop3A_611 : vector<16xi1>, vector<16xf32>
      %parallel_loop3A_639 = arith.select %parallel_loop3A_633, %get3A_298, %parallel_loop3A_612 : vector<16xi1>, vector<16xf32>
      %parallel_loop3A_640 = arith.minimumf %parallel_loop3A_406, %get3A_319 : vector<16xf32>
      %parallel_loop3A_641 = arith.maximumf %parallel_loop3A_396, %get3A_305 : vector<16xf32>
      %parallel_loop3A_642 = arith.subf %parallel_loop3A_640, %parallel_loop3A_641 : vector<16xf32>
      %parallel_loop3A_643 = arith.constant 0.000000e+00 : f32
      %parallel_loop3A_644 = vector.broadcast %parallel_loop3A_643 : f32 to vector<16xf32>
      %parallel_loop3A_645 = arith.maximumf %parallel_loop3A_642, %parallel_loop3A_644 : vector<16xf32>
      %parallel_loop3A_646 = arith.minimumf %parallel_loop3A_411, %get3A_326 : vector<16xf32>
      %parallel_loop3A_647 = arith.maximumf %parallel_loop3A_401, %get3A_312 : vector<16xf32>
      %parallel_loop3A_648 = arith.subf %parallel_loop3A_646, %parallel_loop3A_647 : vector<16xf32>
      %parallel_loop3A_649 = arith.constant 0.000000e+00 : f32
      %parallel_loop3A_650 = vector.broadcast %parallel_loop3A_649 : f32 to vector<16xf32>
      %parallel_loop3A_651 = arith.maximumf %parallel_loop3A_648, %parallel_loop3A_650 : vector<16xf32>
      %parallel_loop3A_652 = arith.mulf %parallel_loop3A_645, %parallel_loop3A_651 : vector<16xf32>
      %parallel_loop3A_653 = arith.addf %parallel_loop3A_420, %get3A_366 : vector<16xf32>
      %parallel_loop3A_654 = arith.subf %parallel_loop3A_653, %parallel_loop3A_652 : vector<16xf32>
      %parallel_loop3A_655 = arith.constant 9.99999993E-9 : f32
      %parallel_loop3A_656 = vector.broadcast %parallel_loop3A_655 : f32 to vector<16xf32>
      %parallel_loop3A_657 = arith.maximumf %parallel_loop3A_654, %parallel_loop3A_656 : vector<16xf32>
      %parallel_loop3A_658 = arith.mulf %parallel_loop3A_652, %parallel_loop3A_635 : vector<16xf32>
      %parallel_loop3A_659 = arith.mulf %parallel_loop3A_634, %parallel_loop3A_657 : vector<16xf32>
      %parallel_loop3A_660 = arith.cmpf oge, %parallel_loop3A_658, %parallel_loop3A_659 : vector<16xf32>
      %parallel_loop3A_661 = arith.select %parallel_loop3A_660, %parallel_loop3A_652, %parallel_loop3A_634 : vector<16xi1>, vector<16xf32>
      %parallel_loop3A_662 = arith.select %parallel_loop3A_660, %parallel_loop3A_657, %parallel_loop3A_635 : vector<16xi1>, vector<16xf32>
      %parallel_loop3A_663 = arith.select %parallel_loop3A_660, %get3A_305, %parallel_loop3A_636 : vector<16xi1>, vector<16xf32>
      %parallel_loop3A_664 = arith.select %parallel_loop3A_660, %get3A_312, %parallel_loop3A_637 : vector<16xi1>, vector<16xf32>
      %parallel_loop3A_665 = arith.select %parallel_loop3A_660, %get3A_319, %parallel_loop3A_638 : vector<16xi1>, vector<16xf32>
      %parallel_loop3A_666 = arith.select %parallel_loop3A_660, %get3A_326, %parallel_loop3A_639 : vector<16xi1>, vector<16xf32>
      %parallel_loop3A_667 = vector.broadcast %parallel_loop3A_388 : i32 to vector<16xi32>
      %parallel_loop3A_668 = arith.addi %parallel_loop3A_667, %iota3A : vector<16xi32>
      %parallel_loop3A_669 = arith.constant 2500 : i32
      %parallel_loop3A_670 = vector.broadcast %parallel_loop3A_669 : i32 to vector<16xi32>
      %parallel_loop3A_671 = arith.cmpi slt, %parallel_loop3A_668, %parallel_loop3A_670 : vector<16xi32>
      %parallel_loop3A_672 = arith.constant 5.000000e-01 : f32
      %parallel_loop3A_673 = vector.broadcast %parallel_loop3A_672 : f32 to vector<16xf32>
      %parallel_loop3A_674 = arith.mulf %parallel_loop3A_673, %parallel_loop3A_662 : vector<16xf32>
      %parallel_loop3A_675 = arith.cmpf ogt, %parallel_loop3A_661, %parallel_loop3A_674 : vector<16xf32>
      %parallel_loop3A_676 = arith.andi %parallel_loop3A_675, %parallel_loop3A_671 : vector<16xi1>
      %parallel_loop3A_677 = arith.constant 0.000000e+00 : f32
      %parallel_loop3A_678 = vector.broadcast %parallel_loop3A_677 : f32 to vector<16xf32>
      %parallel_loop3A_679 = arith.constant 0 : i32
      %parallel_loop3A_680 = arith.index_cast %parallel_loop3A_679 : i32 to index
      %parallel_loop3A_681 = arith.index_cast %parallel_loop3A_388 : i32 to index
      %parallel_loop3A_682 = tpu.vector_load %arg9[%parallel_loop3A_680, %parallel_loop3A_681] {strides = array<i32>} : memref<4x2512xf32, #tpu.memory_space<vmem>>, vector<1x16xf32>,
      %parallel_loop3A_683 = vector.shape_cast %parallel_loop3A_682 : vector<1x16xf32> to vector<16xf32>
      %parallel_loop3A_684 = arith.subf %parallel_loop3A_663, %parallel_loop3A_683 : vector<16xf32>
      %parallel_loop3A_685 = arith.constant 0 : i32
      %parallel_loop3A_686 = arith.index_cast %parallel_loop3A_685 : i32 to index
      %parallel_loop3A_687 = arith.index_cast %parallel_loop3A_388 : i32 to index
      %parallel_loop3A_688 = tpu.vector_load %arg8[%parallel_loop3A_686, %parallel_loop3A_687] {strides = array<i32>} : memref<4x2512xf32, #tpu.memory_space<vmem>>, vector<1x16xf32>,
      %parallel_loop3A_689 = vector.shape_cast %parallel_loop3A_688 : vector<1x16xf32> to vector<16xf32>
      %parallel_loop3A_690 = arith.subf %parallel_loop3A_689, %parallel_loop3A_684 : vector<16xf32>
      %parallel_loop3A_691 = math.absf %parallel_loop3A_690 : vector<16xf32>
      %parallel_loop3A_692 = arith.constant 1.000000e+00 : f32
      %parallel_loop3A_693 = vector.broadcast %parallel_loop3A_692 : f32 to vector<16xf32>
      %parallel_loop3A_694 = arith.cmpf olt, %parallel_loop3A_691, %parallel_loop3A_693 : vector<16xf32>
      %parallel_loop3A_695 = arith.constant 5.000000e-01 : f32
      %parallel_loop3A_696 = vector.broadcast %parallel_loop3A_695 : f32 to vector<16xf32>
      %parallel_loop3A_697 = arith.mulf %parallel_loop3A_696, %parallel_loop3A_691 : vector<16xf32>
      %parallel_loop3A_698 = arith.mulf %parallel_loop3A_697, %parallel_loop3A_691 : vector<16xf32>
      %parallel_loop3A_699 = arith.constant 5.000000e-01 : f32
      %parallel_loop3A_700 = vector.broadcast %parallel_loop3A_699 : f32 to vector<16xf32>
      %parallel_loop3A_701 = arith.subf %parallel_loop3A_691, %parallel_loop3A_700 : vector<16xf32>
      %parallel_loop3A_702 = arith.select %parallel_loop3A_694, %parallel_loop3A_698, %parallel_loop3A_701 : vector<16xi1>, vector<16xf32>
      %parallel_loop3A_703 = arith.select %parallel_loop3A_676, %parallel_loop3A_702, %parallel_loop3A_678 : vector<16xi1>, vector<16xf32>
      %parallel_loop3A_704 = arith.addf %parallel_loop3A_389, %parallel_loop3A_703 : vector<16xf32>
      %parallel_loop3A_705 = arith.constant 1 : i32
      %parallel_loop3A_706 = arith.index_cast %parallel_loop3A_705 : i32 to index
      %parallel_loop3A_707 = arith.index_cast %parallel_loop3A_388 : i32 to index
      %parallel_loop3A_708 = tpu.vector_load %arg9[%parallel_loop3A_706, %parallel_loop3A_707] {strides = array<i32>} : memref<4x2512xf32, #tpu.memory_space<vmem>>, vector<1x16xf32>,
      %parallel_loop3A_709 = vector.shape_cast %parallel_loop3A_708 : vector<1x16xf32> to vector<16xf32>
      %parallel_loop3A_710 = arith.subf %parallel_loop3A_664, %parallel_loop3A_709 : vector<16xf32>
      %parallel_loop3A_711 = arith.constant 1 : i32
      %parallel_loop3A_712 = arith.index_cast %parallel_loop3A_711 : i32 to index
      %parallel_loop3A_713 = arith.index_cast %parallel_loop3A_388 : i32 to index
      %parallel_loop3A_714 = tpu.vector_load %arg8[%parallel_loop3A_712, %parallel_loop3A_713] {strides = array<i32>} : memref<4x2512xf32, #tpu.memory_space<vmem>>, vector<1x16xf32>,
      %parallel_loop3A_715 = vector.shape_cast %parallel_loop3A_714 : vector<1x16xf32> to vector<16xf32>
      %parallel_loop3A_716 = arith.subf %parallel_loop3A_715, %parallel_loop3A_710 : vector<16xf32>
      %parallel_loop3A_717 = math.absf %parallel_loop3A_716 : vector<16xf32>
      %parallel_loop3A_718 = arith.constant 1.000000e+00 : f32
      %parallel_loop3A_719 = vector.broadcast %parallel_loop3A_718 : f32 to vector<16xf32>
      %parallel_loop3A_720 = arith.cmpf olt, %parallel_loop3A_717, %parallel_loop3A_719 : vector<16xf32>
      %parallel_loop3A_721 = arith.constant 5.000000e-01 : f32
      %parallel_loop3A_722 = vector.broadcast %parallel_loop3A_721 : f32 to vector<16xf32>
      %parallel_loop3A_723 = arith.mulf %parallel_loop3A_722, %parallel_loop3A_717 : vector<16xf32>
      %parallel_loop3A_724 = arith.mulf %parallel_loop3A_723, %parallel_loop3A_717 : vector<16xf32>
      %parallel_loop3A_725 = arith.constant 5.000000e-01 : f32
      %parallel_loop3A_726 = vector.broadcast %parallel_loop3A_725 : f32 to vector<16xf32>
      %parallel_loop3A_727 = arith.subf %parallel_loop3A_717, %parallel_loop3A_726 : vector<16xf32>
      %parallel_loop3A_728 = arith.select %parallel_loop3A_720, %parallel_loop3A_724, %parallel_loop3A_727 : vector<16xi1>, vector<16xf32>
      %parallel_loop3A_729 = arith.select %parallel_loop3A_676, %parallel_loop3A_728, %parallel_loop3A_678 : vector<16xi1>, vector<16xf32>
      %parallel_loop3A_730 = arith.addf %parallel_loop3A_704, %parallel_loop3A_729 : vector<16xf32>
      %parallel_loop3A_731 = arith.constant 2 : i32
      %parallel_loop3A_732 = arith.index_cast %parallel_loop3A_731 : i32 to index
      %parallel_loop3A_733 = arith.index_cast %parallel_loop3A_388 : i32 to index
      %parallel_loop3A_734 = tpu.vector_load %arg9[%parallel_loop3A_732, %parallel_loop3A_733] {strides = array<i32>} : memref<4x2512xf32, #tpu.memory_space<vmem>>, vector<1x16xf32>,
      %parallel_loop3A_735 = vector.shape_cast %parallel_loop3A_734 : vector<1x16xf32> to vector<16xf32>
      %parallel_loop3A_736 = arith.subf %parallel_loop3A_665, %parallel_loop3A_735 : vector<16xf32>
      %parallel_loop3A_737 = arith.constant 2 : i32
      %parallel_loop3A_738 = arith.index_cast %parallel_loop3A_737 : i32 to index
      %parallel_loop3A_739 = arith.index_cast %parallel_loop3A_388 : i32 to index
      %parallel_loop3A_740 = tpu.vector_load %arg8[%parallel_loop3A_738, %parallel_loop3A_739] {strides = array<i32>} : memref<4x2512xf32, #tpu.memory_space<vmem>>, vector<1x16xf32>,
      %parallel_loop3A_741 = vector.shape_cast %parallel_loop3A_740 : vector<1x16xf32> to vector<16xf32>
      %parallel_loop3A_742 = arith.subf %parallel_loop3A_741, %parallel_loop3A_736 : vector<16xf32>
      %parallel_loop3A_743 = math.absf %parallel_loop3A_742 : vector<16xf32>
      %parallel_loop3A_744 = arith.constant 1.000000e+00 : f32
      %parallel_loop3A_745 = vector.broadcast %parallel_loop3A_744 : f32 to vector<16xf32>
      %parallel_loop3A_746 = arith.cmpf olt, %parallel_loop3A_743, %parallel_loop3A_745 : vector<16xf32>
      %parallel_loop3A_747 = arith.constant 5.000000e-01 : f32
      %parallel_loop3A_748 = vector.broadcast %parallel_loop3A_747 : f32 to vector<16xf32>
      %parallel_loop3A_749 = arith.mulf %parallel_loop3A_748, %parallel_loop3A_743 : vector<16xf32>
      %parallel_loop3A_750 = arith.mulf %parallel_loop3A_749, %parallel_loop3A_743 : vector<16xf32>
      %parallel_loop3A_751 = arith.constant 5.000000e-01 : f32
      %parallel_loop3A_752 = vector.broadcast %parallel_loop3A_751 : f32 to vector<16xf32>
      %parallel_loop3A_753 = arith.subf %parallel_loop3A_743, %parallel_loop3A_752 : vector<16xf32>
      %parallel_loop3A_754 = arith.select %parallel_loop3A_746, %parallel_loop3A_750, %parallel_loop3A_753 : vector<16xi1>, vector<16xf32>
      %parallel_loop3A_755 = arith.select %parallel_loop3A_676, %parallel_loop3A_754, %parallel_loop3A_678 : vector<16xi1>, vector<16xf32>
      %parallel_loop3A_756 = arith.addf %parallel_loop3A_730, %parallel_loop3A_755 : vector<16xf32>
      %parallel_loop3A_757 = arith.constant 3 : i32
      %parallel_loop3A_758 = arith.index_cast %parallel_loop3A_757 : i32 to index
      %parallel_loop3A_759 = arith.index_cast %parallel_loop3A_388 : i32 to index
      %parallel_loop3A_760 = tpu.vector_load %arg9[%parallel_loop3A_758, %parallel_loop3A_759] {strides = array<i32>} : memref<4x2512xf32, #tpu.memory_space<vmem>>, vector<1x16xf32>,
      %parallel_loop3A_761 = vector.shape_cast %parallel_loop3A_760 : vector<1x16xf32> to vector<16xf32>
      %parallel_loop3A_762 = arith.subf %parallel_loop3A_666, %parallel_loop3A_761 : vector<16xf32>
      %parallel_loop3A_763 = arith.constant 3 : i32
      %parallel_loop3A_764 = arith.index_cast %parallel_loop3A_763 : i32 to index
      %parallel_loop3A_765 = arith.index_cast %parallel_loop3A_388 : i32 to index
      %parallel_loop3A_766 = tpu.vector_load %arg8[%parallel_loop3A_764, %parallel_loop3A_765] {strides = array<i32>} : memref<4x2512xf32, #tpu.memory_space<vmem>>, vector<1x16xf32>,
      %parallel_loop3A_767 = vector.shape_cast %parallel_loop3A_766 : vector<1x16xf32> to vector<16xf32>
      %parallel_loop3A_768 = arith.subf %parallel_loop3A_767, %parallel_loop3A_762 : vector<16xf32>
      %parallel_loop3A_769 = math.absf %parallel_loop3A_768 : vector<16xf32>
      %parallel_loop3A_770 = arith.constant 1.000000e+00 : f32
      %parallel_loop3A_771 = vector.broadcast %parallel_loop3A_770 : f32 to vector<16xf32>
      %parallel_loop3A_772 = arith.cmpf olt, %parallel_loop3A_769, %parallel_loop3A_771 : vector<16xf32>
      %parallel_loop3A_773 = arith.constant 5.000000e-01 : f32
      %parallel_loop3A_774 = vector.broadcast %parallel_loop3A_773 : f32 to vector<16xf32>
      %parallel_loop3A_775 = arith.mulf %parallel_loop3A_774, %parallel_loop3A_769 : vector<16xf32>
      %parallel_loop3A_776 = arith.mulf %parallel_loop3A_775, %parallel_loop3A_769 : vector<16xf32>
      %parallel_loop3A_777 = arith.constant 5.000000e-01 : f32
      %parallel_loop3A_778 = vector.broadcast %parallel_loop3A_777 : f32 to vector<16xf32>
      %parallel_loop3A_779 = arith.subf %parallel_loop3A_769, %parallel_loop3A_778 : vector<16xf32>
      %parallel_loop3A_780 = arith.select %parallel_loop3A_772, %parallel_loop3A_776, %parallel_loop3A_779 : vector<16xi1>, vector<16xf32>
      %parallel_loop3A_781 = arith.select %parallel_loop3A_676, %parallel_loop3A_780, %parallel_loop3A_678 : vector<16xi1>, vector<16xf32>
      %parallel_loop3A_782 = arith.addf %parallel_loop3A_756, %parallel_loop3A_781 : vector<16xf32>
      %parallel_loop3A_783 = arith.index_cast %parallel_loop3A_388 : i32 to index
      %parallel_loop3A_784 = tpu.vector_load %arg10[%parallel_loop3A_783] {strides = array<i32>} : memref<2512xf32, #tpu.memory_space<vmem>>, vector<16xf32>,
      %parallel_loop3A_785 = vector.shape_cast %parallel_loop3A_784 : vector<16xf32> to vector<16xf32>
      %parallel_loop3A_786 = arith.select %parallel_loop3A_676, %parallel_loop3A_785, %parallel_loop3A_678 : vector<16xi1>, vector<16xf32>
      %parallel_loop3A_787 = arith.addf %parallel_loop3A_390, %parallel_loop3A_786 : vector<16xf32>
      %parallel_loop3A_788 = arith.constant 1.000000e+00 : f32
      %parallel_loop3A_789 = vector.broadcast %parallel_loop3A_788 : f32 to vector<16xf32>
      %parallel_loop3A_790 = arith.select %parallel_loop3A_676, %parallel_loop3A_789, %parallel_loop3A_678 : vector<16xi1>, vector<16xf32>
      %parallel_loop3A_791 = arith.addf %parallel_loop3A_391, %parallel_loop3A_790 : vector<16xf32>
      scf.yield %parallel_loop3A_782, %parallel_loop3A_787, %parallel_loop3A_791 : vector<16xf32>, vector<16xf32>, vector<16xf32>
    } {sc.loop_unroll_factor = 2 : i64, sc.parallel_access}
    %swap3A = arith.constant 0 : i32
    %swap3A_371 = arith.index_cast %swap3A : i32 to index
    %swap3A_372 = arith.constant 0 : index
    %swap3A_373 = tpu.vector_load %arg14[%swap3A_371, %swap3A_372] {strides = array<i32>} : memref<3x16xf32, #tpu.memory_space<vmem>>, vector<1x16xf32>,
    %swap3A_374 = vector.shape_cast %swap3A_373 : vector<1x16xf32> to vector<16xf32>
    %swap3A_375 = vector.shape_cast %parallel_loop3A_370#0 : vector<16xf32> to vector<1x16xf32>
    tpu.vector_store %arg14[%swap3A_371, %swap3A_372], %swap3A_375 {strides = array<i32>} : memref<3x16xf32, #tpu.memory_space<vmem>>, vector<1x16xf32>,
    %swap3A_376 = arith.constant 1 : i32
    %swap3A_377 = arith.index_cast %swap3A_376 : i32 to index
    %swap3A_378 = arith.constant 0 : index
    %swap3A_379 = tpu.vector_load %arg14[%swap3A_377, %swap3A_378] {strides = array<i32>} : memref<3x16xf32, #tpu.memory_space<vmem>>, vector<1x16xf32>,
    %swap3A_380 = vector.shape_cast %swap3A_379 : vector<1x16xf32> to vector<16xf32>
    %swap3A_381 = vector.shape_cast %parallel_loop3A_370#1 : vector<16xf32> to vector<1x16xf32>
    tpu.vector_store %arg14[%swap3A_377, %swap3A_378], %swap3A_381 {strides = array<i32>} : memref<3x16xf32, #tpu.memory_space<vmem>>, vector<1x16xf32>,
    %swap3A_382 = arith.constant 2 : i32
    %swap3A_383 = arith.index_cast %swap3A_382 : i32 to index
    %swap3A_384 = arith.constant 0 : index
    %swap3A_385 = tpu.vector_load %arg14[%swap3A_383, %swap3A_384] {strides = array<i32>} : memref<3x16xf32, #tpu.memory_space<vmem>>, vector<1x16xf32>,
    %swap3A_386 = vector.shape_cast %swap3A_385 : vector<1x16xf32> to vector<16xf32>
    %swap3A_387 = vector.shape_cast %parallel_loop3A_370#2 : vector<16xf32> to vector<1x16xf32>
    tpu.vector_store %arg14[%swap3A_383, %swap3A_384], %swap3A_387 {strides = array<i32>} : memref<3x16xf32, #tpu.memory_space<vmem>>, vector<1x16xf32>,
    "tpu.region"() ({
      %run_scoped3A = tpu.sem_alloc : memref<!tpu.dma_semaphore, #tpu.memory_space<semaphore_mem>>
      %dma_start3A_388 = arith.constant 0 : i32
      %dma_start3A_389 = arith.constant 0 : i32
      %dma_start3A_390 = tpu.memref_slice %arg7[%add3A, %dma_start3A_388, %dma_start3A_389] : memref<32x3x16xf32, #tpu.memory_space<hbm>> -> memref<1x3x16xf32, #tpu.memory_space<hbm>>
      %dma_start3A_391 = tpu.memref_squeeze %dma_start3A_390 : memref<1x3x16xf32, #tpu.memory_space<hbm>> -> memref<3x16xf32, #tpu.memory_space<hbm>>
      %dma_start3A_392 = arith.constant 0 : i32
      %dma_start3A_393 = arith.constant 0 : i32
      %dma_start3A_394 = tpu.memref_slice %arg7[%add3A, %dma_start3A_392, %dma_start3A_393] : memref<32x3x16xf32, #tpu.memory_space<hbm>> -> memref<1x3x16xf32, #tpu.memory_space<hbm>>
      %dma_start3A_395 = tpu.memref_squeeze %dma_start3A_394 : memref<1x3x16xf32, #tpu.memory_space<hbm>> -> memref<3x16xf32, #tpu.memory_space<hbm>>
      tpu.enqueue_dma source(%arg14 : memref<3x16xf32, #tpu.memory_space<vmem>>) target(%dma_start3A_395 : memref<3x16xf32, #tpu.memory_space<hbm>>) target_semaphore(%run_scoped3A : memref<!tpu.dma_semaphore, #tpu.memory_space<semaphore_mem>>)
      %dma_wait3A_396 = arith.constant 0 : i32
      %dma_wait3A_397 = arith.constant 0 : i32
      %dma_wait3A_398 = tpu.memref_slice %arg7[%add3A, %dma_wait3A_396, %dma_wait3A_397] : memref<32x3x16xf32, #tpu.memory_space<hbm>> -> memref<1x3x16xf32, #tpu.memory_space<hbm>>
      %dma_wait3A_399 = tpu.memref_squeeze %dma_wait3A_398 : memref<1x3x16xf32, #tpu.memory_space<hbm>> -> memref<3x16xf32, #tpu.memory_space<hbm>>
      %dma_wait3A_400 = arith.constant 0 : i32
      %dma_wait3A_401 = arith.constant 0 : i32
      %dma_wait3A_402 = tpu.memref_slice %arg7[%add3A, %dma_wait3A_400, %dma_wait3A_401] : memref<32x3x16xf32, #tpu.memory_space<hbm>> -> memref<1x3x16xf32, #tpu.memory_space<hbm>>
      %dma_wait3A_403 = tpu.memref_squeeze %dma_wait3A_402 : memref<1x3x16xf32, #tpu.memory_space<hbm>> -> memref<3x16xf32, #tpu.memory_space<hbm>>
      tpu.wait_dma2 semaphore(%run_scoped3A : memref<!tpu.dma_semaphore, #tpu.memory_space<semaphore_mem>>) src(%arg14 : memref<3x16xf32, #tpu.memory_space<vmem>>) dst(%dma_wait3A_403 : memref<3x16xf32, #tpu.memory_space<hbm>>)
      tpu.yield
    }) : () -> ()
    return
  }
}

module attributes {stable_mosaic.version = 14 : i64} {
  func.func @_tc_softplus_body(%arg0: memref<625x128xf32, #tpu.memory_space<vmem>>, %arg1: memref<1x1xf32, #tpu.memory_space<smem>>) attributes {dimension_semantics = [], scalar_prefetch = 0 : i64, scratch_operands = 0 : i64, tpu.core_type = #tpu.core_type<tc>} {
    %get3A = arith.constant 0 : index
    %get3A_0 = arith.constant 0 : index
    %get3A_1 = vector.load %arg0[%get3A, %get3A_0] : memref<625x128xf32, #tpu.memory_space<vmem>>, vector<625x128xf32>
    %max3A = arith.constant 0.000000e+00 : f32
    %max3A_2 = vector.broadcast %max3A : f32 to vector<625x128xf32>
    %max3A_3 = arith.maximumf %get3A_1, %max3A_2 : vector<625x128xf32>
    %abs3A = math.absf %get3A_1 : vector<625x128xf32>
    %neg3A = arith.constant 0.000000e+00 : f32
    %neg3A_4 = vector.broadcast %neg3A : f32 to vector<625x128xf32>
    %neg3A_5 = arith.subf %neg3A_4, %abs3A : vector<625x128xf32>
    %exp3A = math.exp %neg3A_5 : vector<625x128xf32>
    %log1p3A = math.log1p %exp3A : vector<625x128xf32>
    %add3A = arith.addf %max3A_3, %log1p3A : vector<625x128xf32>
    %reduce_sum3A = vector.shape_cast %add3A : vector<625x128xf32> to vector<1x625x128xf32>
    %reduce_sum3A_6 = arith.constant dense<0.000000e+00> : vector<1xf32>
    %reduce_sum3A_7 = vector.multi_reduction <add>, %reduce_sum3A, %reduce_sum3A_6 [1, 2] : vector<1x625x128xf32> to vector<1xf32>
    %reduce_sum3A_8 = vector.shape_cast %reduce_sum3A_7 : vector<1xf32> to vector<1x1x1xf32>
    %reduce_sum3A_9 = vector.extract %reduce_sum3A_8[0, 0, 0] : f32 from vector<1x1x1xf32>
    %swap3A = arith.constant 0 : index
    %swap3A_10 = arith.constant 0 : index
    %swap3A_11 = memref.load %arg1[%swap3A, %swap3A_10] : memref<1x1xf32, #tpu.memory_space<smem>>
    memref.store %reduce_sum3A_9, %arg1[%swap3A, %swap3A_10] : memref<1x1xf32, #tpu.memory_space<smem>>
    return
  }
}

</mosaic_0001>

<sc_bundles>
// kernel: rpn_sc_partials.3.cloned.1.call-start
scs
__scs_entry_jumppad:
0x0: {  	(pc) =	sbr.rel $0x88, $3  }
0x1: {  	(tag) =	ssettag $0x0;
	lr =	simm.s32 $0x1  }
0x2: {  	[smem:$0x3F9D] =	sst lr;
	_ =	strace $0xD0000000  }
0x3: {  	_ = 	snop  }
0x4: {  	_ = 	snop  }
0x5: {  	_ = 	snop  }
0x6: {  	_ = 	snop  }
0x7: {  	_ = 	snop  }
__scs_overlays_trampoline_lowered:
0x8: {  	[smem:$0x3FAC] =	sst s0  }
0x9: {  	[smem:$0x3FAD] =	sst s1  }
0xa: {  	[smem:$0x3FAE] =	sst s2  }
0xb: {  	[smem:$0x3FAF] =	sst s3  }
0xc: {  	[smem:$0x3FB0] =	sst s4  }
0xd: {  	[smem:$0x3FB1] =	sst s5  }
0xe: {  	[smem:$0x3FB2] =	sst s6  }
0xf: {  	[smem:$0x3FB3] =	sst s7  }
0x10: {  	[smem:$0x3FB4] =	sst s8  }
0x11: {  	[smem:$0x3FB5] =	sst s9;
	s0 =	simm.s32 @!p0 $0x0  }
0x12: {  	s1 =	sld [smem:$0x3F9B];
	s0 =	simm.s32 @p0 $0x1  }
0x13: {  	[smem:$0x3FB6] =	sst s0;
	s0 =	simm.s32 @!p1 $0x0  }
0x14: {  	s2 =	sld [smem:$0x3F9A];
	s0 =	simm.s32 @p1 $0x1  }
0x15: {  	[smem:$0x3FB7] =	sst s0;
	s0 =	simm.s32 @!p2 $0x0  }
0x16: {  	s3 =	sld [smem:$0x3FDB];
	s0 =	simm.s32 @p2 $0x1  }
0x17: {  	s4 =	simm.s32 $0x1BF5;
	[smem:$0x3FB9] =	sst s0  }
0x18: {  	s0 =	sld [smem:$0x3F9C];
	_ =	swait.ge [sflag:s4], $0x0  }
0x19: {  	s7 =	sld [smem:$0x3F9D]  }
0x1a: {  	s8 =	sadd.s32 $0xFFFFE003, lr  }
0x1b: {  	s9 =	sadd.s32 $0xFFFFFEF7, lr;
	s5 =	simm.s32 $0xFFFFFFFF;
	p2 =	slt.u32 s8, $0xFFFFF086  }
0x1c: {  	p1 =	slt.u32 s9, $0xF7A;
	s5 =	simm.s32 @!p2 $0x0  }
0x1d: {  	s5 =	simm.s32 @p1 $0x1;
	p0 =	seq.s32 s7, s2  }
0x1e: {  	s7 =	smul.u32 @!p0 $0xF7A, s2;
	p2 =	seq.s32 @!p0 s5, $0x0  }
0x1f: {  	s9 =	smul.u32 $0xF7A, s1;
	s8 =	simm.s32 @!p0 $0x1BF5;
	p2 =	por !p2, p0  }
0x20: {  	[sflag:s8] =	ssyncset.s32 @!p0 $0xFFFFF086;
	s6 =	sadd.s32 @!p0 s3, s7;
	s7 =	simm.s32 @!p0 $0x108  }
0x21: {  	s3 =	sadd.s32 s3, s9;
	s6 =	sadd.s32 @!p0 $0x88, s6;
	s7 =	simm.s32 @p2 $0x1082  }
0x22: {  	[simem:s7], [sflag:s8] =	dma.local @!p0 [hbm:s6], $0xF7A  }
0x23: {  	s9 =	sor.u32 $0xD0000000, s2;
	s6 =	simm.s32 $0x108;
	_ =	swait.ge @!p0 [sflag:s8], $0x0  }
0x24: {  	s3 =	sadd.s32 $0x88, s3;
	s6 =	simm.s32 @!p1 $0x1082;
	[sflag:s4] =	ssyncset.s32 $0xFFFFF086  }
0x25: {  	[simem:s6], [sflag:s4] =	dma.local [hbm:s3], $0xF7A  }
0x26: {  	[smem:$0x3F9D] =	sst s1;
	(tag) =	ssettag s2;
	_ =	strace s9  }
0x27: {  	s1 =	sld [smem:$0x3FAD]  }
0x28: {  	s2 =	sld [smem:$0x3FAE]  }
0x29: {  	s4 =	sld [smem:$0x3FB0]  }
0x2a: {  	p0 =	seq.s32 s5, $0x0;
	s5 =	sld [smem:$0x3FB1]  }
0x2b: {  	s6 =	sld [smem:$0x3FB2]  }
0x2c: {  	s7 =	sld [smem:$0x3FB3]  }
0x2d: {  	s3 =	simm.s32 $0x108;
	s8 =	sld [smem:$0x3FB4]  }
0x2e: {  	s3 =	simm.s32 @!p0 $0x1082;
	s9 =	sld [smem:$0x3FB5]  }
0x2f: {  	lr =	sadd.s32 s0, s3;
	s0 =	sld [smem:$0x3FAC]  }
0x30: {  	s3 =	sld [smem:$0x3FAF]  }
0x31: {  	[smem:$0x3FB8] =	sst s10  }
0x32: {  	s10 =	sld [smem:$0x3FB6];
	_ =	sdelay $0x3  }
0x33: {  	p0 =	seq.s32 s10, $0x1;
	s10 =	sld [smem:$0x3FB8];
	_ =	sdelay $0x3  }
0x34: {  	[smem:$0x3FB8] =	sst s10  }
0x35: {  	s10 =	sld [smem:$0x3FB7];
	_ =	sdelay $0x3  }
0x36: {  	p1 =	seq.s32 s10, $0x1;
	s10 =	sld [smem:$0x3FB8];
	_ =	sdelay $0x3  }
0x37: {  	[smem:$0x3FB8] =	sst s10  }
0x38: {  	s10 =	sld [smem:$0x3FB9]  }
0x39: {  	_ = 	snop;
	(pc) =	sbr.ind lr, $3  }
0x3a: {  	_ = 	snop  }
0x3b: {  	_ = 	snop  }
0x3c: {  	p2 =	seq.s32 s10, $0x1;
	s10 =	sld [smem:$0x3FB8]  }
0x3d: {  	_ =	shalt  }
0x3e: {  	_ =	shalt  }
0x3f: {  	_ =	shalt  }
0x40: {  	_ =	shalt  }
0x41: {  	_ =	shalt  }
0x42: {  	_ =	shalt  }
0x43: {  	_ =	shalt  }
0x44: {  	_ =	shalt  }
0x45: {  	_ =	shalt  }
0x46: {  	_ =	shalt  }
0x47: {  	_ =	shalt  }
0x48: {  	_ =	shalt  }
0x49: {  	_ =	shalt  }
0x4a: {  	_ =	shalt  }
0x4b: {  	_ =	shalt  }
0x4c: {  	_ =	shalt  }
0x4d: {  	_ =	shalt  }
0x4e: {  	_ =	shalt  }
0x4f: {  	_ =	shalt  }
0x50: {  	_ =	shalt  }
0x51: {  	_ =	shalt  }
0x52: {  	_ =	shalt  }
0x53: {  	_ =	shalt  }
0x54: {  	_ =	shalt  }
0x55: {  	_ =	shalt  }
0x56: {  	_ =	shalt  }
0x57: {  	_ =	shalt  }
0x58: {  	_ =	shalt  }
0x59: {  	_ =	shalt  }
0x5a: {  	_ =	shalt  }
0x5b: {  	_ =	shalt  }
0x5c: {  	_ =	shalt  }
0x5d: {  	_ =	shalt  }
0x5e: {  	_ =	shalt  }
0x5f: {  	_ =	shalt  }
0x60: {  	_ =	shalt  }
0x61: {  	_ =	shalt  }
0x62: {  	_ =	shalt  }
0x63: {  	_ =	shalt  }
0x64: {  	_ =	shalt  }
0x65: {  	_ =	shalt  }
0x66: {  	_ =	shalt  }
0x67: {  	_ =	shalt  }
0x68: {  	_ =	shalt  }
0x69: {  	_ =	shalt  }
0x6a: {  	_ =	shalt  }
0x6b: {  	_ =	shalt  }
0x6c: {  	_ =	shalt  }
0x6d: {  	_ =	shalt  }
0x6e: {  	_ =	shalt  }
0x6f: {  	_ =	shalt  }
0x70: {  	_ =	shalt  }
0x71: {  	_ =	shalt  }
0x72: {  	_ =	shalt  }
0x73: {  	_ =	shalt  }
0x74: {  	_ =	shalt  }
0x75: {  	_ =	shalt  }
0x76: {  	_ =	shalt  }
0x77: {  	_ =	shalt  }
0x78: {  	_ =	shalt  }
0x79: {  	_ =	shalt  }
0x7a: {  	_ =	shalt  }
0x7b: {  	_ =	shalt  }
0x7c: {  	_ =	shalt  }
0x7d: {  	_ =	shalt  }
0x7e: {  	_ =	shalt  }
0x7f: {  	_ =	shalt  }
0x80: {  	_ =	shalt  }
0x81: {  	_ =	shalt  }
0x82: {  	_ =	shalt  }
0x83: {  	_ =	shalt  }
0x84: {  	_ =	shalt  }
0x85: {  	_ =	shalt  }
0x86: {  	_ =	shalt  }
0x87: {  	_ =	shalt  }
.Lfunc_end0:
.L_simem_size_0:
called_computation_lowered:
.L_overlay_start_0:
0x88: {  	s2 =	sld [smem:$0x3FD9]  }
0x89: {  	s3 =	sld [smem:$0x3FFE];
	_ =	sdelay $0x1  }
0x8a: {  	s1 =	srdreg.scid  }
0x8b: {  	s0 =	sand.u32 $0x1, s1  }
0x8c: {  	s16 =	sshll.u32 s0, $0xA;
	s2 =	sadd.s32 s3, s2  }
0x8d: {  	s2 =	sadd.s32 s2, s16  }
0x8e: {  	[smem:$0x3FC4] =	sst s2  }
0x8f: {  	_ = 	snop  }
0x90: {  	(tm) =	ssettm $0x1  }
0x91: {  	s17 =	sld [smem:$0x3FFB];
	_ =	sdelay $0x3  }
0x92: {  	_ =	strace s17  }
0x93: {  	s2 =	sld [smem:$0x3FFC];
	_ =	sdelay $0x3  }
0x94: {  	_ =	strace s2  }
0x95: {  	s2 =	sld [smem:$0x3FFD];
	_ =	sdelay $0x3  }
0x96: {  	_ =	strace s2  }
0x97: {  	_ =	strace $0x8FFFFFFF  }
0x98: {  	s18 =	sld [smem:$0x3FDB];
	_ =	sdelay $0x1  }
0x99: {  	s19 =	simm.s32 $_scs_section_size  }
0x9a: {  	s4 =	simm.s32 $_size__tile_overlayer_lowered;
	s5 =	simm.s32 $_tile_overlayer_lowered  }
0x9b: {  	s22 =	simm.s32 $0x1BFF;
	s21 =	sshll.u32 s5, $0x1;
	s2 =	sadd.s32 s19, s18  }
0x9c: {  	s6 =	simm.s32 $0x0;
	s20 =	sshll.u32 s4, $0x1;
	s4 =	sadd.s32 s21, s2  }
0x9d: {  	[timem:s6], [sflag:s22] =	dma.local [hbm:s4], s20  }
0x9e: {  	_ =	swait.ge [sflag:s22], s20  }
0x9f: {  	s3 =	ssub.s32 $0x0, s20;
	[sflag:s22] =	ssyncset.done $0x0  }
0xa0: {  	[sflag:s22] =	ssyncadd.s32 s3;
	_ =	sdelay $0x1  }
0xa1: {  	s23 =	simm.s32 $0x1B8B  }
0xa2: {  	_ =	swait.ge [sflag:s23], $0x1  }
0xa3: {  	[sflag:s23] =	ssyncset.done $0x0  }
0xa4: {  	s25 =	simm.s32 $0x1B8E;
	s24 =	sld [smem:$0x3FFE];
	[sflag:s23] =	ssyncadd.s32 $0xFFFFFFFF  }
0xa5: {  	s26 =	simm.s32 $execute0_lowered;
	[smem:$0x3FD2] =	sst s25  }
0xa6: {  	s4 =	sshll.u32 s26, $0x1;
	_ =	strace $0x80000046;
	[dreg:$0x1] =	wrdreg $0xFFFFFFFF  }
0xa7: {  	s28 =	simm.s32 $_size_execute0_lowered;
	s2 =	sadd.s32 s2, s4;
	[dreg:$0x0] =	wrdreg $0x0  }
0xa8: {  	s4 =	sshll.u32 s28, $0x1;
	[dreg:$0x2] =	wrdreg s2  }
0xa9: {  	[dreg:$0x3] =	wrdreg s4  }
0xaa: {  	[dreg:$0x4] =	wrdreg $0xC0  }
0xab: {  	_ =	task [dreg:s6], $0x5FFFF  }
0xac: {  	[dreg:$0x1] =	wrdreg $0xFFFFFFFF  }
0xad: {  	[dreg:$0x0] =	wrdreg $0x60  }
0xae: {  	[dreg:$0x2] =	wrdreg s24  }
0xaf: {  	[dreg:$0x3] =	wrdreg $0x9  }
0xb0: {  	_ =	task.clear_ibuf [dreg:s6], $0x4FFFF;
	_ =	strace $0x90000046  }
0xb1: {  	s29 =	simm.s32 $0x9;
	_ =	strace $0x80000048  }
0xb2: {  	_ =	swait.ge [sflag:s29], $0x1  }
0xb3: {  	[sflag:s29] =	ssyncadd.s32 $0xFFFFFFFF  }
0xb4: {  	_ =	strace $0x90000048  }
0xb5: {  	_ =	sfence  }
0xb6: {  	s30 =	sld [smem:$0x0];
	_ =	sdelay $0x2  }
0xb7: {  	s31 =	sshll.u32 s1, $0xD;
	s1 =	sshrl.u32 s1, $0x2  }
0xb8: {  	s3 =	sand.u32 $0x4000, s31;
	s1 =	sadd.s32 s1, s30  }
0xb9: {  	s0 =	sor.u32 s3, s0;
	s1 =	sshll.u32 s1, $0x11  }
0xba: {  	s0 =	sor.u32 s1, s0  }
0xbb: {  	s0 =	sadd.s32 $0x8F2B, s0  }
0xbc: {  	[sflag:s0] =	ssyncadd.remote.s32 $0x1  }
0xbd: {  	_ =	sfence.sel $0xFFFF  }
0xbe: {  	[dreg:$0x0] =	wrdreg $0xFFFFFFFF;
	(pc) =	sbr.abs _section_cstart, $3  }
0xbf: {  	[dreg:$0x1] =	wrdreg $0xFFFFFFFF  }
0xc0: {  	_ =	task.clear_ibuf [dreg:s6], $0x2FFFF;
	_ =	strace $0x9FFFFFFF  }
0xc1: {  	(tm) =	ssettm $0x7FFFFFFF  }
tec
execute0_lowered:
.L_overlay_start_1:
0x0: {  	(tag) =	ssettag $0x1  }
0x1: {  	s1 =	srdreg.scid  }
0x2: {  	s0 =	stileid.u32;
	s6 =	rddreg [dreg:$0x0]  }
0x3: {  	s2 =	simm.s32 $0x0;
	s13 =	simm.s32 $0x5000;
	s14 =	simm.s32 $0x5A00  }
0x4: {  	s15 =	simm.s32 $0x9A00;
	s16 =	simm.s32 $0x1;
	s17 =	simm.s32 $0xFA00  }
0x5: {  	s18 =	simm.s32 $0x2;
	s19 =	simm.s32 $0x0;
	s3 =	sand.u32 $0x1, s1  }
0x6: {  	s29 =	sshll.u32 s0, $0x1;
	s5 =	sshrl.u32 s0, $0x2;
	s1 =	rddreg [dreg:$0x1]  }
0x7: {  	[smem:$0x7FF] =	sst s2;
	s4 =	sor.u32 s3, s29;
	s7 =	smul.u32 $0x5000, s5  }
0x8: {  	_ =	strace $0x80000047;
	s30 =	sshll.u32 s5, $0xB;
	s5 =	sshll.u32 s5, $0x9  }
0x9: {  	s3 =	ssub.s32 $0x2, s3;
	s8 =	sshll.u32 s4, $0x7;
	s9 =	smul.u32 $0x500, s4  }
0xa: {  	s4 =	sshll.u32 s4, $0x6;
	s10 =	sadd.s32 s5, s6;
	s31 =	sshrl.u32 s3, $0x1  }
0xb: {  	s8 =	sand.u32 $0x380, s8;
	s11 =	sadd.s32 s4, s6;
	s12 =	ssub.s32 s3, s31  }
0xc: {  	v0 =	vlaneseq.u32;
	s7 =	sor.u32 s7, s8;
	s9 =	sadd.s32 s9, s6;
	s8 =	sadd.s32 s30, s6  }
0xd: {  	v1 =	vmul.u32 $0xFFFFFFFF, v0;
	s7 =	sshrl.u32 s7, $0x3;
	s3 =	sadd.s32 $0x600, s9;
	s4 =	sadd.s32 $0xA600, s9  }
0xe: {  	s9 =	smax.u32 s12, $0x1;
	s12 =	simm.s32 $0x400;
	s7 =	sadd.s32 s7, s6  }
0xf: {  	v37 =	vadd.s32 $0x9C4, v1;
	s6 =	sadd.s32 $0x16E00, s8;
	s8 =	sadd.s32 $0x19600, s11;
	s11 =	simm.s32 $0x80  }
0x10: {  	[tilespmem:$0x1FFF0] =	vst v37;
	s5 =	sadd.s32 $0x14600, s7;
	s7 =	sadd.s32 $0x18E00, s10;
	s10 =	simm.s32 $0x2800  }
.LBB2_1:
0x11: {  	[tilespmem:s2], [sflag:$0x1] =	stream.linear.gather [hbm4b:s3+s2], $0x2800, $0x38;
	[tilespmem:$0xFC00] =	vst v63  }
0x12: {  	_ = 	snop  }
0x13: {  	[tilespmem:s10], [sflag:$0x1] =	stream.linear.gather [hbm4b:s4+s2], $0x2800, $0x38;
	[tilespmem:$0xFC00] =	vst v63  }
0x14: {  	_ = 	snop  }
0x15: {  	[tilespmem:s13], [sflag:$0x1] =	stream.strided.gather [hbm4b:s5+s11], $0xA00, s12, s11, $0x38;
	[tilespmem:$0xFC00] =	vst v63  }
0x16: {  	_ = 	snop  }
0x17: {  	[tilespmem:s14], [sflag:$0x1] =	stream.linear.gather [hbm4b:s6+s2], $0x4000, $0x38;
	[tilespmem:$0xFC00] =	vst v63  }
0x18: {  	_ = 	snop  }
0x19: {  	[tilespmem:s15], [sflag:$0x1] =	stream.linear.gather [hbm4b:s7+s2], $0x1000, $0x38;
	[tilespmem:$0xFC00] =	vst v63  }
0x1a: {  	_ =	swait.ge [sflag:s16], $0x2800  }
0x1b: {  	[sflag:s16] =	ssyncset.done $0x0  }
0x1c: {  	[sflag:s16] =	ssyncadd.s32 $0xFFFFD800  }
0x1d: {  	_ =	swait.ge [sflag:s16], $0x2800  }
0x1e: {  	[sflag:s16] =	ssyncset.done $0x0  }
0x1f: {  	[sflag:s16] =	ssyncadd.s32 $0xFFFFD800  }
0x20: {  	_ =	swait.ge [sflag:s16], $0xA00  }
0x21: {  	[sflag:s16] =	ssyncset.done $0x0  }
0x22: {  	[sflag:s16] =	ssyncadd.s32 $0xFFFFF600  }
0x23: {  	_ =	swait.ge [sflag:s16], $0x4000  }
0x24: {  	[sflag:s16] =	ssyncset.done $0x0  }
0x25: {  	[sflag:s16] =	ssyncadd.s32 $0xFFFFC000  }
0x26: {  	_ =	swait.ge [sflag:s16], $0x1000  }
0x27: {  	[sflag:s16] =	ssyncset.done $0x0  }
0x28: {  	[sflag:s16] =	ssyncadd.s32 $0xFFFFF000  }
0x29: {  	v7 =	vld [tilespmem:$0x6800]  }
0x2a: {  	v0 =	vld [tilespmem:$0x6880]  }
0x2b: {  	v20 =	vld [tilespmem:$0x6900]  }
0x2c: {  	v1 =	vld [tilespmem:$0x6980]  }
0x2d: {  	v4 =	vld [tilespmem:$0x6600]  }
0x2e: {  	s20 =	simm.s32 $0x0;
	s21 =	simm.s32 $0x0;
	v17 =	vld [tilespmem:$0x6680]  }
0x2f: {  	s22 =	sand.u32 $0x60, s20;
	s21 =	sand.u32 $0x3FFFFE00, s21;
	v2 =	vld [tilespmem:$0x6700]  }
0x30: {  	s23 =	sadd.s32 $0x2800, s21;
	s30 =	sor.u32 $0x10, s22;
	v60 =	vld [tilespmem:$0x6400]  }
0x31: {  	s24 =	sor.u32 s30, s23;
	v3 =	vld [tilespmem:$0x6500]  }
0x32: {  	v34 =	vld [tilespmem:s24+$0x0]  }
0x33: {  	v38 =	vld [tilespmem:s24+$0x100]  }
0x34: {  	v39 =	vld [tilespmem:s24+$0x180]  }
0x35: {  	v40 =	vld [tilespmem:s24+$0x80]  }
0x36: {  	v22 =	vld [tilespmem:$0x5C00]  }
0x37: {  	v23 =	vld [tilespmem:$0x5D00]  }
0x38: {  	v26 =	vld [tilespmem:$0x5B00]  }
0x39: {  	v29 =	vld [tilespmem:$0x5A00]  }
0x3a: {  	v30 =	vld [tilespmem:$0x5B80]  }
0x3b: {  	v62 =	vld [tilespmem:$0x5A80]  }
0x3c: {  	v24 =	vld [tilespmem:$0x5C80]  }
0x3d: {  	v27 =	vld [tilespmem:$0x5D80]  }
0x3e: {  	v9 =	vld [tilespmem:$0x6580]  }
0x3f: {  	v8 =	vld [tilespmem:$0x6100];
	v14 =	vmin.f32 v38, v20;
	v11 =	vmax.f32 v34, v7;
	v32 =	vmin.f32 v39, v1  }
0x40: {  	v28 =	vld [tilespmem:$0x5F00];
	v37 =	vmin.f32 v38, v2;
	v41 =	vmax.f32 v34, v4;
	v42 =	vmax.f32 v40, v0  }
0x41: {  	v31 =	vld [tilespmem:$0x5F80];
	v44 =	vmin.f32 v38, v3;
	v10 =	vmin.f32 v38, v23;
	v15 =	vmax.f32 v34, v22  }
0x42: {  	v16 =	vsub.f32 v38, v34;
	v18 =	vsub.f32 v39, v40;
	v12 =	vmin.f32 v38, v26  }
0x43: {  	v19 =	vmax.f32 v34, v29;
	v21 =	vmin.f32 v39, v30;
	v33 =	vmin.f32 v39, v27  }
0x44: {  	v45 =	vmax.f32 v40, v24;
	v48 =	vmax.f32 v40, v17;
	v47 =	vmax.f32 v34, v60  }
0x45: {  	v35 =	vld [tilespmem:$0x9A00];
	v49 =	vmin.f32 v39, v9;
	v51 =	vmin.f32 v38, v8;
	v52 =	vmin.f32 v38, v28  }
0x46: {  	v5 =	vld [tilespmem:$0x6780];
	v59 =	vmin.f32 v39, v31;
	v25 =	vsub.f32 v12, v19;
	v19 =	vmax.f32 v40, v62  }
0x47: {  	v36 =	vld [tilespmem:$0x9A80];
	v16 =	vmax.f32 v16, $0.0e+00;
	v18 =	vmax.f32 v18, $0.0e+00;
	v21 =	vsub.f32 v21, v19  }
0x48: {  	v43 =	vmul.f32 v18, v16;
	v16 =	vmax.f32 v25, $0.0e+00;
	v25 =	vsub.f32 v10, v15;
	v15 =	vld [tilespmem:$0x5E00]  }
0x49: {  	v57 =	vsub.f32 v14, v11;
	v44 =	vsub.f32 v44, v47;
	v18 =	vmax.f32 v21, $0.0e+00  }
0x4a: {  	v21 =	vld [tilespmem:$0x5E80];
	v46 =	vmul.f32 v18, v16;
	v16 =	vadd.f32 v43, v35;
	v18 =	vsub.f32 v33, v45  }
0x4b: {  	v61 =	vld [tilespmem:$0x6480];
	v58 =	vsub.f32 v32, v42;
	v44 =	vmax.f32 v44, $0.0e+00;
	v45 =	vmin.f32 v39, v5  }
0x4c: {  	v6 =	vld [tilespmem:$0x6200];
	v10 =	vmovc v3;
	v25 =	vmax.f32 v25, $0.0e+00;
	v3 =	vsub.f32 v16, v46;
	v18 =	vmax.f32 v18, $0.0e+00  }
0x4d: {  	v13 =	vld [tilespmem:$0x6080];
	v50 =	vmul.f32 v18, v25;
	v18 =	vadd.f32 v43, v36;
	v54 =	vmax.f32 v34, v15  }
0x4e: {  	v12 =	vld [tilespmem:$0x6000];
	v45 =	vsub.f32 v45, v48;
	v53 =	vmax.f32 v3, $9.999999930e-09;
	v52 =	vsub.f32 v52, v54  }
0x4f: {  	v11 =	vld [tilespmem:$0x6280];
	v63 =	vmax.f32 v40, v21;
	v55 =	vxor.u32 $0x80000000, v53;
	v56 =	vsub.f32 v18, v50  }
0x50: {  	v16 =	vld [tilespmem:$0x6180];
	v54 =	vsub.f32 v59, v63;
	v59 =	vmax.f32 v40, v61;
	vm0 =	vge.f32 v46, v55  }
0x51: {  	v47 =	vld [tilespmem:$0x9B00];
	v63 =	vmax.f32 v52, $0.0e+00;
	v49 =	vsub.f32 v49, v59;
	v42 =	vnsel vm0, $0xBF800000, v46  }
0x52: {  	v3 =	vld [tilespmem:$0x6300];
	v53 =	vnsel vm0, $0x3F800000, v53;
	v55 =	vmax.f32 v56, $9.999999930e-09;
	v56 =	vsub.f32 v37, v41  }
0x53: {  	v25 =	vld [tilespmem:$0x6380];
	v46 =	vmax.f32 v34, v12;
	v32 =	vmul.f32 v53, v50;
	v33 =	vmul.f32 v42, v55  }
0x54: {  	v37 =	vmax.f32 v54, $0.0e+00;
	v34 =	vmax.f32 v34, v6;
	v51 =	vsub.f32 v51, v46  }
0x55: {  	vm1 =	vge.f32 v32, v33;
	v32 =	vmin.f32 v39, v16;
	v33 =	vmax.f32 v40, v13  }
0x56: {  	v52 =	vmul.f32 v37, v63;
	v49 =	vmax.f32 v49, $0.0e+00;
	v41 =	vsub.f32 v32, v33;
	v32 =	vld [tilespmem:$0x9B80]  }
0x57: {  	v63 =	vadd.f32 v43, v47;
	v38 =	vmin.f32 v38, v3;
	v48 =	vmul.f32 v49, v44  }
0x58: {  	v39 =	vmin.f32 v39, v25;
	v40 =	vmax.f32 v40, v11;
	v34 =	vsub.f32 v38, v34  }
0x59: {  	v63 =	vsub.f32 v63, v52;
	v51 =	vmax.f32 v51, $0.0e+00;
	v39 =	vsub.f32 v39, v40  }
0x5a: {  	v42 =	vsel vm1, v50, v42;
	v50 =	vsel vm1, v55, v53;
	v41 =	vmax.f32 v41, $0.0e+00  }
0x5b: {  	s23 =	sor.u32 s22, s23;
	v46 =	vld [tilespmem:$0x9C00];
	v38 =	vmax.f32 v63, $9.999999930e-09;
	v51 =	vmul.f32 v41, v51;
	v33 =	vadd.f32 v43, v32  }
0x5c: {  	v44 =	vld [tilespmem:s23+$0x100];
	v53 =	vmul.f32 v50, v52;
	v63 =	vmul.f32 v42, v38  }
0x5d: {  	v34 =	vmax.f32 v34, $0.0e+00;
	v39 =	vmax.f32 v39, $0.0e+00;
	v41 =	vsub.f32 v33, v51  }
0x5e: {  	v40 =	vld [tilespmem:$0x9C80];
	v34 =	vmul.f32 v39, v34;
	vm5 =	vge.f32 v53, v63  }
0x5f: {  	v42 =	vsel vm5, v52, v42;
	v38 =	vsel vm5, v38, v50;
	v50 =	vmax.f32 v41, $9.999999930e-09  }
0x60: {  	v55 =	vadd.f32 v43, v46;
	v59 =	vmul.f32 v38, v51;
	v63 =	vmul.f32 v42, v50  }
0x61: {  	v37 =	vmax.f32 v58, $0.0e+00;
	v39 =	vld [tilespmem:s23+$0x0];
	v58 =	vmin.f32 v44, v3  }
0x62: {  	v52 =	vmax.f32 v57, $0.0e+00;
	v33 =	vsub.f32 v55, v34;
	vm2 =	vge.f32 v59, v63  }
0x63: {  	v57 =	vmin.f32 v44, v26;
	v41 =	vld [tilespmem:$0x9D00];
	v59 =	vadd.f32 v43, v40;
	v51 =	vsel vm2, v51, v42  }
0x64: {  	v38 =	vsel vm2, v50, v38;
	v50 =	vmax.f32 v33, $9.999999930e-09;
	v42 =	vld [tilespmem:s23+$0x80];
	v33 =	vmax.f32 v45, $0.0e+00  }
0x65: {  	v45 =	vld [tilespmem:s23+$0x180];
	v53 =	vmul.f32 v38, v34;
	v54 =	vmul.f32 v51, v50;
	v49 =	vsub.f32 v59, v48  }
0x66: {  	v37 =	vmul.f32 v37, v52;
	v52 =	vsub.f32 v44, v39;
	v63 =	vmax.f32 v56, $0.0e+00  }
0x67: {  	vm3 =	vge.f32 v53, v54;
	v53 =	vmul.f32 v33, v63;
	v49 =	vmax.f32 v49, $9.999999930e-09  }
0x68: {  	v63 =	vadd.f32 v43, v41;
	v51 =	vsel vm3, v34, v51;
	v50 =	vsel vm3, v50, v38  }
0x69: {  	v52 =	vmax.f32 v52, $0.0e+00;
	v33 =	vmul.f32 v50, v48;
	v34 =	vmul.f32 v51, v49  }
0x6a: {  	v38 =	vld [tilespmem:$0x9D80];
	v54 =	vsub.f32 v63, v53;
	v63 =	vsub.f32 v45, v42;
	v14 =	vmax.f32 v42, v62  }
0x6b: {  	v18 =	vmovc v62;
	v59 =	vmin.f32 v45, v27;
	v62 =	vmax.f32 v42, v24;
	vm4 =	vge.f32 v33, v34  }
0x6c: {  	v33 =	vmax.f32 v39, v29;
	v34 =	vmin.f32 v45, v30;
	v55 =	vmax.f32 v63, $0.0e+00  }
0x6d: {  	v63 =	vmin.f32 v44, v23;
	v48 =	vsel vm4, v48, v51;
	v49 =	vsel vm4, v49, v50  }
0x6e: {  	v50 =	vmax.f32 v54, $9.999999930e-09;
	v54 =	vsub.f32 v57, v33;
	v56 =	vsub.f32 v34, v14  }
0x6f: {  	v34 =	vmax.f32 v39, v22;
	v51 =	vmul.f32 v49, v53;
	v57 =	vadd.f32 v43, v38  }
0x70: {  	v19 =	vmul.f32 v48, v50;
	v43 =	vmul.f32 v55, v52;
	v52 =	vsub.f32 v63, v34  }
0x71: {  	v55 =	vsub.f32 v59, v62;
	v63 =	vmin.f32 v44, v28;
	v62 =	vmax.f32 v39, v15  }
0x72: {  	v54 =	vmax.f32 v54, $0.0e+00;
	v33 =	vmax.f32 v56, $0.0e+00;
	v56 =	vnsel vm0, $0x0, v30  }
0x73: {  	v54 =	vmul.f32 v33, v54;
	v14 =	vadd.f32 v43, v35;
	vm6 =	vge.f32 v51, v19  }
0x74: {  	v51 =	vsub.f32 v57, v37;
	v52 =	vmax.f32 v52, $0.0e+00;
	v55 =	vmax.f32 v55, $0.0e+00  }
0x75: {  	v47 =	vadd.f32 v43, v47;
	v56 =	vsel vm1, v27, v56;
	v46 =	vadd.f32 v43, v46  }
0x76: {  	v40 =	vadd.f32 v43, v40;
	v41 =	vadd.f32 v43, v41;
	v34 =	vsel vm6, v53, v48  }
0x77: {  	v52 =	vmul.f32 v55, v52;
	v55 =	vmin.f32 v45, v31;
	v35 =	vsub.f32 v14, v54  }
0x78: {  	v48 =	vsub.f32 v63, v62;
	v56 =	vsel vm5, v31, v56;
	v33 =	vmovc v1;
	v1 =	vadd.f32 v43, v36  }
0x79: {  	v14 =	vsel vm6, v50, v49;
	v56 =	vsel vm2, v16, v56;
	v53 =	vmax.f32 v35, $9.999999930e-09  }
0x7a: {  	v35 =	vmax.f32 v42, v21;
	v1 =	vsub.f32 v1, v52;
	v63 =	vxor.u32 $0x80000000, v53  }
0x7b: {  	v48 =	vmax.f32 v48, $0.0e+00;
	v59 =	vsub.f32 v55, v35;
	vm8 =	vge.f32 v54, v63  }
0x7c: {  	v50 =	vnsel vm8, $0xBF800000, v54;
	v53 =	vnsel vm8, $0x3F800000, v53;
	v54 =	vmax.f32 v1, $9.999999930e-09  }
0x7d: {  	v49 =	vmax.f32 v59, $0.0e+00;
	v62 =	vmul.f32 v53, v52;
	v1 =	vmul.f32 v50, v54  }
0x7e: {  	v59 =	vmax.f32 v39, v6;
	v48 =	vmul.f32 v49, v48;
	v49 =	vmin.f32 v44, v8  }
0x7f: {  	v35 =	vmovc v8;
	v8 =	vmovc v3;
	v3 =	vmax.f32 v51, $9.999999930e-09;
	vm9 =	vge.f32 v62, v1;
	v62 =	vmax.f32 v39, v12  }
0x80: {  	v1 =	vmin.f32 v45, v16;
	v47 =	vsub.f32 v47, v48;
	v49 =	vsub.f32 v49, v62  }
0x81: {  	v62 =	vmax.f32 v42, v13;
	v50 =	vsel vm9, v52, v50;
	v52 =	vsel vm9, v54, v53  }
0x82: {  	v53 =	vsub.f32 v58, v59;
	v58 =	vmin.f32 v45, v9;
	v55 =	vsub.f32 v1, v62  }
0x83: {  	v47 =	vmax.f32 v47, $9.999999930e-09;
	v54 =	vmul.f32 v52, v48;
	v49 =	vmax.f32 v49, $0.0e+00  }
0x84: {  	v62 =	vmul.f32 v50, v47;
	v53 =	vmax.f32 v53, $0.0e+00;
	v1 =	vmax.f32 v55, $0.0e+00  }
0x85: {  	[tilespmem:$0x1FFD0] =	vst v37;
	v55 =	vmin.f32 v44, v10;
	v49 =	vmul.f32 v1, v49;
	v1 =	vadd.f32 v43, v32  }
0x86: {  	v19 =	vmovc v28;
	vm10 =	vge.f32 v54, v62;
	v54 =	vmin.f32 v45, v25;
	v62 =	vmax.f32 v42, v11  }
0x87: {  	v36 =	vmovc v15;
	v59 =	vsub.f32 v54, v62;
	v47 =	vsel vm10, v47, v52;
	v52 =	vmax.f32 v39, v60  }
0x88: {  	v28 =	vmovc v13;
	v48 =	vsel vm10, v48, v50;
	v62 =	vsub.f32 v1, v49;
	v52 =	vsub.f32 v55, v52  }
0x89: {  	v15 =	vmovc v10;
	[tilespmem:$0x1FFE0] =	vst v34;
	v55 =	vsel vm3, v25, v56;
	v56 =	vmul.f32 v34, v3;
	v57 =	vmax.f32 v59, $0.0e+00  }
0x8a: {  	[tilespmem:$0x1FFC0] =	vst v14;
	v34 =	vmovc v3;
	v3 =	vmax.f32 v39, v4;
	v51 =	vmax.f32 v62, $9.999999930e-09;
	v50 =	vmul.f32 v57, v53  }
0x8b: {  	v63 =	vmovc v21;
	v59 =	vmax.f32 v42, v61;
	v53 =	vmul.f32 v47, v49;
	v54 =	vmul.f32 v48, v51  }
0x8c: {  	v13 =	vmovc v6;
	v6 =	vmovc v11;
	v39 =	vmax.f32 v39, v7;
	v52 =	vmax.f32 v52, $0.0e+00;
	v57 =	vmin.f32 v45, v5  }
0x8d: {  	v10 =	vmovc v4;
	v45 =	vmin.f32 v45, v33;
	v46 =	vsub.f32 v46, v50;
	vm11 =	vge.f32 v53, v54  }
0x8e: {  	v54 =	vmul.f32 v14, v37;
	v53 =	vsub.f32 v58, v59;
	v59 =	vmovc v2;
	v2 =	vmin.f32 v44, v2  }
0x8f: {  	v32 =	vmovc v31;
	v62 =	vmovc v60;
	v48 =	vsel vm11, v49, v48;
	v49 =	vsel vm11, v51, v47;
	v46 =	vmax.f32 v46, $9.999999930e-09  }
0x90: {  	v60 =	vmovc v16;
	v16 =	vmovc v61;
	v47 =	vmax.f32 v53, $0.0e+00;
	v51 =	vmul.f32 v49, v50;
	v61 =	vmul.f32 v48, v46  }
0x91: {  	v11 =	vmovc v7;
	v58 =	vmax.f32 v42, v17;
	vm7 =	vge.f32 v54, v56;
	v47 =	vmul.f32 v47, v52  }
0x92: {  	v1 =	vmovc v20;
	v52 =	vsub.f32 v57, v58;
	vm12 =	vge.f32 v51, v61;
	v51 =	vsub.f32 v2, v3  }
0x93: {  	s31 =	simm.s32 $0x0;
	v20 =	vmovc v9;
	v2 =	vsel vm4, v9, v55;
	v55 =	vmin.f32 v44, v1;
	v48 =	vsel vm12, v50, v48  }
0x94: {  	s23 =	sand.u32 $0x3FFFFC00, s31;
	v37 =	vmovc v25;
	v14 =	vmovc v5;
	v3 =	vsel vm6, v5, v2;
	v40 =	vsub.f32 v40, v47;
	v52 =	vmax.f32 v52, $0.0e+00  }
0x95: {  	s23 =	sadd.s32 $0xAA00, s23;
	v57 =	vmovc v1;
	v58 =	vmovc v33;
	v49 =	vsel vm12, v46, v49;
	v51 =	vmax.f32 v51, $0.0e+00;
	v50 =	vsel vm7, v33, v3  }
0x96: {  	s21 =	sor.u32 s30, s23;
	v9 =	vmovc v0;
	v61 =	vmovc v17;
	v46 =	vmul.f32 v52, v51;
	v44 =	vmax.f32 v40, $9.999999930e-09;
	v40 =	vmax.f32 v42, v0  }
0x97: {  	s22 =	sor.u32 s22, s23;
	[tilespmem:s21+$0x280] =	vst v50;
	v42 =	vmul.f32 v49, v47;
	v50 =	vsub.f32 v55, v39;
	v51 =	vmul.f32 v48, v44  }
.LBB2_2:
0x98: {  	v0 =	vld [tilespmem:$0x6800]  }
0x99: {  	v52 =	vnsel vm8, $0x0, v29;
	v39 =	vld [tilespmem:$0x6880]  }
0x9a: {  	v45 =	vsub.f32 v45, v40;
	v43 =	vadd.f32 v43, v38;
	v40 =	vld [tilespmem:$0x6900];
	v33 =	vnsel vm8, $0x0, v18  }
0x9b: {  	v38 =	vnsel vm8, $0x0, v26;
	v55 =	vld [tilespmem:$0x6680];
	v30 =	vnsel vm8, $0x0, v30;
	v29 =	vnsel vm0, $0x0, v29  }
0x9c: {  	v31 =	vnsel vm0, $0x0, v18;
	v26 =	vnsel vm0, $0x0, v26;
	v56 =	vld [tilespmem:$0x6780];
	v53 =	vsub.f32 v41, v46  }
0x9d: {  	v4 =	vld [tilespmem:$0x6300];
	vm13 =	vge.f32 v42, v51;
	v2 =	vmax.f32 v50, $0.0e+00;
	v52 =	vsel vm9, v22, v52  }
0x9e: {  	v1 =	vld [tilespmem:$0x6000];
	v27 =	vsel vm9, v27, v30;
	v22 =	vsel vm1, v22, v29;
	v47 =	vsel vm13, v47, v48  }
0x9f: {  	v5 =	vld [tilespmem:$0x6080];
	v48 =	vsel vm13, v44, v49;
	v3 =	vmax.f32 v45, $0.0e+00;
	v44 =	vsel vm9, v24, v33  }
0xa0: {  	v41 =	vld [tilespmem:$0x6980];
	v24 =	vsel vm1, v24, v31;
	v31 =	vsel vm10, v36, v52;
	v25 =	vsel vm10, v32, v27  }
0xa1: {  	v51 =	vld [tilespmem:$0x6600];
	v21 =	vsel vm5, v36, v22;
	v45 =	vmax.f32 v53, $9.999999930e-09;
	v49 =	vmul.f32 v48, v46  }
0xa2: {  	v29 =	vld [tilespmem:$0x6400];
	v50 =	vmul.f32 v3, v2;
	v53 =	vsel vm9, v23, v38;
	v23 =	vsel vm1, v23, v26  }
0xa3: {  	v42 =	vld [tilespmem:$0x6500];
	v33 =	vsel vm10, v63, v44;
	v24 =	vsel vm5, v63, v24;
	v27 =	vsel vm11, v12, v31  }
0xa4: {  	v52 =	vld [tilespmem:$0x6280];
	v18 =	vsel vm11, v60, v25;
	v21 =	vsel vm2, v12, v21;
	v54 =	vmul.f32 v47, v45  }
0xa5: {  	v3 =	vld [tilespmem:$0x6700];
	v38 =	vsel vm10, v19, v53;
	v19 =	vsel vm5, v19, v23;
	v31 =	vsel vm11, v28, v33  }
0xa6: {  	s20 =	sadd.s32 $0x20, s20;
	v26 =	vld [tilespmem:$0x6480];
	v24 =	vsel vm2, v28, v24;
	v21 =	vsel vm3, v13, v21;
	v30 =	vsub.f32 v43, v50  }
0xa7: {  	s24 =	sshll.u32 s20, $0x2;
	v63 =	vld [tilespmem:$0x6380];
	v53 =	vsel vm11, v35, v38;
	v12 =	vsel vm2, v35, v19;
	v19 =	vsel vm12, v13, v27  }
0xa8: {  	s23 =	sand.u32 $0x60, s20;
	s24 =	sand.u32 $0x3FFFFE00, s24;
	v2 =	vld [tilespmem:$0x6100];
	[tilespmem:$0x1FF30] =	vst v0;
	v31 =	vsel vm12, v6, v31;
	v24 =	vsel vm3, v6, v24;
	v21 =	vsel vm4, v62, v21  }
0xa9: {  	s30 =	sor.u32 $0x10, s23;
	s26 =	sadd.s32 $0x2800, s24;
	v23 =	vld [tilespmem:$0x6200];
	[tilespmem:$0x1FF70] =	vst v1;
	vm0 =	vge.f32 v49, v54;
	v54 =	vsel vm12, v37, v18;
	v28 =	vsel vm3, v8, v12  }
0xaa: {  	s25 =	sor.u32 s23, s26;
	s26 =	sor.u32 s30, s26;
	v43 =	vld [tilespmem:$0x6580];
	v44 =	vmovc v56;
	v19 =	vsel vm13, v62, v19;
	v24 =	vsel vm4, v16, v24;
	v22 =	vsel vm0, v46, v47  }
0xab: {  	v32 =	vld [tilespmem:s26+$0x0];
	v6 =	vmovc v11;
	v62 =	vmovc v29;
	v33 =	vsel vm0, v45, v48;
	v25 =	vmax.f32 v30, $9.999999930e-09;
	v48 =	vsel vm12, v8, v53  }
0xac: {  	v12 =	vld [tilespmem:$0x5E00];
	v60 =	vmovc v52;
	v20 =	vsel vm13, v20, v54;
	v19 =	vsel vm0, v10, v19;
	v17 =	vsel vm4, v15, v28  }
0xad: {  	v45 =	vld [tilespmem:$0x6180];
	[tilespmem:$0x1FF40] =	vst v62;
	v24 =	vsel vm6, v61, v24;
	v27 =	vmul.f32 v33, v50;
	v30 =	vmul.f32 v22, v25  }
0xae: {  	v28 =	vld [tilespmem:s26+$0x100];
	v20 =	vsel vm0, v14, v20;
	v13 =	vsel vm6, v59, v17;
	v18 =	vmovc v23;
	v23 =	vsel vm13, v16, v31  }
0xaf: {  	v38 =	vmovc v51;
	v51 =	vld [tilespmem:s26+$0x80];
	v31 =	vsel vm13, v15, v48;
	vm1 =	vge.f32 v27, v30;
	v23 =	vsel vm0, v61, v23  }
0xb0: {  	v8 =	vld [tilespmem:$0x1FFE0];
	v47 =	vmovc v26;
	v26 =	vsel vm0, v59, v31;
	v27 =	vsel vm6, v10, v21;
	v31 =	vsel vm7, v9, v24  }
0xb1: {  	[tilespmem:$0x1FF50] =	vst v2;
	v10 =	vld [tilespmem:$0x1FFD0];
	v36 =	vmax.f32 v32, v38;
	v53 =	vmax.f32 v32, v62;
	v7 =	vmax.f32 v32, v1  }
0xb2: {  	v14 =	vmovc v55;
	v48 =	vld [tilespmem:s26+$0x180];
	v17 =	vsel vm1, v50, v22;
	v22 =	vsel vm1, v25, v33;
	v29 =	vsel vm1, v11, v19  }
0xb3: {  	v23 =	vsel vm1, v9, v23;
	v26 =	vsel vm1, v57, v26;
	v30 =	vsel vm7, v6, v27;
	v6 =	vld [tilespmem:$0x1FF30];
	[tilespmem:s22+$0x0] =	vst v17  }
0xb4: {  	v16 =	vmovc v5;
	v11 =	vsel vm1, v58, v20;
	v9 =	vsel vm7, v57, v13;
	v33 =	vmov v4;
	v46 =	vld [tilespmem:$0x5F00];
	[tilespmem:s22+$0x80] =	vst v22  }
0xb5: {  	[tilespmem:s21+$0x180] =	vst v31;
	v13 =	vmin.f32 v28, v40;
	v35 =	vmin.f32 v28, v3;
	v49 =	vmin.f32 v28, v42;
	v25 =	vld [tilespmem:$0x5F80]  }
0xb6: {  	v52 =	vmax.f32 v51, v14;
	v55 =	vmax.f32 v51, v47;
	[tilespmem:s22+$0x100] =	vst v29;
	v17 =	vsel vm7, v10, v8;
	v8 =	vld [tilespmem:$0x1FFC0]  }
0xb7: {  	v56 =	vmin.f32 v28, v4;
	v21 =	vmin.f32 v28, v2;
	v61 =	vmax.f32 v51, v60;
	v22 =	vld [tilespmem:$0x5C00];
	[tilespmem:s22+$0x180] =	vst v23  }
0xb8: {  	v15 =	vmax.f32 v51, v5;
	v4 =	vsub.f32 v28, v32;
	v35 =	vsub.f32 v35, v36;
	v24 =	vld [tilespmem:$0x5C80];
	[tilespmem:s22+$0x200] =	vst v26  }
0xb9: {  	v50 =	vmin.f32 v48, v44;
	v54 =	vmin.f32 v48, v43;
	v5 =	vsub.f32 v48, v51;
	v23 =	vld [tilespmem:$0x5D00];
	[tilespmem:s22+$0x280] =	vst v11  }
0xba: {  	[tilespmem:s21+$0x100] =	vst v30;
	v4 =	vmax.f32 v4, $0.0e+00;
	v10 =	vmax.f32 v32, v18;
	v36 =	vsub.f32 v50, v52;
	v26 =	vld [tilespmem:$0x5B00]  }
0xbb: {  	v57 =	vmovc v63;
	[tilespmem:s21+$0x200] =	vst v9;
	v52 =	vsub.f32 v49, v53;
	v53 =	vmovc v33;
	v35 =	vmax.f32 v35, $0.0e+00;
	v5 =	vmax.f32 v5, $0.0e+00;
	v29 =	vld [tilespmem:$0x5A00]  }
0xbc: {  	[tilespmem:$0x1FF80] =	vst v53;
	v53 =	vsub.f32 v54, v55;
	v11 =	vmax.f32 v32, v12;
	v4 =	vmul.f32 v5, v4;
	v30 =	vld [tilespmem:$0x5B80]  }
0xbd: {  	[tilespmem:s21+$0x0] =	vst v17;
	v5 =	vsub.f32 v56, v10;
	v62 =	vmin.f32 v28, v46;
	v31 =	vld [tilespmem:$0x5A80];
	v17 =	vmin.f32 v48, v25  }
0xbe: {  	v52 =	vmax.f32 v52, $0.0e+00;
	v27 =	vld [tilespmem:$0x5D80];
	v20 =	vsel vm7, v34, v8;
	v8 =	vmovc v6;
	v6 =	vmovc v39;
	v34 =	vmin.f32 v48, v41  }
0xbf: {  	v50 =	vld [tilespmem:$0x5E80];
	v9 =	vmax.f32 v32, v22;
	[tilespmem:$0x1FFA0] =	vst v8;
	v59 =	vmax.f32 v32, v8;
	v37 =	vmax.f32 v51, v6  }
0xc0: {  	v8 =	vmin.f32 v48, v63;
	[tilespmem:s21+$0x80] =	vst v20;
	v1 =	vmin.f32 v28, v23;
	v19 =	vsub.f32 v13, v59  }
0xc1: {  	v34 =	vsub.f32 v34, v37;
	v13 =	vmovc v43;
	v20 =	vmin.f32 v28, v26;
	v28 =	vmax.f32 v32, v29;
	v32 =	vld [tilespmem:$0x9A00]  }
0xc2: {  	v33 =	vmovc v45;
	v0 =	vmin.f32 v48, v30;
	v37 =	vsub.f32 v20, v28;
	v28 =	vmax.f32 v51, v31  }
0xc3: {  	[tilespmem:$0x1FFB0] =	vst v6;
	v63 =	vmin.f32 v48, v45;
	v2 =	vmax.f32 v51, v24;
	v43 =	vsub.f32 v0, v28  }
0xc4: {  	v5 =	vmax.f32 v5, $0.0e+00;
	v45 =	vsub.f32 v62, v11;
	v6 =	vmin.f32 v48, v27;
	[tilespmem:$0x1FF60] =	vst v13;
	v13 =	vmovc v50;
	v50 =	vld [tilespmem:$0x9A80]  }
0xc5: {  	v1 =	vsub.f32 v1, v9;
	v37 =	vmax.f32 v37, $0.0e+00;
	v43 =	vmax.f32 v43, $0.0e+00  }
0xc6: {  	v2 =	vsub.f32 v6, v2;
	v9 =	vmul.f32 v43, v37;
	v37 =	vadd.f32 v4, v32  }
0xc7: {  	v49 =	vld [tilespmem:$0x9B00];
	v61 =	vsub.f32 v8, v61;
	v59 =	vmovc v3;
	v3 =	vmax.f32 v45, $0.0e+00;
	v1 =	vmax.f32 v1, $0.0e+00  }
0xc8: {  	v11 =	vmax.f32 v51, v13;
	v2 =	vmax.f32 v2, $0.0e+00;
	v37 =	vsub.f32 v37, v9  }
0xc9: {  	v28 =	vmovc v57;
	v1 =	vmul.f32 v2, v1;
	v11 =	vsub.f32 v17, v11;
	v57 =	vadd.f32 v4, v50  }
0xca: {  	v48 =	vmovc v42;
	v0 =	vsub.f32 v63, v15;
	v43 =	vsub.f32 v21, v7;
	v17 =	vmax.f32 v37, $9.999999930e-09  }
0xcb: {  	v62 =	vmovc v48;
	v48 =	vld [tilespmem:$0x9B80];
	v11 =	vmax.f32 v11, $0.0e+00;
	v2 =	vsub.f32 v57, v1;
	v37 =	vxor.u32 $0x80000000, v17  }
0xcc: {  	v3 =	vmul.f32 v11, v3;
	v11 =	vadd.f32 v4, v49;
	vm0 =	vge.f32 v9, v37  }
0xcd: {  	v2 =	vmax.f32 v2, $9.999999930e-09;
	v9 =	vnsel vm0, $0xBF800000, v9;
	v17 =	vnsel vm0, $0x3F800000, v17  }
0xce: {  	v55 =	vmovc v44;
	v44 =	vmax.f32 v61, $0.0e+00;
	v20 =	vmovc v60;
	v63 =	vmul.f32 v17, v1;
	v60 =	vmul.f32 v9, v2  }
0xcf: {  	v58 =	vmovc v40;
	v8 =	vmovc v46;
	v46 =	vld [tilespmem:$0x9C00];
	v0 =	vmax.f32 v0, $0.0e+00;
	v43 =	vmax.f32 v43, $0.0e+00;
	v11 =	vsub.f32 v11, v3  }
0xd0: {  	v0 =	vmul.f32 v0, v43;
	vm1 =	vge.f32 v63, v60;
	v63 =	vadd.f32 v4, v48  }
0xd1: {  	v39 =	vld [tilespmem:s25+$0x0];
	v1 =	vsel vm1, v1, v9;
	v2 =	vsel vm1, v2, v17;
	v9 =	vmax.f32 v11, $9.999999930e-09  }
0xd2: {  	[tilespmem:$0x1FF90] =	vst v58;
	v58 =	vmovc v41;
	v41 =	vld [tilespmem:s25+$0x100];
	v34 =	vmax.f32 v34, $0.0e+00;
	v11 =	vmul.f32 v2, v3;
	v17 =	vmul.f32 v1, v9  }
0xd3: {  	v45 =	vld [tilespmem:$0x9C80];
	v5 =	vmul.f32 v44, v5;
	v43 =	vmax.f32 v19, $0.0e+00;
	v37 =	vsub.f32 v63, v0  }
0xd4: {  	v10 =	vmul.f32 v34, v43;
	vm5 =	vge.f32 v11, v17;
	v11 =	vadd.f32 v4, v46  }
0xd5: {  	v51 =	vmax.f32 v37, $9.999999930e-09;
	v1 =	vsel vm5, v3, v1;
	v2 =	vsel vm5, v9, v2  }
0xd6: {  	v36 =	vmax.f32 v36, $0.0e+00;
	v9 =	vmul.f32 v2, v0;
	v17 =	vmul.f32 v1, v51  }
0xd7: {  	v44 =	vld [tilespmem:$0x9D00];
	v43 =	vsub.f32 v41, v39;
	v60 =	vmax.f32 v53, $0.0e+00;
	v11 =	vsub.f32 v11, v5  }
0xd8: {  	v54 =	vmovc v38;
	v38 =	vld [tilespmem:$0x9D80];
	vm2 =	vge.f32 v9, v17;
	v9 =	vmul.f32 v60, v52;
	v17 =	vadd.f32 v4, v45  }
0xd9: {  	v40 =	vld [tilespmem:s25+$0x80];
	v63 =	vmax.f32 v11, $9.999999930e-09;
	v0 =	vsel vm2, v0, v1;
	v61 =	vsel vm2, v51, v2  }
0xda: {  	v42 =	vld [tilespmem:s25+$0x180];
	v3 =	vmul.f32 v61, v5;
	v11 =	vmul.f32 v0, v63;
	v17 =	vsub.f32 v17, v9  }
0xdb: {  	v36 =	vmul.f32 v36, v35;
	v43 =	vmax.f32 v43, $0.0e+00  }
0xdc: {  	vm3 =	vge.f32 v3, v11;
	v11 =	vadd.f32 v4, v44;
	v37 =	vmax.f32 v17, $9.999999930e-09  }
0xdd: {  	v4 =	vadd.f32 v4, v38;
	v0 =	vsel vm3, v5, v0;
	v1 =	vsel vm3, v63, v61  }
0xde: {  	v5 =	vmul.f32 v1, v9;
	v17 =	vmul.f32 v0, v37;
	v11 =	vsub.f32 v11, v36  }
0xdf: {  	v60 =	vsub.f32 v42, v40;
	v51 =	vmin.f32 v41, v26;
	v63 =	vmin.f32 v42, v30  }
0xe0: {  	v4 =	vsub.f32 v4, v10;
	vm4 =	vge.f32 v5, v17;
	v61 =	vmax.f32 v11, $9.999999930e-09  }
0xe1: {  	v5 =	vnsel vm0, $0x0, v30;
	v0 =	vsel vm4, v9, v0;
	v1 =	vsel vm4, v37, v1  }
0xe2: {  	v17 =	vmax.f32 v39, v29;
	v9 =	vmul.f32 v1, v36;
	v11 =	vmul.f32 v0, v61  }
0xe3: {  	v34 =	vmax.f32 v4, $9.999999930e-09;
	v5 =	vsel vm1, v27, v5;
	v52 =	vsub.f32 v51, v17  }
0xe4: {  	v51 =	vmax.f32 v40, v13;
	v5 =	vsel vm5, v25, v5;
	vm6 =	vge.f32 v9, v11  }
0xe5: {  	v6 =	vmovc v12;
	[tilespmem:$0x1FFD0] =	vst v10;
	v4 =	vsel vm2, v33, v5;
	v5 =	vmax.f32 v60, $0.0e+00;
	v1 =	vsel vm6, v61, v1  }
0xe6: {  	v43 =	vmul.f32 v5, v43;
	v5 =	vmax.f32 v40, v24;
	[tilespmem:$0x1FFC0] =	vst v1;
	v1 =	vmul.f32 v1, v10;
	v10 =	vld [tilespmem:$0x1FF60]  }
0xe7: {  	v9 =	vmax.f32 v39, v6;
	v11 =	vmin.f32 v42, v25;
	v3 =	vsel vm6, v36, v0  }
0xe8: {  	v36 =	vsel vm3, v28, v4;
	v4 =	vmax.f32 v40, v31;
	v61 =	vmin.f32 v41, v23  }
0xe9: {  	v37 =	vmul.f32 v3, v34;
	v60 =	vsub.f32 v63, v4;
	v4 =	vmax.f32 v39, v22  }
0xea: {  	s31 =	sshll.u32 s20, $0x3;
	[tilespmem:$0x1FFE0] =	vst v3;
	v63 =	vmax.f32 v52, $0.0e+00;
	v46 =	vadd.f32 v43, v46;
	v3 =	vsub.f32 v61, v4  }
0xeb: {  	s21 =	sand.u32 $0x3FFFFC00, s31;
	v4 =	vmin.f32 v41, v8;
	v61 =	vmax.f32 v40, v16;
	v0 =	vsel vm4, v10, v36  }
0xec: {  	s21 =	sadd.s32 $0xAA00, s21;
	v12 =	vld [tilespmem:$0x1FF70];
	vm7 =	vge.f32 v1, v37;
	v36 =	vmin.f32 v42, v27;
	v0 =	vsel vm6, v55, v0  }
0xed: {  	v56 =	vmovc v14;
	v14 =	vmovc v47;
	s22 =	sor.u32 s23, s21;
	s21 =	sor.u32 s30, s21;
	v35 =	vmax.f32 v60, $0.0e+00;
	v2 =	vsub.f32 v36, v5;
	v0 =	vsel vm7, v58, v0  }
0xee: {  	v47 =	vld [tilespmem:$0x1FF50];
	v37 =	vadd.f32 v43, v32;
	v4 =	vsub.f32 v4, v9;
	[tilespmem:s21+$0x280] =	vst v0;
	v0 =	vmul.f32 v35, v63  }
0xef: {  	v3 =	vmax.f32 v3, $0.0e+00;
	v5 =	vadd.f32 v43, v50;
	v2 =	vmax.f32 v2, $0.0e+00  }
0xf0: {  	v2 =	vmul.f32 v2, v3;
	v3 =	vsub.f32 v11, v51;
	v1 =	vsub.f32 v37, v0  }
0xf1: {  	v9 =	vadd.f32 v43, v49;
	v4 =	vmax.f32 v4, $0.0e+00;
	v11 =	vmax.f32 v39, v12  }
0xf2: {  	v5 =	vsub.f32 v5, v2;
	v3 =	vmax.f32 v3, $0.0e+00;
	v1 =	vmax.f32 v1, $9.999999930e-09  }
0xf3: {  	v36 =	vmovc v6;
	v6 =	vld [tilespmem:$0x1FF80];
	v3 =	vmul.f32 v3, v4;
	v4 =	vmin.f32 v41, v47;
	v17 =	vxor.u32 $0x80000000, v1  }
0xf4: {  	v5 =	vmax.f32 v5, $9.999999930e-09;
	v4 =	vsub.f32 v4, v11;
	vm8 =	vge.f32 v0, v17  }
0xf5: {  	v17 =	vmin.f32 v42, v33;
	v0 =	vnsel vm8, $0xBF800000, v0;
	v1 =	vnsel vm8, $0x3F800000, v1  }
0xf6: {  	v9 =	vsub.f32 v9, v3;
	v52 =	vmul.f32 v1, v2;
	v53 =	vmul.f32 v0, v5  }
0xf7: {  	v60 =	vmov v33;
	v33 =	vadd.f32 v43, v48;
	v11 =	vsub.f32 v17, v61  }
0xf8: {  	v17 =	vmin.f32 v41, v6;
	v51 =	vmax.f32 v4, $0.0e+00;
	vm9 =	vge.f32 v52, v53  }
0xf9: {  	v21 =	vmovc v59;
	v59 =	vmovc v18;
	v4 =	vmax.f32 v11, $0.0e+00;
	v11 =	vmax.f32 v40, v20;
	v0 =	vsel vm9, v2, v0  }
0xfa: {  	v18 =	vmovc v31;
	v31 =	vmovc v28;
	v1 =	vsel vm9, v5, v1;
	v5 =	vmax.f32 v9, $9.999999930e-09;
	v2 =	vmul.f32 v4, v51  }
0xfb: {  	v57 =	vld [tilespmem:$0x1FF40];
	v4 =	vmax.f32 v39, v59;
	v9 =	vmin.f32 v42, v31;
	v52 =	vmul.f32 v1, v3  }
0xfc: {  	v53 =	vmul.f32 v0, v5;
	v4 =	vsub.f32 v17, v4;
	v9 =	vsub.f32 v9, v11  }
0xfd: {  	v61 =	vmax.f32 v40, v14;
	v11 =	vmin.f32 v41, v62;
	v17 =	vsub.f32 v33, v2  }
0xfe: {  	v63 =	vmovc v13;
	v13 =	vmovc v59;
	vm10 =	vge.f32 v52, v53;
	v4 =	vmax.f32 v4, $0.0e+00;
	v59 =	vmax.f32 v9, $0.0e+00  }
0xff: {  	v0 =	vsel vm10, v3, v0;
	v1 =	vsel vm10, v5, v1;
	v5 =	vmax.f32 v17, $9.999999930e-09  }
0x100: {  	v3 =	vmul.f32 v59, v4;
	v4 =	vmax.f32 v39, v57;
	v17 =	vmin.f32 v42, v10  }
0x101: {  	v9 =	vmul.f32 v1, v2;
	v33 =	vmul.f32 v0, v5;
	v4 =	vsub.f32 v11, v4  }
0x102: {  	v45 =	vadd.f32 v43, v45;
	v51 =	vmin.f32 v41, v21;
	v11 =	vsub.f32 v17, v61  }
0x103: {  	v17 =	vsub.f32 v46, v3;
	vm11 =	vge.f32 v9, v33;
	v4 =	vmax.f32 v4, $0.0e+00  }
0x104: {  	v28 =	vmovc v16;
	v16 =	vmovc v14;
	v9 =	vmax.f32 v11, $0.0e+00;
	v0 =	vsel vm11, v2, v0;
	v1 =	vsel vm11, v5, v1  }
0x105: {  	v35 =	vmovc v47;
	v14 =	vmovc v55;
	v52 =	vmax.f32 v17, $9.999999930e-09;
	v47 =	vmul.f32 v9, v4;
	v5 =	vmin.f32 v42, v55;
	v55 =	vld [tilespmem:$0x1FFA0]  }
0x106: {  	v61 =	vmovc v56;
	v4 =	vmax.f32 v39, v54;
	v17 =	vmax.f32 v40, v56;
	v56 =	vld [tilespmem:$0x1FFB0];
	v9 =	vmul.f32 v1, v3  }
0x107: {  	v15 =	vmovc v62;
	v11 =	vmul.f32 v0, v52;
	v4 =	vsub.f32 v51, v4;
	v5 =	vsub.f32 v5, v17;
	v17 =	vld [tilespmem:$0x1FF90]  }
0x108: {  	p0 =	slt.u32 s20, $0x9A0;
	v19 =	vmovc v8;
	v32 =	vmovc v25;
	v37 =	vmov v31;
	v8 =	vmov v6;
	v7 =	vsub.f32 v45, v47  }
.Ltmp0:
0x109: {  	v6 =	vmovc v20;
	v20 =	vmovc v10;
	v45 =	vmin.f32 v42, v58;
	vm12 =	vge.f32 v9, v11;
	v53 =	vmax.f32 v4, $0.0e+00;
	(pc) =	sbr.rel @p0 .LBB2_2-.Ltmp0, $4  }
0x10a: {  	v62 =	vmovc v57;
	v10 =	vmovc v54;
	v54 =	vmax.f32 v5, $0.0e+00;
	v48 =	vsel vm12, v3, v0;
	v49 =	vsel vm12, v52, v1  }
0x10b: {  	v59 =	vmovc v21;
	v46 =	vmul.f32 v54, v53;
	v0 =	vmax.f32 v39, v55;
	v40 =	vmax.f32 v40, v56  }
0x10c: {  	v11 =	vmovc v55;
	v57 =	vmovc v17;
	v17 =	vmin.f32 v41, v17;
	v41 =	vadd.f32 v43, v44;
	v44 =	vmax.f32 v7, $9.999999930e-09  }
0x10d: {  	v9 =	vmovc v56;
	v42 =	vmul.f32 v49, v47;
	v51 =	vmul.f32 v48, v44;
	v50 =	vsub.f32 v17, v0  }
0x10e: {  	v0 =	vnsel vm8, $0x0, v29;
	v1 =	vsub.f32 v41, v46;
	v2 =	vsub.f32 v45, v40  }
0x10f: {  	v4 =	vadd.f32 v43, v38;
	v17 =	vnsel vm8, $0x0, v26;
	v30 =	vnsel vm8, $0x0, v30  }
0x110: {  	v29 =	vnsel vm0, $0x0, v29;
	v31 =	vnsel vm0, $0x0, v18;
	v26 =	vnsel vm0, $0x0, v26  }
0x111: {  	vm13 =	vge.f32 v42, v51;
	v3 =	vmax.f32 v50, $0.0e+00;
	v0 =	vsel vm9, v22, v0  }
0x112: {  	v17 =	vsel vm9, v23, v17;
	v27 =	vsel vm9, v27, v30;
	v22 =	vsel vm1, v22, v29  }
0x113: {  	v23 =	vsel vm1, v23, v26;
	v5 =	vsel vm13, v47, v48;
	v25 =	vsel vm13, v44, v49  }
0x114: {  	v2 =	vmax.f32 v2, $0.0e+00;
	v1 =	vmax.f32 v1, $9.999999930e-09;
	v0 =	vsel vm10, v36, v0  }
0x115: {  	v21 =	vsel vm5, v36, v22;
	v7 =	vmul.f32 v25, v46;
	v2 =	vmul.f32 v2, v3  }
0x116: {  	v3 =	vnsel vm8, $0x0, v18;
	v52 =	vmul.f32 v5, v1;
	v0 =	vsel vm11, v12, v0  }
0x117: {  	v3 =	vsel vm9, v24, v3;
	v24 =	vsel vm1, v24, v31;
	v0 =	vsel vm12, v13, v0  }
0x118: {  	v4 =	vsub.f32 v4, v2;
	vm0 =	vge.f32 v7, v52;
	v7 =	vsel vm10, v19, v17  }
0x119: {  	v17 =	vsel vm10, v32, v27;
	v22 =	vsel vm5, v63, v24;
	v5 =	vsel vm0, v46, v5  }
0x11a: {  	v1 =	vsel vm0, v1, v25;
	v24 =	vsel vm11, v35, v7;
	v4 =	vmax.f32 v4, $9.999999930e-09  }
0x11b: {  	v7 =	vsel vm11, v60, v17;
	v17 =	vmul.f32 v1, v2;
	v18 =	vmul.f32 v5, v4  }
0x11c: {  	v3 =	vsel vm10, v63, v3;
	v19 =	vsel vm5, v19, v23;
	v23 =	vmovc v15;
	v15 =	vsel vm2, v12, v21  }
0x11d: {  	v0 =	vsel vm13, v62, v0;
	v3 =	vsel vm11, v28, v3;
	vm1 =	vge.f32 v17, v18  }
0x11e: {  	v21 =	vmovc v13;
	v0 =	vsel vm0, v10, v0;
	v3 =	vsel vm12, v6, v3;
	v2 =	vsel vm1, v2, v5  }
0x11f: {  	v13 =	vsel vm12, v8, v24;
	v3 =	vsel vm13, v16, v3;
	v1 =	vsel vm1, v4, v1;
	[tilespmem:s22+$0x0] =	vst v2  }
0x120: {  	v53 =	vsel vm13, v23, v13;
	v3 =	vsel vm0, v61, v3;
	v0 =	vsel vm1, v11, v0;
	[tilespmem:s22+$0x80] =	vst v1  }
0x121: {  	v7 =	vsel vm12, v37, v7;
	v3 =	vsel vm1, v9, v3;
	v2 =	vsel vm0, v59, v53;
	[tilespmem:s22+$0x100] =	vst v0  }
0x122: {  	v54 =	vsel vm13, v20, v7;
	[tilespmem:s22+$0x180] =	vst v3;
	v2 =	vsel vm1, v57, v2  }
0x123: {  	v12 =	vsel vm2, v28, v22;
	v1 =	vsel vm0, v14, v54;
	v3 =	vsel vm3, v21, v15;
	[tilespmem:s22+$0x200] =	vst v2  }
0x124: {  	v55 =	vsel vm2, v35, v19;
	v1 =	vsel vm1, v58, v1;
	v56 =	vsel vm4, v62, v3;
	v3 =	vld [tilespmem:$0x1FFE0]  }
0x125: {  	v4 =	vsel vm3, v6, v12;
	v0 =	vsel vm3, v8, v55;
	v5 =	vld [tilespmem:$0x1FFD0];
	[tilespmem:s22+$0x280] =	vst v1  }
0x126: {  	v58 =	vsel vm4, v16, v4;
	v0 =	vsel vm4, v23, v0;
	v2 =	vsel vm6, v10, v56;
	v4 =	vld [tilespmem:$0x1FFC0]  }
0x127: {  	v0 =	vsel vm6, v59, v0;
	v2 =	vsel vm7, v11, v2  }
0x128: {  	v1 =	vsel vm6, v61, v58;
	v0 =	vsel vm7, v57, v0;
	[tilespmem:s21+$0x100] =	vst v2  }
0x129: {  	v1 =	vsel vm7, v9, v1;
	[tilespmem:s21+$0x200] =	vst v0  }
0x12a: {  	[tilespmem:s21+$0x180] =	vst v1;
	v3 =	vsel vm7, v5, v3  }
0x12b: {  	v4 =	vsel vm7, v34, v4;
	[tilespmem:s21+$0x0] =	vst v3  }
0x12c: {  	[tilespmem:s21+$0x80] =	vst v4  }
0x12d: {  	v0 =	vld [tilespmem:$0x5A00]  }
0x12e: {  	v1 =	vld [tilespmem:$0x5A80]  }
0x12f: {  	v21 =	vld [tilespmem:$0x5B00]  }
0x130: {  	v2 =	vld [tilespmem:$0x4E40]  }
0x131: {  	v4 =	vld [tilespmem:$0x4F40]  }
0x132: {  	v3 =	vld [tilespmem:$0x4EC0]  }
0x133: {  	v5 =	vld [tilespmem:$0x4FC0]  }
0x134: {  	v22 =	vld [tilespmem:$0x5B80];
	_ =	sdelay $0x1  }
0x135: {  	v20 =	vld [tilespmem:$0x5C00]  }
0x136: {  	v24 =	vld [tilespmem:$0x5D00];
	v6 =	vsub.f32 v4, v2  }
0x137: {  	v7 =	vld [tilespmem:$0x9A00];
	v8 =	vsub.f32 v5, v3;
	v9 =	vmin.f32 v4, v21;
	v10 =	vmax.f32 v2, v0  }
0x138: {  	v23 =	vld [tilespmem:$0x5C80];
	v11 =	vmin.f32 v5, v22;
	v12 =	vmax.f32 v3, v1;
	v9 =	vsub.f32 v9, v10  }
0x139: {  	v10 =	vsub.f32 v11, v12;
	v12 =	vld [tilespmem:$0x5D80];
	v6 =	vmax.f32 v6, $0.0e+00;
	v8 =	vmax.f32 v8, $0.0e+00  }
0x13a: {  	v26 =	vld [tilespmem:$0x9B00];
	v15 =	vmax.f32 v2, v20;
	v6 =	vmul.f32 v8, v6  }
0x13b: {  	v11 =	vld [tilespmem:$0x9A80];
	v8 =	vmax.f32 v9, $0.0e+00;
	v9 =	vmax.f32 v10, $0.0e+00;
	v10 =	vmin.f32 v4, v24  }
0x13c: {  	v13 =	vmul.f32 v9, v8;
	v15 =	vsub.f32 v10, v15;
	v10 =	vld [tilespmem:$0x5F80];
	v8 =	vadd.f32 v6, v7  }
0x13d: {  	v9 =	vld [tilespmem:$0x5F00]  }
0x13e: {  	v17 =	vmax.f32 v3, v23;
	v7 =	vld [tilespmem:$0x5E00];
	v16 =	vmin.f32 v5, v12;
	v14 =	vsub.f32 v8, v13  }
0x13f: {  	v8 =	vld [tilespmem:$0x5E80];
	v16 =	vsub.f32 v16, v17  }
0x140: {  	v41 =	vld [tilespmem:$0x6500];
	v26 =	vadd.f32 v6, v26;
	v15 =	vmax.f32 v15, $0.0e+00;
	v17 =	vmax.f32 v14, $9.999999930e-09  }
0x141: {  	v16 =	vmax.f32 v16, $0.0e+00;
	v28 =	vmin.f32 v5, v10;
	v18 =	vxor.u32 $0x80000000, v17  }
0x142: {  	v14 =	vld [tilespmem:$0x6000];
	v19 =	vmul.f32 v16, v15;
	v15 =	vadd.f32 v6, v11;
	vm1 =	vge.f32 v13, v18  }
0x143: {  	v11 =	vld [tilespmem:$0x6080];
	v18 =	vmax.f32 v2, v7;
	v25 =	vnsel vm1, $0xBF800000, v13;
	v27 =	vnsel vm1, $0x3F800000, v17  }
0x144: {  	v16 =	vsub.f32 v15, v19;
	v17 =	vmin.f32 v4, v9;
	v13 =	vld [tilespmem:$0x6100];
	v29 =	vmax.f32 v3, v8  }
0x145: {  	v52 =	vmin.f32 v4, v41;
	v15 =	vld [tilespmem:$0x6180];
	v18 =	vsub.f32 v17, v18;
	v28 =	vsub.f32 v28, v29  }
0x146: {  	v0 =	vnsel vm1, $0x0, v0;
	v29 =	vmul.f32 v27, v19;
	v17 =	vld [tilespmem:$0x6280];
	v30 =	vmax.f32 v16, $9.999999930e-09  }
0x147: {  	v16 =	vld [tilespmem:$0x6200];
	v31 =	vmul.f32 v25, v30;
	v59 =	vmax.f32 v18, $0.0e+00;
	v28 =	vmax.f32 v28, $0.0e+00  }
0x148: {  	v1 =	vnsel vm1, $0x0, v1;
	v60 =	vmax.f32 v2, v14;
	v18 =	vld [tilespmem:$0x6300];
	v28 =	vmul.f32 v28, v59  }
0x149: {  	v33 =	vmax.f32 v3, v11;
	vm0 =	vge.f32 v29, v31;
	v29 =	vld [tilespmem:$0x9B80];
	v31 =	vmin.f32 v4, v13  }
0x14a: {  	v61 =	vmin.f32 v5, v15;
	v25 =	vsel vm0, v19, v25;
	v19 =	vld [tilespmem:$0x6380];
	v26 =	vsub.f32 v26, v28  }
0x14b: {  	v31 =	vsub.f32 v31, v60;
	v27 =	vsel vm0, v30, v27;
	v30 =	vsub.f32 v61, v33  }
0x14c: {  	v47 =	vmax.f32 v3, v17;
	v62 =	vmul.f32 v27, v28;
	v46 =	vmax.f32 v2, v16  }
0x14d: {  	v32 =	vld [tilespmem:$0x6400];
	v26 =	vmax.f32 v26, $9.999999930e-09;
	v31 =	vmax.f32 v31, $0.0e+00;
	v30 =	vmax.f32 v30, $0.0e+00  }
0x14e: {  	v44 =	vld [tilespmem:$0x9C00];
	v45 =	vmin.f32 v4, v18;
	v63 =	vmul.f32 v25, v26;
	v30 =	vmul.f32 v30, v31  }
0x14f: {  	v37 =	vld [tilespmem:$0x6480];
	v31 =	vsub.f32 v45, v46;
	v29 =	vadd.f32 v6, v29;
	v39 =	vmin.f32 v5, v19  }
0x150: {  	v38 =	vld [tilespmem:$0x6580];
	v21 =	vnsel vm1, $0x0, v21;
	v22 =	vnsel vm1, $0x0, v22;
	v48 =	vsub.f32 v39, v47  }
0x151: {  	vm1 =	vge.f32 v62, v63;
	v31 =	vmax.f32 v31, $0.0e+00;
	v29 =	vsub.f32 v29, v30  }
0x152: {  	v56 =	vld [tilespmem:$0x6700];
	v26 =	vsel vm1, v26, v27;
	v25 =	vsel vm1, v28, v25;
	v49 =	vmax.f32 v48, $0.0e+00  }
0x153: {  	v58 =	vld [tilespmem:$0x6780];
	v28 =	vmax.f32 v29, $9.999999930e-09;
	v27 =	vmul.f32 v49, v31;
	v31 =	vadd.f32 v6, v44  }
0x154: {  	v53 =	vmax.f32 v2, v32;
	v33 =	vld [tilespmem:$0x6600];
	v29 =	vmul.f32 v26, v30;
	v51 =	vmul.f32 v25, v28  }
0x155: {  	v54 =	vmin.f32 v5, v38;
	v55 =	vmax.f32 v3, v37;
	v39 =	vld [tilespmem:$0x6680];
	v31 =	vsub.f32 v31, v27  }
0x156: {  	v57 =	vsub.f32 v54, v55;
	v0 =	vsel vm0, v20, v0;
	vm2 =	vge.f32 v29, v51  }
0x157: {  	v50 =	vld [tilespmem:$0x9C80];
	v25 =	vsel vm2, v30, v25;
	v26 =	vsel vm2, v28, v26;
	v28 =	vmax.f32 v31, $9.999999930e-09  }
0x158: {  	v20 =	vsel vm0, v24, v21;
	v31 =	vmul.f32 v26, v27;
	v45 =	vmul.f32 v25, v28  }
0x159: {  	v24 =	vmin.f32 v4, v56;
	v47 =	vmax.f32 v2, v33;
	v48 =	vmin.f32 v5, v58  }
0x15a: {  	v29 =	vsub.f32 v52, v53;
	v49 =	vmax.f32 v3, v39;
	vm3 =	vge.f32 v31, v45  }
0x15b: {  	v59 =	vld [tilespmem:$0x6880];
	v24 =	vsub.f32 v24, v47;
	v26 =	vsel vm3, v28, v26;
	v28 =	vsub.f32 v48, v49  }
0x15c: {  	v35 =	vmax.f32 v57, $0.0e+00;
	v34 =	vadd.f32 v6, v50;
	v21 =	vld [tilespmem:$0x9D00];
	v29 =	vmax.f32 v29, $0.0e+00  }
0x15d: {  	v46 =	vld [tilespmem:$0x6900];
	v24 =	vmax.f32 v24, $0.0e+00;
	v29 =	vmul.f32 v35, v29;
	v28 =	vmax.f32 v28, $0.0e+00  }
0x15e: {  	v24 =	vmul.f32 v28, v24;
	v28 =	vld [tilespmem:$0x7800]  }
0x15f: {  	v1 =	vsel vm0, v23, v1;
	v30 =	vld [tilespmem:$0x6800];
	v23 =	vsub.f32 v34, v29  }
0x160: {  	v31 =	vld [tilespmem:$0x6980]  }
0x161: {  	v25 =	vsel vm3, v27, v25;
	v23 =	vmax.f32 v23, $9.999999930e-09  }
0x162: {  	v27 =	vmul.f32 v26, v29;
	v50 =	vmul.f32 v25, v23  }
0x163: {  	v21 =	vadd.f32 v6, v21;
	v51 =	vld [tilespmem:$0x9D80];
	[tilespmem:$0x1FF10] =	vst v28  }
0x164: {  	v4 =	vmin.f32 v4, v46;
	v2 =	vmax.f32 v2, v30;
	vm4 =	vge.f32 v27, v50;
	v27 =	vld [tilespmem:$0x7880]  }
0x165: {  	v3 =	vmax.f32 v3, v59;
	v4 =	vsub.f32 v4, v2;
	v5 =	vmin.f32 v5, v31  }
0x166: {  	v3 =	vsub.f32 v5, v3  }
0x167: {  	v12 =	vsel vm0, v12, v22;
	v4 =	vmax.f32 v4, $0.0e+00;
	v5 =	vsub.f32 v21, v24  }
0x168: {  	v22 =	vsel vm4, v29, v25;
	v21 =	vsel vm4, v23, v26;
	v23 =	vmax.f32 v3, $0.0e+00  }
0x169: {  	v25 =	vmax.f32 v5, $9.999999930e-09;
	v5 =	vadd.f32 v6, v51;
	v23 =	vmul.f32 v23, v4;
	[tilespmem:$0x1FF20] =	vst v27  }
0x16a: {  	v0 =	vsel vm1, v7, v0;
	v6 =	vmul.f32 v21, v24;
	v26 =	vmul.f32 v22, v25;
	v52 =	vld [tilespmem:$0x7900]  }
0x16b: {  	v1 =	vsel vm1, v8, v1;
	v8 =	vsel vm1, v9, v20;
	v9 =	vsub.f32 v5, v23;
	v7 =	vld [tilespmem:$0x7980]  }
0x16c: {  	v10 =	vsel vm1, v10, v12;
	v0 =	vsel vm2, v14, v0;
	vm0 =	vge.f32 v6, v26;
	v60 =	vld [tilespmem:$0x7600]  }
0x16d: {  	v20 =	vsel vm0, v24, v22;
	v21 =	vsel vm0, v25, v21;
	v22 =	vmax.f32 v9, $9.999999930e-09;
	v6 =	vld [tilespmem:$0x7680]  }
0x16e: {  	v1 =	vsel vm2, v11, v1;
	v9 =	vmul.f32 v21, v23;
	v11 =	vmul.f32 v20, v22;
	v2 =	vld [tilespmem:$0x7700]  }
0x16f: {  	v13 =	vsel vm2, v13, v8;
	v10 =	vsel vm2, v15, v10;
	v0 =	vsel vm3, v16, v0;
	v3 =	vld [tilespmem:$0x7780]  }
0x170: {  	v1 =	vsel vm3, v17, v1;
	v13 =	vsel vm3, v18, v13;
	v5 =	vld [tilespmem:$0x7400];
	vm1 =	vge.f32 v9, v11  }
0x171: {  	v16 =	vsel vm3, v19, v10;
	v0 =	vsel vm4, v32, v0;
	v63 =	vld [tilespmem:$0x7480];
	v11 =	vsel vm1, v23, v20  }
0x172: {  	v1 =	vsel vm4, v37, v1;
	v0 =	vsel vm0, v33, v0;
	v4 =	vld [tilespmem:$0x7500];
	v17 =	vsel vm1, v22, v21;
	[tilespmem:$0xF640] =	vst v11  }
0x173: {  	v13 =	vsel vm4, v41, v13;
	v1 =	vsel vm0, v39, v1;
	v15 =	vld [tilespmem:$0x7580];
	v0 =	vsel vm1, v30, v0;
	[tilespmem:$0xF6C0] =	vst v17  }
0x174: {  	s20 =	simm.s32 $0x0;
	s28 =	simm.s32 $0x0;
	v16 =	vsel vm4, v38, v16;
	v13 =	vsel vm0, v56, v13;
	v12 =	vld [tilespmem:$0x7200];
	v1 =	vsel vm1, v59, v1;
	[tilespmem:$0xF740] =	vst v0  }
0x175: {  	s29 =	sand.u32 $0x60, s20;
	s21 =	sand.u32 $0x3FFFFE00, s28;
	v53 =	vsel vm0, v58, v16;
	v10 =	vld [tilespmem:$0x7280];
	v13 =	vsel vm1, v46, v13;
	[tilespmem:$0xF7C0] =	vst v1  }
0x176: {  	s30 =	sor.u32 $0x10, s29;
	s24 =	sadd.s32 $0x2800, s21;
	v14 =	vld [tilespmem:$0x7300];
	v0 =	vsel vm1, v31, v53;
	[tilespmem:$0xF840] =	vst v13  }
0x177: {  	s23 =	sor.u32 s30, s24;
	v37 =	vld [tilespmem:$0x7000];
	[tilespmem:$0xF8C0] =	vst v0  }
0x178: {  	v0 =	vld [tilespmem:s23+$0x0]  }
0x179: {  	v1 =	vld [tilespmem:s23+$0x80]  }
0x17a: {  	v18 =	vld [tilespmem:s23+$0x100]  }
0x17b: {  	v35 =	vld [tilespmem:s23+$0x180]  }
0x17c: {  	v24 =	vld [tilespmem:$0x6B00]  }
0x17d: {  	v29 =	vld [tilespmem:$0x6A00]  }
0x17e: {  	v26 =	vld [tilespmem:$0x6A80]  }
0x17f: {  	v11 =	vld [tilespmem:$0x6B80];
	v16 =	vmin.f32 v18, v52  }
0x180: {  	v34 =	vld [tilespmem:$0x6E00];
	v17 =	vmax.f32 v0, v28;
	v23 =	vmin.f32 v35, v7;
	v36 =	vmax.f32 v1, v27  }
0x181: {  	v8 =	vld [tilespmem:$0x6D00];
	v9 =	vmin.f32 v18, v2;
	v38 =	vmax.f32 v0, v60;
	v40 =	vmin.f32 v35, v3  }
0x182: {  	v13 =	vld [tilespmem:$0x7380];
	v41 =	vmin.f32 v18, v4;
	v42 =	vmax.f32 v0, v5;
	v43 =	vmax.f32 v1, v6  }
0x183: {  	s31 =	simm.s32 $0x0;
	v20 =	vld [tilespmem:$0x6C00];
	v27 =	vsub.f32 v18, v0;
	v28 =	vmin.f32 v18, v24;
	v54 =	vsub.f32 v35, v1  }
0x184: {  	v39 =	vld [tilespmem:$0x9E00];
	s23 =	sand.u32 $0x3FFFFC00, s31;
	v55 =	vmax.f32 v0, v29;
	v56 =	vmin.f32 v35, v11;
	v57 =	vmax.f32 v1, v26  }
0x185: {  	v25 =	vld [tilespmem:$0x6C80];
	s23 =	sadd.s32 $0xAA00, s23;
	v45 =	vmin.f32 v18, v14;
	v50 =	vmin.f32 v35, v15;
	v46 =	vmax.f32 v1, v63  }
0x186: {  	v21 =	vld [tilespmem:$0x6F00];
	s21 =	sor.u32 s30, s23;
	v48 =	vmin.f32 v18, v8;
	v33 =	vsub.f32 v28, v55;
	v44 =	vsub.f32 v56, v57  }
0x187: {  	v53 =	vld [tilespmem:s21+$0x80];
	v55 =	vmin.f32 v35, v13;
	v9 =	vsub.f32 v9, v38;
	v36 =	vsub.f32 v23, v36  }
0x188: {  	v28 =	vld [tilespmem:$0x6D80];
	v56 =	vmax.f32 v0, v20;
	v38 =	vsub.f32 v41, v42;
	v46 =	vsub.f32 v50, v46  }
0x189: {  	v31 =	vmovc v52;
	v52 =	vld [tilespmem:s21+$0x0];
	v43 =	vsub.f32 v40, v43;
	v58 =	vmax.f32 v27, $0.0e+00;
	v32 =	vmax.f32 v54, $0.0e+00  }
0x18a: {  	v51 =	vmul.f32 v32, v58;
	v61 =	vmax.f32 v44, $0.0e+00;
	v44 =	vmax.f32 v0, v12;
	v32 =	vld [tilespmem:$0x6F80]  }
0x18b: {  	v59 =	vmax.f32 v33, $0.0e+00;
	v58 =	vsub.f32 v16, v17;
	v16 =	vld [tilespmem:$0x7100];
	v42 =	vsub.f32 v45, v44  }
0x18c: {  	v23 =	vld [tilespmem:$0x7180];
	v54 =	vmul.f32 v61, v59;
	v44 =	vsub.f32 v48, v56;
	v62 =	vadd.f32 v51, v39  }
0x18d: {  	v49 =	vld [tilespmem:$0x9E80];
	v48 =	vmin.f32 v18, v21;
	v59 =	vmax.f32 v1, v10;
	v61 =	vmin.f32 v35, v28  }
0x18e: {  	v17 =	vld [tilespmem:$0x6E80];
	v33 =	vmul.f32 v54, v53;
	v47 =	vsub.f32 v62, v54;
	v62 =	vmax.f32 v1, v25  }
0x18f: {  	v30 =	vmovc v6;
	v6 =	vld [tilespmem:$0x7080];
	v44 =	vmax.f32 v44, $0.0e+00;
	v56 =	vsub.f32 v61, v62;
	v61 =	vmax.f32 v0, v34  }
0x190: {  	v62 =	vmin.f32 v35, v32;
	v18 =	vmin.f32 v18, v16;
	v41 =	vmax.f32 v47, $9.999999930e-09  }
0x191: {  	v0 =	vmax.f32 v0, v37;
	v35 =	vmin.f32 v35, v23;
	v47 =	vmul.f32 v41, v52  }
0x192: {  	v57 =	vsub.f32 v48, v61;
	v48 =	vld [tilespmem:$0x9F00];
	v0 =	vsub.f32 v18, v0;
	v61 =	vmax.f32 v56, $0.0e+00  }
0x193: {  	v44 =	vmul.f32 v61, v44;
	vm0 =	vge.f32 v33, v47;
	v33 =	vmax.f32 v1, v17  }
0x194: {  	v1 =	vmax.f32 v1, v6;
	v47 =	vld [tilespmem:$0x9F80];
	v45 =	vsub.f32 v62, v33;
	v62 =	vadd.f32 v51, v49  }
0x195: {  	v61 =	vmax.f32 v57, $0.0e+00;
	v0 =	vmax.f32 v0, $0.0e+00;
	v1 =	vsub.f32 v35, v1  }
0x196: {  	v52 =	vsel vm0, v54, v52;
	v41 =	vsel vm0, v41, v53;
	v18 =	vsub.f32 v62, v44  }
0x197: {  	v53 =	vmul.f32 v41, v44;
	v45 =	vmax.f32 v45, $0.0e+00;
	v62 =	vadd.f32 v51, v48  }
0x198: {  	v1 =	vmax.f32 v1, $0.0e+00;
	v35 =	vmul.f32 v45, v61;
	v18 =	vmax.f32 v18, $9.999999930e-09  }
0x199: {  	v45 =	vld [tilespmem:$0xA000];
	v0 =	vmul.f32 v1, v0;
	v33 =	vadd.f32 v51, v47;
	v54 =	vmul.f32 v52, v18  }
0x19a: {  	v38 =	vmax.f32 v38, $0.0e+00;
	v55 =	vsub.f32 v55, v59;
	v56 =	vsub.f32 v62, v35  }
0x19b: {  	v42 =	vmax.f32 v42, $0.0e+00;
	v1 =	vsub.f32 v33, v0;
	vm3 =	vge.f32 v53, v54  }
0x19c: {  	v59 =	vmovc v2;
	v57 =	vmax.f32 v56, $9.999999930e-09;
	v44 =	vsel vm3, v44, v52;
	v2 =	vsel vm3, v18, v41;
	v41 =	vld [tilespmem:$0xA080]  }
0x19d: {  	v33 =	vmax.f32 v55, $0.0e+00;
	v61 =	vmul.f32 v2, v35;
	v62 =	vmul.f32 v44, v57  }
0x19e: {  	v46 =	vmax.f32 v46, $0.0e+00;
	v50 =	vmul.f32 v33, v42;
	v56 =	vadd.f32 v51, v45  }
0x19f: {  	v53 =	vmul.f32 v46, v38;
	v1 =	vmax.f32 v1, $9.999999930e-09;
	vm5 =	vge.f32 v61, v62  }
0x1a0: {  	v61 =	vsub.f32 v56, v50;
	v35 =	vsel vm5, v35, v44;
	v2 =	vsel vm5, v57, v2  }
0x1a1: {  	v57 =	vmul.f32 v2, v0;
	v44 =	vmul.f32 v35, v1;
	v62 =	vadd.f32 v51, v41  }
0x1a2: {  	v42 =	vld [tilespmem:$0xA100];
	v18 =	vmax.f32 v61, $9.999999930e-09  }
0x1a3: {  	s24 =	sor.u32 s29, s24;
	v38 =	vld [tilespmem:$0xA180];
	vm2 =	vge.f32 v57, v44;
	v61 =	vsub.f32 v62, v53;
	v62 =	vmax.f32 v43, $0.0e+00  }
0x1a4: {  	v40 =	vld [tilespmem:s24+$0x0];
	v0 =	vsel vm2, v0, v35;
	v1 =	vsel vm2, v1, v2;
	v35 =	vmax.f32 v58, $0.0e+00  }
0x1a5: {  	v44 =	vld [tilespmem:s24+$0x100];
	v58 =	vmax.f32 v9, $0.0e+00;
	v33 =	vmul.f32 v1, v50;
	v57 =	vmul.f32 v0, v18  }
0x1a6: {  	v2 =	vmul.f32 v62, v58;
	v58 =	vld [tilespmem:s21+$0x280]  }
0x1a7: {  	v43 =	vld [tilespmem:s24+$0x80];
	v9 =	vmax.f32 v36, $0.0e+00;
	vm1 =	vge.f32 v33, v57  }
0x1a8: {  	v46 =	vld [tilespmem:s24+$0x180];
	v33 =	vadd.f32 v51, v42;
	v57 =	vmax.f32 v61, $9.999999930e-09;
	v51 =	vadd.f32 v51, v38  }
0x1a9: {  	v0 =	vsel vm1, v50, v0;
	v1 =	vsel vm1, v18, v1;
	v18 =	vmul.f32 v9, v35  }
0x1aa: {  	v61 =	vmul.f32 v1, v53;
	v55 =	vmul.f32 v0, v57;
	v62 =	vsub.f32 v33, v2  }
0x1ab: {  	v52 =	vsub.f32 v44, v40;
	v51 =	vsub.f32 v51, v18;
	v36 =	vsel vm0, v11, v58  }
0x1ac: {  	v58 =	vmax.f32 v43, v25;
	vm4 =	vge.f32 v61, v55;
	v50 =	vmax.f32 v62, $9.999999930e-09  }
0x1ad: {  	v55 =	vsub.f32 v46, v43;
	v0 =	vsel vm4, v53, v0;
	v1 =	vsel vm4, v57, v1  }
0x1ae: {  	v61 =	vmax.f32 v40, v29;
	v35 =	vmul.f32 v1, v2;
	v33 =	vmul.f32 v0, v50  }
0x1af: {  	v62 =	vmin.f32 v46, v11;
	v53 =	vmin.f32 v44, v24;
	v9 =	vmax.f32 v51, $9.999999930e-09  }
0x1b0: {  	v57 =	vsub.f32 v53, v61;
	v61 =	vmin.f32 v44, v8;
	vm6 =	vge.f32 v35, v33  }
0x1b1: {  	v33 =	vmax.f32 v52, $0.0e+00;
	v35 =	vmax.f32 v43, v26;
	v2 =	vsel vm6, v2, v0  }
0x1b2: {  	v1 =	vsel vm6, v50, v1;
	v0 =	vsel vm3, v28, v36;
	v36 =	vmax.f32 v55, $0.0e+00  }
0x1b3: {  	v52 =	vsub.f32 v62, v35;
	v62 =	vmax.f32 v40, v20;
	[tilespmem:$0x1FED0] =	vst v1;
	v1 =	vmul.f32 v1, v18  }
0x1b4: {  	v35 =	vmin.f32 v46, v28;
	[tilespmem:$0x1FF00] =	vst v2;
	v2 =	vmul.f32 v2, v9;
	v50 =	vmul.f32 v36, v33  }
0x1b5: {  	[tilespmem:$0x1FEE0] =	vst v18;
	v51 =	vsub.f32 v61, v62;
	v61 =	vmin.f32 v44, v21;
	v62 =	vmax.f32 v40, v34  }
0x1b6: {  	s22 =	sor.u32 s29, s23;
	[tilespmem:$0x1FEF0] =	vst v9;
	v52 =	vmax.f32 v52, $0.0e+00;
	v53 =	vsub.f32 v61, v62;
	v62 =	vmin.f32 v44, v16  }
0x1b7: {  	v56 =	vld [tilespmem:s22+$0x80];
	vm7 =	vge.f32 v1, v2;
	v1 =	vmax.f32 v57, $0.0e+00;
	v39 =	vadd.f32 v50, v39  }
0x1b8: {  	v54 =	vld [tilespmem:s22+$0x0];
	v49 =	vadd.f32 v50, v49;
	v1 =	vmul.f32 v52, v1;
	v52 =	vsub.f32 v35, v58  }
0x1b9: {  	v51 =	vmax.f32 v51, $0.0e+00;
	v2 =	vmin.f32 v46, v32;
	v48 =	vadd.f32 v50, v48  }
0x1ba: {  	v35 =	vmax.f32 v43, v17;
	v39 =	vsub.f32 v39, v1;
	v52 =	vmax.f32 v52, $0.0e+00  }
0x1bb: {  	v53 =	vmax.f32 v53, $0.0e+00;
	v51 =	vmul.f32 v52, v51;
	v52 =	vsub.f32 v2, v35  }
0x1bc: {  	v36 =	vmul.f32 v1, v56;
	v2 =	vmax.f32 v40, v37;
	v39 =	vmax.f32 v39, $9.999999930e-09  }
0x1bd: {  	v61 =	vmul.f32 v39, v54;
	v49 =	vsub.f32 v49, v51;
	v52 =	vmax.f32 v52, $0.0e+00  }
0x1be: {  	v47 =	vadd.f32 v50, v47;
	v52 =	vmul.f32 v52, v53;
	v53 =	vsub.f32 v62, v2  }
0x1bf: {  	vm8 =	vge.f32 v36, v61;
	v49 =	vmax.f32 v49, $9.999999930e-09;
	v36 =	vmin.f32 v46, v23  }
0x1c0: {  	v61 =	vmax.f32 v43, v6;
	v1 =	vsel vm8, v1, v54;
	v39 =	vsel vm8, v39, v56  }
0x1c1: {  	v48 =	vsub.f32 v48, v52;
	v35 =	vmul.f32 v39, v51;
	v62 =	vmul.f32 v1, v49  }
0x1c2: {  	v56 =	vsub.f32 v36, v61;
	v54 =	vmin.f32 v44, v14;
	v53 =	vmax.f32 v53, $0.0e+00  }
0x1c3: {  	v36 =	vmax.f32 v40, v12;
	v48 =	vmax.f32 v48, $9.999999930e-09;
	vm9 =	vge.f32 v35, v62  }
0x1c4: {  	v35 =	vmax.f32 v56, $0.0e+00;
	v1 =	vsel vm9, v51, v1;
	v39 =	vsel vm9, v49, v39  }
0x1c5: {  	v49 =	vmul.f32 v35, v53;
	v35 =	vmin.f32 v46, v13;
	v51 =	vsub.f32 v54, v36  }
0x1c6: {  	v36 =	vmax.f32 v43, v10;
	v53 =	vmul.f32 v39, v52;
	v61 =	vmul.f32 v1, v48  }
0x1c7: {  	v54 =	vsub.f32 v35, v36  }
0x1c8: {  	v45 =	vadd.f32 v50, v45;
	v47 =	vsub.f32 v47, v49;
	vm10 =	vge.f32 v53, v61  }
0x1c9: {  	v51 =	vmax.f32 v51, $0.0e+00;
	v56 =	vmax.f32 v54, $0.0e+00;
	v1 =	vsel vm10, v52, v1  }
0x1ca: {  	v39 =	vsel vm10, v48, v39;
	v47 =	vmax.f32 v47, $9.999999930e-09;
	v48 =	vmul.f32 v56, v51  }
0x1cb: {  	v36 =	vmul.f32 v39, v49;
	v56 =	vmul.f32 v1, v47  }
0x1cc: {  	v45 =	vsub.f32 v45, v48  }
0x1cd: {  	vm11 =	vge.f32 v36, v56  }
0x1ce: {  	v1 =	vsel vm11, v49, v1;
	v39 =	vsel vm11, v47, v39;
	v45 =	vmax.f32 v45, $9.999999930e-09  }
0x1cf: {  	v47 =	vmul.f32 v39, v48;
	v49 =	vmul.f32 v1, v45  }
0x1d0: {  	v0 =	vsel vm5, v32, v0  }
0x1d1: {  	v0 =	vsel vm2, v23, v0;
	vm12 =	vge.f32 v47, v49  }
0x1d2: {  	v57 =	vmax.f32 v40, v5;
	v55 =	vadd.f32 v50, v41;
	v56 =	vsel vm12, v48, v1;
	v48 =	vld [tilespmem:$0x1FF10]  }
0x1d3: {  	v58 =	vmin.f32 v46, v15;
	v2 =	vmax.f32 v43, v63;
	v53 =	vmin.f32 v44, v4  }
0x1d4: {  	v0 =	vsel vm1, v13, v0;
	v51 =	vsub.f32 v53, v57;
	v52 =	vsub.f32 v58, v2  }
0x1d5: {  	v0 =	vsel vm4, v15, v0;
	v35 =	vmovc v63;
	v63 =	vmin.f32 v46, v3;
	v57 =	vmin.f32 v44, v59  }
0x1d6: {  	v22 =	vmovc v12;
	v19 =	vmovc v10;
	v2 =	vmax.f32 v43, v30;
	v51 =	vmax.f32 v51, $0.0e+00;
	v58 =	vmax.f32 v52, $0.0e+00  }
0x1d7: {  	v18 =	vmovc v17;
	v53 =	vmul.f32 v58, v51;
	v58 =	vld [tilespmem:s22+$0x100];
	v49 =	vmin.f32 v44, v31;
	v1 =	vmax.f32 v40, v48  }
0x1d8: {  	v9 =	vmovc v5;
	v36 =	vmovc v60;
	v60 =	vmax.f32 v40, v60;
	v12 =	vmov v48;
	v48 =	vsub.f32 v49, v1;
	v49 =	vld [tilespmem:$0x1FF20]  }
0x1d9: {  	v33 =	vmovc v8;
	v41 =	vld [tilespmem:s22+$0x180];
	v0 =	vsel vm6, v3, v0;
	v51 =	vsub.f32 v63, v2;
	v54 =	vsub.f32 v57, v60  }
0x1da: {  	v8 =	vmovc v13;
	v0 =	vsel vm7, v7, v0;
	v52 =	vadd.f32 v50, v42;
	v42 =	vld [tilespmem:s22+$0x200];
	v47 =	vsub.f32 v55, v53  }
0x1db: {  	v10 =	vmovc v30;
	v62 =	vmovc v14;
	v51 =	vmax.f32 v51, $0.0e+00;
	v44 =	vld [tilespmem:s21+$0x100];
	v57 =	vmax.f32 v54, $0.0e+00;
	v54 =	vsel vm12, v45, v39  }
0x1dc: {  	v61 =	vmovc v4;
	v4 =	vmovc v7;
	v45 =	vld [tilespmem:s21+$0x180];
	v39 =	vmin.f32 v46, v7;
	v55 =	vmax.f32 v47, $9.999999930e-09;
	v51 =	vmul.f32 v51, v57  }
0x1dd: {  	v63 =	vmovc v3;
	v46 =	vld [tilespmem:s22+$0x280];
	v57 =	vmul.f32 v54, v53;
	v40 =	vsel vm8, v29, v58;
	v1 =	vmax.f32 v43, v49  }
0x1de: {  	v60 =	vmovc v31;
	v47 =	vld [tilespmem:s21+$0x200];
	[tilespmem:s21+$0x280] =	vst v0;
	v5 =	vmov v49;
	v43 =	vmul.f32 v56, v55;
	v49 =	vsub.f32 v39, v1  }
.LBB2_4:
0x1df: {  	v39 =	vld [tilespmem:$0x7800]  }
0x1e0: {  	v1 =	vadd.f32 v50, v38;
	v38 =	vld [tilespmem:$0x7780]  }
0x1e1: {  	v3 =	vld [tilespmem:$0x1FEE0];
	vm13 =	vge.f32 v57, v43;
	v0 =	vsub.f32 v52, v51  }
0x1e2: {  	v43 =	vld [tilespmem:$0x7880];
	v57 =	vmax.f32 v48, $0.0e+00;
	v49 =	vmax.f32 v49, $0.0e+00;
	v50 =	vsel vm13, v53, v56  }
0x1e3: {  	v48 =	vld [tilespmem:$0x7900];
	v52 =	vsel vm13, v55, v54;
	v53 =	vmul.f32 v49, v57;
	v57 =	vsel vm9, v20, v40  }
0x1e4: {  	v49 =	vld [tilespmem:$0x7980];
	v0 =	vmax.f32 v0, $9.999999930e-09;
	v58 =	vsel vm8, v26, v41;
	v41 =	vmul.f32 v52, v51  }
0x1e5: {  	v55 =	vld [tilespmem:$0x7600];
	v2 =	vmul.f32 v50, v0;
	v42 =	vsel vm8, v24, v42;
	v30 =	vsel vm8, v11, v46  }
0x1e6: {  	v40 =	vld [tilespmem:$0x7700];
	v29 =	vsel vm0, v29, v44;
	v31 =	vsel vm0, v26, v45;
	v26 =	vsel vm0, v24, v47  }
0x1e7: {  	v54 =	vld [tilespmem:$0x1FF00];
	v1 =	vsub.f32 v1, v53;
	v58 =	vsel vm9, v25, v58;
	v42 =	vsel vm9, v33, v42  }
0x1e8: {  	s20 =	sadd.s32 $0x20, s20;
	v46 =	vld [tilespmem:$0x7680];
	v28 =	vsel vm9, v28, v30;
	v24 =	vsel vm3, v20, v29;
	v27 =	vsel vm3, v25, v31  }
0x1e9: {  	s23 =	sshll.u32 s20, $0x2;
	v25 =	vsel vm3, v33, v26;
	v26 =	vld [tilespmem:$0x7400];
	v29 =	vsel vm10, v34, v57;
	vm0 =	vge.f32 v41, v2  }
0x1ea: {  	s24 =	sand.u32 $0x60, s20;
	s23 =	sand.u32 $0x3FFFFE00, s23;
	v30 =	vld [tilespmem:$0x7480];
	v31 =	vsel vm10, v18, v58;
	v56 =	vsel vm10, v21, v42;
	v28 =	vsel vm10, v32, v28  }
0x1eb: {  	s25 =	sor.u32 $0x10, s24;
	s26 =	sadd.s32 $0x2800, s23;
	v57 =	vld [tilespmem:$0x7500];
	v20 =	vsel vm5, v34, v24;
	v24 =	vsel vm5, v18, v27;
	v21 =	vsel vm5, v21, v25  }
0x1ec: {  	s23 =	sor.u32 s24, s26;
	s26 =	sor.u32 s25, s26;
	v33 =	vld [tilespmem:$0x7300];
	v25 =	vsel vm11, v37, v29;
	v1 =	vmax.f32 v1, $9.999999930e-09;
	v27 =	vsel vm0, v51, v50  }
0x1ed: {  	v44 =	vld [tilespmem:s26+$0x80];
	v0 =	vsel vm0, v0, v52;
	v31 =	vsel vm11, v6, v31;
	v58 =	vsel vm11, v16, v56  }
0x1ee: {  	v47 =	vld [tilespmem:s26+$0x100];
	v23 =	vsel vm11, v23, v28;
	v20 =	vsel vm2, v37, v20;
	v17 =	vsel vm2, v6, v24  }
0x1ef: {  	v45 =	vld [tilespmem:s26+$0x180];
	v16 =	vsel vm2, v16, v21;
	v21 =	vsel vm12, v22, v25;
	v24 =	vmul.f32 v0, v53  }
0x1f0: {  	v32 =	vld [tilespmem:$0x7580];
	v50 =	vmovc v10;
	v25 =	vsel vm12, v19, v31;
	v28 =	vsel vm12, v62, v58;
	v31 =	vmul.f32 v27, v1  }
0x1f1: {  	v29 =	vld [tilespmem:$0x7200];
	v2 =	vmovc v22;
	v22 =	vsel vm12, v8, v23;
	v18 =	vsel vm1, v19, v17;
	v21 =	vsel vm13, v9, v21  }
0x1f2: {  	v42 =	vld [tilespmem:$0x7280];
	v7 =	vmovc v49;
	v19 =	vsel vm1, v62, v16;
	v20 =	vsel vm1, v2, v20;
	v23 =	vsel vm13, v35, v25  }
0x1f3: {  	v41 =	vld [tilespmem:$0x7380];
	v8 =	vmovc v55;
	v25 =	vsel vm13, v61, v28;
	v15 =	vsel vm13, v15, v22;
	v18 =	vsel vm4, v35, v18  }
0x1f4: {  	v51 =	vld [tilespmem:$0x7000];
	v55 =	vmovc v40;
	v19 =	vsel vm4, v61, v19;
	v21 =	vsel vm0, v36, v21;
	[tilespmem:$0x1FE60] =	vst v8;
	v13 =	vmov v46  }
0x1f5: {  	v17 =	vld [tilespmem:$0x7080];
	[tilespmem:$0x1FEA0] =	vst v55;
	v20 =	vsel vm4, v9, v20;
	vm1 =	vge.f32 v24, v31;
	v24 =	vsel vm0, v10, v23  }
0x1f6: {  	v16 =	vld [tilespmem:$0x7100];
	v9 =	vmovc v26;
	v25 =	vsel vm0, v59, v25;
	v14 =	vsel vm0, v63, v15;
	v18 =	vsel vm6, v50, v18  }
0x1f7: {  	v22 =	vld [tilespmem:s26+$0x0];
	v11 =	vmovc v30;
	v52 =	vsel vm6, v59, v19;
	v35 =	vmin.f32 v45, v7;
	v34 =	vmin.f32 v47, v40  }
0x1f8: {  	v23 =	vld [tilespmem:$0x7180];
	v46 =	vmin.f32 v45, v38;
	[tilespmem:$0x1FE30] =	vst v11;
	v15 =	vsel vm6, v36, v20;
	v20 =	vsel vm1, v53, v27  }
0x1f9: {  	v50 =	vmax.f32 v44, v13;
	v0 =	vsel vm1, v1, v0;
	v14 =	vsel vm1, v4, v14;
	v4 =	vld [tilespmem:$0x1FED0];
	[tilespmem:s22+$0x0] =	vst v20  }
0x1fa: {  	v10 =	vmovc v57;
	v53 =	vmov v12;
	v12 =	vsel vm1, v12, v21;
	v19 =	vsel vm1, v5, v24;
	[tilespmem:$0x1FE90] =	vst v17;
	v31 =	vld [tilespmem:$0x6E00]  }
0x1fb: {  	v25 =	vsel vm1, v60, v25;
	v1 =	vsel vm7, v60, v52;
	[tilespmem:s22+$0x80] =	vst v0;
	v0 =	vsel vm7, v3, v54;
	v3 =	vld [tilespmem:$0x1FEF0]  }
0x1fc: {  	v52 =	vmin.f32 v45, v32;
	v60 =	vmin.f32 v45, v41;
	v61 =	vmax.f32 v44, v42;
	v21 =	vld [tilespmem:$0x6F00];
	[tilespmem:s22+$0x100] =	vst v12  }
0x1fd: {  	v50 =	vsub.f32 v46, v50;
	v60 =	vsub.f32 v60, v61;
	v56 =	vmin.f32 v47, v16;
	v2 =	vld [tilespmem:$0x6C00];
	[tilespmem:s22+$0x180] =	vst v19  }
0x1fe: {  	v6 =	vmovc v29;
	v63 =	vmax.f32 v44, v17;
	v17 =	vmov v38;
	v38 =	vsub.f32 v45, v44;
	v30 =	vld [tilespmem:$0x6C80];
	[tilespmem:s22+$0x200] =	vst v25  }
0x1ff: {  	v12 =	vsel vm7, v53, v15;
	v15 =	vsel vm7, v5, v18;
	v18 =	vmin.f32 v47, v48;
	v25 =	vld [tilespmem:$0x6D00];
	[tilespmem:s22+$0x280] =	vst v14  }
0x200: {  	[tilespmem:$0x1FE80] =	vst v51;
	v20 =	vmovc v39;
	v5 =	vmov v43;
	v37 =	vmax.f32 v22, v8;
	v49 =	vmax.f32 v22, v9;
	v24 =	vld [tilespmem:$0x6B00]  }
0x201: {  	[tilespmem:s21+$0x0] =	vst v0;
	v0 =	vmin.f32 v47, v33;
	v53 =	vmax.f32 v44, v11;
	v29 =	vsel vm7, v3, v4;
	v11 =	vld [tilespmem:$0x6B80]  }
0x202: {  	v54 =	vmax.f32 v22, v6;
	v57 =	vmax.f32 v22, v51;
	v55 =	vsub.f32 v47, v22;
	[tilespmem:s21+$0x80] =	vst v29;
	v29 =	vld [tilespmem:$0x6A00]  }
0x203: {  	[tilespmem:s21+$0x200] =	vst v1;
	v19 =	vmax.f32 v22, v20;
	v36 =	vmax.f32 v44, v5;
	v62 =	vmin.f32 v45, v23;
	v26 =	vld [tilespmem:$0x6A80]  }
0x204: {  	v8 =	vmovc v42;
	v38 =	vmax.f32 v38, $0.0e+00;
	v36 =	vsub.f32 v35, v36;
	v3 =	vmovc v48;
	v28 =	vld [tilespmem:$0x6D80];
	v48 =	vmin.f32 v47, v10  }
0x205: {  	[tilespmem:s21+$0x100] =	vst v12;
	v59 =	vmax.f32 v22, v31;
	v58 =	vmin.f32 v47, v21;
	v4 =	vmax.f32 v22, v2  }
0x206: {  	s31 =	sshll.u32 s20, $0x3;
	[tilespmem:$0x1FE50] =	vst v2;
	v2 =	vsub.f32 v18, v19;
	v18 =	vsub.f32 v34, v37;
	v14 =	vmax.f32 v44, v30  }
0x207: {  	[tilespmem:s21+$0x180] =	vst v15;
	v51 =	vld [tilespmem:$0x9E00];
	s21 =	sand.u32 $0x3FFFFC00, s31;
	v1 =	vmin.f32 v47, v25;
	v47 =	vmin.f32 v47, v24;
	v22 =	vmax.f32 v22, v29  }
0x208: {  	v27 =	vld [tilespmem:$0x6F80];
	[tilespmem:$0x1FE40] =	vst v3;
	s21 =	sadd.s32 $0xAA00, s21;
	v3 =	vmin.f32 v45, v11;
	v42 =	vsub.f32 v47, v22;
	v22 =	vmax.f32 v44, v26  }
0x209: {  	v34 =	vld [tilespmem:$0x6E80];
	s22 =	sor.u32 s24, s21;
	s21 =	sor.u32 s25, s21;
	v12 =	vmin.f32 v45, v28;
	v47 =	vmax.f32 v55, $0.0e+00;
	v3 =	vsub.f32 v3, v22  }
0x20a: {  	v46 =	vld [tilespmem:s21+$0x0];
	v1 =	vsub.f32 v1, v4;
	v4 =	vsub.f32 v12, v14;
	v35 =	vmul.f32 v38, v47  }
0x20b: {  	v55 =	vld [tilespmem:$0x9E80];
	v38 =	vsub.f32 v48, v49;
	v37 =	vmax.f32 v42, $0.0e+00;
	v3 =	vmax.f32 v3, $0.0e+00  }
0x20c: {  	v49 =	vsub.f32 v52, v53;
	v47 =	vld [tilespmem:s21+$0x80];
	v53 =	vadd.f32 v35, v51;
	v3 =	vmul.f32 v3, v37  }
0x20d: {  	v12 =	vmin.f32 v45, v27;
	v14 =	vsub.f32 v58, v59;
	v37 =	vsub.f32 v56, v57;
	v57 =	vld [tilespmem:s22+$0x100]  }
0x20e: {  	v52 =	vsub.f32 v0, v54;
	v54 =	vmax.f32 v44, v34;
	v56 =	vld [tilespmem:$0x9F00];
	v0 =	vsub.f32 v53, v3  }
0x20f: {  	v1 =	vmax.f32 v1, $0.0e+00;
	v4 =	vmax.f32 v4, $0.0e+00;
	v12 =	vsub.f32 v12, v54  }
0x210: {  	v15 =	vmovc v32;
	v1 =	vmul.f32 v4, v1;
	v4 =	vadd.f32 v35, v55;
	v44 =	vmax.f32 v0, $9.999999930e-09  }
0x211: {  	v19 =	vmovc v33;
	v33 =	vsub.f32 v62, v63;
	v0 =	vmul.f32 v3, v47;
	v32 =	vmul.f32 v44, v46  }
0x212: {  	v14 =	vmax.f32 v14, $0.0e+00;
	v12 =	vmax.f32 v12, $0.0e+00;
	v4 =	vsub.f32 v4, v1;
	[tilespmem:$0x1FEC0] =	vst v57;
	v57 =	vld [tilespmem:$0x9F80]  }
0x213: {  	v12 =	vmul.f32 v12, v14;
	v14 =	vadd.f32 v35, v56;
	vm0 =	vge.f32 v0, v32  }
0x214: {  	v4 =	vmax.f32 v4, $9.999999930e-09;
	v3 =	vsel vm0, v3, v46;
	v47 =	vsel vm0, v44, v47  }
0x215: {  	v50 =	vmax.f32 v50, $0.0e+00;
	v0 =	vmul.f32 v47, v1;
	v32 =	vmul.f32 v3, v4  }
0x216: {  	v54 =	vld [tilespmem:$0xA000];
	v37 =	vmax.f32 v37, $0.0e+00;
	v53 =	vmax.f32 v33, $0.0e+00;
	v14 =	vsub.f32 v14, v12  }
0x217: {  	v37 =	vmul.f32 v53, v37;
	v33 =	vadd.f32 v35, v57;
	vm3 =	vge.f32 v0, v32  }
0x218: {  	v1 =	vsel vm3, v1, v3;
	v3 =	vsel vm3, v4, v47;
	v4 =	vmax.f32 v14, $9.999999930e-09  }
0x219: {  	v60 =	vmax.f32 v60, $0.0e+00;
	v14 =	vmul.f32 v3, v12;
	v32 =	vmul.f32 v1, v4  }
0x21a: {  	v36 =	vmax.f32 v36, $0.0e+00;
	v52 =	vmax.f32 v52, $0.0e+00;
	v53 =	vld [tilespmem:$0xA080];
	v61 =	vsub.f32 v33, v37  }
0x21b: {  	v33 =	vadd.f32 v35, v54;
	vm5 =	vge.f32 v14, v32;
	v14 =	vmul.f32 v60, v52  }
0x21c: {  	v39 =	vld [tilespmem:s23+$0x0];
	v1 =	vsel vm5, v12, v1;
	v3 =	vsel vm5, v4, v3;
	v4 =	vmax.f32 v61, $9.999999930e-09  }
0x21d: {  	v43 =	vld [tilespmem:s23+$0x100];
	v2 =	vmax.f32 v2, $0.0e+00;
	v12 =	vmul.f32 v3, v37;
	v61 =	vmul.f32 v1, v4  }
0x21e: {  	v38 =	vmax.f32 v38, $0.0e+00;
	v49 =	vmax.f32 v49, $0.0e+00;
	v52 =	vld [tilespmem:$0xA100];
	v60 =	vsub.f32 v33, v14  }
0x21f: {  	v40 =	vld [tilespmem:s23+$0x80];
	vm2 =	vge.f32 v12, v61;
	v12 =	vmul.f32 v49, v38;
	v49 =	vadd.f32 v35, v53  }
0x220: {  	v38 =	vld [tilespmem:$0xA180];
	v1 =	vsel vm2, v37, v1;
	v3 =	vsel vm2, v4, v3;
	v4 =	vmax.f32 v60, $9.999999930e-09  }
0x221: {  	v48 =	vld [tilespmem:s23+$0x180];
	v33 =	vmax.f32 v18, $0.0e+00;
	v32 =	vmul.f32 v3, v14;
	v60 =	vmul.f32 v1, v4  }
0x222: {  	v18 =	vmul.f32 v36, v2;
	v2 =	vmul.f32 v50, v33;
	v49 =	vsub.f32 v49, v12  }
0x223: {  	v50 =	vsub.f32 v43, v39;
	v36 =	vadd.f32 v35, v52;
	vm1 =	vge.f32 v32, v60  }
0x224: {  	v37 =	vld [tilespmem:s21+$0x280];
	v1 =	vsel vm1, v14, v1;
	v3 =	vsel vm1, v4, v3;
	v4 =	vmax.f32 v49, $9.999999930e-09  }
0x225: {  	v35 =	vadd.f32 v35, v38;
	v14 =	vmul.f32 v3, v12;
	v49 =	vmul.f32 v1, v4  }
0x226: {  	v61 =	vsub.f32 v48, v40;
	v36 =	vsub.f32 v36, v2;
	v60 =	vmin.f32 v43, v24  }
0x227: {  	v32 =	vmin.f32 v48, v11;
	vm4 =	vge.f32 v14, v49;
	v14 =	vsub.f32 v35, v18  }
0x228: {  	v49 =	vmax.f32 v39, v31;
	v1 =	vsel vm4, v12, v1;
	v3 =	vsel vm4, v4, v3  }
0x229: {  	v4 =	vmax.f32 v36, $9.999999930e-09;
	v12 =	vsel vm0, v11, v37;
	v37 =	vmax.f32 v39, v29  }
0x22a: {  	v0 =	vmul.f32 v3, v2;
	v36 =	vmul.f32 v1, v4;
	v12 =	vsel vm3, v28, v12  }
0x22b: {  	v33 =	vmax.f32 v14, $9.999999930e-09;
	v37 =	vsub.f32 v60, v37;
	v12 =	vsel vm5, v27, v12  }
0x22c: {  	[tilespmem:$0x1FE70] =	vst v9;
	v9 =	vmovc v41;
	v14 =	vmax.f32 v61, $0.0e+00;
	vm6 =	vge.f32 v0, v36;
	v12 =	vsel vm2, v23, v12  }
0x22d: {  	v63 =	vmovc v10;
	v10 =	vmovc v6;
	v60 =	vmax.f32 v37, $0.0e+00;
	v6 =	vsel vm6, v2, v1;
	v35 =	vsel vm6, v4, v3  }
0x22e: {  	v36 =	vsel vm1, v9, v12;
	v2 =	vmul.f32 v35, v18;
	v3 =	vmul.f32 v6, v33  }
0x22f: {  	v4 =	vmax.f32 v50, $0.0e+00;
	v12 =	vmax.f32 v40, v26;
	v1 =	vsel vm4, v15, v36  }
0x230: {  	v50 =	vmul.f32 v14, v4;
	vm7 =	vge.f32 v2, v3;
	v3 =	vsub.f32 v32, v12;
	v32 =	vld [tilespmem:$0x1FE50]  }
0x231: {  	[tilespmem:$0x1FEF0] =	vst v33;
	v4 =	vmin.f32 v43, v25;
	v14 =	vmax.f32 v40, v30;
	v1 =	vsel vm6, v17, v1  }
0x232: {  	v59 =	vld [tilespmem:s22+$0x80];
	[tilespmem:$0x1FED0] =	vst v35;
	v35 =	vmin.f32 v48, v27;
	v1 =	vsel vm7, v7, v1;
	v61 =	vmax.f32 v3, $0.0e+00  }
0x233: {  	v58 =	vld [tilespmem:s22+$0x0];
	v62 =	vadd.f32 v50, v51;
	v51 =	vadd.f32 v50, v56;
	[tilespmem:s21+$0x280] =	vst v1;
	v1 =	vmul.f32 v61, v60  }
0x234: {  	v33 =	vmovc v25;
	v56 =	vadd.f32 v50, v57;
	v57 =	vmin.f32 v43, v19;
	v3 =	vmin.f32 v48, v28  }
0x235: {  	v25 =	vmovc v30;
	v30 =	vld [tilespmem:$0x1FE90];
	v3 =	vsub.f32 v3, v14;
	v12 =	vmax.f32 v39, v32;
	v2 =	vsub.f32 v62, v1  }
0x236: {  	v14 =	vadd.f32 v50, v55;
	v61 =	vmin.f32 v48, v23;
	v4 =	vsub.f32 v4, v12  }
0x237: {  	v3 =	vmax.f32 v3, $0.0e+00;
	v36 =	vmul.f32 v1, v59;
	v2 =	vmax.f32 v2, $9.999999930e-09  }
0x238: {  	v12 =	vmin.f32 v43, v21;
	v4 =	vmax.f32 v4, $0.0e+00;
	v37 =	vmul.f32 v2, v58  }
0x239: {  	v12 =	vsub.f32 v12, v49;
	v3 =	vmul.f32 v3, v4;
	v4 =	vmax.f32 v40, v34  }
0x23a: {  	v62 =	vmax.f32 v40, v30;
	v4 =	vsub.f32 v35, v4;
	vm8 =	vge.f32 v36, v37;
	v37 =	vld [tilespmem:$0x1FE80]  }
0x23b: {  	[tilespmem:$0x1FEB0] =	vst v8;
	v8 =	vmovc v9;
	v12 =	vmax.f32 v12, $0.0e+00;
	v36 =	vsub.f32 v61, v62;
	v14 =	vsub.f32 v14, v3  }
0x23c: {  	[tilespmem:$0x1FEE0] =	vst v18;
	v61 =	vmin.f32 v48, v9;
	v9 =	vld [tilespmem:$0x1FEB0];
	v1 =	vsel vm8, v1, v58;
	v2 =	vsel vm8, v2, v59  }
0x23d: {  	[tilespmem:$0x1FF00] =	vst v6;
	v4 =	vmax.f32 v4, $0.0e+00;
	v55 =	vmul.f32 v2, v3;
	v14 =	vmax.f32 v14, $9.999999930e-09  }
0x23e: {  	v18 =	vmovc v34;
	v54 =	vadd.f32 v50, v54;
	v4 =	vmul.f32 v4, v12;
	v34 =	vmul.f32 v1, v14  }
0x23f: {  	v6 =	vmovc v5;
	v52 =	vadd.f32 v50, v52;
	v49 =	vmin.f32 v43, v16;
	v12 =	vmax.f32 v39, v37  }
0x240: {  	v5 =	vmovc v13;
	v13 =	vld [tilespmem:$0x1FE30];
	v51 =	vsub.f32 v51, v4;
	v12 =	vsub.f32 v49, v12;
	vm9 =	vge.f32 v55, v34  }
0x241: {  	v49 =	vmax.f32 v36, $0.0e+00;
	v36 =	vmax.f32 v40, v9;
	v1 =	vsel vm9, v3, v1  }
0x242: {  	v2 =	vsel vm9, v14, v2;
	v3 =	vmax.f32 v51, $9.999999930e-09;
	v14 =	vmax.f32 v39, v10  }
0x243: {  	v12 =	vmax.f32 v12, $0.0e+00;
	v51 =	vmul.f32 v2, v4;
	v55 =	vmul.f32 v1, v3  }
0x244: {  	v35 =	vld [tilespmem:$0x1FE70];
	v14 =	vsub.f32 v57, v14;
	v57 =	vmin.f32 v43, v63;
	v12 =	vmul.f32 v49, v12  }
0x245: {  	v49 =	vsub.f32 v61, v36;
	vm10 =	vge.f32 v51, v55;
	v51 =	vmax.f32 v40, v13  }
0x246: {  	v59 =	vld [tilespmem:$0x1FEA0];
	v55 =	vadd.f32 v50, v53;
	v58 =	vsub.f32 v56, v12;
	v1 =	vsel vm10, v4, v1  }
0x247: {  	v4 =	vmax.f32 v14, $0.0e+00;
	v14 =	vmax.f32 v49, $0.0e+00;
	v2 =	vsel vm10, v3, v2  }
0x248: {  	v49 =	vmin.f32 v48, v15;
	v4 =	vmul.f32 v14, v4;
	v3 =	vmax.f32 v58, $9.999999930e-09  }
0x249: {  	v60 =	vld [tilespmem:$0x1FE60];
	v61 =	vmovc v63;
	v14 =	vmax.f32 v39, v35;
	v63 =	vmul.f32 v2, v12;
	v36 =	vmul.f32 v1, v3  }
0x24a: {  	v49 =	vsub.f32 v49, v51;
	v14 =	vsub.f32 v57, v14  }
0x24b: {  	v51 =	vmin.f32 v43, v59;
	v54 =	vsub.f32 v54, v4;
	vm11 =	vge.f32 v63, v36  }
0x24c: {  	v0 =	vld [tilespmem:$0x1FE40];
	v14 =	vmax.f32 v14, $0.0e+00;
	v1 =	vsel vm11, v12, v1;
	v2 =	vsel vm11, v3, v2  }
0x24d: {  	v3 =	vmax.f32 v49, $0.0e+00;
	v12 =	vmax.f32 v54, $9.999999930e-09;
	v49 =	vmin.f32 v48, v17  }
0x24e: {  	v53 =	vmul.f32 v3, v14;
	v36 =	vmovc v60;
	v3 =	vmax.f32 v39, v60;
	v60 =	vmax.f32 v40, v5  }
0x24f: {  	v22 =	vmovc v10;
	v14 =	vmul.f32 v2, v4;
	v56 =	vmul.f32 v1, v12;
	v49 =	vsub.f32 v49, v60  }
0x250: {  	v41 =	vld [tilespmem:s22+$0x180];
	v62 =	vmovc v19;
	v19 =	vmovc v9;
	v9 =	vmov v35;
	v10 =	vmov v5;
	v3 =	vsub.f32 v51, v3  }
0x251: {  	p0 =	slt.u32 s20, $0x9A0;
	v34 =	vmovc v31;
	v35 =	vmovc v13;
	v58 =	vmin.f32 v43, v0;
	vm12 =	vge.f32 v14, v56;
	v14 =	vmax.f32 v49, $0.0e+00;
	v49 =	vld [tilespmem:$0x1FEC0]  }
.Ltmp1:
0x252: {  	v45 =	vld [tilespmem:s21+$0x180];
	v63 =	vmovc v17;
	v5 =	vmovc v6;
	v51 =	vsub.f32 v55, v53;
	v60 =	vmov v0;
	v3 =	vmax.f32 v3, $0.0e+00;
	(pc) =	sbr.rel @p0 .LBB2_4-.Ltmp1, $4  }
0x253: {  	v42 =	vld [tilespmem:s22+$0x200];
	v56 =	vsel vm12, v4, v1;
	v54 =	vsel vm12, v12, v2;
	v12 =	vmovc v20;
	v1 =	vmax.f32 v39, v20  }
0x254: {  	v46 =	vld [tilespmem:s22+$0x280];
	v20 =	vmovc v32;
	v32 =	vmovc v27;
	v2 =	vmin.f32 v48, v7;
	v55 =	vmax.f32 v51, $9.999999930e-09;
	v51 =	vmul.f32 v14, v3  }
0x255: {  	v44 =	vld [tilespmem:s21+$0x100];
	v4 =	vmovc v7;
	v57 =	vmul.f32 v54, v53;
	v3 =	vmax.f32 v40, v6;
	v48 =	vsub.f32 v58, v1  }
0x256: {  	v47 =	vld [tilespmem:s21+$0x200];
	v6 =	vmovc v30;
	v43 =	vmul.f32 v56, v55;
	v40 =	vsel vm8, v29, v49;
	v49 =	vsub.f32 v2, v3  }
0x257: {  	v0 =	vsub.f32 v52, v51;
	v1 =	vadd.f32 v50, v38;
	v3 =	vmax.f32 v48, $0.0e+00  }
0x258: {  	v40 =	vsel vm9, v20, v40;
	v31 =	vsel vm0, v26, v45;
	vm13 =	vge.f32 v57, v43  }
0x259: {  	v7 =	vmax.f32 v49, $0.0e+00;
	v39 =	vsel vm8, v24, v42;
	v27 =	vsel vm3, v25, v31  }
0x25a: {  	v2 =	vsel vm13, v53, v56;
	v17 =	vsel vm13, v55, v54;
	v0 =	vmax.f32 v0, $9.999999930e-09  }
0x25b: {  	v3 =	vmul.f32 v7, v3;
	v7 =	vsel vm8, v26, v41;
	v30 =	vsel vm8, v11, v46  }
0x25c: {  	v39 =	vsel vm9, v33, v39;
	v14 =	vmul.f32 v17, v51;
	v58 =	vmul.f32 v2, v0  }
0x25d: {  	v29 =	vsel vm0, v29, v44;
	v7 =	vsel vm9, v25, v7;
	v28 =	vsel vm9, v28, v30  }
0x25e: {  	v26 =	vsel vm0, v24, v47;
	v24 =	vsel vm3, v20, v29;
	v1 =	vsub.f32 v1, v3  }
0x25f: {  	v7 =	vsel vm10, v18, v7;
	v28 =	vsel vm10, v32, v28;
	v25 =	vsel vm3, v33, v26  }
0x260: {  	v26 =	vsel vm10, v34, v40;
	vm0 =	vge.f32 v14, v58;
	v14 =	vsel vm10, v21, v39  }
0x261: {  	v20 =	vsel vm5, v34, v24;
	v24 =	vsel vm5, v18, v27;
	v7 =	vsel vm11, v6, v7  }
0x262: {  	v21 =	vsel vm5, v21, v25;
	v25 =	vsel vm11, v37, v26;
	v2 =	vsel vm0, v51, v2  }
0x263: {  	v0 =	vsel vm0, v0, v17;
	v18 =	vsel vm11, v16, v14;
	v1 =	vmax.f32 v1, $9.999999930e-09  }
0x264: {  	v14 =	vsel vm11, v23, v28;
	v23 =	vmul.f32 v0, v3;
	v26 =	vmul.f32 v2, v1  }
0x265: {  	v11 =	vsel vm2, v37, v20;
	v17 =	vsel vm2, v6, v24;
	v6 =	vsel vm12, v19, v7  }
0x266: {  	v20 =	vsel vm12, v22, v25;
	v7 =	vsel vm12, v62, v18;
	vm3 =	vge.f32 v23, v26  }
0x267: {  	v20 =	vsel vm13, v9, v20;
	v47 =	vsel vm13, v61, v7;
	v2 =	vsel vm3, v3, v2  }
0x268: {  	v3 =	vsel vm13, v35, v6;
	v6 =	vsel vm0, v36, v20;
	v0 =	vsel vm3, v1, v0;
	[tilespmem:s22+$0x0] =	vst v2  }
0x269: {  	v1 =	vsel vm0, v59, v47;
	v48 =	vsel vm0, v10, v3;
	v3 =	vsel vm3, v12, v6;
	[tilespmem:s22+$0x80] =	vst v0  }
0x26a: {  	v1 =	vsel vm3, v60, v1;
	[tilespmem:s22+$0x100] =	vst v3  }
0x26b: {  	v14 =	vsel vm12, v8, v14;
	v2 =	vsel vm3, v5, v48;
	[tilespmem:s22+$0x200] =	vst v1  }
0x26c: {  	v49 =	vsel vm13, v15, v14;
	v3 =	vsel vm2, v16, v21;
	[tilespmem:s22+$0x180] =	vst v2  }
0x26d: {  	v0 =	vsel vm0, v63, v49;
	v51 =	vsel vm1, v62, v3;
	v3 =	vld [tilespmem:$0x1FF00]  }
0x26e: {  	v0 =	vsel vm3, v4, v0;
	v4 =	vld [tilespmem:$0x1FEE0];
	_ =	sdelay $0x2  }
0x26f: {  	v50 =	vsel vm1, v22, v11;
	v6 =	vsel vm1, v19, v17;
	[tilespmem:s22+$0x280] =	vst v0  }
0x270: {  	v52 =	vsel vm4, v35, v6;
	v2 =	vsel vm4, v9, v50;
	v6 =	vld [tilespmem:$0x1FED0]  }
0x271: {  	v2 =	vsel vm6, v36, v2;
	v3 =	vsel vm7, v4, v3;
	v4 =	vld [tilespmem:$0x1FEF0]  }
0x272: {  	v1 =	vsel vm4, v61, v51;
	v0 =	vsel vm6, v10, v52;
	v2 =	vsel vm7, v12, v2  }
0x273: {  	v1 =	vsel vm6, v59, v1;
	v0 =	vsel vm7, v5, v0;
	[tilespmem:s21+$0x100] =	vst v2  }
0x274: {  	v1 =	vsel vm7, v60, v1;
	[tilespmem:s21+$0x180] =	vst v0  }
0x275: {  	[tilespmem:s21+$0x200] =	vst v1  }
0x276: {  	[tilespmem:s21+$0x0] =	vst v3;
	v4 =	vsel vm7, v4, v6  }
0x277: {  	[tilespmem:s21+$0x80] =	vst v4  }
0x278: {  	v0 =	vld [tilespmem:$0x6A00]  }
0x279: {  	v1 =	vld [tilespmem:$0x6A80]  }
0x27a: {  	v23 =	vld [tilespmem:$0x6B00]  }
0x27b: {  	v2 =	vld [tilespmem:$0x4E40]  }
0x27c: {  	v4 =	vld [tilespmem:$0x4F40]  }
0x27d: {  	v3 =	vld [tilespmem:$0x4EC0]  }
0x27e: {  	v6 =	vld [tilespmem:$0x4FC0]  }
0x27f: {  	v24 =	vld [tilespmem:$0x6B80]  }
0x280: {  	v19 =	vld [tilespmem:$0x6C00]  }
0x281: {  	v20 =	vld [tilespmem:$0x6C80]  }
0x282: {  	v8 =	vld [tilespmem:$0x9E00]  }
0x283: {  	v22 =	vld [tilespmem:$0x6D00]  }
0x284: {  	v12 =	vld [tilespmem:$0x6D80];
	v5 =	vsub.f32 v4, v2  }
0x285: {  	v15 =	vld [tilespmem:$0xF640]  }
0x286: {  	v16 =	vld [tilespmem:$0xF6C0];
	v9 =	vmin.f32 v4, v23;
	v7 =	vmax.f32 v5, $0.0e+00;
	v5 =	vsub.f32 v6, v3  }
0x287: {  	v18 =	vld [tilespmem:$0x9E80];
	v10 =	vmax.f32 v2, v0;
	v11 =	vmin.f32 v6, v24;
	v13 =	vmax.f32 v3, v1  }
0x288: {  	v29 =	vld [tilespmem:$0xF7C0];
	v9 =	vsub.f32 v9, v10;
	v10 =	vsub.f32 v11, v13;
	v14 =	vmax.f32 v5, $0.0e+00  }
0x289: {  	v56 =	vld [tilespmem:$0xF840];
	v45 =	vmul.f32 v14, v7  }
0x28a: {  	v58 =	vld [tilespmem:$0xF8C0];
	v9 =	vmax.f32 v9, $0.0e+00;
	v10 =	vmax.f32 v10, $0.0e+00  }
0x28b: {  	v13 =	vld [tilespmem:$0x6F80];
	v17 =	vmul.f32 v10, v9;
	v9 =	vadd.f32 v45, v8  }
0x28c: {  	v21 =	vmin.f32 v6, v12;
	v25 =	vmax.f32 v3, v20;
	v8 =	vld [tilespmem:$0x6E80]  }
0x28d: {  	v43 =	vld [tilespmem:$0x7500];
	v21 =	vsub.f32 v21, v25;
	v9 =	vsub.f32 v9, v17  }
0x28e: {  	v11 =	vmin.f32 v4, v22;
	v5 =	vld [tilespmem:$0x6E00];
	v14 =	vmax.f32 v2, v19  }
0x28f: {  	v21 =	vmax.f32 v21, $0.0e+00;
	v10 =	vld [tilespmem:$0x6F00];
	v26 =	vmax.f32 v9, $9.999999930e-09;
	v9 =	vsub.f32 v11, v14  }
0x290: {  	v25 =	vmul.f32 v17, v16;
	v30 =	vmin.f32 v6, v13;
	v14 =	vld [tilespmem:$0x7000];
	v27 =	vmul.f32 v26, v15  }
0x291: {  	v18 =	vadd.f32 v45, v18;
	v11 =	vld [tilespmem:$0x7080];
	v31 =	vmax.f32 v3, v8;
	v28 =	vmax.f32 v9, $0.0e+00  }
0x292: {  	v30 =	vsub.f32 v30, v31;
	vm1 =	vge.f32 v25, v27;
	v21 =	vmul.f32 v21, v28;
	v25 =	vld [tilespmem:$0x9F00]  }
0x293: {  	v52 =	vmin.f32 v4, v43;
	v28 =	vld [tilespmem:$0xF740];
	v27 =	vsel vm1, v17, v15;
	v26 =	vsel vm1, v26, v16  }
0x294: {  	v9 =	vld [tilespmem:$0x7100];
	v17 =	vmin.f32 v4, v10;
	v30 =	vmax.f32 v30, $0.0e+00;
	v16 =	vsub.f32 v18, v21  }
0x295: {  	v15 =	vld [tilespmem:$0x7180];
	v1 =	vsel vm1, v1, v29;
	v23 =	vsel vm1, v23, v56;
	v18 =	vmax.f32 v2, v5  }
0x296: {  	v31 =	vmul.f32 v26, v21;
	v18 =	vsub.f32 v17, v18;
	v17 =	vld [tilespmem:$0x7280];
	v53 =	vmax.f32 v16, $9.999999930e-09  }
0x297: {  	v29 =	vmax.f32 v2, v14;
	v57 =	vmax.f32 v3, v11;
	v16 =	vld [tilespmem:$0x7200];
	v54 =	vmul.f32 v27, v53  }
0x298: {  	v55 =	vmax.f32 v18, $0.0e+00;
	v18 =	vld [tilespmem:$0x7300];
	v25 =	vadd.f32 v45, v25;
	v0 =	vsel vm1, v0, v28  }
0x299: {  	v28 =	vmin.f32 v4, v9;
	v30 =	vmul.f32 v30, v55;
	vm0 =	vge.f32 v31, v54;
	v31 =	vld [tilespmem:$0x9F80]  }
0x29a: {  	v28 =	vsub.f32 v28, v29;
	v29 =	vmin.f32 v6, v15;
	v27 =	vsel vm0, v21, v27;
	v21 =	vld [tilespmem:$0x7380]  }
0x29b: {  	v39 =	vld [tilespmem:$0x7480];
	v29 =	vsub.f32 v29, v57;
	v25 =	vsub.f32 v25, v30;
	v26 =	vsel vm0, v53, v26  }
0x29c: {  	v28 =	vmax.f32 v28, $0.0e+00;
	v47 =	vmax.f32 v3, v17;
	v59 =	vmul.f32 v26, v30  }
0x29d: {  	v29 =	vmax.f32 v29, $0.0e+00;
	v63 =	vmax.f32 v2, v16;
	v25 =	vmax.f32 v25, $9.999999930e-09  }
0x29e: {  	v61 =	vld [tilespmem:$0xA000];
	v62 =	vmin.f32 v4, v18;
	v28 =	vmul.f32 v29, v28;
	v60 =	vmul.f32 v27, v25  }
0x29f: {  	v40 =	vld [tilespmem:$0x7580];
	v29 =	vsub.f32 v62, v63;
	v31 =	vadd.f32 v45, v31;
	v46 =	vmin.f32 v6, v21  }
0x2a0: {  	v32 =	vld [tilespmem:$0x7400];
	v24 =	vsel vm1, v24, v58;
	v55 =	vmax.f32 v3, v39;
	v48 =	vsub.f32 v46, v47  }
0x2a1: {  	v56 =	vld [tilespmem:$0x7700];
	vm1 =	vge.f32 v59, v60;
	v29 =	vmax.f32 v29, $0.0e+00;
	v31 =	vsub.f32 v31, v28  }
0x2a2: {  	v25 =	vsel vm1, v25, v26;
	v27 =	vsel vm1, v30, v27;
	v49 =	vmax.f32 v48, $0.0e+00  }
0x2a3: {  	v33 =	vld [tilespmem:$0x7600];
	v30 =	vmax.f32 v31, $9.999999930e-09;
	v26 =	vmul.f32 v49, v29;
	v29 =	vadd.f32 v45, v61  }
0x2a4: {  	v37 =	vld [tilespmem:$0x7680];
	v54 =	vmin.f32 v6, v40;
	v31 =	vmul.f32 v25, v28;
	v51 =	vmul.f32 v27, v30  }
0x2a5: {  	v58 =	vld [tilespmem:$0x7780];
	v53 =	vmax.f32 v2, v32;
	v0 =	vsel vm0, v19, v0;
	v29 =	vsub.f32 v29, v26  }
0x2a6: {  	v19 =	vsel vm0, v22, v23;
	v23 =	vmin.f32 v4, v56;
	vm2 =	vge.f32 v31, v51  }
0x2a7: {  	v27 =	vsel vm2, v28, v27;
	v25 =	vsel vm2, v30, v25;
	v28 =	vmax.f32 v29, $9.999999930e-09  }
0x2a8: {  	v47 =	vmax.f32 v2, v33;
	v30 =	vmul.f32 v25, v26;
	v63 =	vmul.f32 v27, v28  }
0x2a9: {  	v50 =	vld [tilespmem:$0xA080];
	v57 =	vsub.f32 v54, v55;
	v1 =	vsel vm0, v20, v1;
	v23 =	vsub.f32 v23, v47  }
0x2aa: {  	v20 =	vld [tilespmem:$0xA100];
	v48 =	vmin.f32 v6, v58;
	v49 =	vmax.f32 v3, v37;
	vm3 =	vge.f32 v30, v63  }
0x2ab: {  	v59 =	vld [tilespmem:$0x7880];
	v31 =	vsub.f32 v52, v53;
	v25 =	vsel vm3, v28, v25;
	v28 =	vsub.f32 v48, v49  }
0x2ac: {  	v35 =	vmax.f32 v57, $0.0e+00;
	v46 =	vld [tilespmem:$0x7900]  }
0x2ad: {  	v23 =	vmax.f32 v23, $0.0e+00;
	v29 =	vld [tilespmem:$0x7800];
	v31 =	vmax.f32 v31, $0.0e+00;
	v28 =	vmax.f32 v28, $0.0e+00  }
0x2ae: {  	v34 =	vadd.f32 v45, v50;
	v31 =	vmul.f32 v35, v31;
	v23 =	vmul.f32 v28, v23;
	v28 =	vld [tilespmem:$0x8800]  }
0x2af: {  	v30 =	vld [tilespmem:$0x7980]  }
0x2b0: {  	v22 =	vsub.f32 v34, v31  }
0x2b1: {  	v20 =	vadd.f32 v45, v20  }
0x2b2: {  	v4 =	vmin.f32 v4, v46;
	v26 =	vsel vm3, v26, v27;
	v22 =	vmax.f32 v22, $9.999999930e-09  }
0x2b3: {  	v51 =	vld [tilespmem:$0xA180];
	v27 =	vmul.f32 v25, v31;
	v2 =	vmax.f32 v2, v29;
	v50 =	vmul.f32 v26, v22;
	[tilespmem:$0x1FE20] =	vst v28  }
0x2b4: {  	v3 =	vmax.f32 v3, v59;
	v4 =	vsub.f32 v4, v2;
	v6 =	vmin.f32 v6, v30;
	v52 =	vld [tilespmem:$0x8900]  }
0x2b5: {  	vm4 =	vge.f32 v27, v50;
	v3 =	vsub.f32 v6, v3  }
0x2b6: {  	v4 =	vmax.f32 v4, $0.0e+00;
	v6 =	vsel vm0, v12, v24;
	v20 =	vsub.f32 v20, v23  }
0x2b7: {  	v12 =	vsel vm4, v31, v26;
	v22 =	vsel vm4, v22, v25;
	v24 =	vmax.f32 v3, $0.0e+00  }
0x2b8: {  	v25 =	vadd.f32 v45, v51;
	v20 =	vmax.f32 v20, $9.999999930e-09;
	v24 =	vmul.f32 v24, v4  }
0x2b9: {  	v0 =	vsel vm1, v5, v0;
	v26 =	vmul.f32 v22, v23;
	v27 =	vmul.f32 v12, v20;
	v31 =	vld [tilespmem:$0x8880];
	[tilespmem:$0x1FE10] =	vst v52  }
0x2ba: {  	v1 =	vsel vm1, v8, v1;
	v8 =	vsel vm1, v10, v19;
	v10 =	vsub.f32 v25, v24;
	v5 =	vld [tilespmem:$0x8980]  }
0x2bb: {  	v0 =	vsel vm2, v14, v0;
	v13 =	vsel vm1, v13, v6;
	vm0 =	vge.f32 v26, v27;
	v63 =	vld [tilespmem:$0x8600]  }
0x2bc: {  	v19 =	vsel vm0, v23, v12;
	v20 =	vsel vm0, v20, v22;
	v22 =	vmax.f32 v10, $9.999999930e-09;
	v6 =	vld [tilespmem:$0x8680]  }
0x2bd: {  	v1 =	vsel vm2, v11, v1;
	v10 =	vmul.f32 v20, v24;
	v11 =	vmul.f32 v19, v22;
	v2 =	vld [tilespmem:$0x8700]  }
0x2be: {  	v9 =	vsel vm2, v9, v8;
	v0 =	vsel vm3, v16, v0;
	v1 =	vsel vm3, v17, v1;
	v3 =	vld [tilespmem:$0x8780]  }
0x2bf: {  	v16 =	vsel vm3, v18, v9;
	v0 =	vsel vm4, v32, v0;
	v60 =	vld [tilespmem:$0x8400];
	vm1 =	vge.f32 v10, v11  }
0x2c0: {  	v1 =	vsel vm4, v39, v1;
	v16 =	vsel vm4, v43, v16;
	v7 =	vld [tilespmem:$0x8480];
	v11 =	vsel vm1, v24, v19  }
0x2c1: {  	v13 =	vsel vm2, v15, v13;
	v0 =	vsel vm0, v33, v0;
	v4 =	vld [tilespmem:$0x8500];
	v17 =	vsel vm1, v22, v20;
	[tilespmem:$0xF640] =	vst v11  }
0x2c2: {  	v13 =	vsel vm3, v21, v13;
	v1 =	vsel vm0, v37, v1;
	v15 =	vld [tilespmem:$0x8580];
	v0 =	vsel vm1, v29, v0;
	[tilespmem:$0xF6C0] =	vst v17  }
0x2c3: {  	s20 =	simm.s32 $0x0;
	s28 =	simm.s32 $0x0;
	v13 =	vsel vm4, v40, v13;
	v16 =	vsel vm0, v56, v16;
	v12 =	vld [tilespmem:$0x8200];
	v1 =	vsel vm1, v59, v1;
	[tilespmem:$0xF740] =	vst v0  }
0x2c4: {  	s29 =	sand.u32 $0x60, s20;
	s21 =	sand.u32 $0x3FFFFE00, s28;
	v53 =	vsel vm0, v58, v13;
	v10 =	vld [tilespmem:$0x8280];
	v13 =	vsel vm1, v46, v16;
	[tilespmem:$0xF7C0] =	vst v1  }
0x2c5: {  	s30 =	sor.u32 $0x10, s29;
	s24 =	sadd.s32 $0x2800, s21;
	v14 =	vld [tilespmem:$0x8300];
	v0 =	vsel vm1, v30, v53;
	[tilespmem:$0xF840] =	vst v13  }
0x2c6: {  	s23 =	sor.u32 s30, s24;
	v37 =	vld [tilespmem:$0x8000];
	[tilespmem:$0xF8C0] =	vst v0  }
0x2c7: {  	v0 =	vld [tilespmem:s23+$0x0]  }
0x2c8: {  	v1 =	vld [tilespmem:s23+$0x80]  }
0x2c9: {  	v18 =	vld [tilespmem:s23+$0x100]  }
0x2ca: {  	v35 =	vld [tilespmem:s23+$0x180]  }
0x2cb: {  	v26 =	vld [tilespmem:$0x7A80]  }
0x2cc: {  	v24 =	vld [tilespmem:$0x7B00]  }
0x2cd: {  	v29 =	vld [tilespmem:$0x7A00]  }
0x2ce: {  	v11 =	vld [tilespmem:$0x7B80];
	v16 =	vmin.f32 v18, v52  }
0x2cf: {  	v34 =	vld [tilespmem:$0x7E00];
	v17 =	vmax.f32 v0, v28;
	v23 =	vmin.f32 v35, v5;
	v36 =	vmax.f32 v1, v31  }
0x2d0: {  	v8 =	vld [tilespmem:$0x7D00];
	v9 =	vmin.f32 v18, v2;
	v38 =	vmax.f32 v0, v63;
	v40 =	vmin.f32 v35, v3  }
0x2d1: {  	v13 =	vld [tilespmem:$0x8380];
	v41 =	vmin.f32 v18, v4;
	v42 =	vmax.f32 v0, v60;
	v43 =	vmax.f32 v1, v6  }
0x2d2: {  	s31 =	simm.s32 $0x0;
	v20 =	vld [tilespmem:$0x7C00];
	v27 =	vsub.f32 v18, v0;
	v28 =	vmin.f32 v18, v24;
	v54 =	vsub.f32 v35, v1  }
0x2d3: {  	v21 =	vld [tilespmem:$0x7F00];
	s23 =	sand.u32 $0x3FFFFC00, s31;
	v55 =	vmax.f32 v0, v29;
	v56 =	vmin.f32 v35, v11;
	v57 =	vmax.f32 v1, v26  }
0x2d4: {  	v39 =	vld [tilespmem:$0xA200];
	s23 =	sadd.s32 $0xAA00, s23;
	v45 =	vmin.f32 v18, v14;
	v50 =	vmin.f32 v35, v15;
	v46 =	vmax.f32 v1, v7  }
0x2d5: {  	v25 =	vld [tilespmem:$0x7C80];
	s21 =	sor.u32 s30, s23;
	v48 =	vmin.f32 v18, v8;
	v33 =	vsub.f32 v28, v55;
	v44 =	vsub.f32 v56, v57  }
0x2d6: {  	v53 =	vld [tilespmem:s21+$0x80];
	v55 =	vmin.f32 v35, v13;
	v9 =	vsub.f32 v9, v38;
	v36 =	vsub.f32 v23, v36  }
0x2d7: {  	v28 =	vld [tilespmem:$0x7D80];
	v56 =	vmax.f32 v0, v20;
	v38 =	vsub.f32 v41, v42;
	v46 =	vsub.f32 v50, v46  }
0x2d8: {  	v52 =	vld [tilespmem:s21+$0x0];
	v43 =	vsub.f32 v40, v43;
	v58 =	vmax.f32 v27, $0.0e+00;
	v32 =	vmax.f32 v54, $0.0e+00  }
0x2d9: {  	v51 =	vmul.f32 v32, v58;
	v61 =	vmax.f32 v44, $0.0e+00;
	v44 =	vmax.f32 v0, v12;
	v32 =	vld [tilespmem:$0x7F80]  }
0x2da: {  	v59 =	vmax.f32 v33, $0.0e+00;
	v58 =	vsub.f32 v16, v17;
	v16 =	vld [tilespmem:$0x8100];
	v42 =	vsub.f32 v45, v44  }
0x2db: {  	v23 =	vld [tilespmem:$0x8180];
	v54 =	vmul.f32 v61, v59;
	v44 =	vsub.f32 v48, v56;
	v62 =	vadd.f32 v51, v39  }
0x2dc: {  	v49 =	vld [tilespmem:$0xA280];
	v48 =	vmin.f32 v18, v21;
	v59 =	vmax.f32 v1, v10;
	v61 =	vmin.f32 v35, v28  }
0x2dd: {  	v17 =	vld [tilespmem:$0x7E80];
	v33 =	vmul.f32 v54, v53;
	v47 =	vsub.f32 v62, v54;
	v62 =	vmax.f32 v1, v25  }
0x2de: {  	v30 =	vmovc v6;
	v6 =	vld [tilespmem:$0x8080];
	v44 =	vmax.f32 v44, $0.0e+00;
	v56 =	vsub.f32 v61, v62;
	v61 =	vmax.f32 v0, v34  }
0x2df: {  	v62 =	vmin.f32 v35, v32;
	v18 =	vmin.f32 v18, v16;
	v41 =	vmax.f32 v47, $9.999999930e-09  }
0x2e0: {  	v0 =	vmax.f32 v0, v37;
	v35 =	vmin.f32 v35, v23;
	v47 =	vmul.f32 v41, v52  }
0x2e1: {  	v57 =	vsub.f32 v48, v61;
	v48 =	vld [tilespmem:$0xA300];
	v0 =	vsub.f32 v18, v0;
	v61 =	vmax.f32 v56, $0.0e+00  }
0x2e2: {  	v44 =	vmul.f32 v61, v44;
	vm0 =	vge.f32 v33, v47;
	v33 =	vmax.f32 v1, v17  }
0x2e3: {  	v1 =	vmax.f32 v1, v6;
	v47 =	vld [tilespmem:$0xA380];
	v45 =	vsub.f32 v62, v33;
	v62 =	vadd.f32 v51, v49  }
0x2e4: {  	v61 =	vmax.f32 v57, $0.0e+00;
	v0 =	vmax.f32 v0, $0.0e+00;
	v1 =	vsub.f32 v35, v1  }
0x2e5: {  	v52 =	vsel vm0, v54, v52;
	v41 =	vsel vm0, v41, v53;
	v18 =	vsub.f32 v62, v44  }
0x2e6: {  	v53 =	vmul.f32 v41, v44;
	v45 =	vmax.f32 v45, $0.0e+00;
	v62 =	vadd.f32 v51, v48  }
0x2e7: {  	v1 =	vmax.f32 v1, $0.0e+00;
	v35 =	vmul.f32 v45, v61;
	v18 =	vmax.f32 v18, $9.999999930e-09  }
0x2e8: {  	v45 =	vld [tilespmem:$0xA400];
	v0 =	vmul.f32 v1, v0;
	v33 =	vadd.f32 v51, v47;
	v54 =	vmul.f32 v52, v18  }
0x2e9: {  	v38 =	vmax.f32 v38, $0.0e+00;
	v55 =	vsub.f32 v55, v59;
	v56 =	vsub.f32 v62, v35  }
0x2ea: {  	v42 =	vmax.f32 v42, $0.0e+00;
	v1 =	vsub.f32 v33, v0;
	vm3 =	vge.f32 v53, v54  }
0x2eb: {  	v59 =	vmovc v2;
	v57 =	vmax.f32 v56, $9.999999930e-09;
	v44 =	vsel vm3, v44, v52;
	v2 =	vsel vm3, v18, v41;
	v41 =	vld [tilespmem:$0xA480]  }
0x2ec: {  	v33 =	vmax.f32 v55, $0.0e+00;
	v61 =	vmul.f32 v2, v35;
	v62 =	vmul.f32 v44, v57  }
0x2ed: {  	v46 =	vmax.f32 v46, $0.0e+00;
	v50 =	vmul.f32 v33, v42;
	v56 =	vadd.f32 v51, v45  }
0x2ee: {  	v53 =	vmul.f32 v46, v38;
	v1 =	vmax.f32 v1, $9.999999930e-09;
	vm5 =	vge.f32 v61, v62  }
0x2ef: {  	v61 =	vsub.f32 v56, v50;
	v35 =	vsel vm5, v35, v44;
	v2 =	vsel vm5, v57, v2  }
0x2f0: {  	v57 =	vmul.f32 v2, v0;
	v44 =	vmul.f32 v35, v1;
	v62 =	vadd.f32 v51, v41  }
0x2f1: {  	v42 =	vld [tilespmem:$0xA500];
	v18 =	vmax.f32 v61, $9.999999930e-09  }
0x2f2: {  	s24 =	sor.u32 s29, s24;
	v38 =	vld [tilespmem:$0xA580];
	vm2 =	vge.f32 v57, v44;
	v61 =	vsub.f32 v62, v53;
	v62 =	vmax.f32 v43, $0.0e+00  }
0x2f3: {  	v40 =	vld [tilespmem:s24+$0x0];
	v0 =	vsel vm2, v0, v35;
	v1 =	vsel vm2, v1, v2;
	v35 =	vmax.f32 v58, $0.0e+00  }
0x2f4: {  	v44 =	vld [tilespmem:s24+$0x100];
	v58 =	vmax.f32 v9, $0.0e+00;
	v33 =	vmul.f32 v1, v50;
	v57 =	vmul.f32 v0, v18  }
0x2f5: {  	v2 =	vmul.f32 v62, v58;
	v58 =	vld [tilespmem:s21+$0x280]  }
0x2f6: {  	v43 =	vld [tilespmem:s24+$0x80];
	v9 =	vmax.f32 v36, $0.0e+00;
	vm1 =	vge.f32 v33, v57  }
0x2f7: {  	v46 =	vld [tilespmem:s24+$0x180];
	v33 =	vadd.f32 v51, v42;
	v57 =	vmax.f32 v61, $9.999999930e-09;
	v51 =	vadd.f32 v51, v38  }
0x2f8: {  	v0 =	vsel vm1, v50, v0;
	v1 =	vsel vm1, v18, v1;
	v18 =	vmul.f32 v9, v35  }
0x2f9: {  	v61 =	vmul.f32 v1, v53;
	v55 =	vmul.f32 v0, v57;
	v62 =	vsub.f32 v33, v2  }
0x2fa: {  	v52 =	vsub.f32 v44, v40;
	v51 =	vsub.f32 v51, v18;
	v36 =	vsel vm0, v11, v58  }
0x2fb: {  	v58 =	vmax.f32 v43, v25;
	vm4 =	vge.f32 v61, v55;
	v50 =	vmax.f32 v62, $9.999999930e-09  }
0x2fc: {  	v55 =	vsub.f32 v46, v43;
	v0 =	vsel vm4, v53, v0;
	v1 =	vsel vm4, v57, v1  }
0x2fd: {  	v61 =	vmax.f32 v40, v29;
	v35 =	vmul.f32 v1, v2;
	v33 =	vmul.f32 v0, v50  }
0x2fe: {  	v62 =	vmin.f32 v46, v11;
	v53 =	vmin.f32 v44, v24;
	v9 =	vmax.f32 v51, $9.999999930e-09  }
0x2ff: {  	v57 =	vsub.f32 v53, v61;
	v61 =	vmin.f32 v44, v8;
	vm6 =	vge.f32 v35, v33  }
0x300: {  	v33 =	vmax.f32 v52, $0.0e+00;
	v35 =	vmax.f32 v43, v26;
	v2 =	vsel vm6, v2, v0  }
0x301: {  	v1 =	vsel vm6, v50, v1;
	v0 =	vsel vm3, v28, v36;
	v36 =	vmax.f32 v55, $0.0e+00  }
0x302: {  	v52 =	vsub.f32 v62, v35;
	v62 =	vmax.f32 v40, v20;
	[tilespmem:$0x1FDD0] =	vst v1;
	v1 =	vmul.f32 v1, v18  }
0x303: {  	v35 =	vmin.f32 v46, v28;
	[tilespmem:$0x1FE00] =	vst v2;
	v2 =	vmul.f32 v2, v9;
	v50 =	vmul.f32 v36, v33  }
0x304: {  	v51 =	vsub.f32 v61, v62;
	v61 =	vmin.f32 v44, v21;
	v62 =	vmax.f32 v40, v34  }
0x305: {  	[tilespmem:$0x1FDE0] =	vst v18;
	v0 =	vsel vm5, v32, v0;
	v52 =	vmax.f32 v52, $0.0e+00;
	v53 =	vsub.f32 v61, v62  }
0x306: {  	s22 =	sor.u32 s29, s23;
	[tilespmem:$0x1FDF0] =	vst v9;
	v62 =	vmin.f32 v44, v16;
	v0 =	vsel vm2, v23, v0;
	vm7 =	vge.f32 v1, v2  }
0x307: {  	v56 =	vld [tilespmem:s22+$0x80];
	v1 =	vmax.f32 v57, $0.0e+00;
	v39 =	vadd.f32 v50, v39;
	v49 =	vadd.f32 v50, v49  }
0x308: {  	v54 =	vld [tilespmem:s22+$0x0];
	v51 =	vmax.f32 v51, $0.0e+00;
	v1 =	vmul.f32 v52, v1;
	v52 =	vsub.f32 v35, v58  }
0x309: {  	v2 =	vmin.f32 v46, v32;
	v48 =	vadd.f32 v50, v48;
	v47 =	vadd.f32 v50, v47  }
0x30a: {  	v35 =	vmax.f32 v43, v17;
	v39 =	vsub.f32 v39, v1;
	v52 =	vmax.f32 v52, $0.0e+00  }
0x30b: {  	v53 =	vmax.f32 v53, $0.0e+00;
	v51 =	vmul.f32 v52, v51;
	v52 =	vsub.f32 v2, v35  }
0x30c: {  	v36 =	vmul.f32 v1, v56;
	v2 =	vmax.f32 v40, v37;
	v39 =	vmax.f32 v39, $9.999999930e-09  }
0x30d: {  	v61 =	vmul.f32 v39, v54;
	v49 =	vsub.f32 v49, v51;
	v52 =	vmax.f32 v52, $0.0e+00  }
0x30e: {  	v45 =	vadd.f32 v50, v45;
	v52 =	vmul.f32 v52, v53;
	v53 =	vsub.f32 v62, v2  }
0x30f: {  	vm8 =	vge.f32 v36, v61;
	v49 =	vmax.f32 v49, $9.999999930e-09;
	v36 =	vmin.f32 v46, v23  }
0x310: {  	v61 =	vmax.f32 v43, v6;
	v1 =	vsel vm8, v1, v54;
	v39 =	vsel vm8, v39, v56  }
0x311: {  	v48 =	vsub.f32 v48, v52;
	v35 =	vmul.f32 v39, v51;
	v62 =	vmul.f32 v1, v49  }
0x312: {  	v56 =	vsub.f32 v36, v61;
	v54 =	vmin.f32 v44, v14;
	v53 =	vmax.f32 v53, $0.0e+00  }
0x313: {  	v36 =	vmax.f32 v40, v12;
	v48 =	vmax.f32 v48, $9.999999930e-09;
	vm9 =	vge.f32 v35, v62  }
0x314: {  	v35 =	vmax.f32 v56, $0.0e+00;
	v1 =	vsel vm9, v51, v1;
	v39 =	vsel vm9, v49, v39  }
0x315: {  	v49 =	vmul.f32 v35, v53;
	v35 =	vmin.f32 v46, v13;
	v51 =	vsub.f32 v54, v36  }
0x316: {  	v36 =	vmax.f32 v43, v10;
	v53 =	vmul.f32 v39, v52;
	v61 =	vmul.f32 v1, v48  }
0x317: {  	v0 =	vsel vm1, v13, v0;
	v55 =	vadd.f32 v50, v41;
	v54 =	vsub.f32 v35, v36  }
0x318: {  	v58 =	vmax.f32 v40, v60;
	v47 =	vsub.f32 v47, v49;
	vm10 =	vge.f32 v53, v61  }
0x319: {  	v51 =	vmax.f32 v51, $0.0e+00;
	v57 =	vmax.f32 v54, $0.0e+00;
	v1 =	vsel vm10, v52, v1  }
0x31a: {  	v39 =	vsel vm10, v48, v39;
	v47 =	vmax.f32 v47, $9.999999930e-09;
	v48 =	vmul.f32 v57, v51  }
0x31b: {  	v0 =	vsel vm4, v15, v0;
	v36 =	vmul.f32 v39, v49;
	v56 =	vmul.f32 v1, v47  }
0x31c: {  	v9 =	vmovc v60;
	v60 =	vmin.f32 v46, v15;
	v0 =	vsel vm6, v3, v0;
	v45 =	vsub.f32 v45, v48  }
0x31d: {  	v2 =	vmax.f32 v43, v7;
	v53 =	vmin.f32 v44, v4;
	vm11 =	vge.f32 v36, v56  }
0x31e: {  	v1 =	vsel vm11, v49, v1;
	v39 =	vsel vm11, v47, v39;
	v45 =	vmax.f32 v45, $9.999999930e-09  }
0x31f: {  	v51 =	vsub.f32 v53, v58;
	v47 =	vmul.f32 v39, v48;
	v49 =	vmul.f32 v1, v45  }
0x320: {  	v52 =	vsub.f32 v60, v2;
	v57 =	vmin.f32 v44, v59;
	v60 =	vmax.f32 v40, v63  }
0x321: {  	v22 =	vmovc v12;
	v19 =	vmovc v10;
	v2 =	vmin.f32 v46, v3;
	v51 =	vmax.f32 v51, $0.0e+00;
	vm12 =	vge.f32 v47, v49;
	v49 =	vld [tilespmem:$0x1FE10]  }
0x322: {  	v18 =	vmovc v17;
	v33 =	vmovc v8;
	v58 =	vmax.f32 v52, $0.0e+00;
	v36 =	vmax.f32 v43, v30;
	v56 =	vsel vm12, v48, v1;
	v48 =	vld [tilespmem:$0x1FE20]  }
0x323: {  	v8 =	vmovc v13;
	v41 =	vld [tilespmem:s22+$0x180];
	v54 =	vsub.f32 v57, v60;
	v53 =	vmul.f32 v58, v51;
	v51 =	vsub.f32 v2, v36  }
0x324: {  	v0 =	vsel vm7, v5, v0;
	v10 =	vmovc v30;
	v62 =	vmovc v14;
	v35 =	vmov v7;
	v52 =	vadd.f32 v50, v42;
	v58 =	vld [tilespmem:s22+$0x100]  }
0x325: {  	v61 =	vmovc v4;
	v4 =	vmovc v5;
	v42 =	vld [tilespmem:s22+$0x200];
	v57 =	vmax.f32 v54, $0.0e+00;
	v51 =	vmax.f32 v51, $0.0e+00;
	v47 =	vsub.f32 v55, v53  }
0x326: {  	v36 =	vmovc v3;
	v51 =	vmul.f32 v51, v57;
	v54 =	vsel vm12, v45, v39;
	v45 =	vld [tilespmem:s21+$0x180];
	v39 =	vmin.f32 v46, v5  }
0x327: {  	v5 =	vmovc v31;
	v46 =	vld [tilespmem:s22+$0x280];
	v55 =	vmax.f32 v47, $9.999999930e-09;
	v60 =	vmovc v49;
	v49 =	vmin.f32 v44, v49;
	v1 =	vmax.f32 v40, v48  }
0x328: {  	v47 =	vld [tilespmem:s21+$0x200];
	v57 =	vmul.f32 v54, v53;
	v12 =	vmovc v48;
	v48 =	vsub.f32 v49, v1;
	v49 =	vmax.f32 v43, v31  }
0x329: {  	[tilespmem:s21+$0x280] =	vst v0;
	v44 =	vld [tilespmem:s21+$0x100];
	v40 =	vsel vm8, v29, v58;
	v43 =	vmul.f32 v56, v55;
	v49 =	vsub.f32 v39, v49  }
.LBB2_6:
0x32a: {  	v39 =	vld [tilespmem:$0x8800]  }
0x32b: {  	v1 =	vadd.f32 v50, v38;
	v38 =	vld [tilespmem:$0x8780]  }
0x32c: {  	v3 =	vld [tilespmem:$0x1FDE0];
	vm13 =	vge.f32 v57, v43;
	v0 =	vsub.f32 v52, v51  }
0x32d: {  	v43 =	vld [tilespmem:$0x8880];
	v57 =	vmax.f32 v48, $0.0e+00;
	v49 =	vmax.f32 v49, $0.0e+00;
	v50 =	vsel vm13, v53, v56  }
0x32e: {  	v48 =	vld [tilespmem:$0x8900];
	v52 =	vsel vm13, v55, v54;
	v53 =	vmul.f32 v49, v57;
	v57 =	vsel vm9, v20, v40  }
0x32f: {  	v49 =	vld [tilespmem:$0x8980];
	v0 =	vmax.f32 v0, $9.999999930e-09;
	v58 =	vsel vm8, v26, v41;
	v41 =	vmul.f32 v52, v51  }
0x330: {  	v55 =	vld [tilespmem:$0x8600];
	v2 =	vmul.f32 v50, v0;
	v42 =	vsel vm8, v24, v42;
	v30 =	vsel vm8, v11, v46  }
0x331: {  	v40 =	vld [tilespmem:$0x8700];
	v29 =	vsel vm0, v29, v44;
	v31 =	vsel vm0, v26, v45;
	v26 =	vsel vm0, v24, v47  }
0x332: {  	v54 =	vld [tilespmem:$0x1FE00];
	v1 =	vsub.f32 v1, v53;
	v58 =	vsel vm9, v25, v58;
	v42 =	vsel vm9, v33, v42  }
0x333: {  	s20 =	sadd.s32 $0x20, s20;
	v46 =	vld [tilespmem:$0x8680];
	v28 =	vsel vm9, v28, v30;
	v24 =	vsel vm3, v20, v29;
	v27 =	vsel vm3, v25, v31  }
0x334: {  	s23 =	sshll.u32 s20, $0x2;
	v25 =	vsel vm3, v33, v26;
	v26 =	vld [tilespmem:$0x8400];
	v29 =	vsel vm10, v34, v57;
	vm0 =	vge.f32 v41, v2  }
0x335: {  	s24 =	sand.u32 $0x60, s20;
	s23 =	sand.u32 $0x3FFFFE00, s23;
	v30 =	vld [tilespmem:$0x8480];
	v31 =	vsel vm10, v18, v58;
	v56 =	vsel vm10, v21, v42;
	v28 =	vsel vm10, v32, v28  }
0x336: {  	s25 =	sor.u32 $0x10, s24;
	s26 =	sadd.s32 $0x2800, s23;
	v57 =	vld [tilespmem:$0x8500];
	v20 =	vsel vm5, v34, v24;
	v24 =	vsel vm5, v18, v27;
	v21 =	vsel vm5, v21, v25  }
0x337: {  	s23 =	sor.u32 s24, s26;
	s26 =	sor.u32 s25, s26;
	v33 =	vld [tilespmem:$0x8300];
	v25 =	vsel vm11, v37, v29;
	v1 =	vmax.f32 v1, $9.999999930e-09;
	v27 =	vsel vm0, v51, v50  }
0x338: {  	v44 =	vld [tilespmem:s26+$0x80];
	v0 =	vsel vm0, v0, v52;
	v31 =	vsel vm11, v6, v31;
	v58 =	vsel vm11, v16, v56  }
0x339: {  	v47 =	vld [tilespmem:s26+$0x100];
	v23 =	vsel vm11, v23, v28;
	v20 =	vsel vm2, v37, v20;
	v17 =	vsel vm2, v6, v24  }
0x33a: {  	v45 =	vld [tilespmem:s26+$0x180];
	v16 =	vsel vm2, v16, v21;
	v21 =	vsel vm12, v22, v25;
	v24 =	vmul.f32 v0, v53  }
0x33b: {  	v32 =	vld [tilespmem:$0x8580];
	v50 =	vmovc v10;
	v25 =	vsel vm12, v19, v31;
	v28 =	vsel vm12, v62, v58;
	v31 =	vmul.f32 v27, v1  }
0x33c: {  	v29 =	vld [tilespmem:$0x8200];
	v2 =	vmovc v22;
	v22 =	vsel vm12, v8, v23;
	v18 =	vsel vm1, v19, v17;
	v21 =	vsel vm13, v9, v21  }
0x33d: {  	v42 =	vld [tilespmem:$0x8280];
	v7 =	vmovc v49;
	v19 =	vsel vm1, v62, v16;
	v20 =	vsel vm1, v2, v20;
	v23 =	vsel vm13, v35, v25  }
0x33e: {  	v41 =	vld [tilespmem:$0x8380];
	v8 =	vmovc v55;
	v25 =	vsel vm13, v61, v28;
	v15 =	vsel vm13, v15, v22;
	v18 =	vsel vm4, v35, v18  }
0x33f: {  	v51 =	vld [tilespmem:$0x8000];
	v55 =	vmovc v40;
	v19 =	vsel vm4, v61, v19;
	v21 =	vsel vm0, v63, v21;
	[tilespmem:$0x1FD60] =	vst v8;
	v13 =	vmov v46  }
0x340: {  	v17 =	vld [tilespmem:$0x8080];
	[tilespmem:$0x1FDA0] =	vst v55;
	v20 =	vsel vm4, v9, v20;
	vm1 =	vge.f32 v24, v31;
	v24 =	vsel vm0, v10, v23  }
0x341: {  	v16 =	vld [tilespmem:$0x8100];
	v9 =	vmovc v26;
	v25 =	vsel vm0, v59, v25;
	v14 =	vsel vm0, v36, v15;
	v18 =	vsel vm6, v50, v18  }
0x342: {  	v22 =	vld [tilespmem:s26+$0x0];
	v11 =	vmovc v30;
	v52 =	vsel vm6, v59, v19;
	v35 =	vmin.f32 v45, v7;
	v34 =	vmin.f32 v47, v40  }
0x343: {  	v23 =	vld [tilespmem:$0x8180];
	v46 =	vmin.f32 v45, v38;
	[tilespmem:$0x1FD40] =	vst v11;
	v15 =	vsel vm6, v63, v20;
	v20 =	vsel vm1, v53, v27  }
0x344: {  	v50 =	vmax.f32 v44, v13;
	v0 =	vsel vm1, v1, v0;
	v14 =	vsel vm1, v4, v14;
	v4 =	vld [tilespmem:$0x1FDD0];
	[tilespmem:s22+$0x0] =	vst v20  }
0x345: {  	v10 =	vmovc v57;
	v53 =	vmov v12;
	v12 =	vsel vm1, v12, v21;
	v19 =	vsel vm1, v5, v24;
	[tilespmem:$0x1FD90] =	vst v17;
	v31 =	vld [tilespmem:$0x7E00]  }
0x346: {  	v25 =	vsel vm1, v60, v25;
	v1 =	vsel vm7, v60, v52;
	[tilespmem:s22+$0x80] =	vst v0;
	v0 =	vsel vm7, v3, v54;
	v3 =	vld [tilespmem:$0x1FDF0]  }
0x347: {  	v52 =	vmin.f32 v45, v32;
	v60 =	vmin.f32 v45, v41;
	v61 =	vmax.f32 v44, v42;
	v21 =	vld [tilespmem:$0x7F00];
	[tilespmem:s22+$0x100] =	vst v12  }
0x348: {  	v50 =	vsub.f32 v46, v50;
	v60 =	vsub.f32 v60, v61;
	v56 =	vmin.f32 v47, v16;
	v2 =	vld [tilespmem:$0x7C00];
	[tilespmem:s22+$0x180] =	vst v19  }
0x349: {  	v6 =	vmovc v29;
	v63 =	vmax.f32 v44, v17;
	v17 =	vmov v38;
	v38 =	vsub.f32 v45, v44;
	v30 =	vld [tilespmem:$0x7C80];
	[tilespmem:s22+$0x200] =	vst v25  }
0x34a: {  	v12 =	vsel vm7, v53, v15;
	v15 =	vsel vm7, v5, v18;
	v18 =	vmin.f32 v47, v48;
	v25 =	vld [tilespmem:$0x7D00];
	[tilespmem:s22+$0x280] =	vst v14  }
0x34b: {  	[tilespmem:$0x1FD80] =	vst v51;
	v20 =	vmovc v39;
	v5 =	vmov v43;
	v37 =	vmax.f32 v22, v8;
	v49 =	vmax.f32 v22, v9;
	v24 =	vld [tilespmem:$0x7B00]  }
0x34c: {  	[tilespmem:s21+$0x0] =	vst v0;
	v0 =	vmin.f32 v47, v33;
	v53 =	vmax.f32 v44, v11;
	v29 =	vsel vm7, v3, v4;
	v11 =	vld [tilespmem:$0x7B80]  }
0x34d: {  	v54 =	vmax.f32 v22, v6;
	v57 =	vmax.f32 v22, v51;
	v55 =	vsub.f32 v47, v22;
	[tilespmem:s21+$0x80] =	vst v29;
	v29 =	vld [tilespmem:$0x7A00]  }
0x34e: {  	[tilespmem:s21+$0x200] =	vst v1;
	v19 =	vmax.f32 v22, v20;
	v36 =	vmax.f32 v44, v5;
	v62 =	vmin.f32 v45, v23;
	v26 =	vld [tilespmem:$0x7A80]  }
0x34f: {  	v8 =	vmovc v42;
	v38 =	vmax.f32 v38, $0.0e+00;
	v36 =	vsub.f32 v35, v36;
	v3 =	vmovc v48;
	v28 =	vld [tilespmem:$0x7D80];
	v48 =	vmin.f32 v47, v10  }
0x350: {  	[tilespmem:s21+$0x100] =	vst v12;
	v59 =	vmax.f32 v22, v31;
	v58 =	vmin.f32 v47, v21;
	v4 =	vmax.f32 v22, v2  }
0x351: {  	s31 =	sshll.u32 s20, $0x3;
	[tilespmem:$0x1FD50] =	vst v2;
	v2 =	vsub.f32 v18, v19;
	v18 =	vsub.f32 v34, v37;
	v14 =	vmax.f32 v44, v30  }
0x352: {  	[tilespmem:s21+$0x180] =	vst v15;
	v51 =	vld [tilespmem:$0xA200];
	s21 =	sand.u32 $0x3FFFFC00, s31;
	v1 =	vmin.f32 v47, v25;
	v47 =	vmin.f32 v47, v24;
	v22 =	vmax.f32 v22, v29  }
0x353: {  	v27 =	vld [tilespmem:$0x7F80];
	[tilespmem:$0x1FE10] =	vst v3;
	s21 =	sadd.s32 $0xAA00, s21;
	v3 =	vmin.f32 v45, v11;
	v42 =	vsub.f32 v47, v22;
	v22 =	vmax.f32 v44, v26  }
0x354: {  	v34 =	vld [tilespmem:$0x7E80];
	s22 =	sor.u32 s24, s21;
	s21 =	sor.u32 s25, s21;
	v12 =	vmin.f32 v45, v28;
	v47 =	vmax.f32 v55, $0.0e+00;
	v3 =	vsub.f32 v3, v22  }
0x355: {  	v46 =	vld [tilespmem:s21+$0x0];
	v1 =	vsub.f32 v1, v4;
	v4 =	vsub.f32 v12, v14;
	v35 =	vmul.f32 v38, v47  }
0x356: {  	v55 =	vld [tilespmem:$0xA280];
	v38 =	vsub.f32 v48, v49;
	v37 =	vmax.f32 v42, $0.0e+00;
	v3 =	vmax.f32 v3, $0.0e+00  }
0x357: {  	v49 =	vsub.f32 v52, v53;
	v47 =	vld [tilespmem:s21+$0x80];
	v53 =	vadd.f32 v35, v51;
	v3 =	vmul.f32 v3, v37  }
0x358: {  	v12 =	vmin.f32 v45, v27;
	v14 =	vsub.f32 v58, v59;
	v37 =	vsub.f32 v56, v57;
	v57 =	vld [tilespmem:s22+$0x100]  }
0x359: {  	v52 =	vsub.f32 v0, v54;
	v54 =	vmax.f32 v44, v34;
	v56 =	vld [tilespmem:$0xA300];
	v0 =	vsub.f32 v53, v3  }
0x35a: {  	v1 =	vmax.f32 v1, $0.0e+00;
	v4 =	vmax.f32 v4, $0.0e+00;
	v12 =	vsub.f32 v12, v54  }
0x35b: {  	v15 =	vmovc v32;
	v1 =	vmul.f32 v4, v1;
	v4 =	vadd.f32 v35, v55;
	v44 =	vmax.f32 v0, $9.999999930e-09  }
0x35c: {  	v19 =	vmovc v33;
	v33 =	vsub.f32 v62, v63;
	v0 =	vmul.f32 v3, v47;
	v32 =	vmul.f32 v44, v46  }
0x35d: {  	v14 =	vmax.f32 v14, $0.0e+00;
	v12 =	vmax.f32 v12, $0.0e+00;
	v4 =	vsub.f32 v4, v1;
	[tilespmem:$0x1FDC0] =	vst v57;
	v57 =	vld [tilespmem:$0xA380]  }
0x35e: {  	v12 =	vmul.f32 v12, v14;
	v14 =	vadd.f32 v35, v56;
	vm0 =	vge.f32 v0, v32  }
0x35f: {  	v4 =	vmax.f32 v4, $9.999999930e-09;
	v3 =	vsel vm0, v3, v46;
	v47 =	vsel vm0, v44, v47  }
0x360: {  	v50 =	vmax.f32 v50, $0.0e+00;
	v0 =	vmul.f32 v47, v1;
	v32 =	vmul.f32 v3, v4  }
0x361: {  	v54 =	vld [tilespmem:$0xA400];
	v37 =	vmax.f32 v37, $0.0e+00;
	v53 =	vmax.f32 v33, $0.0e+00;
	v14 =	vsub.f32 v14, v12  }
0x362: {  	v37 =	vmul.f32 v53, v37;
	v33 =	vadd.f32 v35, v57;
	vm3 =	vge.f32 v0, v32  }
0x363: {  	v1 =	vsel vm3, v1, v3;
	v3 =	vsel vm3, v4, v47;
	v4 =	vmax.f32 v14, $9.999999930e-09  }
0x364: {  	v60 =	vmax.f32 v60, $0.0e+00;
	v14 =	vmul.f32 v3, v12;
	v32 =	vmul.f32 v1, v4  }
0x365: {  	v36 =	vmax.f32 v36, $0.0e+00;
	v52 =	vmax.f32 v52, $0.0e+00;
	v53 =	vld [tilespmem:$0xA480];
	v61 =	vsub.f32 v33, v37  }
0x366: {  	v33 =	vadd.f32 v35, v54;
	vm5 =	vge.f32 v14, v32;
	v14 =	vmul.f32 v60, v52  }
0x367: {  	v39 =	vld [tilespmem:s23+$0x0];
	v1 =	vsel vm5, v12, v1;
	v3 =	vsel vm5, v4, v3;
	v4 =	vmax.f32 v61, $9.999999930e-09  }
0x368: {  	v43 =	vld [tilespmem:s23+$0x100];
	v2 =	vmax.f32 v2, $0.0e+00;
	v12 =	vmul.f32 v3, v37;
	v61 =	vmul.f32 v1, v4  }
0x369: {  	v38 =	vmax.f32 v38, $0.0e+00;
	v49 =	vmax.f32 v49, $0.0e+00;
	v52 =	vld [tilespmem:$0xA500];
	v60 =	vsub.f32 v33, v14  }
0x36a: {  	v40 =	vld [tilespmem:s23+$0x80];
	vm2 =	vge.f32 v12, v61;
	v12 =	vmul.f32 v49, v38;
	v49 =	vadd.f32 v35, v53  }
0x36b: {  	v38 =	vld [tilespmem:$0xA580];
	v1 =	vsel vm2, v37, v1;
	v3 =	vsel vm2, v4, v3;
	v4 =	vmax.f32 v60, $9.999999930e-09  }
0x36c: {  	v48 =	vld [tilespmem:s23+$0x180];
	v33 =	vmax.f32 v18, $0.0e+00;
	v32 =	vmul.f32 v3, v14;
	v60 =	vmul.f32 v1, v4  }
0x36d: {  	v18 =	vmul.f32 v36, v2;
	v2 =	vmul.f32 v50, v33;
	v49 =	vsub.f32 v49, v12  }
0x36e: {  	v50 =	vsub.f32 v43, v39;
	v36 =	vadd.f32 v35, v52;
	vm1 =	vge.f32 v32, v60  }
0x36f: {  	v37 =	vld [tilespmem:s21+$0x280];
	v1 =	vsel vm1, v14, v1;
	v3 =	vsel vm1, v4, v3;
	v4 =	vmax.f32 v49, $9.999999930e-09  }
0x370: {  	v35 =	vadd.f32 v35, v38;
	v14 =	vmul.f32 v3, v12;
	v49 =	vmul.f32 v1, v4  }
0x371: {  	v61 =	vsub.f32 v48, v40;
	v36 =	vsub.f32 v36, v2;
	v60 =	vmin.f32 v43, v24  }
0x372: {  	v32 =	vmin.f32 v48, v11;
	vm4 =	vge.f32 v14, v49;
	v14 =	vsub.f32 v35, v18  }
0x373: {  	v49 =	vmax.f32 v39, v31;
	v1 =	vsel vm4, v12, v1;
	v3 =	vsel vm4, v4, v3  }
0x374: {  	v4 =	vmax.f32 v36, $9.999999930e-09;
	v12 =	vsel vm0, v11, v37;
	v37 =	vmax.f32 v39, v29  }
0x375: {  	v0 =	vmul.f32 v3, v2;
	v36 =	vmul.f32 v1, v4;
	v12 =	vsel vm3, v28, v12  }
0x376: {  	v33 =	vmax.f32 v14, $9.999999930e-09;
	v37 =	vsub.f32 v60, v37;
	v12 =	vsel vm5, v27, v12  }
0x377: {  	[tilespmem:$0x1FD70] =	vst v9;
	v9 =	vmovc v41;
	v14 =	vmax.f32 v61, $0.0e+00;
	vm6 =	vge.f32 v0, v36;
	v12 =	vsel vm2, v23, v12  }
0x378: {  	v63 =	vmovc v10;
	v10 =	vmovc v6;
	v60 =	vmax.f32 v37, $0.0e+00;
	v6 =	vsel vm6, v2, v1;
	v35 =	vsel vm6, v4, v3  }
0x379: {  	v36 =	vsel vm1, v9, v12;
	v2 =	vmul.f32 v35, v18;
	v3 =	vmul.f32 v6, v33  }
0x37a: {  	v4 =	vmax.f32 v50, $0.0e+00;
	v12 =	vmax.f32 v40, v26;
	v1 =	vsel vm4, v15, v36  }
0x37b: {  	v50 =	vmul.f32 v14, v4;
	vm7 =	vge.f32 v2, v3;
	v3 =	vsub.f32 v32, v12;
	v32 =	vld [tilespmem:$0x1FD50]  }
0x37c: {  	[tilespmem:$0x1FDF0] =	vst v33;
	v4 =	vmin.f32 v43, v25;
	v14 =	vmax.f32 v40, v30;
	v1 =	vsel vm6, v17, v1  }
0x37d: {  	v59 =	vld [tilespmem:s22+$0x80];
	[tilespmem:$0x1FDD0] =	vst v35;
	v35 =	vmin.f32 v48, v27;
	v1 =	vsel vm7, v7, v1;
	v61 =	vmax.f32 v3, $0.0e+00  }
0x37e: {  	v58 =	vld [tilespmem:s22+$0x0];
	v62 =	vadd.f32 v50, v51;
	v51 =	vadd.f32 v50, v56;
	[tilespmem:s21+$0x280] =	vst v1;
	v1 =	vmul.f32 v61, v60  }
0x37f: {  	v33 =	vmovc v25;
	v56 =	vadd.f32 v50, v57;
	v57 =	vmin.f32 v43, v19;
	v3 =	vmin.f32 v48, v28  }
0x380: {  	v25 =	vmovc v30;
	v30 =	vld [tilespmem:$0x1FD90];
	v3 =	vsub.f32 v3, v14;
	v12 =	vmax.f32 v39, v32;
	v2 =	vsub.f32 v62, v1  }
0x381: {  	v14 =	vadd.f32 v50, v55;
	v61 =	vmin.f32 v48, v23;
	v4 =	vsub.f32 v4, v12  }
0x382: {  	v3 =	vmax.f32 v3, $0.0e+00;
	v36 =	vmul.f32 v1, v59;
	v2 =	vmax.f32 v2, $9.999999930e-09  }
0x383: {  	v12 =	vmin.f32 v43, v21;
	v4 =	vmax.f32 v4, $0.0e+00;
	v37 =	vmul.f32 v2, v58  }
0x384: {  	v12 =	vsub.f32 v12, v49;
	v3 =	vmul.f32 v3, v4;
	v4 =	vmax.f32 v40, v34  }
0x385: {  	v62 =	vmax.f32 v40, v30;
	v4 =	vsub.f32 v35, v4;
	vm8 =	vge.f32 v36, v37;
	v37 =	vld [tilespmem:$0x1FD80]  }
0x386: {  	[tilespmem:$0x1FDB0] =	vst v8;
	v8 =	vmovc v9;
	v12 =	vmax.f32 v12, $0.0e+00;
	v36 =	vsub.f32 v61, v62;
	v14 =	vsub.f32 v14, v3  }
0x387: {  	[tilespmem:$0x1FDE0] =	vst v18;
	v61 =	vmin.f32 v48, v9;
	v9 =	vld [tilespmem:$0x1FDB0];
	v1 =	vsel vm8, v1, v58;
	v2 =	vsel vm8, v2, v59  }
0x388: {  	[tilespmem:$0x1FE00] =	vst v6;
	v4 =	vmax.f32 v4, $0.0e+00;
	v55 =	vmul.f32 v2, v3;
	v14 =	vmax.f32 v14, $9.999999930e-09  }
0x389: {  	v18 =	vmovc v34;
	v54 =	vadd.f32 v50, v54;
	v4 =	vmul.f32 v4, v12;
	v34 =	vmul.f32 v1, v14  }
0x38a: {  	v6 =	vmovc v5;
	v52 =	vadd.f32 v50, v52;
	v49 =	vmin.f32 v43, v16;
	v12 =	vmax.f32 v39, v37  }
0x38b: {  	v5 =	vmovc v13;
	v13 =	vld [tilespmem:$0x1FD40];
	v51 =	vsub.f32 v51, v4;
	v12 =	vsub.f32 v49, v12;
	vm9 =	vge.f32 v55, v34  }
0x38c: {  	v49 =	vmax.f32 v36, $0.0e+00;
	v36 =	vmax.f32 v40, v9;
	v1 =	vsel vm9, v3, v1  }
0x38d: {  	v2 =	vsel vm9, v14, v2;
	v3 =	vmax.f32 v51, $9.999999930e-09;
	v14 =	vmax.f32 v39, v10  }
0x38e: {  	v12 =	vmax.f32 v12, $0.0e+00;
	v51 =	vmul.f32 v2, v4;
	v55 =	vmul.f32 v1, v3  }
0x38f: {  	v35 =	vld [tilespmem:$0x1FD70];
	v14 =	vsub.f32 v57, v14;
	v57 =	vmin.f32 v43, v63;
	v12 =	vmul.f32 v49, v12  }
0x390: {  	v49 =	vsub.f32 v61, v36;
	vm10 =	vge.f32 v51, v55;
	v51 =	vmax.f32 v40, v13  }
0x391: {  	v59 =	vld [tilespmem:$0x1FDA0];
	v55 =	vadd.f32 v50, v53;
	v58 =	vsub.f32 v56, v12;
	v1 =	vsel vm10, v4, v1  }
0x392: {  	v4 =	vmax.f32 v14, $0.0e+00;
	v14 =	vmax.f32 v49, $0.0e+00;
	v2 =	vsel vm10, v3, v2  }
0x393: {  	v49 =	vmin.f32 v48, v15;
	v4 =	vmul.f32 v14, v4;
	v3 =	vmax.f32 v58, $9.999999930e-09  }
0x394: {  	v60 =	vld [tilespmem:$0x1FD60];
	v61 =	vmovc v63;
	v14 =	vmax.f32 v39, v35;
	v63 =	vmul.f32 v2, v12;
	v36 =	vmul.f32 v1, v3  }
0x395: {  	v49 =	vsub.f32 v49, v51;
	v14 =	vsub.f32 v57, v14  }
0x396: {  	v51 =	vmin.f32 v43, v59;
	v54 =	vsub.f32 v54, v4;
	vm11 =	vge.f32 v63, v36  }
0x397: {  	v0 =	vld [tilespmem:$0x1FE10];
	v14 =	vmax.f32 v14, $0.0e+00;
	v1 =	vsel vm11, v12, v1;
	v2 =	vsel vm11, v3, v2  }
0x398: {  	v3 =	vmax.f32 v49, $0.0e+00;
	v12 =	vmax.f32 v54, $9.999999930e-09;
	v49 =	vmin.f32 v48, v17  }
0x399: {  	v63 =	vmovc v60;
	v53 =	vmul.f32 v3, v14;
	v3 =	vmax.f32 v39, v60;
	v60 =	vmax.f32 v40, v5  }
0x39a: {  	v22 =	vmovc v10;
	v14 =	vmul.f32 v2, v4;
	v56 =	vmul.f32 v1, v12;
	v49 =	vsub.f32 v49, v60  }
0x39b: {  	v41 =	vld [tilespmem:s22+$0x180];
	v62 =	vmovc v19;
	v19 =	vmovc v9;
	v9 =	vmov v35;
	v10 =	vmov v5;
	v3 =	vsub.f32 v51, v3  }
0x39c: {  	p0 =	slt.u32 s20, $0x9A0;
	v34 =	vmovc v31;
	v35 =	vmovc v13;
	v58 =	vmin.f32 v43, v0;
	vm12 =	vge.f32 v14, v56;
	v14 =	vmax.f32 v49, $0.0e+00;
	v49 =	vld [tilespmem:$0x1FDC0]  }
.Ltmp2:
0x39d: {  	v45 =	vld [tilespmem:s21+$0x180];
	v36 =	vmovc v17;
	v5 =	vmovc v6;
	v51 =	vsub.f32 v55, v53;
	v60 =	vmov v0;
	v3 =	vmax.f32 v3, $0.0e+00;
	(pc) =	sbr.rel @p0 .LBB2_6-.Ltmp2, $4  }
0x39e: {  	v42 =	vld [tilespmem:s22+$0x200];
	v56 =	vsel vm12, v4, v1;
	v54 =	vsel vm12, v12, v2;
	v12 =	vmovc v20;
	v1 =	vmax.f32 v39, v20  }
0x39f: {  	v46 =	vld [tilespmem:s22+$0x280];
	v20 =	vmovc v32;
	v32 =	vmovc v27;
	v2 =	vmin.f32 v48, v7;
	v55 =	vmax.f32 v51, $9.999999930e-09;
	v51 =	vmul.f32 v14, v3  }
0x3a0: {  	v44 =	vld [tilespmem:s21+$0x100];
	v4 =	vmovc v7;
	v57 =	vmul.f32 v54, v53;
	v3 =	vmax.f32 v40, v6;
	v48 =	vsub.f32 v58, v1  }
0x3a1: {  	v47 =	vld [tilespmem:s21+$0x200];
	v6 =	vmovc v30;
	v43 =	vmul.f32 v56, v55;
	v40 =	vsel vm8, v29, v49;
	v49 =	vsub.f32 v2, v3  }
0x3a2: {  	v0 =	vsub.f32 v52, v51;
	v1 =	vadd.f32 v50, v38;
	v3 =	vmax.f32 v48, $0.0e+00  }
0x3a3: {  	v58 =	vsel vm8, v26, v41;
	v40 =	vsel vm9, v20, v40;
	v31 =	vsel vm0, v26, v45  }
0x3a4: {  	vm13 =	vge.f32 v57, v43;
	v7 =	vmax.f32 v49, $0.0e+00;
	v39 =	vsel vm8, v24, v42  }
0x3a5: {  	v27 =	vsel vm3, v25, v31;
	v45 =	vsel vm10, v34, v40;
	v2 =	vsel vm13, v53, v56  }
0x3a6: {  	v17 =	vsel vm13, v55, v54;
	v0 =	vmax.f32 v0, $9.999999930e-09;
	v3 =	vmul.f32 v7, v3  }
0x3a7: {  	v30 =	vsel vm8, v11, v46;
	v7 =	vsel vm9, v25, v58;
	v39 =	vsel vm9, v33, v39  }
0x3a8: {  	v49 =	vsel vm11, v37, v45;
	v14 =	vmul.f32 v17, v51;
	v13 =	vmul.f32 v2, v0  }
0x3a9: {  	v29 =	vsel vm0, v29, v44;
	v28 =	vsel vm9, v28, v30;
	v7 =	vsel vm10, v18, v7  }
0x3aa: {  	v46 =	vsel vm10, v21, v39;
	v56 =	vsel vm12, v22, v49;
	v42 =	vsel vm0, v24, v47  }
0x3ab: {  	v43 =	vsel vm3, v20, v29;
	v1 =	vsub.f32 v1, v3;
	v28 =	vsel vm10, v32, v28  }
0x3ac: {  	v47 =	vsel vm5, v18, v27;
	v7 =	vsel vm11, v6, v7;
	vm0 =	vge.f32 v14, v13  }
0x3ad: {  	v2 =	vsel vm0, v51, v2;
	v0 =	vsel vm0, v0, v17;
	v1 =	vmax.f32 v1, $9.999999930e-09  }
0x3ae: {  	v50 =	vsel vm11, v16, v46;
	v52 =	vmul.f32 v0, v3;
	v53 =	vmul.f32 v2, v1  }
0x3af: {  	v44 =	vsel vm3, v33, v42;
	v20 =	vsel vm5, v34, v43;
	v57 =	vsel vm12, v19, v7  }
0x3b0: {  	v58 =	vsel vm12, v62, v50;
	v51 =	vsel vm11, v23, v28;
	vm3 =	vge.f32 v52, v53  }
0x3b1: {  	v54 =	vsel vm2, v37, v20;
	v20 =	vsel vm13, v9, v56;
	v2 =	vsel vm3, v3, v2  }
0x3b2: {  	v18 =	vsel vm13, v35, v57;
	v23 =	vsel vm0, v63, v20;
	v0 =	vsel vm3, v1, v0;
	[tilespmem:s22+$0x0] =	vst v2  }
0x3b3: {  	v24 =	vsel vm13, v61, v58;
	v25 =	vsel vm0, v10, v18;
	v26 =	vsel vm3, v12, v23;
	[tilespmem:s22+$0x80] =	vst v0  }
0x3b4: {  	v14 =	vsel vm12, v8, v51;
	v1 =	vsel vm0, v59, v24;
	v2 =	vsel vm3, v5, v25;
	[tilespmem:s22+$0x100] =	vst v26  }
0x3b5: {  	v27 =	vsel vm13, v15, v14;
	v1 =	vsel vm3, v60, v1;
	[tilespmem:s22+$0x180] =	vst v2  }
0x3b6: {  	v0 =	vsel vm0, v36, v27;
	[tilespmem:s22+$0x200] =	vst v1  }
0x3b7: {  	v55 =	vsel vm2, v6, v47;
	v0 =	vsel vm3, v4, v0;
	v32 =	vld [tilespmem:$0x1FE00]  }
0x3b8: {  	v48 =	vsel vm5, v21, v44;
	v30 =	vsel vm1, v19, v55;
	v29 =	vsel vm1, v22, v54;
	v33 =	vld [tilespmem:$0x1FDE0];
	[tilespmem:s22+$0x280] =	vst v0  }
0x3b9: {  	v28 =	vsel vm2, v16, v48;
	v34 =	vsel vm4, v35, v30;
	v2 =	vsel vm4, v9, v29;
	v35 =	vld [tilespmem:$0x1FDF0]  }
0x3ba: {  	v31 =	vsel vm1, v62, v28;
	v2 =	vsel vm6, v63, v2;
	v36 =	vld [tilespmem:$0x1FDD0]  }
0x3bb: {  	v1 =	vsel vm4, v61, v31;
	v0 =	vsel vm6, v10, v34;
	v2 =	vsel vm7, v12, v2  }
0x3bc: {  	v1 =	vsel vm6, v59, v1;
	v0 =	vsel vm7, v5, v0;
	[tilespmem:s21+$0x100] =	vst v2  }
0x3bd: {  	v1 =	vsel vm7, v60, v1;
	[tilespmem:s21+$0x180] =	vst v0  }
0x3be: {  	[tilespmem:s21+$0x200] =	vst v1;
	v3 =	vsel vm7, v33, v32  }
0x3bf: {  	v4 =	vsel vm7, v35, v36;
	[tilespmem:s21+$0x0] =	vst v3  }
0x3c0: {  	[tilespmem:s21+$0x80] =	vst v4  }
0x3c1: {  	v0 =	vld [tilespmem:$0x7A00]  }
0x3c2: {  	v1 =	vld [tilespmem:$0x7A80]  }
0x3c3: {  	v23 =	vld [tilespmem:$0x7B00]  }
0x3c4: {  	v2 =	vld [tilespmem:$0x4E40]  }
0x3c5: {  	v4 =	vld [tilespmem:$0x4F40]  }
0x3c6: {  	v3 =	vld [tilespmem:$0x4EC0]  }
0x3c7: {  	v5 =	vld [tilespmem:$0x4FC0]  }
0x3c8: {  	v24 =	vld [tilespmem:$0x7B80]  }
0x3c9: {  	v19 =	vld [tilespmem:$0x7C00]  }
0x3ca: {  	v20 =	vld [tilespmem:$0x7C80]  }
0x3cb: {  	v38 =	vld [tilespmem:$0xA200]  }
0x3cc: {  	v22 =	vld [tilespmem:$0x7D00]  }
0x3cd: {  	v12 =	vld [tilespmem:$0x7D80]  }
0x3ce: {  	v6 =	vld [tilespmem:$0x7E00]  }
0x3cf: {  	v46 =	vld [tilespmem:$0xF640]  }
0x3d0: {  	v47 =	vld [tilespmem:$0xF6C0]  }
0x3d1: {  	v8 =	vld [tilespmem:$0x7E80]  }
0x3d2: {  	v50 =	vld [tilespmem:$0xA280];
	v37 =	vsub.f32 v4, v2;
	v40 =	vsub.f32 v5, v3;
	v41 =	vmin.f32 v4, v23  }
0x3d3: {  	v14 =	vld [tilespmem:$0x8000];
	v42 =	vmax.f32 v2, v0;
	v43 =	vmin.f32 v5, v24;
	v13 =	vmax.f32 v3, v1  }
0x3d4: {  	v16 =	vld [tilespmem:$0x8200];
	v51 =	vmin.f32 v4, v22;
	v52 =	vmax.f32 v2, v19;
	v53 =	vmin.f32 v5, v12  }
0x3d5: {  	v59 =	vld [tilespmem:$0xA300];
	v54 =	vmax.f32 v3, v20;
	v9 =	vsub.f32 v41, v42;
	v45 =	vsub.f32 v43, v13  }
0x3d6: {  	v60 =	vld [tilespmem:$0xF740];
	v11 =	vsub.f32 v51, v52;
	v39 =	vmax.f32 v37, $0.0e+00;
	v44 =	vmax.f32 v40, $0.0e+00  }
0x3d7: {  	v13 =	vld [tilespmem:$0x7F80];
	v21 =	vsub.f32 v53, v54;
	v7 =	vmul.f32 v44, v39  }
0x3d8: {  	v9 =	vmax.f32 v9, $0.0e+00;
	v10 =	vmax.f32 v45, $0.0e+00;
	v58 =	vmax.f32 v11, $0.0e+00;
	v11 =	vld [tilespmem:$0x8100]  }
0x3d9: {  	v36 =	vmax.f32 v2, v6;
	v54 =	vmax.f32 v2, v16;
	v48 =	vmul.f32 v10, v9;
	v9 =	vld [tilespmem:$0x7F00]  }
0x3da: {  	v63 =	vld [tilespmem:$0xF7C0];
	v21 =	vmax.f32 v21, $0.0e+00;
	v45 =	vmax.f32 v2, v14;
	v49 =	vadd.f32 v7, v38  }
0x3db: {  	v43 =	vld [tilespmem:$0xA380];
	v21 =	vmul.f32 v21, v58;
	v18 =	vadd.f32 v7, v50;
	v38 =	vmax.f32 v3, v8  }
0x3dc: {  	v15 =	vld [tilespmem:$0x8180];
	v25 =	vadd.f32 v7, v59;
	v37 =	vmin.f32 v5, v13;
	v10 =	vsub.f32 v49, v48  }
0x3dd: {  	v17 =	vld [tilespmem:$0x8280];
	v56 =	vmul.f32 v48, v47;
	v61 =	vsub.f32 v18, v21;
	v30 =	vsub.f32 v37, v38  }
0x3de: {  	v52 =	vld [tilespmem:$0xA400];
	v44 =	vmin.f32 v4, v11;
	v55 =	vmax.f32 v10, $9.999999930e-09;
	v62 =	vmin.f32 v4, v9  }
0x3df: {  	v49 =	vld [tilespmem:$0xF8C0];
	v28 =	vsub.f32 v44, v45;
	v57 =	vmul.f32 v55, v46;
	v18 =	vsub.f32 v62, v36  }
0x3e0: {  	v31 =	vadd.f32 v7, v43;
	v10 =	vld [tilespmem:$0x8080];
	v39 =	vmax.f32 v61, $9.999999930e-09;
	v30 =	vmax.f32 v30, $0.0e+00  }
0x3e1: {  	v28 =	vmax.f32 v28, $0.0e+00;
	vm1 =	vge.f32 v56, v57;
	v42 =	vmax.f32 v18, $0.0e+00  }
0x3e2: {  	v43 =	vld [tilespmem:$0x8500];
	v56 =	vmax.f32 v3, v17;
	v27 =	vsel vm1, v48, v46;
	v26 =	vsel vm1, v55, v47  }
0x3e3: {  	v30 =	vmul.f32 v30, v42;
	v0 =	vsel vm1, v0, v60;
	v1 =	vsel vm1, v1, v63  }
0x3e4: {  	v18 =	vld [tilespmem:$0x8300];
	v47 =	vmin.f32 v5, v15;
	v40 =	vmul.f32 v26, v21;
	v41 =	vmul.f32 v27, v39  }
0x3e5: {  	v32 =	vld [tilespmem:$0x8400];
	v24 =	vsel vm1, v24, v49;
	v60 =	vadd.f32 v7, v52;
	v48 =	vmax.f32 v3, v10  }
0x3e6: {  	v46 =	vld [tilespmem:$0xF840];
	v25 =	vsub.f32 v25, v30;
	v29 =	vsub.f32 v47, v48;
	vm0 =	vge.f32 v40, v41  }
0x3e7: {  	v49 =	vmin.f32 v4, v43;
	v27 =	vsel vm0, v21, v27;
	v21 =	vld [tilespmem:$0x8380];
	v26 =	vsel vm0, v39, v26  }
0x3e8: {  	v25 =	vmax.f32 v25, $9.999999930e-09;
	v29 =	vmax.f32 v29, $0.0e+00;
	v50 =	vmul.f32 v26, v30  }
0x3e9: {  	v40 =	vld [tilespmem:$0x8580];
	v53 =	vmin.f32 v4, v18;
	v51 =	vmul.f32 v27, v25;
	v28 =	vmul.f32 v29, v28  }
0x3ea: {  	v39 =	vld [tilespmem:$0x8480];
	v0 =	vsel vm0, v19, v0;
	v1 =	vsel vm0, v20, v1;
	v57 =	vsub.f32 v53, v54  }
0x3eb: {  	v37 =	vld [tilespmem:$0x8680];
	v23 =	vsel vm1, v23, v46;
	vm1 =	vge.f32 v50, v51;
	v31 =	vsub.f32 v31, v28  }
0x3ec: {  	v63 =	vld [tilespmem:$0xA480];
	v29 =	vmax.f32 v57, $0.0e+00;
	v50 =	vmax.f32 v2, v32;
	v55 =	vmin.f32 v5, v21  }
0x3ed: {  	v25 =	vsel vm1, v25, v26;
	v27 =	vsel vm1, v30, v27;
	v58 =	vsub.f32 v55, v56  }
0x3ee: {  	v36 =	vld [tilespmem:$0x8780];
	v51 =	vmin.f32 v5, v40;
	v53 =	vsub.f32 v49, v50;
	v61 =	vmax.f32 v31, $9.999999930e-09  }
0x3ef: {  	v33 =	vld [tilespmem:$0x8600];
	v62 =	vmul.f32 v25, v28;
	v52 =	vmax.f32 v3, v39;
	v59 =	vmax.f32 v58, $0.0e+00  }
0x3f0: {  	v44 =	vld [tilespmem:$0x8700];
	v48 =	vmul.f32 v27, v61;
	v54 =	vsub.f32 v51, v52;
	v26 =	vmul.f32 v59, v29  }
0x3f1: {  	v34 =	vadd.f32 v7, v63;
	v63 =	vmax.f32 v3, v37;
	v31 =	vmax.f32 v53, $0.0e+00  }
0x3f2: {  	vm2 =	vge.f32 v62, v48;
	v35 =	vmax.f32 v54, $0.0e+00;
	v29 =	vsub.f32 v60, v26  }
0x3f3: {  	v38 =	vld [tilespmem:$0x8880];
	v62 =	vmin.f32 v5, v36;
	v27 =	vsel vm2, v28, v27;
	v25 =	vsel vm2, v61, v25  }
0x3f4: {  	v58 =	vld [tilespmem:$0xA500];
	v31 =	vmul.f32 v35, v31;
	v61 =	vmax.f32 v2, v33;
	v55 =	vmax.f32 v29, $9.999999930e-09  }
0x3f5: {  	v35 =	vld [tilespmem:$0x8900];
	v30 =	vmul.f32 v25, v26;
	v60 =	vmin.f32 v4, v44;
	v56 =	vmul.f32 v27, v55  }
0x3f6: {  	v57 =	vsel vm0, v22, v23;
	v42 =	vsub.f32 v62, v63;
	v23 =	vsub.f32 v60, v61;
	v29 =	vld [tilespmem:$0x8800]  }
0x3f7: {  	v12 =	vsel vm0, v12, v24;
	v0 =	vsel vm1, v6, v0;
	vm3 =	vge.f32 v30, v56;
	v30 =	vld [tilespmem:$0x8980]  }
0x3f8: {  	v59 =	vsub.f32 v34, v31;
	v28 =	vmax.f32 v42, $0.0e+00;
	v23 =	vmax.f32 v23, $0.0e+00  }
0x3f9: {  	v47 =	vld [tilespmem:$0xA580];
	v1 =	vsel vm1, v8, v1;
	v20 =	vadd.f32 v7, v58;
	v23 =	vmul.f32 v28, v23  }
0x3fa: {  	v3 =	vmax.f32 v3, v38;
	v22 =	vmax.f32 v59, $9.999999930e-09;
	v4 =	vmin.f32 v4, v35  }
0x3fb: {  	v25 =	vsel vm3, v55, v25;
	v26 =	vsel vm3, v26, v27;
	v20 =	vsub.f32 v20, v23  }
0x3fc: {  	v45 =	vmul.f32 v25, v31;
	v2 =	vmax.f32 v2, v29;
	v5 =	vmin.f32 v5, v30  }
0x3fd: {  	v24 =	vld [tilespmem:$0x9600];
	v46 =	vmul.f32 v26, v22;
	v4 =	vsub.f32 v4, v2;
	v5 =	vsub.f32 v5, v3  }
0x3fe: {  	v6 =	vld [tilespmem:$0x9080];
	v19 =	vsel vm1, v9, v57;
	v7 =	vadd.f32 v7, v47;
	v20 =	vmax.f32 v20, $9.999999930e-09  }
0x3ff: {  	v8 =	vld [tilespmem:$0x9100];
	vm9 =	vge.f32 v45, v46;
	v49 =	vmax.f32 v4, $0.0e+00;
	v5 =	vmax.f32 v5, $0.0e+00  }
0x400: {  	v9 =	vld [tilespmem:$0x9700];
	v48 =	vsel vm9, v31, v26;
	v22 =	vsel vm9, v22, v25;
	v25 =	vmul.f32 v5, v49  }
0x401: {  	v12 =	vsel vm1, v13, v12;
	v13 =	vld [tilespmem:$0x9980];
	v50 =	vmul.f32 v22, v23;
	v51 =	vmul.f32 v48, v20  }
0x402: {  	v62 =	vld [tilespmem:$0x8F00];
	v52 =	vsub.f32 v7, v25  }
0x403: {  	v0 =	vsel vm2, v14, v0;
	v63 =	vld [tilespmem:$0x9200];
	v1 =	vsel vm2, v10, v1;
	vm0 =	vge.f32 v50, v51  }
0x404: {  	v10 =	vld [tilespmem:$0x9400];
	v53 =	vsel vm0, v23, v48;
	v54 =	vsel vm0, v20, v22;
	v55 =	vmax.f32 v52, $9.999999930e-09  }
0x405: {  	v19 =	vsel vm2, v11, v19;
	v11 =	vld [tilespmem:$0x9800];
	v22 =	vmul.f32 v54, v25;
	v23 =	vmul.f32 v53, v55  }
0x406: {  	v15 =	vsel vm2, v15, v12;
	v14 =	vld [tilespmem:$0x9880];
	v0 =	vsel vm3, v16, v0  }
0x407: {  	v28 =	vld [tilespmem:$0x9000];
	v1 =	vsel vm3, v17, v1;
	v56 =	vsel vm3, v18, v19;
	vm1 =	vge.f32 v22, v23  }
0x408: {  	v57 =	vsel vm3, v21, v15;
	v15 =	vld [tilespmem:$0x9900];
	v0 =	vsel vm9, v32, v0;
	v58 =	vsel vm1, v25, v53  }
0x409: {  	v19 =	vld [tilespmem:$0x9280];
	v1 =	vsel vm9, v39, v1;
	v0 =	vsel vm0, v33, v0;
	v59 =	vsel vm1, v55, v54;
	[tilespmem:$0xF640] =	vst v58  }
0x40a: {  	v21 =	vld [tilespmem:$0x8F80];
	v16 =	vsel vm9, v43, v56;
	v1 =	vsel vm0, v37, v1;
	v0 =	vsel vm1, v29, v0;
	[tilespmem:$0xF6C0] =	vst v59  }
0x40b: {  	v4 =	vld [tilespmem:$0x9300];
	v17 =	vsel vm9, v40, v57;
	v60 =	vsel vm0, v44, v16;
	v1 =	vsel vm1, v38, v1;
	[tilespmem:$0xF740] =	vst v0  }
0x40c: {  	s20 =	simm.s32 $0x0;
	s26 =	simm.s32 $0x0;
	v5 =	vld [tilespmem:$0x9480];
	v61 =	vsel vm0, v36, v17;
	v18 =	vsel vm1, v35, v60;
	[tilespmem:$0xF7C0] =	vst v1  }
0x40d: {  	s28 =	sand.u32 $0x70, s20;
	s21 =	sand.u32 $0xFFFFFE00, s26;
	v16 =	vld [tilespmem:$0x9780];
	v0 =	vsel vm1, v30, v61;
	[tilespmem:$0xF840] =	vst v18  }
0x40e: {  	s21 =	sor.u32 s28, s21;
	v22 =	vld [tilespmem:$0x9500];
	[tilespmem:$0xF8C0] =	vst v0  }
0x40f: {  	v43 =	vld [tilespmem:s21+$0x2800]  }
0x410: {  	v42 =	vld [tilespmem:s21+$0x2900]  }
0x411: {  	v46 =	vld [tilespmem:s21+$0x2980]  }
0x412: {  	v45 =	vld [tilespmem:s21+$0x2880]  }
0x413: {  	v7 =	vld [tilespmem:$0x9680]  }
0x414: {  	v17 =	vld [tilespmem:$0x9580]  }
0x415: {  	v18 =	vld [tilespmem:$0x9380];
	v0 =	vmin.f32 v42, v15  }
0x416: {  	v3 =	vld [tilespmem:$0x8E00];
	v1 =	vmax.f32 v43, v11;
	v33 =	vmin.f32 v46, v13;
	v34 =	vmin.f32 v42, v9  }
0x417: {  	v20 =	vld [tilespmem:$0x9180];
	v35 =	vmax.f32 v43, v24;
	v36 =	vmax.f32 v45, v14;
	v37 =	vmin.f32 v42, v22  }
0x418: {  	v23 =	vld [tilespmem:$0x8E80];
	v38 =	vmin.f32 v46, v16;
	v39 =	vmax.f32 v45, v7;
	v40 =	vmax.f32 v43, v10  }
0x419: {  	v25 =	vld [tilespmem:$0x8D00];
	v41 =	vmin.f32 v46, v17;
	v44 =	vmax.f32 v45, v5;
	v47 =	vmin.f32 v42, v4  }
0x41a: {  	v2 =	vld [tilespmem:$0x8C00];
	v48 =	vmax.f32 v43, v63;
	v49 =	vmin.f32 v46, v18;
	v50 =	vmin.f32 v42, v8  }
0x41b: {  	v26 =	vld [tilespmem:$0x8D80];
	v51 =	vmax.f32 v43, v28;
	v12 =	vmax.f32 v45, v19;
	v53 =	vmin.f32 v42, v62  }
0x41c: {  	v27 =	vld [tilespmem:$0x8C80];
	v54 =	vmin.f32 v46, v20;
	v55 =	vmax.f32 v45, v6;
	v56 =	vmax.f32 v43, v3  }
0x41d: {  	v29 =	vld [tilespmem:$0x8A00];
	v57 =	vmin.f32 v46, v21;
	v58 =	vsub.f32 v42, v43;
	v59 =	vmax.f32 v45, v23  }
0x41e: {  	v30 =	vld [tilespmem:$0x8B80];
	v60 =	vsub.f32 v46, v45;
	v0 =	vsub.f32 v0, v1;
	v1 =	vmin.f32 v42, v25  }
0x41f: {  	v31 =	vld [tilespmem:$0x8A80];
	v36 =	vsub.f32 v33, v36;
	v61 =	vsub.f32 v34, v35;
	v35 =	vmax.f32 v43, v2  }
0x420: {  	[tilespmem:$0x1FAC0] =	vst v28;
	v28 =	vld [tilespmem:$0x8B00];
	v38 =	vsub.f32 v38, v39;
	v39 =	vmin.f32 v46, v26;
	v37 =	vsub.f32 v37, v40  }
0x421: {  	v40 =	vmax.f32 v45, v27;
	v41 =	vsub.f32 v41, v44;
	v47 =	vsub.f32 v47, v48  }
0x422: {  	v48 =	vsub.f32 v49, v12;
	v12 =	vmax.f32 v43, v29;
	v50 =	vsub.f32 v50, v51  }
0x423: {  	v51 =	vsub.f32 v54, v55;
	v33 =	vmin.f32 v46, v30;
	v53 =	vsub.f32 v53, v56  }
0x424: {  	v32 =	vld [tilespmem:$0xA600];
	v54 =	vsub.f32 v57, v59;
	v34 =	vmax.f32 v45, v31;
	v1 =	vsub.f32 v1, v35  }
0x425: {  	s23 =	simm.s32 $0x0;
	v56 =	vmax.f32 v58, $0.0e+00;
	v59 =	vsub.f32 v33, v34;
	v44 =	vmin.f32 v42, v28  }
0x426: {  	s23 =	sand.u32 $0x3FFFFC00, s23;
	v39 =	vsub.f32 v39, v40;
	v44 =	vsub.f32 v44, v12;
	v12 =	vmax.f32 v60, $0.0e+00  }
0x427: {  	s22 =	sor.u32 s28, s23;
	v33 =	vld [tilespmem:$0xA680];
	v0 =	vmax.f32 v0, $0.0e+00;
	v40 =	vmax.f32 v36, $0.0e+00;
	v52 =	vmul.f32 v12, v56  }
0x428: {  	v55 =	vld [tilespmem:s22+$0xAA00];
	v49 =	vmax.f32 v61, $0.0e+00;
	v60 =	vmax.f32 v59, $0.0e+00;
	v35 =	vmax.f32 v44, $0.0e+00  }
0x429: {  	v58 =	vmax.f32 v38, $0.0e+00;
	v56 =	vld [tilespmem:s22+$0xAA80];
	v44 =	vmul.f32 v60, v35;
	v12 =	vadd.f32 v52, v32  }
0x42a: {  	v41 =	vmax.f32 v41, $0.0e+00;
	v50 =	vmax.f32 v50, $0.0e+00;
	v51 =	vmax.f32 v51, $0.0e+00  }
0x42b: {  	v1 =	vmax.f32 v1, $0.0e+00;
	v57 =	vmax.f32 v39, $0.0e+00;
	v35 =	vsub.f32 v12, v44  }
0x42c: {  	v34 =	vld [tilespmem:$0xA700];
	v1 =	vmul.f32 v57, v1;
	v60 =	vmax.f32 v47, $0.0e+00;
	v61 =	vadd.f32 v52, v33  }
0x42d: {  	v47 =	vmul.f32 v40, v0;
	v40 =	vmax.f32 v53, $0.0e+00;
	v0 =	vmax.f32 v35, $9.999999930e-09  }
0x42e: {  	v38 =	vld [tilespmem:$0xA880];
	v12 =	vsub.f32 v61, v1;
	v53 =	vmul.f32 v44, v56;
	v57 =	vmul.f32 v0, v55  }
0x42f: {  	v54 =	vmax.f32 v54, $0.0e+00;
	v48 =	vmax.f32 v48, $0.0e+00;
	v50 =	vmul.f32 v51, v50;
	v35 =	vld [tilespmem:$0xA780]  }
0x430: {  	v61 =	vmax.f32 v12, $9.999999930e-09;
	vm0 =	vge.f32 v53, v57;
	v53 =	vmul.f32 v54, v40  }
0x431: {  	v36 =	vld [tilespmem:$0xA980];
	v54 =	vadd.f32 v52, v34;
	v44 =	vsel vm0, v44, v55;
	v0 =	vsel vm0, v0, v56  }
0x432: {  	v39 =	vld [tilespmem:$0xA800];
	v59 =	vmax.f32 v37, $0.0e+00;
	v56 =	vmul.f32 v0, v1;
	v12 =	vmul.f32 v44, v61  }
0x433: {  	v49 =	vmul.f32 v58, v49;
	v37 =	vld [tilespmem:$0xA900];
	v59 =	vmul.f32 v41, v59;
	v54 =	vsub.f32 v54, v53  }
0x434: {  	v58 =	vadd.f32 v52, v38;
	v40 =	vadd.f32 v52, v35;
	vm1 =	vge.f32 v56, v12  }
0x435: {  	v41 =	vmax.f32 v54, $9.999999930e-09;
	v1 =	vsel vm1, v1, v44;
	v0 =	vsel vm1, v61, v0  }
0x436: {  	v51 =	vadd.f32 v52, v36;
	v55 =	vmul.f32 v0, v53;
	v12 =	vmul.f32 v1, v41  }
0x437: {  	v48 =	vmul.f32 v48, v60;
	v58 =	vsub.f32 v58, v59;
	v56 =	vsub.f32 v40, v50  }
0x438: {  	v61 =	vadd.f32 v52, v37;
	v52 =	vadd.f32 v52, v39;
	vm2 =	vge.f32 v55, v12;
	v55 =	vld [tilespmem:s22+$0xAC80]  }
0x439: {  	v44 =	vmax.f32 v56, $9.999999930e-09;
	v12 =	vld [tilespmem:s22+$0xAB00];
	v1 =	vsel vm2, v53, v1;
	v0 =	vsel vm2, v41, v0  }
0x43a: {  	v54 =	vsub.f32 v61, v49;
	v53 =	vld [tilespmem:s22+$0xAC00];
	v40 =	vmul.f32 v0, v50;
	v41 =	vmul.f32 v1, v44  }
0x43b: {  	v51 =	vsub.f32 v51, v47;
	v58 =	vmax.f32 v58, $9.999999930e-09;
	v52 =	vsub.f32 v52, v48  }
0x43c: {  	v57 =	vmov s20;
	v54 =	vmax.f32 v54, $9.999999930e-09;
	vm3 =	vge.f32 v40, v41  }
0x43d: {  	v52 =	vmax.f32 v52, $9.999999930e-09;
	v40 =	vld [tilespmem:s22+$0xAB80];
	v1 =	vsel vm3, v50, v1;
	v0 =	vsel vm3, v44, v0  }
0x43e: {  	v50 =	vmax.f32 v51, $9.999999930e-09;
	v44 =	vmul.f32 v0, v48;
	v41 =	vmul.f32 v1, v52  }
0x43f: {  	v55 =	vsel vm0, v30, v55;
	v60 =	vsel vm0, v29, v12;
	v53 =	vsel vm0, v28, v53  }
0x440: {  	v53 =	vsel vm1, v25, v53;
	vm10 =	vge.f32 v44, v41;
	v41 =	vsel vm1, v2, v60  }
0x441: {  	v60 =	vsel vm2, v62, v53;
	v1 =	vsel vm10, v48, v1;
	v0 =	vsel vm10, v52, v0  }
0x442: {  	v56 =	vsel vm0, v31, v40;
	v61 =	vmul.f32 v0, v59;
	v12 =	vmul.f32 v1, v58  }
0x443: {  	v48 =	vsel vm1, v26, v55;
	v40 =	vmovc v2;
	v55 =	vsel vm2, v3, v41;
	v51 =	vsel vm3, v8, v60  }
0x444: {  	v2 =	vmovc v3;
	v3 =	vld [tilespmem:$0x1FAC0];
	v44 =	vsel vm1, v27, v56;
	v48 =	vsel vm2, v21, v48;
	vm0 =	vge.f32 v61, v12  }
0x445: {  	v44 =	vsel vm2, v23, v44;
	v1 =	vsel vm0, v59, v1;
	v0 =	vsel vm0, v58, v0  }
0x446: {  	v48 =	vsel vm3, v20, v48;
	v61 =	vmul.f32 v0, v49;
	v12 =	vmul.f32 v1, v54  }
0x447: {  	v51 =	vsel vm10, v4, v51;
	v44 =	vsel vm3, v6, v44;
	v48 =	vsel vm10, v18, v48  }
0x448: {  	v44 =	vsel vm10, v19, v44;
	v48 =	vsel vm0, v17, v48;
	vm1 =	vge.f32 v61, v12  }
0x449: {  	v55 =	vsel vm3, v3, v55;
	v1 =	vsel vm1, v49, v1;
	v0 =	vsel vm1, v54, v0  }
0x44a: {  	s29 =	simm.s32 $0x40;
	s20 =	simm.s32 $0x10;
	v52 =	vld [tilespmem:s21+$0x100];
	v41 =	vsel vm10, v63, v55;
	v58 =	vmul.f32 v0, v47;
	v59 =	vmul.f32 v1, v50  }
0x44b: {  	s30 =	sand.u32 $0x70, s20;
	s22 =	sand.u32 $0xFFFFFE00, s29;
	v51 =	vsel vm0, v22, v51;
	v44 =	vsel vm0, v5, v44;
	v55 =	vld [tilespmem:s21+$0x0];
	v49 =	vsel vm0, v10, v41  }
0x44c: {  	s22 =	sor.u32 s30, s22;
	v60 =	vld [tilespmem:s21+$0x80];
	v51 =	vsel vm1, v9, v51;
	v49 =	vsel vm1, v24, v49;
	vm2 =	vge.f32 v58, v59  }
0x44d: {  	v48 =	vsel vm1, v16, v48;
	v61 =	vsel vm1, v7, v44;
	v44 =	vld [tilespmem:s22+$0x2800];
	v49 =	vsel vm2, v11, v49  }
0x44e: {  	v54 =	vld [tilespmem:s21+$0x180];
	v0 =	vsel vm2, v50, v0;
	v12 =	vsel vm2, v14, v61;
	v49 =	vsub.f32 v49, v43  }
0x44f: {  	v48 =	vsel vm2, v13, v48;
	v51 =	vsel vm2, v15, v51;
	v50 =	vsub.f32 v12, v45;
	v12 =	vld [tilespmem:$0x1FFF0]  }
0x450: {  	v43 =	vld [tilespmem:s22+$0x2900];
	v0 =	vmul.f32 $5.000000000e-01, v0;
	v51 =	vsub.f32 v51, v42;
	v49 =	vsub.f32 v55, v49  }
0x451: {  	v1 =	vsel vm2, v47, v1;
	v45 =	vld [tilespmem:s22+$0x2980];
	v55 =	vsub.f32 v48, v46;
	v56 =	vsub.f32 v60, v50  }
0x452: {  	v61 =	vmax.f32 v44, v29;
	vm1 =	vgt.f32 v1, v0;
	v48 =	vsub.f32 v52, v51  }
0x453: {  	v47 =	vand.u32 $0x7FFFFFFF, v49;
	v42 =	vsub.f32 v54, v55;
	v1 =	vand.u32 $0x7FFFFFFF, v56  }
0x454: {  	v46 =	vld [tilespmem:s22+$0x2880];
	v48 =	vand.u32 $0x7FFFFFFF, v48;
	vm0 =	vlt.u32 v57, v12;
	v57 =	vmul.f32 $5.000000000e-01, v47  }
0x455: {  	v49 =	vadd.f32 $-5.000000000e-01, v47;
	v58 =	vsub.f32 v43, v44;
	v60 =	vmin.f32 v43, v28  }
0x456: {  	v41 =	vmin.f32 v45, v30;
	vm2 =	vlt.f32 v47, $1.000000000e+00;
	vm11 =	vlt.f32 v1, $1.000000000e+00  }
0x457: {  	v55 =	vmin.f32 v43, v4;
	vm13 =	vlt.f32 v48, $1.000000000e+00;
	v52 =	vsub.f32 v60, v61  }
0x458: {  	vm0 =	vmand vm0, vm1;
	v42 =	vand.u32 $0x7FFFFFFF, v42;
	v0 =	vmul.f32 v57, v47  }
0x459: {  	v59 =	vsub.f32 v45, v46;
	v57 =	vmax.f32 v46, v31;
	v50 =	vmax.f32 v58, $0.0e+00  }
0x45a: {  	s31 =	simm.s32 $0x80;
	vm14 =	vlt.f32 v42, $1.000000000e+00;
	v58 =	vsub.f32 v41, v57;
	v60 =	vmax.f32 v52, $0.0e+00  }
0x45b: {  	s21 =	sand.u32 $0x3FFFFC00, s31;
	v41 =	vmin.f32 v43, v25;
	v51 =	vmax.f32 v59, $0.0e+00;
	v59 =	vmul.f32 $5.000000000e-01, v1  }
0x45c: {  	s21 =	sor.u32 s30, s21;
	v57 =	vmin.f32 v43, v62;
	v0 =	vsel vm2, v0, v49;
	v47 =	vmul.f32 v51, v50  }
0x45d: {  	v53 =	vld [tilespmem:s21+$0xAA80];
	v61 =	vmax.f32 v58, $0.0e+00;
	v0 =	vnsel vm0, $0x0, v0;
	v52 =	vmul.f32 v59, v1  }
0x45e: {  	v50 =	vmul.f32 v61, v60;
	v60 =	vmax.f32 v44, v40;
	v61 =	vmin.f32 v45, v26  }
0x45f: {  	[tilespmem:$0x1FAD0] =	vst v32;
	v49 =	vld [tilespmem:s21+$0xAA00];
	v59 =	vmin.f32 v45, v18;
	v1 =	vadd.f32 $-5.000000000e-01, v1;
	v51 =	vadd.f32 v47, v32  }
0x460: {  	[tilespmem:$0x1FAE0] =	vst v33;
	v32 =	vmax.f32 v46, v27;
	v54 =	vsub.f32 v41, v60;
	v33 =	vadd.f32 v47, v33  }
0x461: {  	v60 =	vmax.f32 v44, v63;
	v56 =	vsub.f32 v61, v32;
	v51 =	vsub.f32 v51, v50  }
0x462: {  	v58 =	vmul.f32 v50, v53;
	v32 =	vmax.f32 v44, v2;
	v61 =	vmax.f32 v46, v23  }
0x463: {  	v54 =	vmax.f32 v54, $0.0e+00;
	v56 =	vmax.f32 v56, $0.0e+00;
	v51 =	vmax.f32 v51, $9.999999930e-09  }
0x464: {  	v55 =	vsub.f32 v55, v60;
	v54 =	vmul.f32 v56, v54;
	v41 =	vmul.f32 v51, v49  }
0x465: {  	v1 =	vsel vm11, v52, v1;
	v60 =	vmax.f32 v44, v24;
	v57 =	vsub.f32 v57, v32  }
0x466: {  	v56 =	vsub.f32 v33, v54;
	vm2 =	vge.f32 v58, v41;
	v41 =	vmin.f32 v45, v21  }
0x467: {  	v1 =	vnsel vm0, $0x0, v1;
	v55 =	vmax.f32 v55, $0.0e+00;
	v58 =	vsub.f32 v41, v61  }
0x468: {  	v49 =	vsel vm2, v50, v49;
	v50 =	vsel vm2, v51, v53;
	v51 =	vmax.f32 v56, $9.999999930e-09  }
0x469: {  	v57 =	vmax.f32 v57, $0.0e+00;
	v56 =	vmul.f32 v50, v54;
	v33 =	vmul.f32 v49, v51  }
0x46a: {  	v41 =	vmin.f32 v43, v8;
	v61 =	vmax.f32 v46, v6;
	v32 =	vmax.f32 v58, $0.0e+00  }
0x46b: {  	v53 =	vmul.f32 v32, v57;
	v32 =	vmax.f32 v44, v3;
	vm3 =	vge.f32 v56, v33  }
0x46c: {  	[tilespmem:$0x1FAF0] =	vst v34;
	v33 =	vadd.f32 v47, v34;
	v34 =	vmax.f32 v46, v19;
	v57 =	vsub.f32 v41, v32  }
0x46d: {  	v41 =	vmin.f32 v45, v20;
	v58 =	vsub.f32 v59, v34;
	v49 =	vsel vm3, v54, v49  }
0x46e: {  	v50 =	vsel vm3, v51, v50;
	v56 =	vsub.f32 v33, v53;
	v59 =	vsub.f32 v41, v61  }
0x46f: {  	v33 =	vmul.f32 v50, v53;
	v41 =	vmin.f32 v43, v22;
	v61 =	vadd.f32 v47, v35  }
0x470: {  	[tilespmem:$0x1FB00] =	vst v35;
	v35 =	vadd.f32 v47, v39;
	v57 =	vmax.f32 v57, $0.0e+00;
	v51 =	vmax.f32 v56, $9.999999930e-09  }
0x471: {  	v58 =	vmax.f32 v58, $0.0e+00;
	v32 =	vmax.f32 v59, $0.0e+00;
	v34 =	vmul.f32 v49, v51  }
0x472: {  	v55 =	vmul.f32 v58, v55;
	v54 =	vmul.f32 v32, v57;
	v32 =	vmax.f32 v44, v10  }
0x473: {  	v58 =	vmin.f32 v43, v15;
	v56 =	vsub.f32 v41, v32;
	vm4 =	vge.f32 v33, v34  }
0x474: {  	v33 =	vmin.f32 v45, v17;
	v57 =	vsub.f32 v61, v54;
	v34 =	vmax.f32 v46, v5  }
0x475: {  	v61 =	vadd.f32 v47, v38;
	v49 =	vsel vm4, v53, v49;
	v50 =	vsel vm4, v51, v50  }
0x476: {  	[tilespmem:$0x1FB10] =	vst v39;
	v33 =	vsub.f32 v33, v34;
	v53 =	vsub.f32 v35, v55;
	v39 =	vmax.f32 v57, $9.999999930e-09  }
0x477: {  	v56 =	vmax.f32 v56, $0.0e+00;
	v41 =	vmul.f32 v50, v54;
	v32 =	vmul.f32 v49, v39  }
0x478: {  	v53 =	vmax.f32 v53, $9.999999930e-09;
	v34 =	vmax.f32 v33, $0.0e+00;
	v33 =	vmin.f32 v45, v16  }
0x479: {  	v51 =	vmul.f32 v34, v56;
	v34 =	vmax.f32 v46, v7;
	vm5 =	vge.f32 v41, v32  }
0x47a: {  	v41 =	vmin.f32 v43, v9;
	v32 =	vmin.f32 v45, v13;
	v49 =	vsel vm5, v54, v49  }
0x47b: {  	v50 =	vsel vm5, v39, v50;
	v39 =	vmax.f32 v44, v11;
	v56 =	vsub.f32 v41, v60  }
0x47c: {  	v52 =	vsub.f32 v61, v51;
	v60 =	vmul.f32 $5.000000000e-01, v48;
	v61 =	vadd.f32 v47, v37  }
0x47d: {  	[tilespmem:$0x1FB40] =	vst v36;
	v47 =	vadd.f32 v47, v36;
	v36 =	vadd.f32 $-5.000000000e-01, v42;
	v35 =	vmul.f32 v50, v55  }
0x47e: {  	[tilespmem:$0x1FC90] =	vst v24;
	v54 =	vmul.f32 v49, v53;
	v57 =	vsub.f32 v58, v39;
	v58 =	vsub.f32 v33, v34  }
0x47f: {  	[tilespmem:$0x1FC10] =	vst v8;
	v34 =	vmul.f32 $5.000000000e-01, v42;
	v56 =	vmax.f32 v56, $0.0e+00;
	v52 =	vmax.f32 v52, $9.999999930e-09  }
0x480: {  	[tilespmem:$0x1FB20] =	vst v38;
	vm6 =	vge.f32 v35, v54;
	v35 =	vmax.f32 v46, v14;
	v38 =	vmax.f32 v58, $0.0e+00  }
0x481: {  	[tilespmem:$0x1FC30] =	vst v6;
	v58 =	vimm.f32 $0.0e+00;
	v57 =	vmax.f32 v57, $0.0e+00;
	v49 =	vsel vm6, v55, v49  }
0x482: {  	[tilespmem:$0x1FCF0] =	vst v9;
	v50 =	vsel vm6, v53, v50;
	v54 =	vsub.f32 v32, v35;
	v53 =	vmul.f32 v38, v56  }
0x483: {  	[tilespmem:$0x1FD10] =	vst v13;
	v56 =	vmul.f32 v60, v48;
	v48 =	vadd.f32 $-5.000000000e-01, v48;
	v38 =	vmul.f32 v34, v42  }
0x484: {  	[tilespmem:$0x1FBF0] =	vst v62;
	v0 =	vadd.f32 v0, v58;
	v39 =	vmul.f32 v50, v51;
	v41 =	vmul.f32 v49, v52  }
0x485: {  	[tilespmem:$0x1FB30] =	vst v37;
	v37 =	vld [tilespmem:s21+$0xAC00];
	v55 =	vsub.f32 v61, v53;
	v32 =	vmax.f32 v54, $0.0e+00;
	v48 =	vsel vm13, v56, v48  }
0x486: {  	[tilespmem:$0x1FC50] =	vst v63;
	v35 =	vld [tilespmem:s21+$0xAC80];
	v0 =	vadd.f32 v0, v1;
	v1 =	vsel vm14, v38, v36;
	vm12 =	vge.f32 v39, v41  }
0x487: {  	[tilespmem:$0x1FC70] =	vst v10;
	v60 =	vld [tilespmem:s21+$0xAB00];
	v48 =	vnsel vm0, $0x0, v48;
	v55 =	vmax.f32 v55, $9.999999930e-09;
	v49 =	vsel vm12, v51, v49  }
0x488: {  	[tilespmem:$0x1FCC0] =	vst v11;
	v50 =	vsel vm12, v52, v50;
	v51 =	vmul.f32 v32, v57;
	v0 =	vadd.f32 v0, v48  }
0x489: {  	[tilespmem:$0x1FD20] =	vst v14;
	v39 =	vld [tilespmem:s21+$0xAB80];
	v1 =	vnsel vm0, $0x0, v1;
	v52 =	vmul.f32 v50, v53;
	v33 =	vmul.f32 v49, v55  }
0x48a: {  	[tilespmem:$0x1FBA0] =	vst v27;
	v34 =	vsel vm2, v28, v37;
	v47 =	vsub.f32 v47, v51;
	v42 =	vadd.f32 v0, v1  }
0x48b: {  	[tilespmem:$0x1FBD0] =	vst v21;
	s21 =	simm.s32 $0x5000;
	v1 =	vsel vm3, v25, v34;
	v34 =	vimm.f32 $0.0e+00;
	vm1 =	vge.f32 v52, v33  }
0x48c: {  	[tilespmem:$0x1FC40] =	vst v19;
	v37 =	vld [tilespmem:s21+$0x0];
	v33 =	vsel vm2, v30, v35;
	v35 =	vsel vm2, v29, v60;
	v1 =	vsel vm4, v62, v1  }
0x48d: {  	[tilespmem:$0x1FD30] =	vst v15;
	v49 =	vsel vm1, v53, v49;
	v47 =	vmax.f32 v47, $9.999999930e-09;
	v50 =	vsel vm1, v55, v50  }
0x48e: {  	[tilespmem:$0x1FB80] =	vst v31;
	v36 =	vsel vm2, v31, v39;
	v0 =	vsel vm3, v26, v33;
	v48 =	vsel vm3, v40, v35  }
0x48f: {  	[tilespmem:$0x1FB90] =	vst v26;
	v1 =	vsel vm5, v8, v1;
	v61 =	vmul.f32 v50, v51;
	v32 =	vmul.f32 v49, v47  }
0x490: {  	[tilespmem:$0x1FC60] =	vst v4;
	v52 =	vsel vm3, v27, v36;
	v0 =	vsel vm4, v21, v0;
	v48 =	vsel vm4, v2, v48  }
0x491: {  	[tilespmem:$0x1FC20] =	vst v20;
	v1 =	vsel vm6, v4, v1;
	v62 =	vnsel vm0, $0x0, v37;
	v52 =	vsel vm4, v23, v52  }
0x492: {  	[tilespmem:$0x1FCA0] =	vst v17;
	v0 =	vsel vm5, v20, v0;
	v48 =	vsel vm5, v3, v48;
	v1 =	vsel vm12, v22, v1  }
0x493: {  	[tilespmem:$0x1FCD0] =	vst v5;
	vm15 =	vge.f32 v61, v32;
	v52 =	vsel vm5, v6, v52;
	v48 =	vsel vm6, v63, v48  }
0x494: {  	[tilespmem:$0x1FCE0] =	vst v16;
	v0 =	vsel vm6, v18, v0;
	v1 =	vsel vm1, v9, v1;
	v61 =	vmov s20  }
0x495: {  	[tilespmem:$0x1FD00] =	vst v7;
	v63 =	vsel vm0, $0x3F800000, v34;
	v47 =	vsel vm15, v47, v50;
	v52 =	vsel vm6, v19, v52  }
0x496: {  	[tilespmem:$0x1FC00] =	vst v23;
	v39 =	vld [tilespmem:s22+$0x0];
	v49 =	vsel vm15, v51, v49;
	v48 =	vsel vm12, v10, v48;
	v0 =	vsel vm12, v17, v0  }
0x497: {  	[tilespmem:$0x1FCB0] =	vst v22;
	v56 =	vld [tilespmem:s22+$0x100];
	v1 =	vsel vm15, v15, v1;
	v47 =	vmul.f32 $5.000000000e-01, v47;
	v48 =	vsel vm1, v24, v48  }
0x498: {  	[tilespmem:$0x1FB70] =	vst v29;
	v38 =	vld [tilespmem:s22+$0x180];
	v52 =	vsel vm12, v5, v52;
	v1 =	vsub.f32 v1, v43;
	v48 =	vsel vm15, v11, v48  }
0x499: {  	[tilespmem:$0x1FBB0] =	vst v25;
	v57 =	vld [tilespmem:s22+$0x80];
	v0 =	vsel vm1, v16, v0;
	v43 =	vadd.f32 v62, v58;
	v44 =	vsub.f32 v48, v44  }
0x49a: {  	[tilespmem:$0x1FB50] =	vst v30;
	v52 =	vsel vm1, v7, v52;
	v0 =	vsel vm15, v13, v0;
	vm1 =	vlt.u32 v61, v12  }
0x49b: {  	[tilespmem:$0x1FC80] =	vst v18;
	v0 =	vsub.f32 v0, v45;
	v59 =	vsel vm15, v14, v52;
	v44 =	vsub.f32 v39, v44  }
0x49c: {  	[tilespmem:$0x1FB60] =	vst v28;
	vm2 =	vgt.f32 v49, v47;
	v49 =	vsub.f32 v56, v1;
	v60 =	vsub.f32 v59, v46  }
0x49d: {  	[tilespmem:$0x1FBC0] =	vst v40;
	vm0 =	vmand vm1, vm2;
	v46 =	vsub.f32 v38, v0;
	v45 =	vand.u32 $0x7FFFFFFF, v44  }
0x49e: {  	[tilespmem:$0x1FBE0] =	vst v2;
	v47 =	vsub.f32 v57, v60;
	v44 =	vadd.f32 v63, v58;
	v50 =	vmul.f32 $5.000000000e-01, v45  }
.LBB2_8:
0x49f: {  	v13 =	vld [tilespmem:$0x1FD30]  }
0x4a0: {  	v17 =	vld [tilespmem:$0x1FCC0]  }
0x4a1: {  	v19 =	vld [tilespmem:$0x1FD10]  }
0x4a2: {  	v11 =	vld [tilespmem:$0x1FCF0]  }
0x4a3: {  	v7 =	vld [tilespmem:$0x1FC90]  }
0x4a4: {  	v15 =	vld [tilespmem:$0x1FD20]  }
0x4a5: {  	v26 =	vld [tilespmem:$0x1FCB0]  }
0x4a6: {  	v23 =	vld [tilespmem:$0x1FCE0]  }
0x4a7: {  	v9 =	vld [tilespmem:$0x1FD00]  }
0x4a8: {  	v22 =	vld [tilespmem:$0x1FC70]  }
0x4a9: {  	v27 =	vld [tilespmem:$0x1FCA0]  }
0x4aa: {  	v24 =	vld [tilespmem:$0x1FCD0]  }
0x4ab: {  	v20 =	vld [tilespmem:$0x1FC60]  }
0x4ac: {  	s20 =	sadd.s32 $0x10, s20;
	v37 =	vadd.f32 $-5.000000000e-01, v45;
	v18 =	vld [tilespmem:$0x1FC50]  }
0x4ad: {  	vm1 =	vlt.f32 v45, $1.000000000e+00;
	s21 =	sadd.s32 $0x10, s21;
	v31 =	vld [tilespmem:$0x1FC80];
	v0 =	vand.u32 $0x7FFFFFFF, v47;
	v1 =	vand.u32 $0x7FFFFFFF, v49;
	s22 =	sshll.u32 s20, $0x2  }
0x4ae: {  	v48 =	vand.u32 $0x7FFFFFFF, v46;
	v36 =	vmul.f32 v50, v45;
	s23 =	sand.u32 $0x70, s20;
	v52 =	vld [tilespmem:s21+$0x0];
	v38 =	vmul.f32 $5.000000000e-01, v0;
	s22 =	sand.u32 $0xFFFFFE00, s22  }
0x4af: {  	v16 =	vld [tilespmem:$0x1FC10];
	v39 =	vadd.f32 $-5.000000000e-01, v0;
	v51 =	vadd.f32 $-5.000000000e-01, v1;
	v57 =	vmul.f32 $5.000000000e-01, v1;
	s22 =	sor.u32 s23, s22  }
0x4b0: {  	v58 =	vmul.f32 $5.000000000e-01, v48;
	v60 =	vadd.f32 $-5.000000000e-01, v48;
	v46 =	vsel vm1, v36, v37;
	v45 =	vld [tilespmem:s22+$0x2800]  }
0x4b1: {  	vm1 =	vlt.f32 v0, $1.000000000e+00;
	v56 =	vmul.f32 v38, v0;
	v53 =	vnsel vm0, $0x0, v46;
	v46 =	vld [tilespmem:s22+$0x2900]  }
0x4b2: {  	v59 =	vmul.f32 v57, v1;
	v47 =	vld [tilespmem:s22+$0x2980];
	v0 =	vmul.f32 v58, v48;
	v42 =	vadd.f32 v53, v42  }
0x4b3: {  	v49 =	vld [tilespmem:s22+$0x2880];
	v50 =	vsel vm1, v56, v39;
	vm1 =	vlt.f32 v1, $1.000000000e+00;
	v62 =	vnsel vm0, $0x0, v52  }
0x4b4: {  	v12 =	vld [tilespmem:$0x1FAC0];
	v50 =	vnsel vm0, $0x0, v50;
	v61 =	vsel vm1, v59, v51;
	vm1 =	vlt.f32 v48, $1.000000000e+00  }
0x4b5: {  	v25 =	vld [tilespmem:$0x1FC40];
	v48 =	vsel vm0, $0x3F800000, v34;
	v43 =	vadd.f32 v62, v43;
	v42 =	vadd.f32 v42, v50  }
0x4b6: {  	v10 =	vld [tilespmem:$0x1FBF0];
	v50 =	vnsel vm0, $0x0, v61;
	v0 =	vsel vm1, v0, v60;
	v1 =	vmin.f32 v46, v13  }
0x4b7: {  	v28 =	vld [tilespmem:$0x1FC20];
	v0 =	vnsel vm0, $0x0, v0;
	v51 =	vmin.f32 v47, v19;
	v52 =	vmax.f32 v45, v7  }
0x4b8: {  	v14 =	vld [tilespmem:$0x1FC30];
	v54 =	vmin.f32 v46, v26;
	v55 =	vmin.f32 v47, v23;
	v56 =	vmax.f32 v49, v9  }
0x4b9: {  	v8 =	vld [tilespmem:$0x1FBE0];
	v57 =	vmax.f32 v45, v22;
	v58 =	vmin.f32 v47, v27;
	v59 =	vmax.f32 v49, v24  }
0x4ba: {  	v30 =	vld [tilespmem:$0x1FBD0];
	v60 =	vmin.f32 v46, v20;
	v61 =	vmax.f32 v45, v18;
	v62 =	vmin.f32 v47, v31  }
0x4bb: {  	v29 =	vld [tilespmem:$0x1FC00];
	v63 =	vmin.f32 v46, v16;
	v34 =	vmax.f32 v45, v12;
	v42 =	vadd.f32 v42, v50  }
0x4bc: {  	v21 =	vld [tilespmem:$0x1FBB0];
	v35 =	vmax.f32 v49, v25;
	v36 =	vmin.f32 v46, v10;
	v37 =	vmin.f32 v47, v28  }
0x4bd: {  	v6 =	vld [tilespmem:$0x1FBC0];
	v54 =	vsub.f32 v54, v57;
	v42 =	vadd.f32 v42, v0;
	v0 =	vmin.f32 v46, v11  }
0x4be: {  	v38 =	vmax.f32 v49, v14;
	v57 =	vsub.f32 v60, v61;
	v60 =	vld [tilespmem:$0x1FB70];
	v0 =	vsub.f32 v0, v52  }
0x4bf: {  	v39 =	vmax.f32 v45, v8;
	v52 =	vsub.f32 v55, v56;
	v55 =	vsub.f32 v58, v59;
	v59 =	vld [tilespmem:$0x1FB60]  }
0x4c0: {  	v40 =	vmin.f32 v47, v30;
	v41 =	vmax.f32 v49, v29;
	v2 =	vsub.f32 v46, v45;
	v61 =	vld [tilespmem:$0x1FB50]  }
0x4c1: {  	v3 =	vsub.f32 v47, v49;
	v4 =	vmin.f32 v46, v21;
	v35 =	vsub.f32 v62, v35;
	v62 =	vld [tilespmem:$0x1FB80]  }
0x4c2: {  	v32 =	vld [tilespmem:$0x1FB90];
	v5 =	vmax.f32 v45, v6;
	v34 =	vsub.f32 v63, v34;
	v37 =	vsub.f32 v37, v38  }
0x4c3: {  	v33 =	vld [tilespmem:$0x1FBA0];
	v50 =	vmax.f32 v45, v17;
	v36 =	vsub.f32 v36, v39;
	v39 =	vsub.f32 v40, v41  }
0x4c4: {  	v4 =	vsub.f32 v4, v5;
	v58 =	vmax.f32 v45, v60;
	v56 =	vmin.f32 v46, v59  }
0x4c5: {  	v53 =	vmax.f32 v49, v15;
	v1 =	vsub.f32 v1, v50;
	v58 =	vsub.f32 v56, v58;
	v56 =	vld [tilespmem:$0x1FAD0]  }
0x4c6: {  	s24 =	sshll.u32 s20, $0x3;
	v50 =	vsub.f32 v51, v53;
	v38 =	vmin.f32 v47, v61;
	v63 =	vmax.f32 v49, v62  }
0x4c7: {  	s24 =	sand.u32 $0x3FFFFC00, s24;
	v2 =	vmax.f32 v2, $0.0e+00;
	v3 =	vmax.f32 v3, $0.0e+00;
	v38 =	vsub.f32 v38, v63  }
0x4c8: {  	s23 =	sor.u32 s23, s24;
	v51 =	vmin.f32 v47, v32;
	v53 =	vmax.f32 v49, v33;
	v2 =	vmul.f32 v3, v2  }
0x4c9: {  	v5 =	vsub.f32 v51, v53;
	v51 =	vld [tilespmem:s23+$0xAA00];
	v38 =	vmax.f32 v38, $0.0e+00;
	v41 =	vmax.f32 v58, $0.0e+00  }
0x4ca: {  	v53 =	vld [tilespmem:s23+$0xAA80];
	v38 =	vmul.f32 v38, v41;
	v41 =	vadd.f32 v2, v56;
	_ =	sdelay $0x1  }
0x4cb: {  	v1 =	vmax.f32 v1, $0.0e+00;
	v3 =	vmax.f32 v52, $0.0e+00;
	v41 =	vsub.f32 v41, v38  }
0x4cc: {  	v52 =	vmax.f32 v54, $0.0e+00;
	v54 =	vmax.f32 v55, $0.0e+00;
	v63 =	vmax.f32 v50, $0.0e+00;
	v58 =	vld [tilespmem:$0x1FAE0]  }
0x4cd: {  	v55 =	vmax.f32 v57, $0.0e+00;
	v50 =	vmul.f32 v63, v1;
	v57 =	vmax.f32 v41, $9.999999930e-09  }
0x4ce: {  	v63 =	vmul.f32 v38, v53;
	v41 =	vmul.f32 v57, v51  }
0x4cf: {  	v34 =	vmax.f32 v34, $0.0e+00;
	v36 =	vmax.f32 v36, $0.0e+00  }
0x4d0: {  	v4 =	vmax.f32 v4, $0.0e+00;
	v5 =	vmax.f32 v5, $0.0e+00;
	vm0 =	vge.f32 v63, v41;
	v41 =	vld [tilespmem:$0x1FAF0]  }
0x4d1: {  	v37 =	vmax.f32 v37, $0.0e+00;
	v4 =	vmul.f32 v5, v4;
	v56 =	vld [tilespmem:$0x1FB30];
	v5 =	vadd.f32 v2, v58  }
0x4d2: {  	v39 =	vmax.f32 v39, $0.0e+00;
	v34 =	vmul.f32 v37, v34;
	v1 =	vsel vm0, v57, v53;
	v57 =	vld [tilespmem:$0x1FB00]  }
0x4d3: {  	v0 =	vmax.f32 v0, $0.0e+00;
	v52 =	vmul.f32 v54, v52;
	v58 =	vld [tilespmem:$0x1FB20];
	v5 =	vsub.f32 v5, v4  }
0x4d4: {  	v44 =	vadd.f32 v48, v44;
	v0 =	vmul.f32 v3, v0;
	v3 =	vmul.f32 v39, v36  }
0x4d5: {  	v54 =	vld [tilespmem:$0x1FB40];
	v5 =	vmax.f32 v5, $9.999999930e-09;
	v38 =	vsel vm0, v38, v51;
	v36 =	vadd.f32 v2, v41  }
0x4d6: {  	v37 =	vadd.f32 v2, v56;
	v51 =	vmul.f32 v1, v4;
	v53 =	vmul.f32 v38, v5  }
0x4d7: {  	v35 =	vmax.f32 v35, $0.0e+00;
	v39 =	vadd.f32 v2, v57;
	v57 =	vld [tilespmem:$0x1FB10];
	v36 =	vsub.f32 v36, v3  }
0x4d8: {  	v40 =	vadd.f32 v2, v58;
	v37 =	vsub.f32 v37, v0;
	vm1 =	vge.f32 v51, v53  }
0x4d9: {  	v4 =	vsel vm1, v4, v38;
	v1 =	vsel vm1, v5, v1;
	v63 =	vmax.f32 v36, $9.999999930e-09  }
0x4da: {  	v41 =	vadd.f32 v2, v54;
	v56 =	vmul.f32 v1, v3;
	v38 =	vmul.f32 v4, v63  }
0x4db: {  	v35 =	vmul.f32 v35, v55;
	v58 =	vsub.f32 v40, v52;
	v51 =	vld [tilespmem:s23+$0xAC80];
	v39 =	vsub.f32 v39, v34  }
0x4dc: {  	v41 =	vsub.f32 v41, v50;
	v2 =	vadd.f32 v2, v57;
	vm2 =	vge.f32 v56, v38  }
0x4dd: {  	v5 =	vld [tilespmem:s23+$0xAB00];
	v3 =	vsel vm2, v3, v4;
	v1 =	vsel vm2, v63, v1;
	v4 =	vmax.f32 v39, $9.999999930e-09  }
0x4de: {  	v37 =	vmax.f32 v37, $9.999999930e-09;
	v53 =	vld [tilespmem:s23+$0xAC00];
	v63 =	vmul.f32 v1, v34;
	v57 =	vmul.f32 v3, v4  }
0x4df: {  	v54 =	vmov s20;
	v41 =	vmax.f32 v41, $9.999999930e-09;
	v38 =	vld [tilespmem:s23+$0xAB80];
	v2 =	vsub.f32 v2, v35  }
0x4e0: {  	v36 =	vmax.f32 v58, $9.999999930e-09;
	v58 =	vsel vm0, v61, v51;
	vm3 =	vge.f32 v63, v57  }
0x4e1: {  	v2 =	vmax.f32 v2, $9.999999930e-09;
	v3 =	vsel vm3, v34, v3;
	v1 =	vsel vm3, v4, v1  }
0x4e2: {  	v5 =	vsel vm0, v60, v5;
	v61 =	vmul.f32 v1, v35;
	v63 =	vmul.f32 v3, v2  }
0x4e3: {  	v59 =	vsel vm0, v59, v53;
	v5 =	vsel vm1, v6, v5;
	v39 =	vsel vm1, v32, v58  }
0x4e4: {  	v5 =	vsel vm2, v8, v5;
	v38 =	vsel vm0, v62, v38;
	vm0 =	vge.f32 v61, v63  }
0x4e5: {  	v30 =	vsel vm2, v30, v39;
	v3 =	vsel vm0, v35, v3;
	v1 =	vsel vm0, v2, v1  }
0x4e6: {  	v4 =	vsel vm1, v21, v59;
	v40 =	vmul.f32 v1, v52;
	v35 =	vmul.f32 v3, v36  }
0x4e7: {  	v5 =	vsel vm3, v12, v5;
	v38 =	vsel vm1, v33, v38;
	v4 =	vsel vm2, v10, v4  }
0x4e8: {  	v38 =	vsel vm2, v29, v38;
	v4 =	vsel vm3, v16, v4;
	vm1 =	vge.f32 v40, v35  }
0x4e9: {  	v51 =	vsel vm3, v14, v38;
	v3 =	vsel vm1, v52, v3;
	v1 =	vsel vm1, v36, v1  }
0x4ea: {  	v2 =	vsel vm3, v28, v30;
	v53 =	vmul.f32 v1, v0;
	v55 =	vmul.f32 v3, v37  }
0x4eb: {  	v34 =	vsel vm0, v25, v51;
	v4 =	vsel vm0, v20, v4;
	v2 =	vsel vm0, v31, v2  }
0x4ec: {  	v5 =	vsel vm0, v18, v5;
	v2 =	vsel vm1, v27, v2;
	vm0 =	vge.f32 v53, v55  }
0x4ed: {  	v4 =	vsel vm1, v26, v4;
	v0 =	vsel vm0, v0, v3;
	v1 =	vsel vm0, v37, v1  }
0x4ee: {  	v60 =	vld [tilespmem:s22+$0x0];
	v56 =	vsel vm1, v24, v34;
	v57 =	vmul.f32 v1, v50;
	v58 =	vmul.f32 v0, v41  }
0x4ef: {  	v59 =	vld [tilespmem:s22+$0x180];
	v5 =	vsel vm1, v22, v5;
	v4 =	vsel vm0, v11, v4;
	v2 =	vsel vm0, v23, v2  }
0x4f0: {  	v63 =	vld [tilespmem:$0x1FFF0];
	v5 =	vsel vm0, v7, v5;
	v3 =	vsel vm0, v9, v56;
	vm0 =	vge.f32 v57, v58  }
0x4f1: {  	v62 =	vld [tilespmem:s22+$0x80];
	v34 =	vimm.f32 $0.0e+00;
	v1 =	vsel vm0, v41, v1;
	v5 =	vsel vm0, v17, v5  }
0x4f2: {  	p0 =	slt.u32 s20, $0x9C0;
	v61 =	vld [tilespmem:s22+$0x100];
	v2 =	vsel vm0, v19, v2;
	v3 =	vsel vm0, v15, v3;
	v5 =	vsub.f32 v5, v45  }
.Ltmp3:
0x4f3: {  	v4 =	vsel vm0, v13, v4;
	v1 =	vmul.f32 $5.000000000e-01, v1;
	v2 =	vsub.f32 v2, v47;
	(pc) =	sbr.rel @p0 .LBB2_8-.Ltmp3, $4  }
0x4f4: {  	v0 =	vsel vm0, v50, v0;
	v3 =	vsub.f32 v3, v49;
	v5 =	vsub.f32 v60, v5  }
0x4f5: {  	vm0 =	vlt.u32 v54, v63;
	v4 =	vsub.f32 v4, v46;
	vm1 =	vgt.f32 v0, v1  }
0x4f6: {  	v46 =	vsub.f32 v59, v2;
	v47 =	vsub.f32 v62, v3;
	v45 =	vand.u32 $0x7FFFFFFF, v5  }
0x4f7: {  	v49 =	vsub.f32 v61, v4;
	vm0 =	vmand vm0, vm1;
	v50 =	vmul.f32 $5.000000000e-01, v45  }
0x4f8: {  	v0 =	vand.u32 $0x7FFFFFFF, v47  }
0x4f9: {  	v2 =	vand.u32 $0x7FFFFFFF, v46;
	v4 =	vadd.f32 $-5.000000000e-01, v45;
	vm1 =	vlt.f32 v45, $1.000000000e+00  }
0x4fa: {  	v63 =	vsel vm0, $0x3F800000, v34;
	v3 =	vmul.f32 v50, v45;
	v5 =	vmul.f32 $5.000000000e-01, v0  }
0x4fb: {  	v1 =	vand.u32 $0x7FFFFFFF, v49;
	v6 =	vadd.f32 $-5.000000000e-01, v0;
	vm13 =	vlt.f32 v0, $1.000000000e+00  }
0x4fc: {  	s20 =	sadd.s32 $0x10, s21;
	v56 =	vmul.f32 $5.000000000e-01, v1;
	v3 =	vsel vm1, v3, v4;
	v55 =	vmul.f32 v5, v0  }
0x4fd: {  	v57 =	vmul.f32 $5.000000000e-01, v2;
	v58 =	vld [tilespmem:s20+$0x0];
	v7 =	vadd.f32 $-5.000000000e-01, v1;
	v3 =	vnsel vm0, $0x0, v3  }
0x4fe: {  	v5 =	vmul.f32 v56, v1;
	v3 =	vadd.f32 v3, v42;
	v4 =	vsel vm13, v55, v6  }
0x4ff: {  	v59 =	vadd.f32 $-5.000000000e-01, v2;
	vm14 =	vlt.f32 v1, $1.000000000e+00;
	v4 =	vnsel vm0, $0x0, v4  }
0x500: {  	v0 =	vmul.f32 v57, v2;
	v60 =	vsel vm14, v5, v7;
	v3 =	vadd.f32 v3, v4  }
0x501: {  	vm15 =	vlt.f32 v2, $1.000000000e+00;
	v2 =	vadd.f32 v63, v44;
	v4 =	vnsel vm0, $0x0, v60  }
0x502: {  	v0 =	vsel vm15, v0, v59;
	v62 =	vnsel vm0, $0x0, v58;
	v61 =	vadd.f32 v3, v4  }
0x503: {  	v0 =	vnsel vm0, $0x0, v0;
	v1 =	vadd.f32 v62, v43  }
0x504: {  	s19 =	sadd.s32 $0x1, s19;
	[tilespmem:$0xFB00] =	vst v2;
	v0 =	vadd.f32 v61, v0  }
0x505: {  	p0 =	sne.s32 s19, s9;
	[tilespmem:$0xFA80] =	vst v1  }
.Ltmp4:
0x506: {  	[tilespmem:$0xFA00] =	vst v0;
	(pc) =	sbr.rel @p0 .LBB2_1-.Ltmp4, $4  }
0x507: {  	[hbm4b:s8+s2] =	stream.linear.scatter [tilespmem:s17], [sflag:$0x2], $0x180, $0x38;
	[tilespmem:$0xFC00] =	vst v63  }
0x508: {  	_ =	swait.ge [sflag:s18], $0x180  }
0x509: {  	[sflag:s18] =	ssyncset.done $0x0  }
0x50a: {  	[sflag:s18] =	ssyncadd.s32 $0xFFFFFE80  }
0x50b: {  	_ =	sfence.sel $0x180000  }
0x50c: {  	[bflag:$0x0] =	sbarrier.arrive $0xFFFF  }
0x50d: {  	p0 =	sne.s32 s0, $0x0;
	_ =	strace $0x90000047  }
0x50e: {  	s0 =	sadd.s32 @!p0 $0x100000, s1;
	[bflag:$0x2] =	sbarrier.arrive $0xFFFF  }
0x50f: {  	[sflag:s0] =	ssyncadd.tile.s32 @!p0 $0x1;
	_ =	shalt  }
.Lfunc_end2:
_tile_overlayer_lowered:
.L_overlay_start_2:
0x510: {  	(tag) =	ssettag $0x2  }
0x511: {  	s0 =	rddreg [dreg:$0x0];
	s2 =	stileid.u32  }
0x512: {  	s1 =	rddreg [dreg:$0x1];
	p0 =	sne.s32 s2, $0x0  }
0x513: {  	s3 =	rddreg [dreg:$0x2];
	[bflag:$0x3] =	sbarrier.arrive $0xFFFF;
	s2 =	simm.s32 @!p0 $0x1C02  }
0x514: {  	[timem:s3], [sflag:s2] =	dma.local @!p0 [hbm:s0], s1  }
0x515: {  	s0 =	simm.s32 @!p0 $0x2  }
0x516: {  	_ =	swait.ge @!p0 [sflag:s0], s1  }
0x517: {  	s1 =	ssub.s32 @!p0 $0x0, s1;
	[sflag:s0] =	ssyncset.done @!p0 $0x0  }
0x518: {  	[sflag:s0] =	ssyncadd.s32 @!p0 s1  }
0x519: {  	[bflag:$0x3] =	sbarrier.arrive $0xFFFF  }
0x51a: {  	_ =	shalt  }

</sc_bundles>
